<compile_context>
chip_gen: v7x
topology: tpu7x:2x2x1
jax: 0.10.2.dev20260603
libtpu: 0.0.44.dev20260713+nightly
codegen_flags: <defaults>
</compile_context>

<pallas_src>
import jax
import jax.numpy as jnp
from jax import lax
from jax.experimental import pallas as pl
from jax.experimental.pallas import tpu as pltpu
from jax.experimental.pallas import tpu_sc as plsc

NC = 2
NS = 16
NW = NC * NS

EMBED_DIM = 32
BATCH = 16384
FIELDS = 26
KROWS = 256
NBLK = BATCH // KROWS
BLK_PER_W = NBLK // NW
SUB = 128
NSUB = KROWS // SUB
NGRP = KROWS // 16


def _gather_body(idx_hbm, table_hbm, out_hbm,
                 idxv0, idxv1, srv0, srv1, sst0, sst1, tb0, tb1,
                 gsem0, gsem1, osem0, osem1):
    wid = lax.axis_index("s") * NC + lax.axis_index("c")
    idxv = (idxv0, idxv1)
    srv = (srv0, srv1)
    sst = (sst0, sst1)
    tbuf = (tb0, tb1)
    gsem = (gsem0, gsem1)
    osem = (osem0, osem1)
    b0s = (wid * KROWS, (wid + NW) * KROWS)

    lane = lax.broadcasted_iota(jnp.int32, (16,), 0)

    def load_idx(f, p):
        pltpu.sync_copy(idx_hbm.at[f, pl.ds(b0s[p], KROWS)], idxv[p])

    def compute_srows(p):
        @plsc.parallel_loop(0, NGRP, unroll=4)
        def _(g):
            v = idxv[p][pl.ds(g * 16, 16)]
            srv[p][pl.ds(g * 16, 16)] = lax.shift_right_logical(v, 2)

    def fire_gather(p):
        for j in range(NSUB):
            pltpu.async_copy(
                table_hbm.at[srv[p].at[pl.ds(j * SUB, SUB)]],
                sst[p].at[pl.ds(j * SUB, SUB)],
                gsem[p])

    def drain_gather(p):
        pltpu.make_async_copy(
            table_hbm.at[srv[p]], sst[p], gsem[p]).wait()

    def extract(p):
        @plsc.parallel_loop(0, NGRP, unroll=2)
        def _(g):
            iv = idxv[p][pl.ds(g * 16, 16)]
            row = g * 16 + lane
            qcol = lax.shift_left(lax.bitwise_and(iv, 3), 5)
            for e in range(EMBED_DIM):
                vals = plsc.load_gather(sst[p], [row, qcol + e])
                tbuf[p][e, pl.ds(g * 16, 16)] = vals

    def fire_out(f, p):
        pltpu.async_copy(
            tbuf[p], out_hbm.at[f, :, pl.ds(b0s[p], KROWS)], osem[p])

    def drain_out(p):
        pltpu.make_async_copy(
            tbuf[p], out_hbm.at[0, :, pl.ds(b0s[p], KROWS)], osem[p]).wait()

    for p in (0, 1):
        load_idx(0, p)
        compute_srows(p)
        fire_gather(p)

    def field_body(f, carry):
        for p in (0, 1):
            drain_gather(p)
            pl.when(f >= 1)(lambda: drain_out(p))
            extract(p)
            fire_out(f, p)

            def prefetch(p=p):
                load_idx(f + 1, p)
                compute_srows(p)
                fire_gather(p)
            pl.when(f + 1 < FIELDS)(prefetch)
        return carry

    lax.fori_loop(0, FIELDS, field_body, 0)
    drain_out(0)
    drain_out(1)


NSR = 250000
TSR = 128
NT_FULL = NSR // TSR
TAIL = NSR - NT_FULL * TSR


def _transpose_body(tab_t, out_sr, src0, src1, ob0, ob1, tsrc,
                    isem0, isem1, osem0, osem1):
    wid = lax.axis_index("s") * NC + lax.axis_index("c")
    src = (src0, src1)
    obuf = (ob0, ob1)
    isem = (isem0, isem1)
    osem = (osem0, osem1)
    lane = lax.broadcasted_iota(jnp.int32, (16,), 0)

    def fire_in(t, p):
        for e in range(EMBED_DIM):
            pltpu.async_copy(
                tab_t.at[e, pl.ds(t * (4 * TSR), 4 * TSR)],
                src[p].at[pl.ds(e * (4 * TSR), 4 * TSR)], isem[p])

    def drain_in(p):
        pltpu.make_async_copy(
            tab_t.at[0, pl.ds(0, EMBED_DIM * 4 * TSR)], src[p],
            isem[p]).wait()

    def transpose_ref(sref, oref, nsr, stride):
        elane0 = lane * stride
        elane16 = lane * stride + 16 * stride
        @plsc.parallel_loop(0, nsr, unroll=4)
        def _(s):
            c4 = s * 4
            for q in range(4):
                bcol = jnp.full((16,), 0, jnp.int32) + (c4 + q)
                oref[s, pl.ds(q * 32, 16)] = plsc.load_gather(
                    sref, [elane0 + bcol])
                oref[s, pl.ds(q * 32 + 16, 16)] = plsc.load_gather(
                    sref, [elane16 + bcol])

    def transpose(p, nsr):
        transpose_ref(src[p], obuf[p], nsr, 4 * TSR)

    def fire_out(t, p):
        pltpu.async_copy(
            obuf[p], out_sr.at[pl.ds(t * TSR, TSR)], osem[p])

    def drain_out(p):
        pltpu.make_async_copy(
            obuf[p], out_sr.at[pl.ds(0, TSR)], osem[p]).wait()

    def maybe(t, fn):
        pl.when(t < NT_FULL)(fn)

    maybe(wid, lambda: fire_in(wid, 0))
    maybe(wid + NW, lambda: fire_in(wid + NW, 1))

    def k_body(k, carry):
        for p in (0, 1):
            t = wid + NW * (2 * k + p)
            t_next = t + 2 * NW

            def task(t=t, t_next=t_next, p=p):
                drain_in(p)
                pl.when(k >= 1)(lambda: drain_out(p))
                transpose(p, TSR)
                fire_out(t, p)
                pl.when(t_next < NT_FULL)(lambda: fire_in(t_next, p))
            maybe(t, task)
        return carry

    nk = (NT_FULL + 2 * NW - 1) // (2 * NW)
    lax.fori_loop(0, nk, k_body, 0)
    drain_out(0)
    drain_out(1)

    def tail():
        pltpu.sync_copy(
            tab_t.at[:, pl.ds(4 * NT_FULL * TSR, 4 * TAIL)], tsrc)

        @plsc.parallel_loop(0, TAIL)
        def _(s):
            c4 = s * 4
            for q in range(4):
                col = jnp.full((16,), 0, jnp.int32) + (c4 + q)
                for e0 in (0, 16):
                    vals = plsc.load_gather(tsrc, [e0 + lane, col])
                    ob0[s, pl.ds(q * 32 + e0, 16)] = vals
        pltpu.sync_copy(ob0.at[pl.ds(0, TAIL)],
                        out_sr.at[pl.ds(NT_FULL * TSR, TAIL)])
    pl.when(wid == 0)(tail)


@jax.jit
def _sc_transpose(tab_t):
    mesh = plsc.VectorSubcoreMesh(
        core_axis_name="c", subcore_axis_name="s",
        num_cores=NC, num_subcores=NS)
    return pl.kernel(
        _transpose_body,
        out_type=jax.ShapeDtypeStruct((NSR, 128), jnp.float32),
        mesh=mesh,
        scratch_types=[
            pltpu.VMEM((EMBED_DIM * 4 * TSR,), jnp.float32),
            pltpu.VMEM((EMBED_DIM * 4 * TSR,), jnp.float32),
            pltpu.VMEM((TSR, 128), jnp.float32),
            pltpu.VMEM((TSR, 128), jnp.float32),
            pltpu.VMEM((EMBED_DIM, 4 * TAIL), jnp.float32),
            pltpu.SemaphoreType.DMA,
            pltpu.SemaphoreType.DMA,
            pltpu.SemaphoreType.DMA,
            pltpu.SemaphoreType.DMA,
        ],
        compiler_params=pltpu.CompilerParams(
            use_tc_tiling_on_sc=True, needs_layout_passes=False),
    )(tab_t)


@jax.jit
def _sc_gather(idx_t, table_sr):
    mesh = plsc.VectorSubcoreMesh(
        core_axis_name="c", subcore_axis_name="s",
        num_cores=NC, num_subcores=NS)
    return pl.kernel(
        _gather_body,
        out_type=jax.ShapeDtypeStruct((FIELDS, EMBED_DIM, BATCH), jnp.float32),
        mesh=mesh,
        scratch_types=[
            pltpu.VMEM((KROWS,), jnp.int32),
            pltpu.VMEM((KROWS,), jnp.int32),
            pltpu.VMEM((KROWS,), jnp.int32),
            pltpu.VMEM((KROWS,), jnp.int32),
            pltpu.VMEM((KROWS, 128), jnp.float32),
            pltpu.VMEM((KROWS, 128), jnp.float32),
            pltpu.VMEM((EMBED_DIM, KROWS), jnp.float32),
            pltpu.VMEM((EMBED_DIM, KROWS), jnp.float32),
            pltpu.SemaphoreType.DMA,
            pltpu.SemaphoreType.DMA,
            pltpu.SemaphoreType.DMA,
            pltpu.SemaphoreType.DMA,
        ],
        compiler_params=pltpu.CompilerParams(
            use_tc_tiling_on_sc=True, needs_layout_passes=False),
    )(idx_t, table_sr)


def kernel(idx, table):
    idx_t = idx.T.astype(jnp.int32)
    table_t = table.T
    table_sr = _sc_transpose(table_t)
    out_t = _sc_gather(idx_t, table_sr)
    return out_t.transpose(2, 0, 1)

# --- scband reference (transcript-rebuilt; emitter-appended) ---
"""Pipeline reference for scband-embedding-model-7988639170749 (READ-ONLY COPY).

The authoritative reference and input builder live on the scoring server;
editing this copy changes nothing except your own understanding.
"""

import jax, jax.numpy as jnp
import numpy as np

NUM = 1000000
EMBED_DIM = 32
BATCH = 16384
FIELDS = 26

def setup_inputs(seed: int = 0) -> dict:
    key = jax.random.key(seed)
    k_idx, k_tab = jax.random.split(key)
    idx = jax.random.randint(k_idx, (BATCH, FIELDS), 0, NUM, dtype=jnp.int64) if jax.config.jax_enable_x64 else jax.random.randint(k_idx, (BATCH, FIELDS), 0, NUM, dtype=jnp.int32)
    table = jax.random.normal(k_tab, (NUM, EMBED_DIM), dtype=jnp.float32)
    return {"idx": idx, "table": table}

def reference(idx, table):
    # torch.nn.Embedding forward: row gather from the embedding table
    return jnp.take(table, idx, axis=0)

if __name__ == "__main__":
    import jax
    _d = setup_inputs()
    print(jax.jit(kernel)(*tuple(_d.values())))

</pallas_src>

<mosaic_0001>
#map = affine_map<(d0, d1) -> (0, 0)>
module attributes {stable_mosaic.version = 14 : i64} {
  func.func @_transpose_body(%arg0: i32, %arg1: i32, %arg2: memref<32x1000000xf32, #tpu.memory_space<hbm>>, %arg3: memref<250000x128xf32, #tpu.memory_space<hbm>>, %arg4: memref<16384xf32, #tpu.memory_space<vmem>>, %arg5: memref<16384xf32, #tpu.memory_space<vmem>>, %arg6: memref<128x128xf32, #tpu.memory_space<vmem>>, %arg7: memref<128x128xf32, #tpu.memory_space<vmem>>, %arg8: memref<32x64xf32, #tpu.memory_space<vmem>>, %arg9: memref<!tpu.dma_semaphore, #tpu.memory_space<semaphore_mem>>, %arg10: memref<!tpu.dma_semaphore, #tpu.memory_space<semaphore_mem>>, %arg11: memref<!tpu.dma_semaphore, #tpu.memory_space<semaphore_mem>>, %arg12: memref<!tpu.dma_semaphore, #tpu.memory_space<semaphore_mem>>) attributes {dimension_semantics = [#tpu.dimension_semantics<core_parallel>, #tpu.dimension_semantics<subcore_parallel>], iteration_bounds = array<i64: 2, 16>, scalar_prefetch = 0 : i64, scratch_operands = 9 : i64, tpu.core_type = #tpu.core_type<sc_vector_subcore>, window_params = [{transform_indices = #map}, {transform_indices = #map}]} {
    %mul3A = arith.constant 2 : i32
    %mul3A_0 = arith.muli %arg1, %mul3A : i32
    %add3A = arith.addi %mul3A_0, %arg0 : i32
    %iota3A = tpu.iota {dimensions = array<i32: 0>} : vector<16xi32>
    %lt3A = arith.constant 1953 : i32
    %lt3A_1 = arith.cmpi slt, %add3A, %lt3A : i32
    %convert_element_type3A = arith.extui %lt3A_1 : i1 to i32
    %cond3A = arith.constant 0 : i32
    %cond3A_2 = arith.cmpi ne, %convert_element_type3A, %cond3A : i32
    scf.if %cond3A_2 {
      %mul3A_30 = arith.constant 512 : i32
      %mul3A_31 = arith.muli %add3A, %mul3A_30 : i32
      %dma_start3A = arith.constant 0 : i32
      %dma_start3A_32 = arith.constant 0 : i32
      %dma_start3A_33 = tpu.memref_slice %arg4[%dma_start3A_32] : memref<16384xf32, #tpu.memory_space<vmem>> -> memref<512xf32, #tpu.memory_space<vmem>>
      %dma_start3A_34 = tpu.memref_slice %arg2[%dma_start3A, %mul3A_31] : memref<32x1000000xf32, #tpu.memory_space<hbm>> -> memref<1x512xf32, #tpu.memory_space<hbm>>
      %dma_start3A_35 = tpu.memref_squeeze %dma_start3A_34 : memref<1x512xf32, #tpu.memory_space<hbm>> -> memref<512xf32, #tpu.memory_space<hbm>>
      %dma_start3A_36 = arith.constant 0 : i32
      %dma_start3A_37 = tpu.memref_slice %arg4[%dma_start3A_36] : memref<16384xf32, #tpu.memory_space<vmem>> -> memref<512xf32, #tpu.memory_space<vmem>>
      %dma_start3A_38 = tpu.memref_slice %arg2[%dma_start3A, %mul3A_31] : memref<32x1000000xf32, #tpu.memory_space<hbm>> -> memref<1x512xf32, #tpu.memory_space<hbm>>
      %dma_start3A_39 = tpu.memref_squeeze %dma_start3A_38 : memref<1x512xf32, #tpu.memory_space<hbm>> -> memref<512xf32, #tpu.memory_space<hbm>>
      tpu.enqueue_dma source(%dma_start3A_39 : memref<512xf32, #tpu.memory_space<hbm>>) target(%dma_start3A_37 : memref<512xf32, #tpu.memory_space<vmem>>) target_semaphore(%arg9 : memref<!tpu.dma_semaphore, #tpu.memory_space<semaphore_mem>>)
      %mul3A_40 = arith.constant 512 : i32
      %mul3A_41 = arith.muli %add3A, %mul3A_40 : i32
      %dma_start3A_42 = arith.constant 1 : i32
      %dma_start3A_43 = arith.constant 512 : i32
      %dma_start3A_44 = tpu.memref_slice %arg4[%dma_start3A_43] : memref<16384xf32, #tpu.memory_space<vmem>> -> memref<512xf32, #tpu.memory_space<vmem>>
      %dma_start3A_45 = tpu.memref_slice %arg2[%dma_start3A_42, %mul3A_41] : memref<32x1000000xf32, #tpu.memory_space<hbm>> -> memref<1x512xf32, #tpu.memory_space<hbm>>
      %dma_start3A_46 = tpu.memref_squeeze %dma_start3A_45 : memref<1x512xf32, #tpu.memory_space<hbm>> -> memref<512xf32, #tpu.memory_space<hbm>>
      %dma_start3A_47 = arith.constant 512 : i32
      %dma_start3A_48 = tpu.memref_slice %arg4[%dma_start3A_47] : memref<16384xf32, #tpu.memory_space<vmem>> -> memref<512xf32, #tpu.memory_space<vmem>>
      %dma_start3A_49 = tpu.memref_slice %arg2[%dma_start3A_42, %mul3A_41] : memref<32x1000000xf32, #tpu.memory_space<hbm>> -> memref<1x512xf32, #tpu.memory_space<hbm>>
      %dma_start3A_50 = tpu.memref_squeeze %dma_start3A_49 : memref<1x512xf32, #tpu.memory_space<hbm>> -> memref<512xf32, #tpu.memory_space<hbm>>
      tpu.enqueue_dma source(%dma_start3A_50 : memref<512xf32, #tpu.memory_space<hbm>>) target(%dma_start3A_48 : memref<512xf32, #tpu.memory_space<vmem>>) target_semaphore(%arg9 : memref<!tpu.dma_semaphore, #tpu.memory_space<semaphore_mem>>)
      %mul3A_51 = arith.constant 512 : i32
      %mul3A_52 = arith.muli %add3A, %mul3A_51 : i32
      %dma_start3A_53 = arith.constant 2 : i32
      %dma_start3A_54 = arith.constant 1024 : i32
      %dma_start3A_55 = tpu.memref_slice %arg4[%dma_start3A_54] : memref<16384xf32, #tpu.memory_space<vmem>> -> memref<512xf32, #tpu.memory_space<vmem>>
      %dma_start3A_56 = tpu.memref_slice %arg2[%dma_start3A_53, %mul3A_52] : memref<32x1000000xf32, #tpu.memory_space<hbm>> -> memref<1x512xf32, #tpu.memory_space<hbm>>
      %dma_start3A_57 = tpu.memref_squeeze %dma_start3A_56 : memref<1x512xf32, #tpu.memory_space<hbm>> -> memref<512xf32, #tpu.memory_space<hbm>>
      %dma_start3A_58 = arith.constant 1024 : i32
      %dma_start3A_59 = tpu.memref_slice %arg4[%dma_start3A_58] : memref<16384xf32, #tpu.memory_space<vmem>> -> memref<512xf32, #tpu.memory_space<vmem>>
      %dma_start3A_60 = tpu.memref_slice %arg2[%dma_start3A_53, %mul3A_52] : memref<32x1000000xf32, #tpu.memory_space<hbm>> -> memref<1x512xf32, #tpu.memory_space<hbm>>
      %dma_start3A_61 = tpu.memref_squeeze %dma_start3A_60 : memref<1x512xf32, #tpu.memory_space<hbm>> -> memref<512xf32, #tpu.memory_space<hbm>>
      tpu.enqueue_dma source(%dma_start3A_61 : memref<512xf32, #tpu.memory_space<hbm>>) target(%dma_start3A_59 : memref<512xf32, #tpu.memory_space<vmem>>) target_semaphore(%arg9 : memref<!tpu.dma_semaphore, #tpu.memory_space<semaphore_mem>>)
      %mul3A_62 = arith.constant 512 : i32
      %mul3A_63 = arith.muli %add3A, %mul3A_62 : i32
      %dma_start3A_64 = arith.constant 3 : i32
      %dma_start3A_65 = arith.constant 1536 : i32
      %dma_start3A_66 = tpu.memref_slice %arg4[%dma_start3A_65] : memref<16384xf32, #tpu.memory_space<vmem>> -> memref<512xf32, #tpu.memory_space<vmem>>
      %dma_start3A_67 = tpu.memref_slice %arg2[%dma_start3A_64, %mul3A_63] : memref<32x1000000xf32, #tpu.memory_space<hbm>> -> memref<1x512xf32, #tpu.memory_space<hbm>>
      %dma_start3A_68 = tpu.memref_squeeze %dma_start3A_67 : memref<1x512xf32, #tpu.memory_space<hbm>> -> memref<512xf32, #tpu.memory_space<hbm>>
      %dma_start3A_69 = arith.constant 1536 : i32
      %dma_start3A_70 = tpu.memref_slice %arg4[%dma_start3A_69] : memref<16384xf32, #tpu.memory_space<vmem>> -> memref<512xf32, #tpu.memory_space<vmem>>
      %dma_start3A_71 = tpu.memref_slice %arg2[%dma_start3A_64, %mul3A_63] : memref<32x1000000xf32, #tpu.memory_space<hbm>> -> memref<1x512xf32, #tpu.memory_space<hbm>>
      %dma_start3A_72 = tpu.memref_squeeze %dma_start3A_71 : memref<1x512xf32, #tpu.memory_space<hbm>> -> memref<512xf32, #tpu.memory_space<hbm>>
      tpu.enqueue_dma source(%dma_start3A_72 : memref<512xf32, #tpu.memory_space<hbm>>) target(%dma_start3A_70 : memref<512xf32, #tpu.memory_space<vmem>>) target_semaphore(%arg9 : memref<!tpu.dma_semaphore, #tpu.memory_space<semaphore_mem>>)
      %mul3A_73 = arith.constant 512 : i32
      %mul3A_74 = arith.muli %add3A, %mul3A_73 : i32
      %dma_start3A_75 = arith.constant 4 : i32
      %dma_start3A_76 = arith.constant 2048 : i32
      %dma_start3A_77 = tpu.memref_slice %arg4[%dma_start3A_76] : memref<16384xf32, #tpu.memory_space<vmem>> -> memref<512xf32, #tpu.memory_space<vmem>>
      %dma_start3A_78 = tpu.memref_slice %arg2[%dma_start3A_75, %mul3A_74] : memref<32x1000000xf32, #tpu.memory_space<hbm>> -> memref<1x512xf32, #tpu.memory_space<hbm>>
      %dma_start3A_79 = tpu.memref_squeeze %dma_start3A_78 : memref<1x512xf32, #tpu.memory_space<hbm>> -> memref<512xf32, #tpu.memory_space<hbm>>
      %dma_start3A_80 = arith.constant 2048 : i32
      %dma_start3A_81 = tpu.memref_slice %arg4[%dma_start3A_80] : memref<16384xf32, #tpu.memory_space<vmem>> -> memref<512xf32, #tpu.memory_space<vmem>>
      %dma_start3A_82 = tpu.memref_slice %arg2[%dma_start3A_75, %mul3A_74] : memref<32x1000000xf32, #tpu.memory_space<hbm>> -> memref<1x512xf32, #tpu.memory_space<hbm>>
      %dma_start3A_83 = tpu.memref_squeeze %dma_start3A_82 : memref<1x512xf32, #tpu.memory_space<hbm>> -> memref<512xf32, #tpu.memory_space<hbm>>
      tpu.enqueue_dma source(%dma_start3A_83 : memref<512xf32, #tpu.memory_space<hbm>>) target(%dma_start3A_81 : memref<512xf32, #tpu.memory_space<vmem>>) target_semaphore(%arg9 : memref<!tpu.dma_semaphore, #tpu.memory_space<semaphore_mem>>)
      %mul3A_84 = arith.constant 512 : i32
      %mul3A_85 = arith.muli %add3A, %mul3A_84 : i32
      %dma_start3A_86 = arith.constant 5 : i32
      %dma_start3A_87 = arith.constant 2560 : i32
      %dma_start3A_88 = tpu.memref_slice %arg4[%dma_start3A_87] : memref<16384xf32, #tpu.memory_space<vmem>> -> memref<512xf32, #tpu.memory_space<vmem>>
      %dma_start3A_89 = tpu.memref_slice %arg2[%dma_start3A_86, %mul3A_85] : memref<32x1000000xf32, #tpu.memory_space<hbm>> -> memref<1x512xf32, #tpu.memory_space<hbm>>
      %dma_start3A_90 = tpu.memref_squeeze %dma_start3A_89 : memref<1x512xf32, #tpu.memory_space<hbm>> -> memref<512xf32, #tpu.memory_space<hbm>>
      %dma_start3A_91 = arith.constant 2560 : i32
      %dma_start3A_92 = tpu.memref_slice %arg4[%dma_start3A_91] : memref<16384xf32, #tpu.memory_space<vmem>> -> memref<512xf32, #tpu.memory_space<vmem>>
      %dma_start3A_93 = tpu.memref_slice %arg2[%dma_start3A_86, %mul3A_85] : memref<32x1000000xf32, #tpu.memory_space<hbm>> -> memref<1x512xf32, #tpu.memory_space<hbm>>
      %dma_start3A_94 = tpu.memref_squeeze %dma_start3A_93 : memref<1x512xf32, #tpu.memory_space<hbm>> -> memref<512xf32, #tpu.memory_space<hbm>>
      tpu.enqueue_dma source(%dma_start3A_94 : memref<512xf32, #tpu.memory_space<hbm>>) target(%dma_start3A_92 : memref<512xf32, #tpu.memory_space<vmem>>) target_semaphore(%arg9 : memref<!tpu.dma_semaphore, #tpu.memory_space<semaphore_mem>>)
      %mul3A_95 = arith.constant 512 : i32
      %mul3A_96 = arith.muli %add3A, %mul3A_95 : i32
      %dma_start3A_97 = arith.constant 6 : i32
      %dma_start3A_98 = arith.constant 3072 : i32
      %dma_start3A_99 = tpu.memref_slice %arg4[%dma_start3A_98] : memref<16384xf32, #tpu.memory_space<vmem>> -> memref<512xf32, #tpu.memory_space<vmem>>
      %dma_start3A_100 = tpu.memref_slice %arg2[%dma_start3A_97, %mul3A_96] : memref<32x1000000xf32, #tpu.memory_space<hbm>> -> memref<1x512xf32, #tpu.memory_space<hbm>>
      %dma_start3A_101 = tpu.memref_squeeze %dma_start3A_100 : memref<1x512xf32, #tpu.memory_space<hbm>> -> memref<512xf32, #tpu.memory_space<hbm>>
      %dma_start3A_102 = arith.constant 3072 : i32
      %dma_start3A_103 = tpu.memref_slice %arg4[%dma_start3A_102] : memref<16384xf32, #tpu.memory_space<vmem>> -> memref<512xf32, #tpu.memory_space<vmem>>
      %dma_start3A_104 = tpu.memref_slice %arg2[%dma_start3A_97, %mul3A_96] : memref<32x1000000xf32, #tpu.memory_space<hbm>> -> memref<1x512xf32, #tpu.memory_space<hbm>>
      %dma_start3A_105 = tpu.memref_squeeze %dma_start3A_104 : memref<1x512xf32, #tpu.memory_space<hbm>> -> memref<512xf32, #tpu.memory_space<hbm>>
      tpu.enqueue_dma source(%dma_start3A_105 : memref<512xf32, #tpu.memory_space<hbm>>) target(%dma_start3A_103 : memref<512xf32, #tpu.memory_space<vmem>>) target_semaphore(%arg9 : memref<!tpu.dma_semaphore, #tpu.memory_space<semaphore_mem>>)
      %mul3A_106 = arith.constant 512 : i32
      %mul3A_107 = arith.muli %add3A, %mul3A_106 : i32
      %dma_start3A_108 = arith.constant 7 : i32
      %dma_start3A_109 = arith.constant 3584 : i32
      %dma_start3A_110 = tpu.memref_slice %arg4[%dma_start3A_109] : memref<16384xf32, #tpu.memory_space<vmem>> -> memref<512xf32, #tpu.memory_space<vmem>>
      %dma_start3A_111 = tpu.memref_slice %arg2[%dma_start3A_108, %mul3A_107] : memref<32x1000000xf32, #tpu.memory_space<hbm>> -> memref<1x512xf32, #tpu.memory_space<hbm>>
      %dma_start3A_112 = tpu.memref_squeeze %dma_start3A_111 : memref<1x512xf32, #tpu.memory_space<hbm>> -> memref<512xf32, #tpu.memory_space<hbm>>
      %dma_start3A_113 = arith.constant 3584 : i32
      %dma_start3A_114 = tpu.memref_slice %arg4[%dma_start3A_113] : memref<16384xf32, #tpu.memory_space<vmem>> -> memref<512xf32, #tpu.memory_space<vmem>>
      %dma_start3A_115 = tpu.memref_slice %arg2[%dma_start3A_108, %mul3A_107] : memref<32x1000000xf32, #tpu.memory_space<hbm>> -> memref<1x512xf32, #tpu.memory_space<hbm>>
      %dma_start3A_116 = tpu.memref_squeeze %dma_start3A_115 : memref<1x512xf32, #tpu.memory_space<hbm>> -> memref<512xf32, #tpu.memory_space<hbm>>
      tpu.enqueue_dma source(%dma_start3A_116 : memref<512xf32, #tpu.memory_space<hbm>>) target(%dma_start3A_114 : memref<512xf32, #tpu.memory_space<vmem>>) target_semaphore(%arg9 : memref<!tpu.dma_semaphore, #tpu.memory_space<semaphore_mem>>)
      %mul3A_117 = arith.constant 512 : i32
      %mul3A_118 = arith.muli %add3A, %mul3A_117 : i32
      %dma_start3A_119 = arith.constant 8 : i32
      %dma_start3A_120 = arith.constant 4096 : i32
      %dma_start3A_121 = tpu.memref_slice %arg4[%dma_start3A_120] : memref<16384xf32, #tpu.memory_space<vmem>> -> memref<512xf32, #tpu.memory_space<vmem>>
      %dma_start3A_122 = tpu.memref_slice %arg2[%dma_start3A_119, %mul3A_118] : memref<32x1000000xf32, #tpu.memory_space<hbm>> -> memref<1x512xf32, #tpu.memory_space<hbm>>
      %dma_start3A_123 = tpu.memref_squeeze %dma_start3A_122 : memref<1x512xf32, #tpu.memory_space<hbm>> -> memref<512xf32, #tpu.memory_space<hbm>>
      %dma_start3A_124 = arith.constant 4096 : i32
      %dma_start3A_125 = tpu.memref_slice %arg4[%dma_start3A_124] : memref<16384xf32, #tpu.memory_space<vmem>> -> memref<512xf32, #tpu.memory_space<vmem>>
      %dma_start3A_126 = tpu.memref_slice %arg2[%dma_start3A_119, %mul3A_118] : memref<32x1000000xf32, #tpu.memory_space<hbm>> -> memref<1x512xf32, #tpu.memory_space<hbm>>
      %dma_start3A_127 = tpu.memref_squeeze %dma_start3A_126 : memref<1x512xf32, #tpu.memory_space<hbm>> -> memref<512xf32, #tpu.memory_space<hbm>>
      tpu.enqueue_dma source(%dma_start3A_127 : memref<512xf32, #tpu.memory_space<hbm>>) target(%dma_start3A_125 : memref<512xf32, #tpu.memory_space<vmem>>) target_semaphore(%arg9 : memref<!tpu.dma_semaphore, #tpu.memory_space<semaphore_mem>>)
      %mul3A_128 = arith.constant 512 : i32
      %mul3A_129 = arith.muli %add3A, %mul3A_128 : i32
      %dma_start3A_130 = arith.constant 9 : i32
      %dma_start3A_131 = arith.constant 4608 : i32
      %dma_start3A_132 = tpu.memref_slice %arg4[%dma_start3A_131] : memref<16384xf32, #tpu.memory_space<vmem>> -> memref<512xf32, #tpu.memory_space<vmem>>
      %dma_start3A_133 = tpu.memref_slice %arg2[%dma_start3A_130, %mul3A_129] : memref<32x1000000xf32, #tpu.memory_space<hbm>> -> memref<1x512xf32, #tpu.memory_space<hbm>>
      %dma_start3A_134 = tpu.memref_squeeze %dma_start3A_133 : memref<1x512xf32, #tpu.memory_space<hbm>> -> memref<512xf32, #tpu.memory_space<hbm>>
      %dma_start3A_135 = arith.constant 4608 : i32
      %dma_start3A_136 = tpu.memref_slice %arg4[%dma_start3A_135] : memref<16384xf32, #tpu.memory_space<vmem>> -> memref<512xf32, #tpu.memory_space<vmem>>
      %dma_start3A_137 = tpu.memref_slice %arg2[%dma_start3A_130, %mul3A_129] : memref<32x1000000xf32, #tpu.memory_space<hbm>> -> memref<1x512xf32, #tpu.memory_space<hbm>>
      %dma_start3A_138 = tpu.memref_squeeze %dma_start3A_137 : memref<1x512xf32, #tpu.memory_space<hbm>> -> memref<512xf32, #tpu.memory_space<hbm>>
      tpu.enqueue_dma source(%dma_start3A_138 : memref<512xf32, #tpu.memory_space<hbm>>) target(%dma_start3A_136 : memref<512xf32, #tpu.memory_space<vmem>>) target_semaphore(%arg9 : memref<!tpu.dma_semaphore, #tpu.memory_space<semaphore_mem>>)
      %mul3A_139 = arith.constant 512 : i32
      %mul3A_140 = arith.muli %add3A, %mul3A_139 : i32
      %dma_start3A_141 = arith.constant 10 : i32
      %dma_start3A_142 = arith.constant 5120 : i32
      %dma_start3A_143 = tpu.memref_slice %arg4[%dma_start3A_142] : memref<16384xf32, #tpu.memory_space<vmem>> -> memref<512xf32, #tpu.memory_space<vmem>>
      %dma_start3A_144 = tpu.memref_slice %arg2[%dma_start3A_141, %mul3A_140] : memref<32x1000000xf32, #tpu.memory_space<hbm>> -> memref<1x512xf32, #tpu.memory_space<hbm>>
      %dma_start3A_145 = tpu.memref_squeeze %dma_start3A_144 : memref<1x512xf32, #tpu.memory_space<hbm>> -> memref<512xf32, #tpu.memory_space<hbm>>
      %dma_start3A_146 = arith.constant 5120 : i32
      %dma_start3A_147 = tpu.memref_slice %arg4[%dma_start3A_146] : memref<16384xf32, #tpu.memory_space<vmem>> -> memref<512xf32, #tpu.memory_space<vmem>>
      %dma_start3A_148 = tpu.memref_slice %arg2[%dma_start3A_141, %mul3A_140] : memref<32x1000000xf32, #tpu.memory_space<hbm>> -> memref<1x512xf32, #tpu.memory_space<hbm>>
      %dma_start3A_149 = tpu.memref_squeeze %dma_start3A_148 : memref<1x512xf32, #tpu.memory_space<hbm>> -> memref<512xf32, #tpu.memory_space<hbm>>
      tpu.enqueue_dma source(%dma_start3A_149 : memref<512xf32, #tpu.memory_space<hbm>>) target(%dma_start3A_147 : memref<512xf32, #tpu.memory_space<vmem>>) target_semaphore(%arg9 : memref<!tpu.dma_semaphore, #tpu.memory_space<semaphore_mem>>)
      %mul3A_150 = arith.constant 512 : i32
      %mul3A_151 = arith.muli %add3A, %mul3A_150 : i32
      %dma_start3A_152 = arith.constant 11 : i32
      %dma_start3A_153 = arith.constant 5632 : i32
      %dma_start3A_154 = tpu.memref_slice %arg4[%dma_start3A_153] : memref<16384xf32, #tpu.memory_space<vmem>> -> memref<512xf32, #tpu.memory_space<vmem>>
      %dma_start3A_155 = tpu.memref_slice %arg2[%dma_start3A_152, %mul3A_151] : memref<32x1000000xf32, #tpu.memory_space<hbm>> -> memref<1x512xf32, #tpu.memory_space<hbm>>
      %dma_start3A_156 = tpu.memref_squeeze %dma_start3A_155 : memref<1x512xf32, #tpu.memory_space<hbm>> -> memref<512xf32, #tpu.memory_space<hbm>>
      %dma_start3A_157 = arith.constant 5632 : i32
      %dma_start3A_158 = tpu.memref_slice %arg4[%dma_start3A_157] : memref<16384xf32, #tpu.memory_space<vmem>> -> memref<512xf32, #tpu.memory_space<vmem>>
      %dma_start3A_159 = tpu.memref_slice %arg2[%dma_start3A_152, %mul3A_151] : memref<32x1000000xf32, #tpu.memory_space<hbm>> -> memref<1x512xf32, #tpu.memory_space<hbm>>
      %dma_start3A_160 = tpu.memref_squeeze %dma_start3A_159 : memref<1x512xf32, #tpu.memory_space<hbm>> -> memref<512xf32, #tpu.memory_space<hbm>>
      tpu.enqueue_dma source(%dma_start3A_160 : memref<512xf32, #tpu.memory_space<hbm>>) target(%dma_start3A_158 : memref<512xf32, #tpu.memory_space<vmem>>) target_semaphore(%arg9 : memref<!tpu.dma_semaphore, #tpu.memory_space<semaphore_mem>>)
      %mul3A_161 = arith.constant 512 : i32
      %mul3A_162 = arith.muli %add3A, %mul3A_161 : i32
      %dma_start3A_163 = arith.constant 12 : i32
      %dma_start3A_164 = arith.constant 6144 : i32
      %dma_start3A_165 = tpu.memref_slice %arg4[%dma_start3A_164] : memref<16384xf32, #tpu.memory_space<vmem>> -> memref<512xf32, #tpu.memory_space<vmem>>
      %dma_start3A_166 = tpu.memref_slice %arg2[%dma_start3A_163, %mul3A_162] : memref<32x1000000xf32, #tpu.memory_space<hbm>> -> memref<1x512xf32, #tpu.memory_space<hbm>>
      %dma_start3A_167 = tpu.memref_squeeze %dma_start3A_166 : memref<1x512xf32, #tpu.memory_space<hbm>> -> memref<512xf32, #tpu.memory_space<hbm>>
      %dma_start3A_168 = arith.constant 6144 : i32
      %dma_start3A_169 = tpu.memref_slice %arg4[%dma_start3A_168] : memref<16384xf32, #tpu.memory_space<vmem>> -> memref<512xf32, #tpu.memory_space<vmem>>
      %dma_start3A_170 = tpu.memref_slice %arg2[%dma_start3A_163, %mul3A_162] : memref<32x1000000xf32, #tpu.memory_space<hbm>> -> memref<1x512xf32, #tpu.memory_space<hbm>>
      %dma_start3A_171 = tpu.memref_squeeze %dma_start3A_170 : memref<1x512xf32, #tpu.memory_space<hbm>> -> memref<512xf32, #tpu.memory_space<hbm>>
      tpu.enqueue_dma source(%dma_start3A_171 : memref<512xf32, #tpu.memory_space<hbm>>) target(%dma_start3A_169 : memref<512xf32, #tpu.memory_space<vmem>>) target_semaphore(%arg9 : memref<!tpu.dma_semaphore, #tpu.memory_space<semaphore_mem>>)
      %mul3A_172 = arith.constant 512 : i32
      %mul3A_173 = arith.muli %add3A, %mul3A_172 : i32
      %dma_start3A_174 = arith.constant 13 : i32
      %dma_start3A_175 = arith.constant 6656 : i32
      %dma_start3A_176 = tpu.memref_slice %arg4[%dma_start3A_175] : memref<16384xf32, #tpu.memory_space<vmem>> -> memref<512xf32, #tpu.memory_space<vmem>>
      %dma_start3A_177 = tpu.memref_slice %arg2[%dma_start3A_174, %mul3A_173] : memref<32x1000000xf32, #tpu.memory_space<hbm>> -> memref<1x512xf32, #tpu.memory_space<hbm>>
      %dma_start3A_178 = tpu.memref_squeeze %dma_start3A_177 : memref<1x512xf32, #tpu.memory_space<hbm>> -> memref<512xf32, #tpu.memory_space<hbm>>
      %dma_start3A_179 = arith.constant 6656 : i32
      %dma_start3A_180 = tpu.memref_slice %arg4[%dma_start3A_179] : memref<16384xf32, #tpu.memory_space<vmem>> -> memref<512xf32, #tpu.memory_space<vmem>>
      %dma_start3A_181 = tpu.memref_slice %arg2[%dma_start3A_174, %mul3A_173] : memref<32x1000000xf32, #tpu.memory_space<hbm>> -> memref<1x512xf32, #tpu.memory_space<hbm>>
      %dma_start3A_182 = tpu.memref_squeeze %dma_start3A_181 : memref<1x512xf32, #tpu.memory_space<hbm>> -> memref<512xf32, #tpu.memory_space<hbm>>
      tpu.enqueue_dma source(%dma_start3A_182 : memref<512xf32, #tpu.memory_space<hbm>>) target(%dma_start3A_180 : memref<512xf32, #tpu.memory_space<vmem>>) target_semaphore(%arg9 : memref<!tpu.dma_semaphore, #tpu.memory_space<semaphore_mem>>)
      %mul3A_183 = arith.constant 512 : i32
      %mul3A_184 = arith.muli %add3A, %mul3A_183 : i32
      %dma_start3A_185 = arith.constant 14 : i32
      %dma_start3A_186 = arith.constant 7168 : i32
      %dma_start3A_187 = tpu.memref_slice %arg4[%dma_start3A_186] : memref<16384xf32, #tpu.memory_space<vmem>> -> memref<512xf32, #tpu.memory_space<vmem>>
      %dma_start3A_188 = tpu.memref_slice %arg2[%dma_start3A_185, %mul3A_184] : memref<32x1000000xf32, #tpu.memory_space<hbm>> -> memref<1x512xf32, #tpu.memory_space<hbm>>
      %dma_start3A_189 = tpu.memref_squeeze %dma_start3A_188 : memref<1x512xf32, #tpu.memory_space<hbm>> -> memref<512xf32, #tpu.memory_space<hbm>>
      %dma_start3A_190 = arith.constant 7168 : i32
      %dma_start3A_191 = tpu.memref_slice %arg4[%dma_start3A_190] : memref<16384xf32, #tpu.memory_space<vmem>> -> memref<512xf32, #tpu.memory_space<vmem>>
      %dma_start3A_192 = tpu.memref_slice %arg2[%dma_start3A_185, %mul3A_184] : memref<32x1000000xf32, #tpu.memory_space<hbm>> -> memref<1x512xf32, #tpu.memory_space<hbm>>
      %dma_start3A_193 = tpu.memref_squeeze %dma_start3A_192 : memref<1x512xf32, #tpu.memory_space<hbm>> -> memref<512xf32, #tpu.memory_space<hbm>>
      tpu.enqueue_dma source(%dma_start3A_193 : memref<512xf32, #tpu.memory_space<hbm>>) target(%dma_start3A_191 : memref<512xf32, #tpu.memory_space<vmem>>) target_semaphore(%arg9 : memref<!tpu.dma_semaphore, #tpu.memory_space<semaphore_mem>>)
      %mul3A_194 = arith.constant 512 : i32
      %mul3A_195 = arith.muli %add3A, %mul3A_194 : i32
      %dma_start3A_196 = arith.constant 15 : i32
      %dma_start3A_197 = arith.constant 7680 : i32
      %dma_start3A_198 = tpu.memref_slice %arg4[%dma_start3A_197] : memref<16384xf32, #tpu.memory_space<vmem>> -> memref<512xf32, #tpu.memory_space<vmem>>
      %dma_start3A_199 = tpu.memref_slice %arg2[%dma_start3A_196, %mul3A_195] : memref<32x1000000xf32, #tpu.memory_space<hbm>> -> memref<1x512xf32, #tpu.memory_space<hbm>>
      %dma_start3A_200 = tpu.memref_squeeze %dma_start3A_199 : memref<1x512xf32, #tpu.memory_space<hbm>> -> memref<512xf32, #tpu.memory_space<hbm>>
      %dma_start3A_201 = arith.constant 7680 : i32
      %dma_start3A_202 = tpu.memref_slice %arg4[%dma_start3A_201] : memref<16384xf32, #tpu.memory_space<vmem>> -> memref<512xf32, #tpu.memory_space<vmem>>
      %dma_start3A_203 = tpu.memref_slice %arg2[%dma_start3A_196, %mul3A_195] : memref<32x1000000xf32, #tpu.memory_space<hbm>> -> memref<1x512xf32, #tpu.memory_space<hbm>>
      %dma_start3A_204 = tpu.memref_squeeze %dma_start3A_203 : memref<1x512xf32, #tpu.memory_space<hbm>> -> memref<512xf32, #tpu.memory_space<hbm>>
      tpu.enqueue_dma source(%dma_start3A_204 : memref<512xf32, #tpu.memory_space<hbm>>) target(%dma_start3A_202 : memref<512xf32, #tpu.memory_space<vmem>>) target_semaphore(%arg9 : memref<!tpu.dma_semaphore, #tpu.memory_space<semaphore_mem>>)
      %mul3A_205 = arith.constant 512 : i32
      %mul3A_206 = arith.muli %add3A, %mul3A_205 : i32
      %dma_start3A_207 = arith.constant 16 : i32
      %dma_start3A_208 = arith.constant 8192 : i32
      %dma_start3A_209 = tpu.memref_slice %arg4[%dma_start3A_208] : memref<16384xf32, #tpu.memory_space<vmem>> -> memref<512xf32, #tpu.memory_space<vmem>>
      %dma_start3A_210 = tpu.memref_slice %arg2[%dma_start3A_207, %mul3A_206] : memref<32x1000000xf32, #tpu.memory_space<hbm>> -> memref<1x512xf32, #tpu.memory_space<hbm>>
      %dma_start3A_211 = tpu.memref_squeeze %dma_start3A_210 : memref<1x512xf32, #tpu.memory_space<hbm>> -> memref<512xf32, #tpu.memory_space<hbm>>
      %dma_start3A_212 = arith.constant 8192 : i32
      %dma_start3A_213 = tpu.memref_slice %arg4[%dma_start3A_212] : memref<16384xf32, #tpu.memory_space<vmem>> -> memref<512xf32, #tpu.memory_space<vmem>>
      %dma_start3A_214 = tpu.memref_slice %arg2[%dma_start3A_207, %mul3A_206] : memref<32x1000000xf32, #tpu.memory_space<hbm>> -> memref<1x512xf32, #tpu.memory_space<hbm>>
      %dma_start3A_215 = tpu.memref_squeeze %dma_start3A_214 : memref<1x512xf32, #tpu.memory_space<hbm>> -> memref<512xf32, #tpu.memory_space<hbm>>
      tpu.enqueue_dma source(%dma_start3A_215 : memref<512xf32, #tpu.memory_space<hbm>>) target(%dma_start3A_213 : memref<512xf32, #tpu.memory_space<vmem>>) target_semaphore(%arg9 : memref<!tpu.dma_semaphore, #tpu.memory_space<semaphore_mem>>)
      %mul3A_216 = arith.constant 512 : i32
      %mul3A_217 = arith.muli %add3A, %mul3A_216 : i32
      %dma_start3A_218 = arith.constant 17 : i32
      %dma_start3A_219 = arith.constant 8704 : i32
      %dma_start3A_220 = tpu.memref_slice %arg4[%dma_start3A_219] : memref<16384xf32, #tpu.memory_space<vmem>> -> memref<512xf32, #tpu.memory_space<vmem>>
      %dma_start3A_221 = tpu.memref_slice %arg2[%dma_start3A_218, %mul3A_217] : memref<32x1000000xf32, #tpu.memory_space<hbm>> -> memref<1x512xf32, #tpu.memory_space<hbm>>
      %dma_start3A_222 = tpu.memref_squeeze %dma_start3A_221 : memref<1x512xf32, #tpu.memory_space<hbm>> -> memref<512xf32, #tpu.memory_space<hbm>>
      %dma_start3A_223 = arith.constant 8704 : i32
      %dma_start3A_224 = tpu.memref_slice %arg4[%dma_start3A_223] : memref<16384xf32, #tpu.memory_space<vmem>> -> memref<512xf32, #tpu.memory_space<vmem>>
      %dma_start3A_225 = tpu.memref_slice %arg2[%dma_start3A_218, %mul3A_217] : memref<32x1000000xf32, #tpu.memory_space<hbm>> -> memref<1x512xf32, #tpu.memory_space<hbm>>
      %dma_start3A_226 = tpu.memref_squeeze %dma_start3A_225 : memref<1x512xf32, #tpu.memory_space<hbm>> -> memref<512xf32, #tpu.memory_space<hbm>>
      tpu.enqueue_dma source(%dma_start3A_226 : memref<512xf32, #tpu.memory_space<hbm>>) target(%dma_start3A_224 : memref<512xf32, #tpu.memory_space<vmem>>) target_semaphore(%arg9 : memref<!tpu.dma_semaphore, #tpu.memory_space<semaphore_mem>>)
      %mul3A_227 = arith.constant 512 : i32
      %mul3A_228 = arith.muli %add3A, %mul3A_227 : i32
      %dma_start3A_229 = arith.constant 18 : i32
      %dma_start3A_230 = arith.constant 9216 : i32
      %dma_start3A_231 = tpu.memref_slice %arg4[%dma_start3A_230] : memref<16384xf32, #tpu.memory_space<vmem>> -> memref<512xf32, #tpu.memory_space<vmem>>
      %dma_start3A_232 = tpu.memref_slice %arg2[%dma_start3A_229, %mul3A_228] : memref<32x1000000xf32, #tpu.memory_space<hbm>> -> memref<1x512xf32, #tpu.memory_space<hbm>>
      %dma_start3A_233 = tpu.memref_squeeze %dma_start3A_232 : memref<1x512xf32, #tpu.memory_space<hbm>> -> memref<512xf32, #tpu.memory_space<hbm>>
      %dma_start3A_234 = arith.constant 9216 : i32
      %dma_start3A_235 = tpu.memref_slice %arg4[%dma_start3A_234] : memref<16384xf32, #tpu.memory_space<vmem>> -> memref<512xf32, #tpu.memory_space<vmem>>
      %dma_start3A_236 = tpu.memref_slice %arg2[%dma_start3A_229, %mul3A_228] : memref<32x1000000xf32, #tpu.memory_space<hbm>> -> memref<1x512xf32, #tpu.memory_space<hbm>>
      %dma_start3A_237 = tpu.memref_squeeze %dma_start3A_236 : memref<1x512xf32, #tpu.memory_space<hbm>> -> memref<512xf32, #tpu.memory_space<hbm>>
      tpu.enqueue_dma source(%dma_start3A_237 : memref<512xf32, #tpu.memory_space<hbm>>) target(%dma_start3A_235 : memref<512xf32, #tpu.memory_space<vmem>>) target_semaphore(%arg9 : memref<!tpu.dma_semaphore, #tpu.memory_space<semaphore_mem>>)
      %mul3A_238 = arith.constant 512 : i32
      %mul3A_239 = arith.muli %add3A, %mul3A_238 : i32
      %dma_start3A_240 = arith.constant 19 : i32
      %dma_start3A_241 = arith.constant 9728 : i32
      %dma_start3A_242 = tpu.memref_slice %arg4[%dma_start3A_241] : memref<16384xf32, #tpu.memory_space<vmem>> -> memref<512xf32, #tpu.memory_space<vmem>>
      %dma_start3A_243 = tpu.memref_slice %arg2[%dma_start3A_240, %mul3A_239] : memref<32x1000000xf32, #tpu.memory_space<hbm>> -> memref<1x512xf32, #tpu.memory_space<hbm>>
      %dma_start3A_244 = tpu.memref_squeeze %dma_start3A_243 : memref<1x512xf32, #tpu.memory_space<hbm>> -> memref<512xf32, #tpu.memory_space<hbm>>
      %dma_start3A_245 = arith.constant 9728 : i32
      %dma_start3A_246 = tpu.memref_slice %arg4[%dma_start3A_245] : memref<16384xf32, #tpu.memory_space<vmem>> -> memref<512xf32, #tpu.memory_space<vmem>>
      %dma_start3A_247 = tpu.memref_slice %arg2[%dma_start3A_240, %mul3A_239] : memref<32x1000000xf32, #tpu.memory_space<hbm>> -> memref<1x512xf32, #tpu.memory_space<hbm>>
      %dma_start3A_248 = tpu.memref_squeeze %dma_start3A_247 : memref<1x512xf32, #tpu.memory_space<hbm>> -> memref<512xf32, #tpu.memory_space<hbm>>
      tpu.enqueue_dma source(%dma_start3A_248 : memref<512xf32, #tpu.memory_space<hbm>>) target(%dma_start3A_246 : memref<512xf32, #tpu.memory_space<vmem>>) target_semaphore(%arg9 : memref<!tpu.dma_semaphore, #tpu.memory_space<semaphore_mem>>)
      %mul3A_249 = arith.constant 512 : i32
      %mul3A_250 = arith.muli %add3A, %mul3A_249 : i32
      %dma_start3A_251 = arith.constant 20 : i32
      %dma_start3A_252 = arith.constant 10240 : i32
      %dma_start3A_253 = tpu.memref_slice %arg4[%dma_start3A_252] : memref<16384xf32, #tpu.memory_space<vmem>> -> memref<512xf32, #tpu.memory_space<vmem>>
      %dma_start3A_254 = tpu.memref_slice %arg2[%dma_start3A_251, %mul3A_250] : memref<32x1000000xf32, #tpu.memory_space<hbm>> -> memref<1x512xf32, #tpu.memory_space<hbm>>
      %dma_start3A_255 = tpu.memref_squeeze %dma_start3A_254 : memref<1x512xf32, #tpu.memory_space<hbm>> -> memref<512xf32, #tpu.memory_space<hbm>>
      %dma_start3A_256 = arith.constant 10240 : i32
      %dma_start3A_257 = tpu.memref_slice %arg4[%dma_start3A_256] : memref<16384xf32, #tpu.memory_space<vmem>> -> memref<512xf32, #tpu.memory_space<vmem>>
      %dma_start3A_258 = tpu.memref_slice %arg2[%dma_start3A_251, %mul3A_250] : memref<32x1000000xf32, #tpu.memory_space<hbm>> -> memref<1x512xf32, #tpu.memory_space<hbm>>
      %dma_start3A_259 = tpu.memref_squeeze %dma_start3A_258 : memref<1x512xf32, #tpu.memory_space<hbm>> -> memref<512xf32, #tpu.memory_space<hbm>>
      tpu.enqueue_dma source(%dma_start3A_259 : memref<512xf32, #tpu.memory_space<hbm>>) target(%dma_start3A_257 : memref<512xf32, #tpu.memory_space<vmem>>) target_semaphore(%arg9 : memref<!tpu.dma_semaphore, #tpu.memory_space<semaphore_mem>>)
      %mul3A_260 = arith.constant 512 : i32
      %mul3A_261 = arith.muli %add3A, %mul3A_260 : i32
      %dma_start3A_262 = arith.constant 21 : i32
      %dma_start3A_263 = arith.constant 10752 : i32
      %dma_start3A_264 = tpu.memref_slice %arg4[%dma_start3A_263] : memref<16384xf32, #tpu.memory_space<vmem>> -> memref<512xf32, #tpu.memory_space<vmem>>
      %dma_start3A_265 = tpu.memref_slice %arg2[%dma_start3A_262, %mul3A_261] : memref<32x1000000xf32, #tpu.memory_space<hbm>> -> memref<1x512xf32, #tpu.memory_space<hbm>>
      %dma_start3A_266 = tpu.memref_squeeze %dma_start3A_265 : memref<1x512xf32, #tpu.memory_space<hbm>> -> memref<512xf32, #tpu.memory_space<hbm>>
      %dma_start3A_267 = arith.constant 10752 : i32
      %dma_start3A_268 = tpu.memref_slice %arg4[%dma_start3A_267] : memref<16384xf32, #tpu.memory_space<vmem>> -> memref<512xf32, #tpu.memory_space<vmem>>
      %dma_start3A_269 = tpu.memref_slice %arg2[%dma_start3A_262, %mul3A_261] : memref<32x1000000xf32, #tpu.memory_space<hbm>> -> memref<1x512xf32, #tpu.memory_space<hbm>>
      %dma_start3A_270 = tpu.memref_squeeze %dma_start3A_269 : memref<1x512xf32, #tpu.memory_space<hbm>> -> memref<512xf32, #tpu.memory_space<hbm>>
      tpu.enqueue_dma source(%dma_start3A_270 : memref<512xf32, #tpu.memory_space<hbm>>) target(%dma_start3A_268 : memref<512xf32, #tpu.memory_space<vmem>>) target_semaphore(%arg9 : memref<!tpu.dma_semaphore, #tpu.memory_space<semaphore_mem>>)
      %mul3A_271 = arith.constant 512 : i32
      %mul3A_272 = arith.muli %add3A, %mul3A_271 : i32
      %dma_start3A_273 = arith.constant 22 : i32
      %dma_start3A_274 = arith.constant 11264 : i32
      %dma_start3A_275 = tpu.memref_slice %arg4[%dma_start3A_274] : memref<16384xf32, #tpu.memory_space<vmem>> -> memref<512xf32, #tpu.memory_space<vmem>>
      %dma_start3A_276 = tpu.memref_slice %arg2[%dma_start3A_273, %mul3A_272] : memref<32x1000000xf32, #tpu.memory_space<hbm>> -> memref<1x512xf32, #tpu.memory_space<hbm>>
      %dma_start3A_277 = tpu.memref_squeeze %dma_start3A_276 : memref<1x512xf32, #tpu.memory_space<hbm>> -> memref<512xf32, #tpu.memory_space<hbm>>
      %dma_start3A_278 = arith.constant 11264 : i32
      %dma_start3A_279 = tpu.memref_slice %arg4[%dma_start3A_278] : memref<16384xf32, #tpu.memory_space<vmem>> -> memref<512xf32, #tpu.memory_space<vmem>>
      %dma_start3A_280 = tpu.memref_slice %arg2[%dma_start3A_273, %mul3A_272] : memref<32x1000000xf32, #tpu.memory_space<hbm>> -> memref<1x512xf32, #tpu.memory_space<hbm>>
      %dma_start3A_281 = tpu.memref_squeeze %dma_start3A_280 : memref<1x512xf32, #tpu.memory_space<hbm>> -> memref<512xf32, #tpu.memory_space<hbm>>
      tpu.enqueue_dma source(%dma_start3A_281 : memref<512xf32, #tpu.memory_space<hbm>>) target(%dma_start3A_279 : memref<512xf32, #tpu.memory_space<vmem>>) target_semaphore(%arg9 : memref<!tpu.dma_semaphore, #tpu.memory_space<semaphore_mem>>)
      %mul3A_282 = arith.constant 512 : i32
      %mul3A_283 = arith.muli %add3A, %mul3A_282 : i32
      %dma_start3A_284 = arith.constant 23 : i32
      %dma_start3A_285 = arith.constant 11776 : i32
      %dma_start3A_286 = tpu.memref_slice %arg4[%dma_start3A_285] : memref<16384xf32, #tpu.memory_space<vmem>> -> memref<512xf32, #tpu.memory_space<vmem>>
      %dma_start3A_287 = tpu.memref_slice %arg2[%dma_start3A_284, %mul3A_283] : memref<32x1000000xf32, #tpu.memory_space<hbm>> -> memref<1x512xf32, #tpu.memory_space<hbm>>
      %dma_start3A_288 = tpu.memref_squeeze %dma_start3A_287 : memref<1x512xf32, #tpu.memory_space<hbm>> -> memref<512xf32, #tpu.memory_space<hbm>>
      %dma_start3A_289 = arith.constant 11776 : i32
      %dma_start3A_290 = tpu.memref_slice %arg4[%dma_start3A_289] : memref<16384xf32, #tpu.memory_space<vmem>> -> memref<512xf32, #tpu.memory_space<vmem>>
      %dma_start3A_291 = tpu.memref_slice %arg2[%dma_start3A_284, %mul3A_283] : memref<32x1000000xf32, #tpu.memory_space<hbm>> -> memref<1x512xf32, #tpu.memory_space<hbm>>
      %dma_start3A_292 = tpu.memref_squeeze %dma_start3A_291 : memref<1x512xf32, #tpu.memory_space<hbm>> -> memref<512xf32, #tpu.memory_space<hbm>>
      tpu.enqueue_dma source(%dma_start3A_292 : memref<512xf32, #tpu.memory_space<hbm>>) target(%dma_start3A_290 : memref<512xf32, #tpu.memory_space<vmem>>) target_semaphore(%arg9 : memref<!tpu.dma_semaphore, #tpu.memory_space<semaphore_mem>>)
      %mul3A_293 = arith.constant 512 : i32
      %mul3A_294 = arith.muli %add3A, %mul3A_293 : i32
      %dma_start3A_295 = arith.constant 24 : i32
      %dma_start3A_296 = arith.constant 12288 : i32
      %dma_start3A_297 = tpu.memref_slice %arg4[%dma_start3A_296] : memref<16384xf32, #tpu.memory_space<vmem>> -> memref<512xf32, #tpu.memory_space<vmem>>
      %dma_start3A_298 = tpu.memref_slice %arg2[%dma_start3A_295, %mul3A_294] : memref<32x1000000xf32, #tpu.memory_space<hbm>> -> memref<1x512xf32, #tpu.memory_space<hbm>>
      %dma_start3A_299 = tpu.memref_squeeze %dma_start3A_298 : memref<1x512xf32, #tpu.memory_space<hbm>> -> memref<512xf32, #tpu.memory_space<hbm>>
      %dma_start3A_300 = arith.constant 12288 : i32
      %dma_start3A_301 = tpu.memref_slice %arg4[%dma_start3A_300] : memref<16384xf32, #tpu.memory_space<vmem>> -> memref<512xf32, #tpu.memory_space<vmem>>
      %dma_start3A_302 = tpu.memref_slice %arg2[%dma_start3A_295, %mul3A_294] : memref<32x1000000xf32, #tpu.memory_space<hbm>> -> memref<1x512xf32, #tpu.memory_space<hbm>>
      %dma_start3A_303 = tpu.memref_squeeze %dma_start3A_302 : memref<1x512xf32, #tpu.memory_space<hbm>> -> memref<512xf32, #tpu.memory_space<hbm>>
      tpu.enqueue_dma source(%dma_start3A_303 : memref<512xf32, #tpu.memory_space<hbm>>) target(%dma_start3A_301 : memref<512xf32, #tpu.memory_space<vmem>>) target_semaphore(%arg9 : memref<!tpu.dma_semaphore, #tpu.memory_space<semaphore_mem>>)
      %mul3A_304 = arith.constant 512 : i32
      %mul3A_305 = arith.muli %add3A, %mul3A_304 : i32
      %dma_start3A_306 = arith.constant 25 : i32
      %dma_start3A_307 = arith.constant 12800 : i32
      %dma_start3A_308 = tpu.memref_slice %arg4[%dma_start3A_307] : memref<16384xf32, #tpu.memory_space<vmem>> -> memref<512xf32, #tpu.memory_space<vmem>>
      %dma_start3A_309 = tpu.memref_slice %arg2[%dma_start3A_306, %mul3A_305] : memref<32x1000000xf32, #tpu.memory_space<hbm>> -> memref<1x512xf32, #tpu.memory_space<hbm>>
      %dma_start3A_310 = tpu.memref_squeeze %dma_start3A_309 : memref<1x512xf32, #tpu.memory_space<hbm>> -> memref<512xf32, #tpu.memory_space<hbm>>
      %dma_start3A_311 = arith.constant 12800 : i32
      %dma_start3A_312 = tpu.memref_slice %arg4[%dma_start3A_311] : memref<16384xf32, #tpu.memory_space<vmem>> -> memref<512xf32, #tpu.memory_space<vmem>>
      %dma_start3A_313 = tpu.memref_slice %arg2[%dma_start3A_306, %mul3A_305] : memref<32x1000000xf32, #tpu.memory_space<hbm>> -> memref<1x512xf32, #tpu.memory_space<hbm>>
      %dma_start3A_314 = tpu.memref_squeeze %dma_start3A_313 : memref<1x512xf32, #tpu.memory_space<hbm>> -> memref<512xf32, #tpu.memory_space<hbm>>
      tpu.enqueue_dma source(%dma_start3A_314 : memref<512xf32, #tpu.memory_space<hbm>>) target(%dma_start3A_312 : memref<512xf32, #tpu.memory_space<vmem>>) target_semaphore(%arg9 : memref<!tpu.dma_semaphore, #tpu.memory_space<semaphore_mem>>)
      %mul3A_315 = arith.constant 512 : i32
      %mul3A_316 = arith.muli %add3A, %mul3A_315 : i32
      %dma_start3A_317 = arith.constant 26 : i32
      %dma_start3A_318 = arith.constant 13312 : i32
      %dma_start3A_319 = tpu.memref_slice %arg4[%dma_start3A_318] : memref<16384xf32, #tpu.memory_space<vmem>> -> memref<512xf32, #tpu.memory_space<vmem>>
      %dma_start3A_320 = tpu.memref_slice %arg2[%dma_start3A_317, %mul3A_316] : memref<32x1000000xf32, #tpu.memory_space<hbm>> -> memref<1x512xf32, #tpu.memory_space<hbm>>
      %dma_start3A_321 = tpu.memref_squeeze %dma_start3A_320 : memref<1x512xf32, #tpu.memory_space<hbm>> -> memref<512xf32, #tpu.memory_space<hbm>>
      %dma_start3A_322 = arith.constant 13312 : i32
      %dma_start3A_323 = tpu.memref_slice %arg4[%dma_start3A_322] : memref<16384xf32, #tpu.memory_space<vmem>> -> memref<512xf32, #tpu.memory_space<vmem>>
      %dma_start3A_324 = tpu.memref_slice %arg2[%dma_start3A_317, %mul3A_316] : memref<32x1000000xf32, #tpu.memory_space<hbm>> -> memref<1x512xf32, #tpu.memory_space<hbm>>
      %dma_start3A_325 = tpu.memref_squeeze %dma_start3A_324 : memref<1x512xf32, #tpu.memory_space<hbm>> -> memref<512xf32, #tpu.memory_space<hbm>>
      tpu.enqueue_dma source(%dma_start3A_325 : memref<512xf32, #tpu.memory_space<hbm>>) target(%dma_start3A_323 : memref<512xf32, #tpu.memory_space<vmem>>) target_semaphore(%arg9 : memref<!tpu.dma_semaphore, #tpu.memory_space<semaphore_mem>>)
      %mul3A_326 = arith.constant 512 : i32
      %mul3A_327 = arith.muli %add3A, %mul3A_326 : i32
      %dma_start3A_328 = arith.constant 27 : i32
      %dma_start3A_329 = arith.constant 13824 : i32
      %dma_start3A_330 = tpu.memref_slice %arg4[%dma_start3A_329] : memref<16384xf32, #tpu.memory_space<vmem>> -> memref<512xf32, #tpu.memory_space<vmem>>
      %dma_start3A_331 = tpu.memref_slice %arg2[%dma_start3A_328, %mul3A_327] : memref<32x1000000xf32, #tpu.memory_space<hbm>> -> memref<1x512xf32, #tpu.memory_space<hbm>>
      %dma_start3A_332 = tpu.memref_squeeze %dma_start3A_331 : memref<1x512xf32, #tpu.memory_space<hbm>> -> memref<512xf32, #tpu.memory_space<hbm>>
      %dma_start3A_333 = arith.constant 13824 : i32
      %dma_start3A_334 = tpu.memref_slice %arg4[%dma_start3A_333] : memref<16384xf32, #tpu.memory_space<vmem>> -> memref<512xf32, #tpu.memory_space<vmem>>
      %dma_start3A_335 = tpu.memref_slice %arg2[%dma_start3A_328, %mul3A_327] : memref<32x1000000xf32, #tpu.memory_space<hbm>> -> memref<1x512xf32, #tpu.memory_space<hbm>>
      %dma_start3A_336 = tpu.memref_squeeze %dma_start3A_335 : memref<1x512xf32, #tpu.memory_space<hbm>> -> memref<512xf32, #tpu.memory_space<hbm>>
      tpu.enqueue_dma source(%dma_start3A_336 : memref<512xf32, #tpu.memory_space<hbm>>) target(%dma_start3A_334 : memref<512xf32, #tpu.memory_space<vmem>>) target_semaphore(%arg9 : memref<!tpu.dma_semaphore, #tpu.memory_space<semaphore_mem>>)
      %mul3A_337 = arith.constant 512 : i32
      %mul3A_338 = arith.muli %add3A, %mul3A_337 : i32
      %dma_start3A_339 = arith.constant 28 : i32
      %dma_start3A_340 = arith.constant 14336 : i32
      %dma_start3A_341 = tpu.memref_slice %arg4[%dma_start3A_340] : memref<16384xf32, #tpu.memory_space<vmem>> -> memref<512xf32, #tpu.memory_space<vmem>>
      %dma_start3A_342 = tpu.memref_slice %arg2[%dma_start3A_339, %mul3A_338] : memref<32x1000000xf32, #tpu.memory_space<hbm>> -> memref<1x512xf32, #tpu.memory_space<hbm>>
      %dma_start3A_343 = tpu.memref_squeeze %dma_start3A_342 : memref<1x512xf32, #tpu.memory_space<hbm>> -> memref<512xf32, #tpu.memory_space<hbm>>
      %dma_start3A_344 = arith.constant 14336 : i32
      %dma_start3A_345 = tpu.memref_slice %arg4[%dma_start3A_344] : memref<16384xf32, #tpu.memory_space<vmem>> -> memref<512xf32, #tpu.memory_space<vmem>>
      %dma_start3A_346 = tpu.memref_slice %arg2[%dma_start3A_339, %mul3A_338] : memref<32x1000000xf32, #tpu.memory_space<hbm>> -> memref<1x512xf32, #tpu.memory_space<hbm>>
      %dma_start3A_347 = tpu.memref_squeeze %dma_start3A_346 : memref<1x512xf32, #tpu.memory_space<hbm>> -> memref<512xf32, #tpu.memory_space<hbm>>
      tpu.enqueue_dma source(%dma_start3A_347 : memref<512xf32, #tpu.memory_space<hbm>>) target(%dma_start3A_345 : memref<512xf32, #tpu.memory_space<vmem>>) target_semaphore(%arg9 : memref<!tpu.dma_semaphore, #tpu.memory_space<semaphore_mem>>)
      %mul3A_348 = arith.constant 512 : i32
      %mul3A_349 = arith.muli %add3A, %mul3A_348 : i32
      %dma_start3A_350 = arith.constant 29 : i32
      %dma_start3A_351 = arith.constant 14848 : i32
      %dma_start3A_352 = tpu.memref_slice %arg4[%dma_start3A_351] : memref<16384xf32, #tpu.memory_space<vmem>> -> memref<512xf32, #tpu.memory_space<vmem>>
      %dma_start3A_353 = tpu.memref_slice %arg2[%dma_start3A_350, %mul3A_349] : memref<32x1000000xf32, #tpu.memory_space<hbm>> -> memref<1x512xf32, #tpu.memory_space<hbm>>
      %dma_start3A_354 = tpu.memref_squeeze %dma_start3A_353 : memref<1x512xf32, #tpu.memory_space<hbm>> -> memref<512xf32, #tpu.memory_space<hbm>>
      %dma_start3A_355 = arith.constant 14848 : i32
      %dma_start3A_356 = tpu.memref_slice %arg4[%dma_start3A_355] : memref<16384xf32, #tpu.memory_space<vmem>> -> memref<512xf32, #tpu.memory_space<vmem>>
      %dma_start3A_357 = tpu.memref_slice %arg2[%dma_start3A_350, %mul3A_349] : memref<32x1000000xf32, #tpu.memory_space<hbm>> -> memref<1x512xf32, #tpu.memory_space<hbm>>
      %dma_start3A_358 = tpu.memref_squeeze %dma_start3A_357 : memref<1x512xf32, #tpu.memory_space<hbm>> -> memref<512xf32, #tpu.memory_space<hbm>>
      tpu.enqueue_dma source(%dma_start3A_358 : memref<512xf32, #tpu.memory_space<hbm>>) target(%dma_start3A_356 : memref<512xf32, #tpu.memory_space<vmem>>) target_semaphore(%arg9 : memref<!tpu.dma_semaphore, #tpu.memory_space<semaphore_mem>>)
      %mul3A_359 = arith.constant 512 : i32
      %mul3A_360 = arith.muli %add3A, %mul3A_359 : i32
      %dma_start3A_361 = arith.constant 30 : i32
      %dma_start3A_362 = arith.constant 15360 : i32
      %dma_start3A_363 = tpu.memref_slice %arg4[%dma_start3A_362] : memref<16384xf32, #tpu.memory_space<vmem>> -> memref<512xf32, #tpu.memory_space<vmem>>
      %dma_start3A_364 = tpu.memref_slice %arg2[%dma_start3A_361, %mul3A_360] : memref<32x1000000xf32, #tpu.memory_space<hbm>> -> memref<1x512xf32, #tpu.memory_space<hbm>>
      %dma_start3A_365 = tpu.memref_squeeze %dma_start3A_364 : memref<1x512xf32, #tpu.memory_space<hbm>> -> memref<512xf32, #tpu.memory_space<hbm>>
      %dma_start3A_366 = arith.constant 15360 : i32
      %dma_start3A_367 = tpu.memref_slice %arg4[%dma_start3A_366] : memref<16384xf32, #tpu.memory_space<vmem>> -> memref<512xf32, #tpu.memory_space<vmem>>
      %dma_start3A_368 = tpu.memref_slice %arg2[%dma_start3A_361, %mul3A_360] : memref<32x1000000xf32, #tpu.memory_space<hbm>> -> memref<1x512xf32, #tpu.memory_space<hbm>>
      %dma_start3A_369 = tpu.memref_squeeze %dma_start3A_368 : memref<1x512xf32, #tpu.memory_space<hbm>> -> memref<512xf32, #tpu.memory_space<hbm>>
      tpu.enqueue_dma source(%dma_start3A_369 : memref<512xf32, #tpu.memory_space<hbm>>) target(%dma_start3A_367 : memref<512xf32, #tpu.memory_space<vmem>>) target_semaphore(%arg9 : memref<!tpu.dma_semaphore, #tpu.memory_space<semaphore_mem>>)
      %mul3A_370 = arith.constant 512 : i32
      %mul3A_371 = arith.muli %add3A, %mul3A_370 : i32
      %dma_start3A_372 = arith.constant 31 : i32
      %dma_start3A_373 = arith.constant 15872 : i32
      %dma_start3A_374 = tpu.memref_slice %arg4[%dma_start3A_373] : memref<16384xf32, #tpu.memory_space<vmem>> -> memref<512xf32, #tpu.memory_space<vmem>>
      %dma_start3A_375 = tpu.memref_slice %arg2[%dma_start3A_372, %mul3A_371] : memref<32x1000000xf32, #tpu.memory_space<hbm>> -> memref<1x512xf32, #tpu.memory_space<hbm>>
      %dma_start3A_376 = tpu.memref_squeeze %dma_start3A_375 : memref<1x512xf32, #tpu.memory_space<hbm>> -> memref<512xf32, #tpu.memory_space<hbm>>
      %dma_start3A_377 = arith.constant 15872 : i32
      %dma_start3A_378 = tpu.memref_slice %arg4[%dma_start3A_377] : memref<16384xf32, #tpu.memory_space<vmem>> -> memref<512xf32, #tpu.memory_space<vmem>>
      %dma_start3A_379 = tpu.memref_slice %arg2[%dma_start3A_372, %mul3A_371] : memref<32x1000000xf32, #tpu.memory_space<hbm>> -> memref<1x512xf32, #tpu.memory_space<hbm>>
      %dma_start3A_380 = tpu.memref_squeeze %dma_start3A_379 : memref<1x512xf32, #tpu.memory_space<hbm>> -> memref<512xf32, #tpu.memory_space<hbm>>
      tpu.enqueue_dma source(%dma_start3A_380 : memref<512xf32, #tpu.memory_space<hbm>>) target(%dma_start3A_378 : memref<512xf32, #tpu.memory_space<vmem>>) target_semaphore(%arg9 : memref<!tpu.dma_semaphore, #tpu.memory_space<semaphore_mem>>)
    } else {
    }
    %add3A_3 = arith.constant 32 : i32
    %add3A_4 = arith.addi %add3A, %add3A_3 : i32
    %lt3A_5 = arith.constant 1953 : i32
    %lt3A_6 = arith.cmpi slt, %add3A_4, %lt3A_5 : i32
    %convert_element_type3A_7 = arith.extui %lt3A_6 : i1 to i32
    %cond3A_8 = arith.constant 0 : i32
    %cond3A_9 = arith.cmpi ne, %convert_element_type3A_7, %cond3A_8 : i32
    scf.if %cond3A_9 {
      %add3A_30 = arith.constant 32 : i32
      %add3A_31 = arith.addi %add3A, %add3A_30 : i32
      %mul3A_32 = arith.constant 512 : i32
      %mul3A_33 = arith.muli %add3A_31, %mul3A_32 : i32
      %dma_start3A = arith.constant 0 : i32
      %dma_start3A_34 = arith.constant 0 : i32
      %dma_start3A_35 = tpu.memref_slice %arg5[%dma_start3A_34] : memref<16384xf32, #tpu.memory_space<vmem>> -> memref<512xf32, #tpu.memory_space<vmem>>
      %dma_start3A_36 = tpu.memref_slice %arg2[%dma_start3A, %mul3A_33] : memref<32x1000000xf32, #tpu.memory_space<hbm>> -> memref<1x512xf32, #tpu.memory_space<hbm>>
      %dma_start3A_37 = tpu.memref_squeeze %dma_start3A_36 : memref<1x512xf32, #tpu.memory_space<hbm>> -> memref<512xf32, #tpu.memory_space<hbm>>
      %dma_start3A_38 = arith.constant 0 : i32
      %dma_start3A_39 = tpu.memref_slice %arg5[%dma_start3A_38] : memref<16384xf32, #tpu.memory_space<vmem>> -> memref<512xf32, #tpu.memory_space<vmem>>
      %dma_start3A_40 = tpu.memref_slice %arg2[%dma_start3A, %mul3A_33] : memref<32x1000000xf32, #tpu.memory_space<hbm>> -> memref<1x512xf32, #tpu.memory_space<hbm>>
      %dma_start3A_41 = tpu.memref_squeeze %dma_start3A_40 : memref<1x512xf32, #tpu.memory_space<hbm>> -> memref<512xf32, #tpu.memory_space<hbm>>
      tpu.enqueue_dma source(%dma_start3A_41 : memref<512xf32, #tpu.memory_space<hbm>>) target(%dma_start3A_39 : memref<512xf32, #tpu.memory_space<vmem>>) target_semaphore(%arg10 : memref<!tpu.dma_semaphore, #tpu.memory_space<semaphore_mem>>)
      %mul3A_42 = arith.constant 512 : i32
      %mul3A_43 = arith.muli %add3A_31, %mul3A_42 : i32
      %dma_start3A_44 = arith.constant 1 : i32
      %dma_start3A_45 = arith.constant 512 : i32
      %dma_start3A_46 = tpu.memref_slice %arg5[%dma_start3A_45] : memref<16384xf32, #tpu.memory_space<vmem>> -> memref<512xf32, #tpu.memory_space<vmem>>
      %dma_start3A_47 = tpu.memref_slice %arg2[%dma_start3A_44, %mul3A_43] : memref<32x1000000xf32, #tpu.memory_space<hbm>> -> memref<1x512xf32, #tpu.memory_space<hbm>>
      %dma_start3A_48 = tpu.memref_squeeze %dma_start3A_47 : memref<1x512xf32, #tpu.memory_space<hbm>> -> memref<512xf32, #tpu.memory_space<hbm>>
      %dma_start3A_49 = arith.constant 512 : i32
      %dma_start3A_50 = tpu.memref_slice %arg5[%dma_start3A_49] : memref<16384xf32, #tpu.memory_space<vmem>> -> memref<512xf32, #tpu.memory_space<vmem>>
      %dma_start3A_51 = tpu.memref_slice %arg2[%dma_start3A_44, %mul3A_43] : memref<32x1000000xf32, #tpu.memory_space<hbm>> -> memref<1x512xf32, #tpu.memory_space<hbm>>
      %dma_start3A_52 = tpu.memref_squeeze %dma_start3A_51 : memref<1x512xf32, #tpu.memory_space<hbm>> -> memref<512xf32, #tpu.memory_space<hbm>>
      tpu.enqueue_dma source(%dma_start3A_52 : memref<512xf32, #tpu.memory_space<hbm>>) target(%dma_start3A_50 : memref<512xf32, #tpu.memory_space<vmem>>) target_semaphore(%arg10 : memref<!tpu.dma_semaphore, #tpu.memory_space<semaphore_mem>>)
      %mul3A_53 = arith.constant 512 : i32
      %mul3A_54 = arith.muli %add3A_31, %mul3A_53 : i32
      %dma_start3A_55 = arith.constant 2 : i32
      %dma_start3A_56 = arith.constant 1024 : i32
      %dma_start3A_57 = tpu.memref_slice %arg5[%dma_start3A_56] : memref<16384xf32, #tpu.memory_space<vmem>> -> memref<512xf32, #tpu.memory_space<vmem>>
      %dma_start3A_58 = tpu.memref_slice %arg2[%dma_start3A_55, %mul3A_54] : memref<32x1000000xf32, #tpu.memory_space<hbm>> -> memref<1x512xf32, #tpu.memory_space<hbm>>
      %dma_start3A_59 = tpu.memref_squeeze %dma_start3A_58 : memref<1x512xf32, #tpu.memory_space<hbm>> -> memref<512xf32, #tpu.memory_space<hbm>>
      %dma_start3A_60 = arith.constant 1024 : i32
      %dma_start3A_61 = tpu.memref_slice %arg5[%dma_start3A_60] : memref<16384xf32, #tpu.memory_space<vmem>> -> memref<512xf32, #tpu.memory_space<vmem>>
      %dma_start3A_62 = tpu.memref_slice %arg2[%dma_start3A_55, %mul3A_54] : memref<32x1000000xf32, #tpu.memory_space<hbm>> -> memref<1x512xf32, #tpu.memory_space<hbm>>
      %dma_start3A_63 = tpu.memref_squeeze %dma_start3A_62 : memref<1x512xf32, #tpu.memory_space<hbm>> -> memref<512xf32, #tpu.memory_space<hbm>>
      tpu.enqueue_dma source(%dma_start3A_63 : memref<512xf32, #tpu.memory_space<hbm>>) target(%dma_start3A_61 : memref<512xf32, #tpu.memory_space<vmem>>) target_semaphore(%arg10 : memref<!tpu.dma_semaphore, #tpu.memory_space<semaphore_mem>>)
      %mul3A_64 = arith.constant 512 : i32
      %mul3A_65 = arith.muli %add3A_31, %mul3A_64 : i32
      %dma_start3A_66 = arith.constant 3 : i32
      %dma_start3A_67 = arith.constant 1536 : i32
      %dma_start3A_68 = tpu.memref_slice %arg5[%dma_start3A_67] : memref<16384xf32, #tpu.memory_space<vmem>> -> memref<512xf32, #tpu.memory_space<vmem>>
      %dma_start3A_69 = tpu.memref_slice %arg2[%dma_start3A_66, %mul3A_65] : memref<32x1000000xf32, #tpu.memory_space<hbm>> -> memref<1x512xf32, #tpu.memory_space<hbm>>
      %dma_start3A_70 = tpu.memref_squeeze %dma_start3A_69 : memref<1x512xf32, #tpu.memory_space<hbm>> -> memref<512xf32, #tpu.memory_space<hbm>>
      %dma_start3A_71 = arith.constant 1536 : i32
      %dma_start3A_72 = tpu.memref_slice %arg5[%dma_start3A_71] : memref<16384xf32, #tpu.memory_space<vmem>> -> memref<512xf32, #tpu.memory_space<vmem>>
      %dma_start3A_73 = tpu.memref_slice %arg2[%dma_start3A_66, %mul3A_65] : memref<32x1000000xf32, #tpu.memory_space<hbm>> -> memref<1x512xf32, #tpu.memory_space<hbm>>
      %dma_start3A_74 = tpu.memref_squeeze %dma_start3A_73 : memref<1x512xf32, #tpu.memory_space<hbm>> -> memref<512xf32, #tpu.memory_space<hbm>>
      tpu.enqueue_dma source(%dma_start3A_74 : memref<512xf32, #tpu.memory_space<hbm>>) target(%dma_start3A_72 : memref<512xf32, #tpu.memory_space<vmem>>) target_semaphore(%arg10 : memref<!tpu.dma_semaphore, #tpu.memory_space<semaphore_mem>>)
      %mul3A_75 = arith.constant 512 : i32
      %mul3A_76 = arith.muli %add3A_31, %mul3A_75 : i32
      %dma_start3A_77 = arith.constant 4 : i32
      %dma_start3A_78 = arith.constant 2048 : i32
      %dma_start3A_79 = tpu.memref_slice %arg5[%dma_start3A_78] : memref<16384xf32, #tpu.memory_space<vmem>> -> memref<512xf32, #tpu.memory_space<vmem>>
      %dma_start3A_80 = tpu.memref_slice %arg2[%dma_start3A_77, %mul3A_76] : memref<32x1000000xf32, #tpu.memory_space<hbm>> -> memref<1x512xf32, #tpu.memory_space<hbm>>
      %dma_start3A_81 = tpu.memref_squeeze %dma_start3A_80 : memref<1x512xf32, #tpu.memory_space<hbm>> -> memref<512xf32, #tpu.memory_space<hbm>>
      %dma_start3A_82 = arith.constant 2048 : i32
      %dma_start3A_83 = tpu.memref_slice %arg5[%dma_start3A_82] : memref<16384xf32, #tpu.memory_space<vmem>> -> memref<512xf32, #tpu.memory_space<vmem>>
      %dma_start3A_84 = tpu.memref_slice %arg2[%dma_start3A_77, %mul3A_76] : memref<32x1000000xf32, #tpu.memory_space<hbm>> -> memref<1x512xf32, #tpu.memory_space<hbm>>
      %dma_start3A_85 = tpu.memref_squeeze %dma_start3A_84 : memref<1x512xf32, #tpu.memory_space<hbm>> -> memref<512xf32, #tpu.memory_space<hbm>>
      tpu.enqueue_dma source(%dma_start3A_85 : memref<512xf32, #tpu.memory_space<hbm>>) target(%dma_start3A_83 : memref<512xf32, #tpu.memory_space<vmem>>) target_semaphore(%arg10 : memref<!tpu.dma_semaphore, #tpu.memory_space<semaphore_mem>>)
      %mul3A_86 = arith.constant 512 : i32
      %mul3A_87 = arith.muli %add3A_31, %mul3A_86 : i32
      %dma_start3A_88 = arith.constant 5 : i32
      %dma_start3A_89 = arith.constant 2560 : i32
      %dma_start3A_90 = tpu.memref_slice %arg5[%dma_start3A_89] : memref<16384xf32, #tpu.memory_space<vmem>> -> memref<512xf32, #tpu.memory_space<vmem>>
      %dma_start3A_91 = tpu.memref_slice %arg2[%dma_start3A_88, %mul3A_87] : memref<32x1000000xf32, #tpu.memory_space<hbm>> -> memref<1x512xf32, #tpu.memory_space<hbm>>
      %dma_start3A_92 = tpu.memref_squeeze %dma_start3A_91 : memref<1x512xf32, #tpu.memory_space<hbm>> -> memref<512xf32, #tpu.memory_space<hbm>>
      %dma_start3A_93 = arith.constant 2560 : i32
      %dma_start3A_94 = tpu.memref_slice %arg5[%dma_start3A_93] : memref<16384xf32, #tpu.memory_space<vmem>> -> memref<512xf32, #tpu.memory_space<vmem>>
      %dma_start3A_95 = tpu.memref_slice %arg2[%dma_start3A_88, %mul3A_87] : memref<32x1000000xf32, #tpu.memory_space<hbm>> -> memref<1x512xf32, #tpu.memory_space<hbm>>
      %dma_start3A_96 = tpu.memref_squeeze %dma_start3A_95 : memref<1x512xf32, #tpu.memory_space<hbm>> -> memref<512xf32, #tpu.memory_space<hbm>>
      tpu.enqueue_dma source(%dma_start3A_96 : memref<512xf32, #tpu.memory_space<hbm>>) target(%dma_start3A_94 : memref<512xf32, #tpu.memory_space<vmem>>) target_semaphore(%arg10 : memref<!tpu.dma_semaphore, #tpu.memory_space<semaphore_mem>>)
      %mul3A_97 = arith.constant 512 : i32
      %mul3A_98 = arith.muli %add3A_31, %mul3A_97 : i32
      %dma_start3A_99 = arith.constant 6 : i32
      %dma_start3A_100 = arith.constant 3072 : i32
      %dma_start3A_101 = tpu.memref_slice %arg5[%dma_start3A_100] : memref<16384xf32, #tpu.memory_space<vmem>> -> memref<512xf32, #tpu.memory_space<vmem>>
      %dma_start3A_102 = tpu.memref_slice %arg2[%dma_start3A_99, %mul3A_98] : memref<32x1000000xf32, #tpu.memory_space<hbm>> -> memref<1x512xf32, #tpu.memory_space<hbm>>
      %dma_start3A_103 = tpu.memref_squeeze %dma_start3A_102 : memref<1x512xf32, #tpu.memory_space<hbm>> -> memref<512xf32, #tpu.memory_space<hbm>>
      %dma_start3A_104 = arith.constant 3072 : i32
      %dma_start3A_105 = tpu.memref_slice %arg5[%dma_start3A_104] : memref<16384xf32, #tpu.memory_space<vmem>> -> memref<512xf32, #tpu.memory_space<vmem>>
      %dma_start3A_106 = tpu.memref_slice %arg2[%dma_start3A_99, %mul3A_98] : memref<32x1000000xf32, #tpu.memory_space<hbm>> -> memref<1x512xf32, #tpu.memory_space<hbm>>
      %dma_start3A_107 = tpu.memref_squeeze %dma_start3A_106 : memref<1x512xf32, #tpu.memory_space<hbm>> -> memref<512xf32, #tpu.memory_space<hbm>>
      tpu.enqueue_dma source(%dma_start3A_107 : memref<512xf32, #tpu.memory_space<hbm>>) target(%dma_start3A_105 : memref<512xf32, #tpu.memory_space<vmem>>) target_semaphore(%arg10 : memref<!tpu.dma_semaphore, #tpu.memory_space<semaphore_mem>>)
      %mul3A_108 = arith.constant 512 : i32
      %mul3A_109 = arith.muli %add3A_31, %mul3A_108 : i32
      %dma_start3A_110 = arith.constant 7 : i32
      %dma_start3A_111 = arith.constant 3584 : i32
      %dma_start3A_112 = tpu.memref_slice %arg5[%dma_start3A_111] : memref<16384xf32, #tpu.memory_space<vmem>> -> memref<512xf32, #tpu.memory_space<vmem>>
      %dma_start3A_113 = tpu.memref_slice %arg2[%dma_start3A_110, %mul3A_109] : memref<32x1000000xf32, #tpu.memory_space<hbm>> -> memref<1x512xf32, #tpu.memory_space<hbm>>
      %dma_start3A_114 = tpu.memref_squeeze %dma_start3A_113 : memref<1x512xf32, #tpu.memory_space<hbm>> -> memref<512xf32, #tpu.memory_space<hbm>>
      %dma_start3A_115 = arith.constant 3584 : i32
      %dma_start3A_116 = tpu.memref_slice %arg5[%dma_start3A_115] : memref<16384xf32, #tpu.memory_space<vmem>> -> memref<512xf32, #tpu.memory_space<vmem>>
      %dma_start3A_117 = tpu.memref_slice %arg2[%dma_start3A_110, %mul3A_109] : memref<32x1000000xf32, #tpu.memory_space<hbm>> -> memref<1x512xf32, #tpu.memory_space<hbm>>
      %dma_start3A_118 = tpu.memref_squeeze %dma_start3A_117 : memref<1x512xf32, #tpu.memory_space<hbm>> -> memref<512xf32, #tpu.memory_space<hbm>>
      tpu.enqueue_dma source(%dma_start3A_118 : memref<512xf32, #tpu.memory_space<hbm>>) target(%dma_start3A_116 : memref<512xf32, #tpu.memory_space<vmem>>) target_semaphore(%arg10 : memref<!tpu.dma_semaphore, #tpu.memory_space<semaphore_mem>>)
      %mul3A_119 = arith.constant 512 : i32
      %mul3A_120 = arith.muli %add3A_31, %mul3A_119 : i32
      %dma_start3A_121 = arith.constant 8 : i32
      %dma_start3A_122 = arith.constant 4096 : i32
      %dma_start3A_123 = tpu.memref_slice %arg5[%dma_start3A_122] : memref<16384xf32, #tpu.memory_space<vmem>> -> memref<512xf32, #tpu.memory_space<vmem>>
      %dma_start3A_124 = tpu.memref_slice %arg2[%dma_start3A_121, %mul3A_120] : memref<32x1000000xf32, #tpu.memory_space<hbm>> -> memref<1x512xf32, #tpu.memory_space<hbm>>
      %dma_start3A_125 = tpu.memref_squeeze %dma_start3A_124 : memref<1x512xf32, #tpu.memory_space<hbm>> -> memref<512xf32, #tpu.memory_space<hbm>>
      %dma_start3A_126 = arith.constant 4096 : i32
      %dma_start3A_127 = tpu.memref_slice %arg5[%dma_start3A_126] : memref<16384xf32, #tpu.memory_space<vmem>> -> memref<512xf32, #tpu.memory_space<vmem>>
      %dma_start3A_128 = tpu.memref_slice %arg2[%dma_start3A_121, %mul3A_120] : memref<32x1000000xf32, #tpu.memory_space<hbm>> -> memref<1x512xf32, #tpu.memory_space<hbm>>
      %dma_start3A_129 = tpu.memref_squeeze %dma_start3A_128 : memref<1x512xf32, #tpu.memory_space<hbm>> -> memref<512xf32, #tpu.memory_space<hbm>>
      tpu.enqueue_dma source(%dma_start3A_129 : memref<512xf32, #tpu.memory_space<hbm>>) target(%dma_start3A_127 : memref<512xf32, #tpu.memory_space<vmem>>) target_semaphore(%arg10 : memref<!tpu.dma_semaphore, #tpu.memory_space<semaphore_mem>>)
      %mul3A_130 = arith.constant 512 : i32
      %mul3A_131 = arith.muli %add3A_31, %mul3A_130 : i32
      %dma_start3A_132 = arith.constant 9 : i32
      %dma_start3A_133 = arith.constant 4608 : i32
      %dma_start3A_134 = tpu.memref_slice %arg5[%dma_start3A_133] : memref<16384xf32, #tpu.memory_space<vmem>> -> memref<512xf32, #tpu.memory_space<vmem>>
      %dma_start3A_135 = tpu.memref_slice %arg2[%dma_start3A_132, %mul3A_131] : memref<32x1000000xf32, #tpu.memory_space<hbm>> -> memref<1x512xf32, #tpu.memory_space<hbm>>
      %dma_start3A_136 = tpu.memref_squeeze %dma_start3A_135 : memref<1x512xf32, #tpu.memory_space<hbm>> -> memref<512xf32, #tpu.memory_space<hbm>>
      %dma_start3A_137 = arith.constant 4608 : i32
      %dma_start3A_138 = tpu.memref_slice %arg5[%dma_start3A_137] : memref<16384xf32, #tpu.memory_space<vmem>> -> memref<512xf32, #tpu.memory_space<vmem>>
      %dma_start3A_139 = tpu.memref_slice %arg2[%dma_start3A_132, %mul3A_131] : memref<32x1000000xf32, #tpu.memory_space<hbm>> -> memref<1x512xf32, #tpu.memory_space<hbm>>
      %dma_start3A_140 = tpu.memref_squeeze %dma_start3A_139 : memref<1x512xf32, #tpu.memory_space<hbm>> -> memref<512xf32, #tpu.memory_space<hbm>>
      tpu.enqueue_dma source(%dma_start3A_140 : memref<512xf32, #tpu.memory_space<hbm>>) target(%dma_start3A_138 : memref<512xf32, #tpu.memory_space<vmem>>) target_semaphore(%arg10 : memref<!tpu.dma_semaphore, #tpu.memory_space<semaphore_mem>>)
      %mul3A_141 = arith.constant 512 : i32
      %mul3A_142 = arith.muli %add3A_31, %mul3A_141 : i32
      %dma_start3A_143 = arith.constant 10 : i32
      %dma_start3A_144 = arith.constant 5120 : i32
      %dma_start3A_145 = tpu.memref_slice %arg5[%dma_start3A_144] : memref<16384xf32, #tpu.memory_space<vmem>> -> memref<512xf32, #tpu.memory_space<vmem>>
      %dma_start3A_146 = tpu.memref_slice %arg2[%dma_start3A_143, %mul3A_142] : memref<32x1000000xf32, #tpu.memory_space<hbm>> -> memref<1x512xf32, #tpu.memory_space<hbm>>
      %dma_start3A_147 = tpu.memref_squeeze %dma_start3A_146 : memref<1x512xf32, #tpu.memory_space<hbm>> -> memref<512xf32, #tpu.memory_space<hbm>>
      %dma_start3A_148 = arith.constant 5120 : i32
      %dma_start3A_149 = tpu.memref_slice %arg5[%dma_start3A_148] : memref<16384xf32, #tpu.memory_space<vmem>> -> memref<512xf32, #tpu.memory_space<vmem>>
      %dma_start3A_150 = tpu.memref_slice %arg2[%dma_start3A_143, %mul3A_142] : memref<32x1000000xf32, #tpu.memory_space<hbm>> -> memref<1x512xf32, #tpu.memory_space<hbm>>
      %dma_start3A_151 = tpu.memref_squeeze %dma_start3A_150 : memref<1x512xf32, #tpu.memory_space<hbm>> -> memref<512xf32, #tpu.memory_space<hbm>>
      tpu.enqueue_dma source(%dma_start3A_151 : memref<512xf32, #tpu.memory_space<hbm>>) target(%dma_start3A_149 : memref<512xf32, #tpu.memory_space<vmem>>) target_semaphore(%arg10 : memref<!tpu.dma_semaphore, #tpu.memory_space<semaphore_mem>>)
      %mul3A_152 = arith.constant 512 : i32
      %mul3A_153 = arith.muli %add3A_31, %mul3A_152 : i32
      %dma_start3A_154 = arith.constant 11 : i32
      %dma_start3A_155 = arith.constant 5632 : i32
      %dma_start3A_156 = tpu.memref_slice %arg5[%dma_start3A_155] : memref<16384xf32, #tpu.memory_space<vmem>> -> memref<512xf32, #tpu.memory_space<vmem>>
      %dma_start3A_157 = tpu.memref_slice %arg2[%dma_start3A_154, %mul3A_153] : memref<32x1000000xf32, #tpu.memory_space<hbm>> -> memref<1x512xf32, #tpu.memory_space<hbm>>
      %dma_start3A_158 = tpu.memref_squeeze %dma_start3A_157 : memref<1x512xf32, #tpu.memory_space<hbm>> -> memref<512xf32, #tpu.memory_space<hbm>>
      %dma_start3A_159 = arith.constant 5632 : i32
      %dma_start3A_160 = tpu.memref_slice %arg5[%dma_start3A_159] : memref<16384xf32, #tpu.memory_space<vmem>> -> memref<512xf32, #tpu.memory_space<vmem>>
      %dma_start3A_161 = tpu.memref_slice %arg2[%dma_start3A_154, %mul3A_153] : memref<32x1000000xf32, #tpu.memory_space<hbm>> -> memref<1x512xf32, #tpu.memory_space<hbm>>
      %dma_start3A_162 = tpu.memref_squeeze %dma_start3A_161 : memref<1x512xf32, #tpu.memory_space<hbm>> -> memref<512xf32, #tpu.memory_space<hbm>>
      tpu.enqueue_dma source(%dma_start3A_162 : memref<512xf32, #tpu.memory_space<hbm>>) target(%dma_start3A_160 : memref<512xf32, #tpu.memory_space<vmem>>) target_semaphore(%arg10 : memref<!tpu.dma_semaphore, #tpu.memory_space<semaphore_mem>>)
      %mul3A_163 = arith.constant 512 : i32
      %mul3A_164 = arith.muli %add3A_31, %mul3A_163 : i32
      %dma_start3A_165 = arith.constant 12 : i32
      %dma_start3A_166 = arith.constant 6144 : i32
      %dma_start3A_167 = tpu.memref_slice %arg5[%dma_start3A_166] : memref<16384xf32, #tpu.memory_space<vmem>> -> memref<512xf32, #tpu.memory_space<vmem>>
      %dma_start3A_168 = tpu.memref_slice %arg2[%dma_start3A_165, %mul3A_164] : memref<32x1000000xf32, #tpu.memory_space<hbm>> -> memref<1x512xf32, #tpu.memory_space<hbm>>
      %dma_start3A_169 = tpu.memref_squeeze %dma_start3A_168 : memref<1x512xf32, #tpu.memory_space<hbm>> -> memref<512xf32, #tpu.memory_space<hbm>>
      %dma_start3A_170 = arith.constant 6144 : i32
      %dma_start3A_171 = tpu.memref_slice %arg5[%dma_start3A_170] : memref<16384xf32, #tpu.memory_space<vmem>> -> memref<512xf32, #tpu.memory_space<vmem>>
      %dma_start3A_172 = tpu.memref_slice %arg2[%dma_start3A_165, %mul3A_164] : memref<32x1000000xf32, #tpu.memory_space<hbm>> -> memref<1x512xf32, #tpu.memory_space<hbm>>
      %dma_start3A_173 = tpu.memref_squeeze %dma_start3A_172 : memref<1x512xf32, #tpu.memory_space<hbm>> -> memref<512xf32, #tpu.memory_space<hbm>>
      tpu.enqueue_dma source(%dma_start3A_173 : memref<512xf32, #tpu.memory_space<hbm>>) target(%dma_start3A_171 : memref<512xf32, #tpu.memory_space<vmem>>) target_semaphore(%arg10 : memref<!tpu.dma_semaphore, #tpu.memory_space<semaphore_mem>>)
      %mul3A_174 = arith.constant 512 : i32
      %mul3A_175 = arith.muli %add3A_31, %mul3A_174 : i32
      %dma_start3A_176 = arith.constant 13 : i32
      %dma_start3A_177 = arith.constant 6656 : i32
      %dma_start3A_178 = tpu.memref_slice %arg5[%dma_start3A_177] : memref<16384xf32, #tpu.memory_space<vmem>> -> memref<512xf32, #tpu.memory_space<vmem>>
      %dma_start3A_179 = tpu.memref_slice %arg2[%dma_start3A_176, %mul3A_175] : memref<32x1000000xf32, #tpu.memory_space<hbm>> -> memref<1x512xf32, #tpu.memory_space<hbm>>
      %dma_start3A_180 = tpu.memref_squeeze %dma_start3A_179 : memref<1x512xf32, #tpu.memory_space<hbm>> -> memref<512xf32, #tpu.memory_space<hbm>>
      %dma_start3A_181 = arith.constant 6656 : i32
      %dma_start3A_182 = tpu.memref_slice %arg5[%dma_start3A_181] : memref<16384xf32, #tpu.memory_space<vmem>> -> memref<512xf32, #tpu.memory_space<vmem>>
      %dma_start3A_183 = tpu.memref_slice %arg2[%dma_start3A_176, %mul3A_175] : memref<32x1000000xf32, #tpu.memory_space<hbm>> -> memref<1x512xf32, #tpu.memory_space<hbm>>
      %dma_start3A_184 = tpu.memref_squeeze %dma_start3A_183 : memref<1x512xf32, #tpu.memory_space<hbm>> -> memref<512xf32, #tpu.memory_space<hbm>>
      tpu.enqueue_dma source(%dma_start3A_184 : memref<512xf32, #tpu.memory_space<hbm>>) target(%dma_start3A_182 : memref<512xf32, #tpu.memory_space<vmem>>) target_semaphore(%arg10 : memref<!tpu.dma_semaphore, #tpu.memory_space<semaphore_mem>>)
      %mul3A_185 = arith.constant 512 : i32
      %mul3A_186 = arith.muli %add3A_31, %mul3A_185 : i32
      %dma_start3A_187 = arith.constant 14 : i32
      %dma_start3A_188 = arith.constant 7168 : i32
      %dma_start3A_189 = tpu.memref_slice %arg5[%dma_start3A_188] : memref<16384xf32, #tpu.memory_space<vmem>> -> memref<512xf32, #tpu.memory_space<vmem>>
      %dma_start3A_190 = tpu.memref_slice %arg2[%dma_start3A_187, %mul3A_186] : memref<32x1000000xf32, #tpu.memory_space<hbm>> -> memref<1x512xf32, #tpu.memory_space<hbm>>
      %dma_start3A_191 = tpu.memref_squeeze %dma_start3A_190 : memref<1x512xf32, #tpu.memory_space<hbm>> -> memref<512xf32, #tpu.memory_space<hbm>>
      %dma_start3A_192 = arith.constant 7168 : i32
      %dma_start3A_193 = tpu.memref_slice %arg5[%dma_start3A_192] : memref<16384xf32, #tpu.memory_space<vmem>> -> memref<512xf32, #tpu.memory_space<vmem>>
      %dma_start3A_194 = tpu.memref_slice %arg2[%dma_start3A_187, %mul3A_186] : memref<32x1000000xf32, #tpu.memory_space<hbm>> -> memref<1x512xf32, #tpu.memory_space<hbm>>
      %dma_start3A_195 = tpu.memref_squeeze %dma_start3A_194 : memref<1x512xf32, #tpu.memory_space<hbm>> -> memref<512xf32, #tpu.memory_space<hbm>>
      tpu.enqueue_dma source(%dma_start3A_195 : memref<512xf32, #tpu.memory_space<hbm>>) target(%dma_start3A_193 : memref<512xf32, #tpu.memory_space<vmem>>) target_semaphore(%arg10 : memref<!tpu.dma_semaphore, #tpu.memory_space<semaphore_mem>>)
      %mul3A_196 = arith.constant 512 : i32
      %mul3A_197 = arith.muli %add3A_31, %mul3A_196 : i32
      %dma_start3A_198 = arith.constant 15 : i32
      %dma_start3A_199 = arith.constant 7680 : i32
      %dma_start3A_200 = tpu.memref_slice %arg5[%dma_start3A_199] : memref<16384xf32, #tpu.memory_space<vmem>> -> memref<512xf32, #tpu.memory_space<vmem>>
      %dma_start3A_201 = tpu.memref_slice %arg2[%dma_start3A_198, %mul3A_197] : memref<32x1000000xf32, #tpu.memory_space<hbm>> -> memref<1x512xf32, #tpu.memory_space<hbm>>
      %dma_start3A_202 = tpu.memref_squeeze %dma_start3A_201 : memref<1x512xf32, #tpu.memory_space<hbm>> -> memref<512xf32, #tpu.memory_space<hbm>>
      %dma_start3A_203 = arith.constant 7680 : i32
      %dma_start3A_204 = tpu.memref_slice %arg5[%dma_start3A_203] : memref<16384xf32, #tpu.memory_space<vmem>> -> memref<512xf32, #tpu.memory_space<vmem>>
      %dma_start3A_205 = tpu.memref_slice %arg2[%dma_start3A_198, %mul3A_197] : memref<32x1000000xf32, #tpu.memory_space<hbm>> -> memref<1x512xf32, #tpu.memory_space<hbm>>
      %dma_start3A_206 = tpu.memref_squeeze %dma_start3A_205 : memref<1x512xf32, #tpu.memory_space<hbm>> -> memref<512xf32, #tpu.memory_space<hbm>>
      tpu.enqueue_dma source(%dma_start3A_206 : memref<512xf32, #tpu.memory_space<hbm>>) target(%dma_start3A_204 : memref<512xf32, #tpu.memory_space<vmem>>) target_semaphore(%arg10 : memref<!tpu.dma_semaphore, #tpu.memory_space<semaphore_mem>>)
      %mul3A_207 = arith.constant 512 : i32
      %mul3A_208 = arith.muli %add3A_31, %mul3A_207 : i32
      %dma_start3A_209 = arith.constant 16 : i32
      %dma_start3A_210 = arith.constant 8192 : i32
      %dma_start3A_211 = tpu.memref_slice %arg5[%dma_start3A_210] : memref<16384xf32, #tpu.memory_space<vmem>> -> memref<512xf32, #tpu.memory_space<vmem>>
      %dma_start3A_212 = tpu.memref_slice %arg2[%dma_start3A_209, %mul3A_208] : memref<32x1000000xf32, #tpu.memory_space<hbm>> -> memref<1x512xf32, #tpu.memory_space<hbm>>
      %dma_start3A_213 = tpu.memref_squeeze %dma_start3A_212 : memref<1x512xf32, #tpu.memory_space<hbm>> -> memref<512xf32, #tpu.memory_space<hbm>>
      %dma_start3A_214 = arith.constant 8192 : i32
      %dma_start3A_215 = tpu.memref_slice %arg5[%dma_start3A_214] : memref<16384xf32, #tpu.memory_space<vmem>> -> memref<512xf32, #tpu.memory_space<vmem>>
      %dma_start3A_216 = tpu.memref_slice %arg2[%dma_start3A_209, %mul3A_208] : memref<32x1000000xf32, #tpu.memory_space<hbm>> -> memref<1x512xf32, #tpu.memory_space<hbm>>
      %dma_start3A_217 = tpu.memref_squeeze %dma_start3A_216 : memref<1x512xf32, #tpu.memory_space<hbm>> -> memref<512xf32, #tpu.memory_space<hbm>>
      tpu.enqueue_dma source(%dma_start3A_217 : memref<512xf32, #tpu.memory_space<hbm>>) target(%dma_start3A_215 : memref<512xf32, #tpu.memory_space<vmem>>) target_semaphore(%arg10 : memref<!tpu.dma_semaphore, #tpu.memory_space<semaphore_mem>>)
      %mul3A_218 = arith.constant 512 : i32
      %mul3A_219 = arith.muli %add3A_31, %mul3A_218 : i32
      %dma_start3A_220 = arith.constant 17 : i32
      %dma_start3A_221 = arith.constant 8704 : i32
      %dma_start3A_222 = tpu.memref_slice %arg5[%dma_start3A_221] : memref<16384xf32, #tpu.memory_space<vmem>> -> memref<512xf32, #tpu.memory_space<vmem>>
      %dma_start3A_223 = tpu.memref_slice %arg2[%dma_start3A_220, %mul3A_219] : memref<32x1000000xf32, #tpu.memory_space<hbm>> -> memref<1x512xf32, #tpu.memory_space<hbm>>
      %dma_start3A_224 = tpu.memref_squeeze %dma_start3A_223 : memref<1x512xf32, #tpu.memory_space<hbm>> -> memref<512xf32, #tpu.memory_space<hbm>>
      %dma_start3A_225 = arith.constant 8704 : i32
      %dma_start3A_226 = tpu.memref_slice %arg5[%dma_start3A_225] : memref<16384xf32, #tpu.memory_space<vmem>> -> memref<512xf32, #tpu.memory_space<vmem>>
      %dma_start3A_227 = tpu.memref_slice %arg2[%dma_start3A_220, %mul3A_219] : memref<32x1000000xf32, #tpu.memory_space<hbm>> -> memref<1x512xf32, #tpu.memory_space<hbm>>
      %dma_start3A_228 = tpu.memref_squeeze %dma_start3A_227 : memref<1x512xf32, #tpu.memory_space<hbm>> -> memref<512xf32, #tpu.memory_space<hbm>>
      tpu.enqueue_dma source(%dma_start3A_228 : memref<512xf32, #tpu.memory_space<hbm>>) target(%dma_start3A_226 : memref<512xf32, #tpu.memory_space<vmem>>) target_semaphore(%arg10 : memref<!tpu.dma_semaphore, #tpu.memory_space<semaphore_mem>>)
      %mul3A_229 = arith.constant 512 : i32
      %mul3A_230 = arith.muli %add3A_31, %mul3A_229 : i32
      %dma_start3A_231 = arith.constant 18 : i32
      %dma_start3A_232 = arith.constant 9216 : i32
      %dma_start3A_233 = tpu.memref_slice %arg5[%dma_start3A_232] : memref<16384xf32, #tpu.memory_space<vmem>> -> memref<512xf32, #tpu.memory_space<vmem>>
      %dma_start3A_234 = tpu.memref_slice %arg2[%dma_start3A_231, %mul3A_230] : memref<32x1000000xf32, #tpu.memory_space<hbm>> -> memref<1x512xf32, #tpu.memory_space<hbm>>
      %dma_start3A_235 = tpu.memref_squeeze %dma_start3A_234 : memref<1x512xf32, #tpu.memory_space<hbm>> -> memref<512xf32, #tpu.memory_space<hbm>>
      %dma_start3A_236 = arith.constant 9216 : i32
      %dma_start3A_237 = tpu.memref_slice %arg5[%dma_start3A_236] : memref<16384xf32, #tpu.memory_space<vmem>> -> memref<512xf32, #tpu.memory_space<vmem>>
      %dma_start3A_238 = tpu.memref_slice %arg2[%dma_start3A_231, %mul3A_230] : memref<32x1000000xf32, #tpu.memory_space<hbm>> -> memref<1x512xf32, #tpu.memory_space<hbm>>
      %dma_start3A_239 = tpu.memref_squeeze %dma_start3A_238 : memref<1x512xf32, #tpu.memory_space<hbm>> -> memref<512xf32, #tpu.memory_space<hbm>>
      tpu.enqueue_dma source(%dma_start3A_239 : memref<512xf32, #tpu.memory_space<hbm>>) target(%dma_start3A_237 : memref<512xf32, #tpu.memory_space<vmem>>) target_semaphore(%arg10 : memref<!tpu.dma_semaphore, #tpu.memory_space<semaphore_mem>>)
      %mul3A_240 = arith.constant 512 : i32
      %mul3A_241 = arith.muli %add3A_31, %mul3A_240 : i32
      %dma_start3A_242 = arith.constant 19 : i32
      %dma_start3A_243 = arith.constant 9728 : i32
      %dma_start3A_244 = tpu.memref_slice %arg5[%dma_start3A_243] : memref<16384xf32, #tpu.memory_space<vmem>> -> memref<512xf32, #tpu.memory_space<vmem>>
      %dma_start3A_245 = tpu.memref_slice %arg2[%dma_start3A_242, %mul3A_241] : memref<32x1000000xf32, #tpu.memory_space<hbm>> -> memref<1x512xf32, #tpu.memory_space<hbm>>
      %dma_start3A_246 = tpu.memref_squeeze %dma_start3A_245 : memref<1x512xf32, #tpu.memory_space<hbm>> -> memref<512xf32, #tpu.memory_space<hbm>>
      %dma_start3A_247 = arith.constant 9728 : i32
      %dma_start3A_248 = tpu.memref_slice %arg5[%dma_start3A_247] : memref<16384xf32, #tpu.memory_space<vmem>> -> memref<512xf32, #tpu.memory_space<vmem>>
      %dma_start3A_249 = tpu.memref_slice %arg2[%dma_start3A_242, %mul3A_241] : memref<32x1000000xf32, #tpu.memory_space<hbm>> -> memref<1x512xf32, #tpu.memory_space<hbm>>
      %dma_start3A_250 = tpu.memref_squeeze %dma_start3A_249 : memref<1x512xf32, #tpu.memory_space<hbm>> -> memref<512xf32, #tpu.memory_space<hbm>>
      tpu.enqueue_dma source(%dma_start3A_250 : memref<512xf32, #tpu.memory_space<hbm>>) target(%dma_start3A_248 : memref<512xf32, #tpu.memory_space<vmem>>) target_semaphore(%arg10 : memref<!tpu.dma_semaphore, #tpu.memory_space<semaphore_mem>>)
      %mul3A_251 = arith.constant 512 : i32
      %mul3A_252 = arith.muli %add3A_31, %mul3A_251 : i32
      %dma_start3A_253 = arith.constant 20 : i32
      %dma_start3A_254 = arith.constant 10240 : i32
      %dma_start3A_255 = tpu.memref_slice %arg5[%dma_start3A_254] : memref<16384xf32, #tpu.memory_space<vmem>> -> memref<512xf32, #tpu.memory_space<vmem>>
      %dma_start3A_256 = tpu.memref_slice %arg2[%dma_start3A_253, %mul3A_252] : memref<32x1000000xf32, #tpu.memory_space<hbm>> -> memref<1x512xf32, #tpu.memory_space<hbm>>
      %dma_start3A_257 = tpu.memref_squeeze %dma_start3A_256 : memref<1x512xf32, #tpu.memory_space<hbm>> -> memref<512xf32, #tpu.memory_space<hbm>>
      %dma_start3A_258 = arith.constant 10240 : i32
      %dma_start3A_259 = tpu.memref_slice %arg5[%dma_start3A_258] : memref<16384xf32, #tpu.memory_space<vmem>> -> memref<512xf32, #tpu.memory_space<vmem>>
      %dma_start3A_260 = tpu.memref_slice %arg2[%dma_start3A_253, %mul3A_252] : memref<32x1000000xf32, #tpu.memory_space<hbm>> -> memref<1x512xf32, #tpu.memory_space<hbm>>
      %dma_start3A_261 = tpu.memref_squeeze %dma_start3A_260 : memref<1x512xf32, #tpu.memory_space<hbm>> -> memref<512xf32, #tpu.memory_space<hbm>>
      tpu.enqueue_dma source(%dma_start3A_261 : memref<512xf32, #tpu.memory_space<hbm>>) target(%dma_start3A_259 : memref<512xf32, #tpu.memory_space<vmem>>) target_semaphore(%arg10 : memref<!tpu.dma_semaphore, #tpu.memory_space<semaphore_mem>>)
      %mul3A_262 = arith.constant 512 : i32
      %mul3A_263 = arith.muli %add3A_31, %mul3A_262 : i32
      %dma_start3A_264 = arith.constant 21 : i32
      %dma_start3A_265 = arith.constant 10752 : i32
      %dma_start3A_266 = tpu.memref_slice %arg5[%dma_start3A_265] : memref<16384xf32, #tpu.memory_space<vmem>> -> memref<512xf32, #tpu.memory_space<vmem>>
      %dma_start3A_267 = tpu.memref_slice %arg2[%dma_start3A_264, %mul3A_263] : memref<32x1000000xf32, #tpu.memory_space<hbm>> -> memref<1x512xf32, #tpu.memory_space<hbm>>
      %dma_start3A_268 = tpu.memref_squeeze %dma_start3A_267 : memref<1x512xf32, #tpu.memory_space<hbm>> -> memref<512xf32, #tpu.memory_space<hbm>>
      %dma_start3A_269 = arith.constant 10752 : i32
      %dma_start3A_270 = tpu.memref_slice %arg5[%dma_start3A_269] : memref<16384xf32, #tpu.memory_space<vmem>> -> memref<512xf32, #tpu.memory_space<vmem>>
      %dma_start3A_271 = tpu.memref_slice %arg2[%dma_start3A_264, %mul3A_263] : memref<32x1000000xf32, #tpu.memory_space<hbm>> -> memref<1x512xf32, #tpu.memory_space<hbm>>
      %dma_start3A_272 = tpu.memref_squeeze %dma_start3A_271 : memref<1x512xf32, #tpu.memory_space<hbm>> -> memref<512xf32, #tpu.memory_space<hbm>>
      tpu.enqueue_dma source(%dma_start3A_272 : memref<512xf32, #tpu.memory_space<hbm>>) target(%dma_start3A_270 : memref<512xf32, #tpu.memory_space<vmem>>) target_semaphore(%arg10 : memref<!tpu.dma_semaphore, #tpu.memory_space<semaphore_mem>>)
      %mul3A_273 = arith.constant 512 : i32
      %mul3A_274 = arith.muli %add3A_31, %mul3A_273 : i32
      %dma_start3A_275 = arith.constant 22 : i32
      %dma_start3A_276 = arith.constant 11264 : i32
      %dma_start3A_277 = tpu.memref_slice %arg5[%dma_start3A_276] : memref<16384xf32, #tpu.memory_space<vmem>> -> memref<512xf32, #tpu.memory_space<vmem>>
      %dma_start3A_278 = tpu.memref_slice %arg2[%dma_start3A_275, %mul3A_274] : memref<32x1000000xf32, #tpu.memory_space<hbm>> -> memref<1x512xf32, #tpu.memory_space<hbm>>
      %dma_start3A_279 = tpu.memref_squeeze %dma_start3A_278 : memref<1x512xf32, #tpu.memory_space<hbm>> -> memref<512xf32, #tpu.memory_space<hbm>>
      %dma_start3A_280 = arith.constant 11264 : i32
      %dma_start3A_281 = tpu.memref_slice %arg5[%dma_start3A_280] : memref<16384xf32, #tpu.memory_space<vmem>> -> memref<512xf32, #tpu.memory_space<vmem>>
      %dma_start3A_282 = tpu.memref_slice %arg2[%dma_start3A_275, %mul3A_274] : memref<32x1000000xf32, #tpu.memory_space<hbm>> -> memref<1x512xf32, #tpu.memory_space<hbm>>
      %dma_start3A_283 = tpu.memref_squeeze %dma_start3A_282 : memref<1x512xf32, #tpu.memory_space<hbm>> -> memref<512xf32, #tpu.memory_space<hbm>>
      tpu.enqueue_dma source(%dma_start3A_283 : memref<512xf32, #tpu.memory_space<hbm>>) target(%dma_start3A_281 : memref<512xf32, #tpu.memory_space<vmem>>) target_semaphore(%arg10 : memref<!tpu.dma_semaphore, #tpu.memory_space<semaphore_mem>>)
      %mul3A_284 = arith.constant 512 : i32
      %mul3A_285 = arith.muli %add3A_31, %mul3A_284 : i32
      %dma_start3A_286 = arith.constant 23 : i32
      %dma_start3A_287 = arith.constant 11776 : i32
      %dma_start3A_288 = tpu.memref_slice %arg5[%dma_start3A_287] : memref<16384xf32, #tpu.memory_space<vmem>> -> memref<512xf32, #tpu.memory_space<vmem>>
      %dma_start3A_289 = tpu.memref_slice %arg2[%dma_start3A_286, %mul3A_285] : memref<32x1000000xf32, #tpu.memory_space<hbm>> -> memref<1x512xf32, #tpu.memory_space<hbm>>
      %dma_start3A_290 = tpu.memref_squeeze %dma_start3A_289 : memref<1x512xf32, #tpu.memory_space<hbm>> -> memref<512xf32, #tpu.memory_space<hbm>>
      %dma_start3A_291 = arith.constant 11776 : i32
      %dma_start3A_292 = tpu.memref_slice %arg5[%dma_start3A_291] : memref<16384xf32, #tpu.memory_space<vmem>> -> memref<512xf32, #tpu.memory_space<vmem>>
      %dma_start3A_293 = tpu.memref_slice %arg2[%dma_start3A_286, %mul3A_285] : memref<32x1000000xf32, #tpu.memory_space<hbm>> -> memref<1x512xf32, #tpu.memory_space<hbm>>
      %dma_start3A_294 = tpu.memref_squeeze %dma_start3A_293 : memref<1x512xf32, #tpu.memory_space<hbm>> -> memref<512xf32, #tpu.memory_space<hbm>>
      tpu.enqueue_dma source(%dma_start3A_294 : memref<512xf32, #tpu.memory_space<hbm>>) target(%dma_start3A_292 : memref<512xf32, #tpu.memory_space<vmem>>) target_semaphore(%arg10 : memref<!tpu.dma_semaphore, #tpu.memory_space<semaphore_mem>>)
      %mul3A_295 = arith.constant 512 : i32
      %mul3A_296 = arith.muli %add3A_31, %mul3A_295 : i32
      %dma_start3A_297 = arith.constant 24 : i32
      %dma_start3A_298 = arith.constant 12288 : i32
      %dma_start3A_299 = tpu.memref_slice %arg5[%dma_start3A_298] : memref<16384xf32, #tpu.memory_space<vmem>> -> memref<512xf32, #tpu.memory_space<vmem>>
      %dma_start3A_300 = tpu.memref_slice %arg2[%dma_start3A_297, %mul3A_296] : memref<32x1000000xf32, #tpu.memory_space<hbm>> -> memref<1x512xf32, #tpu.memory_space<hbm>>
      %dma_start3A_301 = tpu.memref_squeeze %dma_start3A_300 : memref<1x512xf32, #tpu.memory_space<hbm>> -> memref<512xf32, #tpu.memory_space<hbm>>
      %dma_start3A_302 = arith.constant 12288 : i32
      %dma_start3A_303 = tpu.memref_slice %arg5[%dma_start3A_302] : memref<16384xf32, #tpu.memory_space<vmem>> -> memref<512xf32, #tpu.memory_space<vmem>>
      %dma_start3A_304 = tpu.memref_slice %arg2[%dma_start3A_297, %mul3A_296] : memref<32x1000000xf32, #tpu.memory_space<hbm>> -> memref<1x512xf32, #tpu.memory_space<hbm>>
      %dma_start3A_305 = tpu.memref_squeeze %dma_start3A_304 : memref<1x512xf32, #tpu.memory_space<hbm>> -> memref<512xf32, #tpu.memory_space<hbm>>
      tpu.enqueue_dma source(%dma_start3A_305 : memref<512xf32, #tpu.memory_space<hbm>>) target(%dma_start3A_303 : memref<512xf32, #tpu.memory_space<vmem>>) target_semaphore(%arg10 : memref<!tpu.dma_semaphore, #tpu.memory_space<semaphore_mem>>)
      %mul3A_306 = arith.constant 512 : i32
      %mul3A_307 = arith.muli %add3A_31, %mul3A_306 : i32
      %dma_start3A_308 = arith.constant 25 : i32
      %dma_start3A_309 = arith.constant 12800 : i32
      %dma_start3A_310 = tpu.memref_slice %arg5[%dma_start3A_309] : memref<16384xf32, #tpu.memory_space<vmem>> -> memref<512xf32, #tpu.memory_space<vmem>>
      %dma_start3A_311 = tpu.memref_slice %arg2[%dma_start3A_308, %mul3A_307] : memref<32x1000000xf32, #tpu.memory_space<hbm>> -> memref<1x512xf32, #tpu.memory_space<hbm>>
      %dma_start3A_312 = tpu.memref_squeeze %dma_start3A_311 : memref<1x512xf32, #tpu.memory_space<hbm>> -> memref<512xf32, #tpu.memory_space<hbm>>
      %dma_start3A_313 = arith.constant 12800 : i32
      %dma_start3A_314 = tpu.memref_slice %arg5[%dma_start3A_313] : memref<16384xf32, #tpu.memory_space<vmem>> -> memref<512xf32, #tpu.memory_space<vmem>>
      %dma_start3A_315 = tpu.memref_slice %arg2[%dma_start3A_308, %mul3A_307] : memref<32x1000000xf32, #tpu.memory_space<hbm>> -> memref<1x512xf32, #tpu.memory_space<hbm>>
      %dma_start3A_316 = tpu.memref_squeeze %dma_start3A_315 : memref<1x512xf32, #tpu.memory_space<hbm>> -> memref<512xf32, #tpu.memory_space<hbm>>
      tpu.enqueue_dma source(%dma_start3A_316 : memref<512xf32, #tpu.memory_space<hbm>>) target(%dma_start3A_314 : memref<512xf32, #tpu.memory_space<vmem>>) target_semaphore(%arg10 : memref<!tpu.dma_semaphore, #tpu.memory_space<semaphore_mem>>)
      %mul3A_317 = arith.constant 512 : i32
      %mul3A_318 = arith.muli %add3A_31, %mul3A_317 : i32
      %dma_start3A_319 = arith.constant 26 : i32
      %dma_start3A_320 = arith.constant 13312 : i32
      %dma_start3A_321 = tpu.memref_slice %arg5[%dma_start3A_320] : memref<16384xf32, #tpu.memory_space<vmem>> -> memref<512xf32, #tpu.memory_space<vmem>>
      %dma_start3A_322 = tpu.memref_slice %arg2[%dma_start3A_319, %mul3A_318] : memref<32x1000000xf32, #tpu.memory_space<hbm>> -> memref<1x512xf32, #tpu.memory_space<hbm>>
      %dma_start3A_323 = tpu.memref_squeeze %dma_start3A_322 : memref<1x512xf32, #tpu.memory_space<hbm>> -> memref<512xf32, #tpu.memory_space<hbm>>
      %dma_start3A_324 = arith.constant 13312 : i32
      %dma_start3A_325 = tpu.memref_slice %arg5[%dma_start3A_324] : memref<16384xf32, #tpu.memory_space<vmem>> -> memref<512xf32, #tpu.memory_space<vmem>>
      %dma_start3A_326 = tpu.memref_slice %arg2[%dma_start3A_319, %mul3A_318] : memref<32x1000000xf32, #tpu.memory_space<hbm>> -> memref<1x512xf32, #tpu.memory_space<hbm>>
      %dma_start3A_327 = tpu.memref_squeeze %dma_start3A_326 : memref<1x512xf32, #tpu.memory_space<hbm>> -> memref<512xf32, #tpu.memory_space<hbm>>
      tpu.enqueue_dma source(%dma_start3A_327 : memref<512xf32, #tpu.memory_space<hbm>>) target(%dma_start3A_325 : memref<512xf32, #tpu.memory_space<vmem>>) target_semaphore(%arg10 : memref<!tpu.dma_semaphore, #tpu.memory_space<semaphore_mem>>)
      %mul3A_328 = arith.constant 512 : i32
      %mul3A_329 = arith.muli %add3A_31, %mul3A_328 : i32
      %dma_start3A_330 = arith.constant 27 : i32
      %dma_start3A_331 = arith.constant 13824 : i32
      %dma_start3A_332 = tpu.memref_slice %arg5[%dma_start3A_331] : memref<16384xf32, #tpu.memory_space<vmem>> -> memref<512xf32, #tpu.memory_space<vmem>>
      %dma_start3A_333 = tpu.memref_slice %arg2[%dma_start3A_330, %mul3A_329] : memref<32x1000000xf32, #tpu.memory_space<hbm>> -> memref<1x512xf32, #tpu.memory_space<hbm>>
      %dma_start3A_334 = tpu.memref_squeeze %dma_start3A_333 : memref<1x512xf32, #tpu.memory_space<hbm>> -> memref<512xf32, #tpu.memory_space<hbm>>
      %dma_start3A_335 = arith.constant 13824 : i32
      %dma_start3A_336 = tpu.memref_slice %arg5[%dma_start3A_335] : memref<16384xf32, #tpu.memory_space<vmem>> -> memref<512xf32, #tpu.memory_space<vmem>>
      %dma_start3A_337 = tpu.memref_slice %arg2[%dma_start3A_330, %mul3A_329] : memref<32x1000000xf32, #tpu.memory_space<hbm>> -> memref<1x512xf32, #tpu.memory_space<hbm>>
      %dma_start3A_338 = tpu.memref_squeeze %dma_start3A_337 : memref<1x512xf32, #tpu.memory_space<hbm>> -> memref<512xf32, #tpu.memory_space<hbm>>
      tpu.enqueue_dma source(%dma_start3A_338 : memref<512xf32, #tpu.memory_space<hbm>>) target(%dma_start3A_336 : memref<512xf32, #tpu.memory_space<vmem>>) target_semaphore(%arg10 : memref<!tpu.dma_semaphore, #tpu.memory_space<semaphore_mem>>)
      %mul3A_339 = arith.constant 512 : i32
      %mul3A_340 = arith.muli %add3A_31, %mul3A_339 : i32
      %dma_start3A_341 = arith.constant 28 : i32
      %dma_start3A_342 = arith.constant 14336 : i32
      %dma_start3A_343 = tpu.memref_slice %arg5[%dma_start3A_342] : memref<16384xf32, #tpu.memory_space<vmem>> -> memref<512xf32, #tpu.memory_space<vmem>>
      %dma_start3A_344 = tpu.memref_slice %arg2[%dma_start3A_341, %mul3A_340] : memref<32x1000000xf32, #tpu.memory_space<hbm>> -> memref<1x512xf32, #tpu.memory_space<hbm>>
      %dma_start3A_345 = tpu.memref_squeeze %dma_start3A_344 : memref<1x512xf32, #tpu.memory_space<hbm>> -> memref<512xf32, #tpu.memory_space<hbm>>
      %dma_start3A_346 = arith.constant 14336 : i32
      %dma_start3A_347 = tpu.memref_slice %arg5[%dma_start3A_346] : memref<16384xf32, #tpu.memory_space<vmem>> -> memref<512xf32, #tpu.memory_space<vmem>>
      %dma_start3A_348 = tpu.memref_slice %arg2[%dma_start3A_341, %mul3A_340] : memref<32x1000000xf32, #tpu.memory_space<hbm>> -> memref<1x512xf32, #tpu.memory_space<hbm>>
      %dma_start3A_349 = tpu.memref_squeeze %dma_start3A_348 : memref<1x512xf32, #tpu.memory_space<hbm>> -> memref<512xf32, #tpu.memory_space<hbm>>
      tpu.enqueue_dma source(%dma_start3A_349 : memref<512xf32, #tpu.memory_space<hbm>>) target(%dma_start3A_347 : memref<512xf32, #tpu.memory_space<vmem>>) target_semaphore(%arg10 : memref<!tpu.dma_semaphore, #tpu.memory_space<semaphore_mem>>)
      %mul3A_350 = arith.constant 512 : i32
      %mul3A_351 = arith.muli %add3A_31, %mul3A_350 : i32
      %dma_start3A_352 = arith.constant 29 : i32
      %dma_start3A_353 = arith.constant 14848 : i32
      %dma_start3A_354 = tpu.memref_slice %arg5[%dma_start3A_353] : memref<16384xf32, #tpu.memory_space<vmem>> -> memref<512xf32, #tpu.memory_space<vmem>>
      %dma_start3A_355 = tpu.memref_slice %arg2[%dma_start3A_352, %mul3A_351] : memref<32x1000000xf32, #tpu.memory_space<hbm>> -> memref<1x512xf32, #tpu.memory_space<hbm>>
      %dma_start3A_356 = tpu.memref_squeeze %dma_start3A_355 : memref<1x512xf32, #tpu.memory_space<hbm>> -> memref<512xf32, #tpu.memory_space<hbm>>
      %dma_start3A_357 = arith.constant 14848 : i32
      %dma_start3A_358 = tpu.memref_slice %arg5[%dma_start3A_357] : memref<16384xf32, #tpu.memory_space<vmem>> -> memref<512xf32, #tpu.memory_space<vmem>>
      %dma_start3A_359 = tpu.memref_slice %arg2[%dma_start3A_352, %mul3A_351] : memref<32x1000000xf32, #tpu.memory_space<hbm>> -> memref<1x512xf32, #tpu.memory_space<hbm>>
      %dma_start3A_360 = tpu.memref_squeeze %dma_start3A_359 : memref<1x512xf32, #tpu.memory_space<hbm>> -> memref<512xf32, #tpu.memory_space<hbm>>
      tpu.enqueue_dma source(%dma_start3A_360 : memref<512xf32, #tpu.memory_space<hbm>>) target(%dma_start3A_358 : memref<512xf32, #tpu.memory_space<vmem>>) target_semaphore(%arg10 : memref<!tpu.dma_semaphore, #tpu.memory_space<semaphore_mem>>)
      %mul3A_361 = arith.constant 512 : i32
      %mul3A_362 = arith.muli %add3A_31, %mul3A_361 : i32
      %dma_start3A_363 = arith.constant 30 : i32
      %dma_start3A_364 = arith.constant 15360 : i32
      %dma_start3A_365 = tpu.memref_slice %arg5[%dma_start3A_364] : memref<16384xf32, #tpu.memory_space<vmem>> -> memref<512xf32, #tpu.memory_space<vmem>>
      %dma_start3A_366 = tpu.memref_slice %arg2[%dma_start3A_363, %mul3A_362] : memref<32x1000000xf32, #tpu.memory_space<hbm>> -> memref<1x512xf32, #tpu.memory_space<hbm>>
      %dma_start3A_367 = tpu.memref_squeeze %dma_start3A_366 : memref<1x512xf32, #tpu.memory_space<hbm>> -> memref<512xf32, #tpu.memory_space<hbm>>
      %dma_start3A_368 = arith.constant 15360 : i32
      %dma_start3A_369 = tpu.memref_slice %arg5[%dma_start3A_368] : memref<16384xf32, #tpu.memory_space<vmem>> -> memref<512xf32, #tpu.memory_space<vmem>>
      %dma_start3A_370 = tpu.memref_slice %arg2[%dma_start3A_363, %mul3A_362] : memref<32x1000000xf32, #tpu.memory_space<hbm>> -> memref<1x512xf32, #tpu.memory_space<hbm>>
      %dma_start3A_371 = tpu.memref_squeeze %dma_start3A_370 : memref<1x512xf32, #tpu.memory_space<hbm>> -> memref<512xf32, #tpu.memory_space<hbm>>
      tpu.enqueue_dma source(%dma_start3A_371 : memref<512xf32, #tpu.memory_space<hbm>>) target(%dma_start3A_369 : memref<512xf32, #tpu.memory_space<vmem>>) target_semaphore(%arg10 : memref<!tpu.dma_semaphore, #tpu.memory_space<semaphore_mem>>)
      %mul3A_372 = arith.constant 512 : i32
      %mul3A_373 = arith.muli %add3A_31, %mul3A_372 : i32
      %dma_start3A_374 = arith.constant 31 : i32
      %dma_start3A_375 = arith.constant 15872 : i32
      %dma_start3A_376 = tpu.memref_slice %arg5[%dma_start3A_375] : memref<16384xf32, #tpu.memory_space<vmem>> -> memref<512xf32, #tpu.memory_space<vmem>>
      %dma_start3A_377 = tpu.memref_slice %arg2[%dma_start3A_374, %mul3A_373] : memref<32x1000000xf32, #tpu.memory_space<hbm>> -> memref<1x512xf32, #tpu.memory_space<hbm>>
      %dma_start3A_378 = tpu.memref_squeeze %dma_start3A_377 : memref<1x512xf32, #tpu.memory_space<hbm>> -> memref<512xf32, #tpu.memory_space<hbm>>
      %dma_start3A_379 = arith.constant 15872 : i32
      %dma_start3A_380 = tpu.memref_slice %arg5[%dma_start3A_379] : memref<16384xf32, #tpu.memory_space<vmem>> -> memref<512xf32, #tpu.memory_space<vmem>>
      %dma_start3A_381 = tpu.memref_slice %arg2[%dma_start3A_374, %mul3A_373] : memref<32x1000000xf32, #tpu.memory_space<hbm>> -> memref<1x512xf32, #tpu.memory_space<hbm>>
      %dma_start3A_382 = tpu.memref_squeeze %dma_start3A_381 : memref<1x512xf32, #tpu.memory_space<hbm>> -> memref<512xf32, #tpu.memory_space<hbm>>
      tpu.enqueue_dma source(%dma_start3A_382 : memref<512xf32, #tpu.memory_space<hbm>>) target(%dma_start3A_380 : memref<512xf32, #tpu.memory_space<vmem>>) target_semaphore(%arg10 : memref<!tpu.dma_semaphore, #tpu.memory_space<semaphore_mem>>)
    } else {
    }
    %scan3A = arith.constant 0 : i32
    %scan3A_10 = arith.constant 0 : i32
    %scan3A_11 = arith.constant 31 : i32
    %scan3A_12 = arith.addi %scan3A_10, %scan3A_11 : i32
    %scan3A_13 = arith.constant 1 : i32
    scf.for %scan3A_30 = %scan3A_10 to %scan3A_12 step %scan3A_13  : i32 {
      %mul3A_31 = arith.constant 2 : i32
      %mul3A_32 = arith.muli %mul3A_31, %scan3A_30 : i32
      %add3A_33 = arith.constant 0 : i32
      %add3A_34 = arith.addi %mul3A_32, %add3A_33 : i32
      %mul3A_35 = arith.constant 32 : i32
      %mul3A_36 = arith.muli %mul3A_35, %add3A_34 : i32
      %add3A_37 = arith.addi %add3A, %mul3A_36 : i32
      %add3A_38 = arith.constant 64 : i32
      %add3A_39 = arith.addi %add3A_37, %add3A_38 : i32
      %lt3A_40 = arith.constant 1953 : i32
      %lt3A_41 = arith.cmpi slt, %add3A_37, %lt3A_40 : i32
      %convert_element_type3A_42 = arith.extui %lt3A_41 : i1 to i32
      %cond3A_43 = arith.constant 0 : i32
      %cond3A_44 = arith.cmpi ne, %convert_element_type3A_42, %cond3A_43 : i32
      scf.if %cond3A_44 {
        %dma_wait3A_59 = arith.constant 0 : i32
        %dma_wait3A_60 = arith.constant 0 : i32
        %dma_wait3A_61 = tpu.memref_slice %arg2[%dma_wait3A_59, %dma_wait3A_60] : memref<32x1000000xf32, #tpu.memory_space<hbm>> -> memref<1x16384xf32, #tpu.memory_space<hbm>>
        %dma_wait3A_62 = tpu.memref_squeeze %dma_wait3A_61 : memref<1x16384xf32, #tpu.memory_space<hbm>> -> memref<16384xf32, #tpu.memory_space<hbm>>
        %dma_wait3A_63 = arith.constant 0 : i32
        %dma_wait3A_64 = tpu.memref_slice %arg2[%dma_wait3A_59, %dma_wait3A_63] : memref<32x1000000xf32, #tpu.memory_space<hbm>> -> memref<1x16384xf32, #tpu.memory_space<hbm>>
        %dma_wait3A_65 = tpu.memref_squeeze %dma_wait3A_64 : memref<1x16384xf32, #tpu.memory_space<hbm>> -> memref<16384xf32, #tpu.memory_space<hbm>>
        tpu.wait_dma2 semaphore(%arg9 : memref<!tpu.dma_semaphore, #tpu.memory_space<semaphore_mem>>) src(%dma_wait3A_65 : memref<16384xf32, #tpu.memory_space<hbm>>) dst(%arg4 : memref<16384xf32, #tpu.memory_space<vmem>>)
        %ge3A = arith.constant 1 : i32
        %ge3A_66 = arith.cmpi sge, %scan3A_30, %ge3A : i32
        %convert_element_type3A_67 = arith.extui %ge3A_66 : i1 to i32
        %cond3A_68 = arith.constant 0 : i32
        %cond3A_69 = arith.cmpi ne, %convert_element_type3A_67, %cond3A_68 : i32
        scf.if %cond3A_69 {
          %dma_wait3A_91 = arith.constant 0 : i32
          %dma_wait3A_92 = arith.constant 0 : i32
          %dma_wait3A_93 = tpu.memref_slice %arg3[%dma_wait3A_91, %dma_wait3A_92] : memref<250000x128xf32, #tpu.memory_space<hbm>> -> memref<128x128xf32, #tpu.memory_space<hbm>>
          %dma_wait3A_94 = arith.constant 0 : i32
          %dma_wait3A_95 = arith.constant 0 : i32
          %dma_wait3A_96 = tpu.memref_slice %arg3[%dma_wait3A_94, %dma_wait3A_95] : memref<250000x128xf32, #tpu.memory_space<hbm>> -> memref<128x128xf32, #tpu.memory_space<hbm>>
          tpu.wait_dma2 semaphore(%arg11 : memref<!tpu.dma_semaphore, #tpu.memory_space<semaphore_mem>>) src(%arg6 : memref<128x128xf32, #tpu.memory_space<vmem>>) dst(%dma_wait3A_96 : memref<128x128xf32, #tpu.memory_space<hbm>>)
        } else {
        }
        %mul3A_70 = arith.constant 512 : i32
        %mul3A_71 = vector.broadcast %mul3A_70 : i32 to vector<16xi32>
        %mul3A_72 = arith.muli %iota3A, %mul3A_71 : vector<16xi32>
        %mul3A_73 = arith.constant 512 : i32
        %mul3A_74 = vector.broadcast %mul3A_73 : i32 to vector<16xi32>
        %mul3A_75 = arith.muli %iota3A, %mul3A_74 : vector<16xi32>
        %add3A_76 = arith.constant 8192 : i32
        %add3A_77 = vector.broadcast %add3A_76 : i32 to vector<16xi32>
        %add3A_78 = arith.addi %mul3A_75, %add3A_77 : vector<16xi32>
        %parallel_loop3A = arith.constant 0 : i32
        %parallel_loop3A_79 = arith.constant 128 : i32
        %parallel_loop3A_80 = arith.constant 1 : i32
        scf.for %parallel_loop3A_91 = %parallel_loop3A to %parallel_loop3A_79 step %parallel_loop3A_80  : i32 {
          %parallel_loop3A_92 = arith.constant 4 : i32
          %parallel_loop3A_93 = arith.muli %parallel_loop3A_91, %parallel_loop3A_92 : i32
          %parallel_loop3A_94 = arith.constant 0 : i32
          %parallel_loop3A_95 = vector.broadcast %parallel_loop3A_94 : i32 to vector<16xi32>
          %parallel_loop3A_96 = arith.constant 0 : i32
          %parallel_loop3A_97 = arith.addi %parallel_loop3A_93, %parallel_loop3A_96 : i32
          %parallel_loop3A_98 = vector.broadcast %parallel_loop3A_97 : i32 to vector<16xi32>
          %parallel_loop3A_99 = arith.addi %parallel_loop3A_95, %parallel_loop3A_98 : vector<16xi32>
          %parallel_loop3A_100 = arith.addi %mul3A_72, %parallel_loop3A_99 : vector<16xi32>
          %parallel_loop3A_101 = tpu.vector_load_idx %arg4[%parallel_loop3A_100] : memref<16384xf32, #tpu.memory_space<vmem>>[vector<16xi32>], vector<16xf32>,
          %parallel_loop3A_102 = arith.index_cast %parallel_loop3A_91 : i32 to index
          %parallel_loop3A_103 = arith.constant 0 : index
          %parallel_loop3A_104 = tpu.vector_load %arg6[%parallel_loop3A_102, %parallel_loop3A_103] {strides = array<i32>} : memref<128x128xf32, #tpu.memory_space<vmem>>, vector<16xf32>,
          tpu.vector_store %arg6[%parallel_loop3A_102, %parallel_loop3A_103], %parallel_loop3A_101 {strides = array<i32>} : memref<128x128xf32, #tpu.memory_space<vmem>>, vector<16xf32>,
          %parallel_loop3A_105 = arith.addi %add3A_78, %parallel_loop3A_99 : vector<16xi32>
          %parallel_loop3A_106 = tpu.vector_load_idx %arg4[%parallel_loop3A_105] : memref<16384xf32, #tpu.memory_space<vmem>>[vector<16xi32>], vector<16xf32>,
          %parallel_loop3A_107 = arith.index_cast %parallel_loop3A_91 : i32 to index
          %parallel_loop3A_108 = arith.constant 16 : index
          %parallel_loop3A_109 = tpu.vector_load %arg6[%parallel_loop3A_107, %parallel_loop3A_108] {strides = array<i32>} : memref<128x128xf32, #tpu.memory_space<vmem>>, vector<16xf32>,
          tpu.vector_store %arg6[%parallel_loop3A_107, %parallel_loop3A_108], %parallel_loop3A_106 {strides = array<i32>} : memref<128x128xf32, #tpu.memory_space<vmem>>, vector<16xf32>,
          %parallel_loop3A_110 = arith.constant 0 : i32
          %parallel_loop3A_111 = vector.broadcast %parallel_loop3A_110 : i32 to vector<16xi32>
          %parallel_loop3A_112 = arith.constant 1 : i32
          %parallel_loop3A_113 = arith.addi %parallel_loop3A_93, %parallel_loop3A_112 : i32
          %parallel_loop3A_114 = vector.broadcast %parallel_loop3A_113 : i32 to vector<16xi32>
          %parallel_loop3A_115 = arith.addi %parallel_loop3A_111, %parallel_loop3A_114 : vector<16xi32>
          %parallel_loop3A_116 = arith.addi %mul3A_72, %parallel_loop3A_115 : vector<16xi32>
          %parallel_loop3A_117 = tpu.vector_load_idx %arg4[%parallel_loop3A_116] : memref<16384xf32, #tpu.memory_space<vmem>>[vector<16xi32>], vector<16xf32>,
          %parallel_loop3A_118 = arith.index_cast %parallel_loop3A_91 : i32 to index
          %parallel_loop3A_119 = arith.constant 32 : index
          %parallel_loop3A_120 = tpu.vector_load %arg6[%parallel_loop3A_118, %parallel_loop3A_119] {strides = array<i32>} : memref<128x128xf32, #tpu.memory_space<vmem>>, vector<16xf32>,
          tpu.vector_store %arg6[%parallel_loop3A_118, %parallel_loop3A_119], %parallel_loop3A_117 {strides = array<i32>} : memref<128x128xf32, #tpu.memory_space<vmem>>, vector<16xf32>,
          %parallel_loop3A_121 = arith.addi %add3A_78, %parallel_loop3A_115 : vector<16xi32>
          %parallel_loop3A_122 = tpu.vector_load_idx %arg4[%parallel_loop3A_121] : memref<16384xf32, #tpu.memory_space<vmem>>[vector<16xi32>], vector<16xf32>,
          %parallel_loop3A_123 = arith.index_cast %parallel_loop3A_91 : i32 to index
          %parallel_loop3A_124 = arith.constant 48 : index
          %parallel_loop3A_125 = tpu.vector_load %arg6[%parallel_loop3A_123, %parallel_loop3A_124] {strides = array<i32>} : memref<128x128xf32, #tpu.memory_space<vmem>>, vector<16xf32>,
          tpu.vector_store %arg6[%parallel_loop3A_123, %parallel_loop3A_124], %parallel_loop3A_122 {strides = array<i32>} : memref<128x128xf32, #tpu.memory_space<vmem>>, vector<16xf32>,
          %parallel_loop3A_126 = arith.constant 0 : i32
          %parallel_loop3A_127 = vector.broadcast %parallel_loop3A_126 : i32 to vector<16xi32>
          %parallel_loop3A_128 = arith.constant 2 : i32
          %parallel_loop3A_129 = arith.addi %parallel_loop3A_93, %parallel_loop3A_128 : i32
          %parallel_loop3A_130 = vector.broadcast %parallel_loop3A_129 : i32 to vector<16xi32>
          %parallel_loop3A_131 = arith.addi %parallel_loop3A_127, %parallel_loop3A_130 : vector<16xi32>
          %parallel_loop3A_132 = arith.addi %mul3A_72, %parallel_loop3A_131 : vector<16xi32>
          %parallel_loop3A_133 = tpu.vector_load_idx %arg4[%parallel_loop3A_132] : memref<16384xf32, #tpu.memory_space<vmem>>[vector<16xi32>], vector<16xf32>,
          %parallel_loop3A_134 = arith.index_cast %parallel_loop3A_91 : i32 to index
          %parallel_loop3A_135 = arith.constant 64 : index
          %parallel_loop3A_136 = tpu.vector_load %arg6[%parallel_loop3A_134, %parallel_loop3A_135] {strides = array<i32>} : memref<128x128xf32, #tpu.memory_space<vmem>>, vector<16xf32>,
          tpu.vector_store %arg6[%parallel_loop3A_134, %parallel_loop3A_135], %parallel_loop3A_133 {strides = array<i32>} : memref<128x128xf32, #tpu.memory_space<vmem>>, vector<16xf32>,
          %parallel_loop3A_137 = arith.addi %add3A_78, %parallel_loop3A_131 : vector<16xi32>
          %parallel_loop3A_138 = tpu.vector_load_idx %arg4[%parallel_loop3A_137] : memref<16384xf32, #tpu.memory_space<vmem>>[vector<16xi32>], vector<16xf32>,
          %parallel_loop3A_139 = arith.index_cast %parallel_loop3A_91 : i32 to index
          %parallel_loop3A_140 = arith.constant 80 : index
          %parallel_loop3A_141 = tpu.vector_load %arg6[%parallel_loop3A_139, %parallel_loop3A_140] {strides = array<i32>} : memref<128x128xf32, #tpu.memory_space<vmem>>, vector<16xf32>,
          tpu.vector_store %arg6[%parallel_loop3A_139, %parallel_loop3A_140], %parallel_loop3A_138 {strides = array<i32>} : memref<128x128xf32, #tpu.memory_space<vmem>>, vector<16xf32>,
          %parallel_loop3A_142 = arith.constant 0 : i32
          %parallel_loop3A_143 = vector.broadcast %parallel_loop3A_142 : i32 to vector<16xi32>
          %parallel_loop3A_144 = arith.constant 3 : i32
          %parallel_loop3A_145 = arith.addi %parallel_loop3A_93, %parallel_loop3A_144 : i32
          %parallel_loop3A_146 = vector.broadcast %parallel_loop3A_145 : i32 to vector<16xi32>
          %parallel_loop3A_147 = arith.addi %parallel_loop3A_143, %parallel_loop3A_146 : vector<16xi32>
          %parallel_loop3A_148 = arith.addi %mul3A_72, %parallel_loop3A_147 : vector<16xi32>
          %parallel_loop3A_149 = tpu.vector_load_idx %arg4[%parallel_loop3A_148] : memref<16384xf32, #tpu.memory_space<vmem>>[vector<16xi32>], vector<16xf32>,
          %parallel_loop3A_150 = arith.index_cast %parallel_loop3A_91 : i32 to index
          %parallel_loop3A_151 = arith.constant 96 : index
          %parallel_loop3A_152 = tpu.vector_load %arg6[%parallel_loop3A_150, %parallel_loop3A_151] {strides = array<i32>} : memref<128x128xf32, #tpu.memory_space<vmem>>, vector<16xf32>,
          tpu.vector_store %arg6[%parallel_loop3A_150, %parallel_loop3A_151], %parallel_loop3A_149 {strides = array<i32>} : memref<128x128xf32, #tpu.memory_space<vmem>>, vector<16xf32>,
          %parallel_loop3A_153 = arith.addi %add3A_78, %parallel_loop3A_147 : vector<16xi32>
          %parallel_loop3A_154 = tpu.vector_load_idx %arg4[%parallel_loop3A_153] : memref<16384xf32, #tpu.memory_space<vmem>>[vector<16xi32>], vector<16xf32>,
          %parallel_loop3A_155 = arith.index_cast %parallel_loop3A_91 : i32 to index
          %parallel_loop3A_156 = arith.constant 112 : index
          %parallel_loop3A_157 = tpu.vector_load %arg6[%parallel_loop3A_155, %parallel_loop3A_156] {strides = array<i32>} : memref<128x128xf32, #tpu.memory_space<vmem>>, vector<16xf32>,
          tpu.vector_store %arg6[%parallel_loop3A_155, %parallel_loop3A_156], %parallel_loop3A_154 {strides = array<i32>} : memref<128x128xf32, #tpu.memory_space<vmem>>, vector<16xf32>,
        } {sc.loop_unroll_factor = 4 : i64, sc.parallel_access}
        %mul3A_81 = arith.constant 128 : i32
        %mul3A_82 = arith.muli %add3A_37, %mul3A_81 : i32
        %dma_start3A = arith.constant 0 : i32
        %dma_start3A_83 = tpu.memref_slice %arg3[%mul3A_82, %dma_start3A] : memref<250000x128xf32, #tpu.memory_space<hbm>> -> memref<128x128xf32, #tpu.memory_space<hbm>>
        %dma_start3A_84 = arith.constant 0 : i32
        %dma_start3A_85 = tpu.memref_slice %arg3[%mul3A_82, %dma_start3A_84] : memref<250000x128xf32, #tpu.memory_space<hbm>> -> memref<128x128xf32, #tpu.memory_space<hbm>>
        tpu.enqueue_dma source(%arg6 : memref<128x128xf32, #tpu.memory_space<vmem>>) target(%dma_start3A_85 : memref<128x128xf32, #tpu.memory_space<hbm>>) target_semaphore(%arg11 : memref<!tpu.dma_semaphore, #tpu.memory_space<semaphore_mem>>)
        %lt3A_86 = arith.constant 1953 : i32
        %lt3A_87 = arith.cmpi slt, %add3A_39, %lt3A_86 : i32
        %convert_element_type3A_88 = arith.extui %lt3A_87 : i1 to i32
        %cond3A_89 = arith.constant 0 : i32
        %cond3A_90 = arith.cmpi ne, %convert_element_type3A_88, %cond3A_89 : i32
        scf.if %cond3A_90 {
          %mul3A_91 = arith.constant 512 : i32
          %mul3A_92 = arith.muli %add3A_39, %mul3A_91 : i32
          %dma_start3A_93 = arith.constant 0 : i32
          %dma_start3A_94 = arith.constant 0 : i32
          %dma_start3A_95 = tpu.memref_slice %arg4[%dma_start3A_94] : memref<16384xf32, #tpu.memory_space<vmem>> -> memref<512xf32, #tpu.memory_space<vmem>>
          %dma_start3A_96 = tpu.memref_slice %arg2[%dma_start3A_93, %mul3A_92] : memref<32x1000000xf32, #tpu.memory_space<hbm>> -> memref<1x512xf32, #tpu.memory_space<hbm>>
          %dma_start3A_97 = tpu.memref_squeeze %dma_start3A_96 : memref<1x512xf32, #tpu.memory_space<hbm>> -> memref<512xf32, #tpu.memory_space<hbm>>
          %dma_start3A_98 = arith.constant 0 : i32
          %dma_start3A_99 = tpu.memref_slice %arg4[%dma_start3A_98] : memref<16384xf32, #tpu.memory_space<vmem>> -> memref<512xf32, #tpu.memory_space<vmem>>
          %dma_start3A_100 = tpu.memref_slice %arg2[%dma_start3A_93, %mul3A_92] : memref<32x1000000xf32, #tpu.memory_space<hbm>> -> memref<1x512xf32, #tpu.memory_space<hbm>>
          %dma_start3A_101 = tpu.memref_squeeze %dma_start3A_100 : memref<1x512xf32, #tpu.memory_space<hbm>> -> memref<512xf32, #tpu.memory_space<hbm>>
          tpu.enqueue_dma source(%dma_start3A_101 : memref<512xf32, #tpu.memory_space<hbm>>) target(%dma_start3A_99 : memref<512xf32, #tpu.memory_space<vmem>>) target_semaphore(%arg9 : memref<!tpu.dma_semaphore, #tpu.memory_space<semaphore_mem>>)
          %mul3A_102 = arith.constant 512 : i32
          %mul3A_103 = arith.muli %add3A_39, %mul3A_102 : i32
          %dma_start3A_104 = arith.constant 1 : i32
          %dma_start3A_105 = arith.constant 512 : i32
          %dma_start3A_106 = tpu.memref_slice %arg4[%dma_start3A_105] : memref<16384xf32, #tpu.memory_space<vmem>> -> memref<512xf32, #tpu.memory_space<vmem>>
          %dma_start3A_107 = tpu.memref_slice %arg2[%dma_start3A_104, %mul3A_103] : memref<32x1000000xf32, #tpu.memory_space<hbm>> -> memref<1x512xf32, #tpu.memory_space<hbm>>
          %dma_start3A_108 = tpu.memref_squeeze %dma_start3A_107 : memref<1x512xf32, #tpu.memory_space<hbm>> -> memref<512xf32, #tpu.memory_space<hbm>>
          %dma_start3A_109 = arith.constant 512 : i32
          %dma_start3A_110 = tpu.memref_slice %arg4[%dma_start3A_109] : memref<16384xf32, #tpu.memory_space<vmem>> -> memref<512xf32, #tpu.memory_space<vmem>>
          %dma_start3A_111 = tpu.memref_slice %arg2[%dma_start3A_104, %mul3A_103] : memref<32x1000000xf32, #tpu.memory_space<hbm>> -> memref<1x512xf32, #tpu.memory_space<hbm>>
          %dma_start3A_112 = tpu.memref_squeeze %dma_start3A_111 : memref<1x512xf32, #tpu.memory_space<hbm>> -> memref<512xf32, #tpu.memory_space<hbm>>
          tpu.enqueue_dma source(%dma_start3A_112 : memref<512xf32, #tpu.memory_space<hbm>>) target(%dma_start3A_110 : memref<512xf32, #tpu.memory_space<vmem>>) target_semaphore(%arg9 : memref<!tpu.dma_semaphore, #tpu.memory_space<semaphore_mem>>)
          %mul3A_113 = arith.constant 512 : i32
          %mul3A_114 = arith.muli %add3A_39, %mul3A_113 : i32
          %dma_start3A_115 = arith.constant 2 : i32
          %dma_start3A_116 = arith.constant 1024 : i32
          %dma_start3A_117 = tpu.memref_slice %arg4[%dma_start3A_116] : memref<16384xf32, #tpu.memory_space<vmem>> -> memref<512xf32, #tpu.memory_space<vmem>>
          %dma_start3A_118 = tpu.memref_slice %arg2[%dma_start3A_115, %mul3A_114] : memref<32x1000000xf32, #tpu.memory_space<hbm>> -> memref<1x512xf32, #tpu.memory_space<hbm>>
          %dma_start3A_119 = tpu.memref_squeeze %dma_start3A_118 : memref<1x512xf32, #tpu.memory_space<hbm>> -> memref<512xf32, #tpu.memory_space<hbm>>
          %dma_start3A_120 = arith.constant 1024 : i32
          %dma_start3A_121 = tpu.memref_slice %arg4[%dma_start3A_120] : memref<16384xf32, #tpu.memory_space<vmem>> -> memref<512xf32, #tpu.memory_space<vmem>>
          %dma_start3A_122 = tpu.memref_slice %arg2[%dma_start3A_115, %mul3A_114] : memref<32x1000000xf32, #tpu.memory_space<hbm>> -> memref<1x512xf32, #tpu.memory_space<hbm>>
          %dma_start3A_123 = tpu.memref_squeeze %dma_start3A_122 : memref<1x512xf32, #tpu.memory_space<hbm>> -> memref<512xf32, #tpu.memory_space<hbm>>
          tpu.enqueue_dma source(%dma_start3A_123 : memref<512xf32, #tpu.memory_space<hbm>>) target(%dma_start3A_121 : memref<512xf32, #tpu.memory_space<vmem>>) target_semaphore(%arg9 : memref<!tpu.dma_semaphore, #tpu.memory_space<semaphore_mem>>)
          %mul3A_124 = arith.constant 512 : i32
          %mul3A_125 = arith.muli %add3A_39, %mul3A_124 : i32
          %dma_start3A_126 = arith.constant 3 : i32
          %dma_start3A_127 = arith.constant 1536 : i32
          %dma_start3A_128 = tpu.memref_slice %arg4[%dma_start3A_127] : memref<16384xf32, #tpu.memory_space<vmem>> -> memref<512xf32, #tpu.memory_space<vmem>>
          %dma_start3A_129 = tpu.memref_slice %arg2[%dma_start3A_126, %mul3A_125] : memref<32x1000000xf32, #tpu.memory_space<hbm>> -> memref<1x512xf32, #tpu.memory_space<hbm>>
          %dma_start3A_130 = tpu.memref_squeeze %dma_start3A_129 : memref<1x512xf32, #tpu.memory_space<hbm>> -> memref<512xf32, #tpu.memory_space<hbm>>
          %dma_start3A_131 = arith.constant 1536 : i32
          %dma_start3A_132 = tpu.memref_slice %arg4[%dma_start3A_131] : memref<16384xf32, #tpu.memory_space<vmem>> -> memref<512xf32, #tpu.memory_space<vmem>>
          %dma_start3A_133 = tpu.memref_slice %arg2[%dma_start3A_126, %mul3A_125] : memref<32x1000000xf32, #tpu.memory_space<hbm>> -> memref<1x512xf32, #tpu.memory_space<hbm>>
          %dma_start3A_134 = tpu.memref_squeeze %dma_start3A_133 : memref<1x512xf32, #tpu.memory_space<hbm>> -> memref<512xf32, #tpu.memory_space<hbm>>
          tpu.enqueue_dma source(%dma_start3A_134 : memref<512xf32, #tpu.memory_space<hbm>>) target(%dma_start3A_132 : memref<512xf32, #tpu.memory_space<vmem>>) target_semaphore(%arg9 : memref<!tpu.dma_semaphore, #tpu.memory_space<semaphore_mem>>)
          %mul3A_135 = arith.constant 512 : i32
          %mul3A_136 = arith.muli %add3A_39, %mul3A_135 : i32
          %dma_start3A_137 = arith.constant 4 : i32
          %dma_start3A_138 = arith.constant 2048 : i32
          %dma_start3A_139 = tpu.memref_slice %arg4[%dma_start3A_138] : memref<16384xf32, #tpu.memory_space<vmem>> -> memref<512xf32, #tpu.memory_space<vmem>>
          %dma_start3A_140 = tpu.memref_slice %arg2[%dma_start3A_137, %mul3A_136] : memref<32x1000000xf32, #tpu.memory_space<hbm>> -> memref<1x512xf32, #tpu.memory_space<hbm>>
          %dma_start3A_141 = tpu.memref_squeeze %dma_start3A_140 : memref<1x512xf32, #tpu.memory_space<hbm>> -> memref<512xf32, #tpu.memory_space<hbm>>
          %dma_start3A_142 = arith.constant 2048 : i32
          %dma_start3A_143 = tpu.memref_slice %arg4[%dma_start3A_142] : memref<16384xf32, #tpu.memory_space<vmem>> -> memref<512xf32, #tpu.memory_space<vmem>>
          %dma_start3A_144 = tpu.memref_slice %arg2[%dma_start3A_137, %mul3A_136] : memref<32x1000000xf32, #tpu.memory_space<hbm>> -> memref<1x512xf32, #tpu.memory_space<hbm>>
          %dma_start3A_145 = tpu.memref_squeeze %dma_start3A_144 : memref<1x512xf32, #tpu.memory_space<hbm>> -> memref<512xf32, #tpu.memory_space<hbm>>
          tpu.enqueue_dma source(%dma_start3A_145 : memref<512xf32, #tpu.memory_space<hbm>>) target(%dma_start3A_143 : memref<512xf32, #tpu.memory_space<vmem>>) target_semaphore(%arg9 : memref<!tpu.dma_semaphore, #tpu.memory_space<semaphore_mem>>)
          %mul3A_146 = arith.constant 512 : i32
          %mul3A_147 = arith.muli %add3A_39, %mul3A_146 : i32
          %dma_start3A_148 = arith.constant 5 : i32
          %dma_start3A_149 = arith.constant 2560 : i32
          %dma_start3A_150 = tpu.memref_slice %arg4[%dma_start3A_149] : memref<16384xf32, #tpu.memory_space<vmem>> -> memref<512xf32, #tpu.memory_space<vmem>>
          %dma_start3A_151 = tpu.memref_slice %arg2[%dma_start3A_148, %mul3A_147] : memref<32x1000000xf32, #tpu.memory_space<hbm>> -> memref<1x512xf32, #tpu.memory_space<hbm>>
          %dma_start3A_152 = tpu.memref_squeeze %dma_start3A_151 : memref<1x512xf32, #tpu.memory_space<hbm>> -> memref<512xf32, #tpu.memory_space<hbm>>
          %dma_start3A_153 = arith.constant 2560 : i32
          %dma_start3A_154 = tpu.memref_slice %arg4[%dma_start3A_153] : memref<16384xf32, #tpu.memory_space<vmem>> -> memref<512xf32, #tpu.memory_space<vmem>>
          %dma_start3A_155 = tpu.memref_slice %arg2[%dma_start3A_148, %mul3A_147] : memref<32x1000000xf32, #tpu.memory_space<hbm>> -> memref<1x512xf32, #tpu.memory_space<hbm>>
          %dma_start3A_156 = tpu.memref_squeeze %dma_start3A_155 : memref<1x512xf32, #tpu.memory_space<hbm>> -> memref<512xf32, #tpu.memory_space<hbm>>
          tpu.enqueue_dma source(%dma_start3A_156 : memref<512xf32, #tpu.memory_space<hbm>>) target(%dma_start3A_154 : memref<512xf32, #tpu.memory_space<vmem>>) target_semaphore(%arg9 : memref<!tpu.dma_semaphore, #tpu.memory_space<semaphore_mem>>)
          %mul3A_157 = arith.constant 512 : i32
          %mul3A_158 = arith.muli %add3A_39, %mul3A_157 : i32
          %dma_start3A_159 = arith.constant 6 : i32
          %dma_start3A_160 = arith.constant 3072 : i32
          %dma_start3A_161 = tpu.memref_slice %arg4[%dma_start3A_160] : memref<16384xf32, #tpu.memory_space<vmem>> -> memref<512xf32, #tpu.memory_space<vmem>>
          %dma_start3A_162 = tpu.memref_slice %arg2[%dma_start3A_159, %mul3A_158] : memref<32x1000000xf32, #tpu.memory_space<hbm>> -> memref<1x512xf32, #tpu.memory_space<hbm>>
          %dma_start3A_163 = tpu.memref_squeeze %dma_start3A_162 : memref<1x512xf32, #tpu.memory_space<hbm>> -> memref<512xf32, #tpu.memory_space<hbm>>
          %dma_start3A_164 = arith.constant 3072 : i32
          %dma_start3A_165 = tpu.memref_slice %arg4[%dma_start3A_164] : memref<16384xf32, #tpu.memory_space<vmem>> -> memref<512xf32, #tpu.memory_space<vmem>>
          %dma_start3A_166 = tpu.memref_slice %arg2[%dma_start3A_159, %mul3A_158] : memref<32x1000000xf32, #tpu.memory_space<hbm>> -> memref<1x512xf32, #tpu.memory_space<hbm>>
          %dma_start3A_167 = tpu.memref_squeeze %dma_start3A_166 : memref<1x512xf32, #tpu.memory_space<hbm>> -> memref<512xf32, #tpu.memory_space<hbm>>
          tpu.enqueue_dma source(%dma_start3A_167 : memref<512xf32, #tpu.memory_space<hbm>>) target(%dma_start3A_165 : memref<512xf32, #tpu.memory_space<vmem>>) target_semaphore(%arg9 : memref<!tpu.dma_semaphore, #tpu.memory_space<semaphore_mem>>)
          %mul3A_168 = arith.constant 512 : i32
          %mul3A_169 = arith.muli %add3A_39, %mul3A_168 : i32
          %dma_start3A_170 = arith.constant 7 : i32
          %dma_start3A_171 = arith.constant 3584 : i32
          %dma_start3A_172 = tpu.memref_slice %arg4[%dma_start3A_171] : memref<16384xf32, #tpu.memory_space<vmem>> -> memref<512xf32, #tpu.memory_space<vmem>>
          %dma_start3A_173 = tpu.memref_slice %arg2[%dma_start3A_170, %mul3A_169] : memref<32x1000000xf32, #tpu.memory_space<hbm>> -> memref<1x512xf32, #tpu.memory_space<hbm>>
          %dma_start3A_174 = tpu.memref_squeeze %dma_start3A_173 : memref<1x512xf32, #tpu.memory_space<hbm>> -> memref<512xf32, #tpu.memory_space<hbm>>
          %dma_start3A_175 = arith.constant 3584 : i32
          %dma_start3A_176 = tpu.memref_slice %arg4[%dma_start3A_175] : memref<16384xf32, #tpu.memory_space<vmem>> -> memref<512xf32, #tpu.memory_space<vmem>>
          %dma_start3A_177 = tpu.memref_slice %arg2[%dma_start3A_170, %mul3A_169] : memref<32x1000000xf32, #tpu.memory_space<hbm>> -> memref<1x512xf32, #tpu.memory_space<hbm>>
          %dma_start3A_178 = tpu.memref_squeeze %dma_start3A_177 : memref<1x512xf32, #tpu.memory_space<hbm>> -> memref<512xf32, #tpu.memory_space<hbm>>
          tpu.enqueue_dma source(%dma_start3A_178 : memref<512xf32, #tpu.memory_space<hbm>>) target(%dma_start3A_176 : memref<512xf32, #tpu.memory_space<vmem>>) target_semaphore(%arg9 : memref<!tpu.dma_semaphore, #tpu.memory_space<semaphore_mem>>)
          %mul3A_179 = arith.constant 512 : i32
          %mul3A_180 = arith.muli %add3A_39, %mul3A_179 : i32
          %dma_start3A_181 = arith.constant 8 : i32
          %dma_start3A_182 = arith.constant 4096 : i32
          %dma_start3A_183 = tpu.memref_slice %arg4[%dma_start3A_182] : memref<16384xf32, #tpu.memory_space<vmem>> -> memref<512xf32, #tpu.memory_space<vmem>>
          %dma_start3A_184 = tpu.memref_slice %arg2[%dma_start3A_181, %mul3A_180] : memref<32x1000000xf32, #tpu.memory_space<hbm>> -> memref<1x512xf32, #tpu.memory_space<hbm>>
          %dma_start3A_185 = tpu.memref_squeeze %dma_start3A_184 : memref<1x512xf32, #tpu.memory_space<hbm>> -> memref<512xf32, #tpu.memory_space<hbm>>
          %dma_start3A_186 = arith.constant 4096 : i32
          %dma_start3A_187 = tpu.memref_slice %arg4[%dma_start3A_186] : memref<16384xf32, #tpu.memory_space<vmem>> -> memref<512xf32, #tpu.memory_space<vmem>>
          %dma_start3A_188 = tpu.memref_slice %arg2[%dma_start3A_181, %mul3A_180] : memref<32x1000000xf32, #tpu.memory_space<hbm>> -> memref<1x512xf32, #tpu.memory_space<hbm>>
          %dma_start3A_189 = tpu.memref_squeeze %dma_start3A_188 : memref<1x512xf32, #tpu.memory_space<hbm>> -> memref<512xf32, #tpu.memory_space<hbm>>
          tpu.enqueue_dma source(%dma_start3A_189 : memref<512xf32, #tpu.memory_space<hbm>>) target(%dma_start3A_187 : memref<512xf32, #tpu.memory_space<vmem>>) target_semaphore(%arg9 : memref<!tpu.dma_semaphore, #tpu.memory_space<semaphore_mem>>)
          %mul3A_190 = arith.constant 512 : i32
          %mul3A_191 = arith.muli %add3A_39, %mul3A_190 : i32
          %dma_start3A_192 = arith.constant 9 : i32
          %dma_start3A_193 = arith.constant 4608 : i32
          %dma_start3A_194 = tpu.memref_slice %arg4[%dma_start3A_193] : memref<16384xf32, #tpu.memory_space<vmem>> -> memref<512xf32, #tpu.memory_space<vmem>>
          %dma_start3A_195 = tpu.memref_slice %arg2[%dma_start3A_192, %mul3A_191] : memref<32x1000000xf32, #tpu.memory_space<hbm>> -> memref<1x512xf32, #tpu.memory_space<hbm>>
          %dma_start3A_196 = tpu.memref_squeeze %dma_start3A_195 : memref<1x512xf32, #tpu.memory_space<hbm>> -> memref<512xf32, #tpu.memory_space<hbm>>
          %dma_start3A_197 = arith.constant 4608 : i32
          %dma_start3A_198 = tpu.memref_slice %arg4[%dma_start3A_197] : memref<16384xf32, #tpu.memory_space<vmem>> -> memref<512xf32, #tpu.memory_space<vmem>>
          %dma_start3A_199 = tpu.memref_slice %arg2[%dma_start3A_192, %mul3A_191] : memref<32x1000000xf32, #tpu.memory_space<hbm>> -> memref<1x512xf32, #tpu.memory_space<hbm>>
          %dma_start3A_200 = tpu.memref_squeeze %dma_start3A_199 : memref<1x512xf32, #tpu.memory_space<hbm>> -> memref<512xf32, #tpu.memory_space<hbm>>
          tpu.enqueue_dma source(%dma_start3A_200 : memref<512xf32, #tpu.memory_space<hbm>>) target(%dma_start3A_198 : memref<512xf32, #tpu.memory_space<vmem>>) target_semaphore(%arg9 : memref<!tpu.dma_semaphore, #tpu.memory_space<semaphore_mem>>)
          %mul3A_201 = arith.constant 512 : i32
          %mul3A_202 = arith.muli %add3A_39, %mul3A_201 : i32
          %dma_start3A_203 = arith.constant 10 : i32
          %dma_start3A_204 = arith.constant 5120 : i32
          %dma_start3A_205 = tpu.memref_slice %arg4[%dma_start3A_204] : memref<16384xf32, #tpu.memory_space<vmem>> -> memref<512xf32, #tpu.memory_space<vmem>>
          %dma_start3A_206 = tpu.memref_slice %arg2[%dma_start3A_203, %mul3A_202] : memref<32x1000000xf32, #tpu.memory_space<hbm>> -> memref<1x512xf32, #tpu.memory_space<hbm>>
          %dma_start3A_207 = tpu.memref_squeeze %dma_start3A_206 : memref<1x512xf32, #tpu.memory_space<hbm>> -> memref<512xf32, #tpu.memory_space<hbm>>
          %dma_start3A_208 = arith.constant 5120 : i32
          %dma_start3A_209 = tpu.memref_slice %arg4[%dma_start3A_208] : memref<16384xf32, #tpu.memory_space<vmem>> -> memref<512xf32, #tpu.memory_space<vmem>>
          %dma_start3A_210 = tpu.memref_slice %arg2[%dma_start3A_203, %mul3A_202] : memref<32x1000000xf32, #tpu.memory_space<hbm>> -> memref<1x512xf32, #tpu.memory_space<hbm>>
          %dma_start3A_211 = tpu.memref_squeeze %dma_start3A_210 : memref<1x512xf32, #tpu.memory_space<hbm>> -> memref<512xf32, #tpu.memory_space<hbm>>
          tpu.enqueue_dma source(%dma_start3A_211 : memref<512xf32, #tpu.memory_space<hbm>>) target(%dma_start3A_209 : memref<512xf32, #tpu.memory_space<vmem>>) target_semaphore(%arg9 : memref<!tpu.dma_semaphore, #tpu.memory_space<semaphore_mem>>)
          %mul3A_212 = arith.constant 512 : i32
          %mul3A_213 = arith.muli %add3A_39, %mul3A_212 : i32
          %dma_start3A_214 = arith.constant 11 : i32
          %dma_start3A_215 = arith.constant 5632 : i32
          %dma_start3A_216 = tpu.memref_slice %arg4[%dma_start3A_215] : memref<16384xf32, #tpu.memory_space<vmem>> -> memref<512xf32, #tpu.memory_space<vmem>>
          %dma_start3A_217 = tpu.memref_slice %arg2[%dma_start3A_214, %mul3A_213] : memref<32x1000000xf32, #tpu.memory_space<hbm>> -> memref<1x512xf32, #tpu.memory_space<hbm>>
          %dma_start3A_218 = tpu.memref_squeeze %dma_start3A_217 : memref<1x512xf32, #tpu.memory_space<hbm>> -> memref<512xf32, #tpu.memory_space<hbm>>
          %dma_start3A_219 = arith.constant 5632 : i32
          %dma_start3A_220 = tpu.memref_slice %arg4[%dma_start3A_219] : memref<16384xf32, #tpu.memory_space<vmem>> -> memref<512xf32, #tpu.memory_space<vmem>>
          %dma_start3A_221 = tpu.memref_slice %arg2[%dma_start3A_214, %mul3A_213] : memref<32x1000000xf32, #tpu.memory_space<hbm>> -> memref<1x512xf32, #tpu.memory_space<hbm>>
          %dma_start3A_222 = tpu.memref_squeeze %dma_start3A_221 : memref<1x512xf32, #tpu.memory_space<hbm>> -> memref<512xf32, #tpu.memory_space<hbm>>
          tpu.enqueue_dma source(%dma_start3A_222 : memref<512xf32, #tpu.memory_space<hbm>>) target(%dma_start3A_220 : memref<512xf32, #tpu.memory_space<vmem>>) target_semaphore(%arg9 : memref<!tpu.dma_semaphore, #tpu.memory_space<semaphore_mem>>)
          %mul3A_223 = arith.constant 512 : i32
          %mul3A_224 = arith.muli %add3A_39, %mul3A_223 : i32
          %dma_start3A_225 = arith.constant 12 : i32
          %dma_start3A_226 = arith.constant 6144 : i32
          %dma_start3A_227 = tpu.memref_slice %arg4[%dma_start3A_226] : memref<16384xf32, #tpu.memory_space<vmem>> -> memref<512xf32, #tpu.memory_space<vmem>>
          %dma_start3A_228 = tpu.memref_slice %arg2[%dma_start3A_225, %mul3A_224] : memref<32x1000000xf32, #tpu.memory_space<hbm>> -> memref<1x512xf32, #tpu.memory_space<hbm>>
          %dma_start3A_229 = tpu.memref_squeeze %dma_start3A_228 : memref<1x512xf32, #tpu.memory_space<hbm>> -> memref<512xf32, #tpu.memory_space<hbm>>
          %dma_start3A_230 = arith.constant 6144 : i32
          %dma_start3A_231 = tpu.memref_slice %arg4[%dma_start3A_230] : memref<16384xf32, #tpu.memory_space<vmem>> -> memref<512xf32, #tpu.memory_space<vmem>>
          %dma_start3A_232 = tpu.memref_slice %arg2[%dma_start3A_225, %mul3A_224] : memref<32x1000000xf32, #tpu.memory_space<hbm>> -> memref<1x512xf32, #tpu.memory_space<hbm>>
          %dma_start3A_233 = tpu.memref_squeeze %dma_start3A_232 : memref<1x512xf32, #tpu.memory_space<hbm>> -> memref<512xf32, #tpu.memory_space<hbm>>
          tpu.enqueue_dma source(%dma_start3A_233 : memref<512xf32, #tpu.memory_space<hbm>>) target(%dma_start3A_231 : memref<512xf32, #tpu.memory_space<vmem>>) target_semaphore(%arg9 : memref<!tpu.dma_semaphore, #tpu.memory_space<semaphore_mem>>)
          %mul3A_234 = arith.constant 512 : i32
          %mul3A_235 = arith.muli %add3A_39, %mul3A_234 : i32
          %dma_start3A_236 = arith.constant 13 : i32
          %dma_start3A_237 = arith.constant 6656 : i32
          %dma_start3A_238 = tpu.memref_slice %arg4[%dma_start3A_237] : memref<16384xf32, #tpu.memory_space<vmem>> -> memref<512xf32, #tpu.memory_space<vmem>>
          %dma_start3A_239 = tpu.memref_slice %arg2[%dma_start3A_236, %mul3A_235] : memref<32x1000000xf32, #tpu.memory_space<hbm>> -> memref<1x512xf32, #tpu.memory_space<hbm>>
          %dma_start3A_240 = tpu.memref_squeeze %dma_start3A_239 : memref<1x512xf32, #tpu.memory_space<hbm>> -> memref<512xf32, #tpu.memory_space<hbm>>
          %dma_start3A_241 = arith.constant 6656 : i32
          %dma_start3A_242 = tpu.memref_slice %arg4[%dma_start3A_241] : memref<16384xf32, #tpu.memory_space<vmem>> -> memref<512xf32, #tpu.memory_space<vmem>>
          %dma_start3A_243 = tpu.memref_slice %arg2[%dma_start3A_236, %mul3A_235] : memref<32x1000000xf32, #tpu.memory_space<hbm>> -> memref<1x512xf32, #tpu.memory_space<hbm>>
          %dma_start3A_244 = tpu.memref_squeeze %dma_start3A_243 : memref<1x512xf32, #tpu.memory_space<hbm>> -> memref<512xf32, #tpu.memory_space<hbm>>
          tpu.enqueue_dma source(%dma_start3A_244 : memref<512xf32, #tpu.memory_space<hbm>>) target(%dma_start3A_242 : memref<512xf32, #tpu.memory_space<vmem>>) target_semaphore(%arg9 : memref<!tpu.dma_semaphore, #tpu.memory_space<semaphore_mem>>)
          %mul3A_245 = arith.constant 512 : i32
          %mul3A_246 = arith.muli %add3A_39, %mul3A_245 : i32
          %dma_start3A_247 = arith.constant 14 : i32
          %dma_start3A_248 = arith.constant 7168 : i32
          %dma_start3A_249 = tpu.memref_slice %arg4[%dma_start3A_248] : memref<16384xf32, #tpu.memory_space<vmem>> -> memref<512xf32, #tpu.memory_space<vmem>>
          %dma_start3A_250 = tpu.memref_slice %arg2[%dma_start3A_247, %mul3A_246] : memref<32x1000000xf32, #tpu.memory_space<hbm>> -> memref<1x512xf32, #tpu.memory_space<hbm>>
          %dma_start3A_251 = tpu.memref_squeeze %dma_start3A_250 : memref<1x512xf32, #tpu.memory_space<hbm>> -> memref<512xf32, #tpu.memory_space<hbm>>
          %dma_start3A_252 = arith.constant 7168 : i32
          %dma_start3A_253 = tpu.memref_slice %arg4[%dma_start3A_252] : memref<16384xf32, #tpu.memory_space<vmem>> -> memref<512xf32, #tpu.memory_space<vmem>>
          %dma_start3A_254 = tpu.memref_slice %arg2[%dma_start3A_247, %mul3A_246] : memref<32x1000000xf32, #tpu.memory_space<hbm>> -> memref<1x512xf32, #tpu.memory_space<hbm>>
          %dma_start3A_255 = tpu.memref_squeeze %dma_start3A_254 : memref<1x512xf32, #tpu.memory_space<hbm>> -> memref<512xf32, #tpu.memory_space<hbm>>
          tpu.enqueue_dma source(%dma_start3A_255 : memref<512xf32, #tpu.memory_space<hbm>>) target(%dma_start3A_253 : memref<512xf32, #tpu.memory_space<vmem>>) target_semaphore(%arg9 : memref<!tpu.dma_semaphore, #tpu.memory_space<semaphore_mem>>)
          %mul3A_256 = arith.constant 512 : i32
          %mul3A_257 = arith.muli %add3A_39, %mul3A_256 : i32
          %dma_start3A_258 = arith.constant 15 : i32
          %dma_start3A_259 = arith.constant 7680 : i32
          %dma_start3A_260 = tpu.memref_slice %arg4[%dma_start3A_259] : memref<16384xf32, #tpu.memory_space<vmem>> -> memref<512xf32, #tpu.memory_space<vmem>>
          %dma_start3A_261 = tpu.memref_slice %arg2[%dma_start3A_258, %mul3A_257] : memref<32x1000000xf32, #tpu.memory_space<hbm>> -> memref<1x512xf32, #tpu.memory_space<hbm>>
          %dma_start3A_262 = tpu.memref_squeeze %dma_start3A_261 : memref<1x512xf32, #tpu.memory_space<hbm>> -> memref<512xf32, #tpu.memory_space<hbm>>
          %dma_start3A_263 = arith.constant 7680 : i32
          %dma_start3A_264 = tpu.memref_slice %arg4[%dma_start3A_263] : memref<16384xf32, #tpu.memory_space<vmem>> -> memref<512xf32, #tpu.memory_space<vmem>>
          %dma_start3A_265 = tpu.memref_slice %arg2[%dma_start3A_258, %mul3A_257] : memref<32x1000000xf32, #tpu.memory_space<hbm>> -> memref<1x512xf32, #tpu.memory_space<hbm>>
          %dma_start3A_266 = tpu.memref_squeeze %dma_start3A_265 : memref<1x512xf32, #tpu.memory_space<hbm>> -> memref<512xf32, #tpu.memory_space<hbm>>
          tpu.enqueue_dma source(%dma_start3A_266 : memref<512xf32, #tpu.memory_space<hbm>>) target(%dma_start3A_264 : memref<512xf32, #tpu.memory_space<vmem>>) target_semaphore(%arg9 : memref<!tpu.dma_semaphore, #tpu.memory_space<semaphore_mem>>)
          %mul3A_267 = arith.constant 512 : i32
          %mul3A_268 = arith.muli %add3A_39, %mul3A_267 : i32
          %dma_start3A_269 = arith.constant 16 : i32
          %dma_start3A_270 = arith.constant 8192 : i32
          %dma_start3A_271 = tpu.memref_slice %arg4[%dma_start3A_270] : memref<16384xf32, #tpu.memory_space<vmem>> -> memref<512xf32, #tpu.memory_space<vmem>>
          %dma_start3A_272 = tpu.memref_slice %arg2[%dma_start3A_269, %mul3A_268] : memref<32x1000000xf32, #tpu.memory_space<hbm>> -> memref<1x512xf32, #tpu.memory_space<hbm>>
          %dma_start3A_273 = tpu.memref_squeeze %dma_start3A_272 : memref<1x512xf32, #tpu.memory_space<hbm>> -> memref<512xf32, #tpu.memory_space<hbm>>
          %dma_start3A_274 = arith.constant 8192 : i32
          %dma_start3A_275 = tpu.memref_slice %arg4[%dma_start3A_274] : memref<16384xf32, #tpu.memory_space<vmem>> -> memref<512xf32, #tpu.memory_space<vmem>>
          %dma_start3A_276 = tpu.memref_slice %arg2[%dma_start3A_269, %mul3A_268] : memref<32x1000000xf32, #tpu.memory_space<hbm>> -> memref<1x512xf32, #tpu.memory_space<hbm>>
          %dma_start3A_277 = tpu.memref_squeeze %dma_start3A_276 : memref<1x512xf32, #tpu.memory_space<hbm>> -> memref<512xf32, #tpu.memory_space<hbm>>
          tpu.enqueue_dma source(%dma_start3A_277 : memref<512xf32, #tpu.memory_space<hbm>>) target(%dma_start3A_275 : memref<512xf32, #tpu.memory_space<vmem>>) target_semaphore(%arg9 : memref<!tpu.dma_semaphore, #tpu.memory_space<semaphore_mem>>)
          %mul3A_278 = arith.constant 512 : i32
          %mul3A_279 = arith.muli %add3A_39, %mul3A_278 : i32
          %dma_start3A_280 = arith.constant 17 : i32
          %dma_start3A_281 = arith.constant 8704 : i32
          %dma_start3A_282 = tpu.memref_slice %arg4[%dma_start3A_281] : memref<16384xf32, #tpu.memory_space<vmem>> -> memref<512xf32, #tpu.memory_space<vmem>>
          %dma_start3A_283 = tpu.memref_slice %arg2[%dma_start3A_280, %mul3A_279] : memref<32x1000000xf32, #tpu.memory_space<hbm>> -> memref<1x512xf32, #tpu.memory_space<hbm>>
          %dma_start3A_284 = tpu.memref_squeeze %dma_start3A_283 : memref<1x512xf32, #tpu.memory_space<hbm>> -> memref<512xf32, #tpu.memory_space<hbm>>
          %dma_start3A_285 = arith.constant 8704 : i32
          %dma_start3A_286 = tpu.memref_slice %arg4[%dma_start3A_285] : memref<16384xf32, #tpu.memory_space<vmem>> -> memref<512xf32, #tpu.memory_space<vmem>>
          %dma_start3A_287 = tpu.memref_slice %arg2[%dma_start3A_280, %mul3A_279] : memref<32x1000000xf32, #tpu.memory_space<hbm>> -> memref<1x512xf32, #tpu.memory_space<hbm>>
          %dma_start3A_288 = tpu.memref_squeeze %dma_start3A_287 : memref<1x512xf32, #tpu.memory_space<hbm>> -> memref<512xf32, #tpu.memory_space<hbm>>
          tpu.enqueue_dma source(%dma_start3A_288 : memref<512xf32, #tpu.memory_space<hbm>>) target(%dma_start3A_286 : memref<512xf32, #tpu.memory_space<vmem>>) target_semaphore(%arg9 : memref<!tpu.dma_semaphore, #tpu.memory_space<semaphore_mem>>)
          %mul3A_289 = arith.constant 512 : i32
          %mul3A_290 = arith.muli %add3A_39, %mul3A_289 : i32
          %dma_start3A_291 = arith.constant 18 : i32
          %dma_start3A_292 = arith.constant 9216 : i32
          %dma_start3A_293 = tpu.memref_slice %arg4[%dma_start3A_292] : memref<16384xf32, #tpu.memory_space<vmem>> -> memref<512xf32, #tpu.memory_space<vmem>>
          %dma_start3A_294 = tpu.memref_slice %arg2[%dma_start3A_291, %mul3A_290] : memref<32x1000000xf32, #tpu.memory_space<hbm>> -> memref<1x512xf32, #tpu.memory_space<hbm>>
          %dma_start3A_295 = tpu.memref_squeeze %dma_start3A_294 : memref<1x512xf32, #tpu.memory_space<hbm>> -> memref<512xf32, #tpu.memory_space<hbm>>
          %dma_start3A_296 = arith.constant 9216 : i32
          %dma_start3A_297 = tpu.memref_slice %arg4[%dma_start3A_296] : memref<16384xf32, #tpu.memory_space<vmem>> -> memref<512xf32, #tpu.memory_space<vmem>>
          %dma_start3A_298 = tpu.memref_slice %arg2[%dma_start3A_291, %mul3A_290] : memref<32x1000000xf32, #tpu.memory_space<hbm>> -> memref<1x512xf32, #tpu.memory_space<hbm>>
          %dma_start3A_299 = tpu.memref_squeeze %dma_start3A_298 : memref<1x512xf32, #tpu.memory_space<hbm>> -> memref<512xf32, #tpu.memory_space<hbm>>
          tpu.enqueue_dma source(%dma_start3A_299 : memref<512xf32, #tpu.memory_space<hbm>>) target(%dma_start3A_297 : memref<512xf32, #tpu.memory_space<vmem>>) target_semaphore(%arg9 : memref<!tpu.dma_semaphore, #tpu.memory_space<semaphore_mem>>)
          %mul3A_300 = arith.constant 512 : i32
          %mul3A_301 = arith.muli %add3A_39, %mul3A_300 : i32
          %dma_start3A_302 = arith.constant 19 : i32
          %dma_start3A_303 = arith.constant 9728 : i32
          %dma_start3A_304 = tpu.memref_slice %arg4[%dma_start3A_303] : memref<16384xf32, #tpu.memory_space<vmem>> -> memref<512xf32, #tpu.memory_space<vmem>>
          %dma_start3A_305 = tpu.memref_slice %arg2[%dma_start3A_302, %mul3A_301] : memref<32x1000000xf32, #tpu.memory_space<hbm>> -> memref<1x512xf32, #tpu.memory_space<hbm>>
          %dma_start3A_306 = tpu.memref_squeeze %dma_start3A_305 : memref<1x512xf32, #tpu.memory_space<hbm>> -> memref<512xf32, #tpu.memory_space<hbm>>
          %dma_start3A_307 = arith.constant 9728 : i32
          %dma_start3A_308 = tpu.memref_slice %arg4[%dma_start3A_307] : memref<16384xf32, #tpu.memory_space<vmem>> -> memref<512xf32, #tpu.memory_space<vmem>>
          %dma_start3A_309 = tpu.memref_slice %arg2[%dma_start3A_302, %mul3A_301] : memref<32x1000000xf32, #tpu.memory_space<hbm>> -> memref<1x512xf32, #tpu.memory_space<hbm>>
          %dma_start3A_310 = tpu.memref_squeeze %dma_start3A_309 : memref<1x512xf32, #tpu.memory_space<hbm>> -> memref<512xf32, #tpu.memory_space<hbm>>
          tpu.enqueue_dma source(%dma_start3A_310 : memref<512xf32, #tpu.memory_space<hbm>>) target(%dma_start3A_308 : memref<512xf32, #tpu.memory_space<vmem>>) target_semaphore(%arg9 : memref<!tpu.dma_semaphore, #tpu.memory_space<semaphore_mem>>)
          %mul3A_311 = arith.constant 512 : i32
          %mul3A_312 = arith.muli %add3A_39, %mul3A_311 : i32
          %dma_start3A_313 = arith.constant 20 : i32
          %dma_start3A_314 = arith.constant 10240 : i32
          %dma_start3A_315 = tpu.memref_slice %arg4[%dma_start3A_314] : memref<16384xf32, #tpu.memory_space<vmem>> -> memref<512xf32, #tpu.memory_space<vmem>>
          %dma_start3A_316 = tpu.memref_slice %arg2[%dma_start3A_313, %mul3A_312] : memref<32x1000000xf32, #tpu.memory_space<hbm>> -> memref<1x512xf32, #tpu.memory_space<hbm>>
          %dma_start3A_317 = tpu.memref_squeeze %dma_start3A_316 : memref<1x512xf32, #tpu.memory_space<hbm>> -> memref<512xf32, #tpu.memory_space<hbm>>
          %dma_start3A_318 = arith.constant 10240 : i32
          %dma_start3A_319 = tpu.memref_slice %arg4[%dma_start3A_318] : memref<16384xf32, #tpu.memory_space<vmem>> -> memref<512xf32, #tpu.memory_space<vmem>>
          %dma_start3A_320 = tpu.memref_slice %arg2[%dma_start3A_313, %mul3A_312] : memref<32x1000000xf32, #tpu.memory_space<hbm>> -> memref<1x512xf32, #tpu.memory_space<hbm>>
          %dma_start3A_321 = tpu.memref_squeeze %dma_start3A_320 : memref<1x512xf32, #tpu.memory_space<hbm>> -> memref<512xf32, #tpu.memory_space<hbm>>
          tpu.enqueue_dma source(%dma_start3A_321 : memref<512xf32, #tpu.memory_space<hbm>>) target(%dma_start3A_319 : memref<512xf32, #tpu.memory_space<vmem>>) target_semaphore(%arg9 : memref<!tpu.dma_semaphore, #tpu.memory_space<semaphore_mem>>)
          %mul3A_322 = arith.constant 512 : i32
          %mul3A_323 = arith.muli %add3A_39, %mul3A_322 : i32
          %dma_start3A_324 = arith.constant 21 : i32
          %dma_start3A_325 = arith.constant 10752 : i32
          %dma_start3A_326 = tpu.memref_slice %arg4[%dma_start3A_325] : memref<16384xf32, #tpu.memory_space<vmem>> -> memref<512xf32, #tpu.memory_space<vmem>>
          %dma_start3A_327 = tpu.memref_slice %arg2[%dma_start3A_324, %mul3A_323] : memref<32x1000000xf32, #tpu.memory_space<hbm>> -> memref<1x512xf32, #tpu.memory_space<hbm>>
          %dma_start3A_328 = tpu.memref_squeeze %dma_start3A_327 : memref<1x512xf32, #tpu.memory_space<hbm>> -> memref<512xf32, #tpu.memory_space<hbm>>
          %dma_start3A_329 = arith.constant 10752 : i32
          %dma_start3A_330 = tpu.memref_slice %arg4[%dma_start3A_329] : memref<16384xf32, #tpu.memory_space<vmem>> -> memref<512xf32, #tpu.memory_space<vmem>>
          %dma_start3A_331 = tpu.memref_slice %arg2[%dma_start3A_324, %mul3A_323] : memref<32x1000000xf32, #tpu.memory_space<hbm>> -> memref<1x512xf32, #tpu.memory_space<hbm>>
          %dma_start3A_332 = tpu.memref_squeeze %dma_start3A_331 : memref<1x512xf32, #tpu.memory_space<hbm>> -> memref<512xf32, #tpu.memory_space<hbm>>
          tpu.enqueue_dma source(%dma_start3A_332 : memref<512xf32, #tpu.memory_space<hbm>>) target(%dma_start3A_330 : memref<512xf32, #tpu.memory_space<vmem>>) target_semaphore(%arg9 : memref<!tpu.dma_semaphore, #tpu.memory_space<semaphore_mem>>)
          %mul3A_333 = arith.constant 512 : i32
          %mul3A_334 = arith.muli %add3A_39, %mul3A_333 : i32
          %dma_start3A_335 = arith.constant 22 : i32
          %dma_start3A_336 = arith.constant 11264 : i32
          %dma_start3A_337 = tpu.memref_slice %arg4[%dma_start3A_336] : memref<16384xf32, #tpu.memory_space<vmem>> -> memref<512xf32, #tpu.memory_space<vmem>>
          %dma_start3A_338 = tpu.memref_slice %arg2[%dma_start3A_335, %mul3A_334] : memref<32x1000000xf32, #tpu.memory_space<hbm>> -> memref<1x512xf32, #tpu.memory_space<hbm>>
          %dma_start3A_339 = tpu.memref_squeeze %dma_start3A_338 : memref<1x512xf32, #tpu.memory_space<hbm>> -> memref<512xf32, #tpu.memory_space<hbm>>
          %dma_start3A_340 = arith.constant 11264 : i32
          %dma_start3A_341 = tpu.memref_slice %arg4[%dma_start3A_340] : memref<16384xf32, #tpu.memory_space<vmem>> -> memref<512xf32, #tpu.memory_space<vmem>>
          %dma_start3A_342 = tpu.memref_slice %arg2[%dma_start3A_335, %mul3A_334] : memref<32x1000000xf32, #tpu.memory_space<hbm>> -> memref<1x512xf32, #tpu.memory_space<hbm>>
          %dma_start3A_343 = tpu.memref_squeeze %dma_start3A_342 : memref<1x512xf32, #tpu.memory_space<hbm>> -> memref<512xf32, #tpu.memory_space<hbm>>
          tpu.enqueue_dma source(%dma_start3A_343 : memref<512xf32, #tpu.memory_space<hbm>>) target(%dma_start3A_341 : memref<512xf32, #tpu.memory_space<vmem>>) target_semaphore(%arg9 : memref<!tpu.dma_semaphore, #tpu.memory_space<semaphore_mem>>)
          %mul3A_344 = arith.constant 512 : i32
          %mul3A_345 = arith.muli %add3A_39, %mul3A_344 : i32
          %dma_start3A_346 = arith.constant 23 : i32
          %dma_start3A_347 = arith.constant 11776 : i32
          %dma_start3A_348 = tpu.memref_slice %arg4[%dma_start3A_347] : memref<16384xf32, #tpu.memory_space<vmem>> -> memref<512xf32, #tpu.memory_space<vmem>>
          %dma_start3A_349 = tpu.memref_slice %arg2[%dma_start3A_346, %mul3A_345] : memref<32x1000000xf32, #tpu.memory_space<hbm>> -> memref<1x512xf32, #tpu.memory_space<hbm>>
          %dma_start3A_350 = tpu.memref_squeeze %dma_start3A_349 : memref<1x512xf32, #tpu.memory_space<hbm>> -> memref<512xf32, #tpu.memory_space<hbm>>
          %dma_start3A_351 = arith.constant 11776 : i32
          %dma_start3A_352 = tpu.memref_slice %arg4[%dma_start3A_351] : memref<16384xf32, #tpu.memory_space<vmem>> -> memref<512xf32, #tpu.memory_space<vmem>>
          %dma_start3A_353 = tpu.memref_slice %arg2[%dma_start3A_346, %mul3A_345] : memref<32x1000000xf32, #tpu.memory_space<hbm>> -> memref<1x512xf32, #tpu.memory_space<hbm>>
          %dma_start3A_354 = tpu.memref_squeeze %dma_start3A_353 : memref<1x512xf32, #tpu.memory_space<hbm>> -> memref<512xf32, #tpu.memory_space<hbm>>
          tpu.enqueue_dma source(%dma_start3A_354 : memref<512xf32, #tpu.memory_space<hbm>>) target(%dma_start3A_352 : memref<512xf32, #tpu.memory_space<vmem>>) target_semaphore(%arg9 : memref<!tpu.dma_semaphore, #tpu.memory_space<semaphore_mem>>)
          %mul3A_355 = arith.constant 512 : i32
          %mul3A_356 = arith.muli %add3A_39, %mul3A_355 : i32
          %dma_start3A_357 = arith.constant 24 : i32
          %dma_start3A_358 = arith.constant 12288 : i32
          %dma_start3A_359 = tpu.memref_slice %arg4[%dma_start3A_358] : memref<16384xf32, #tpu.memory_space<vmem>> -> memref<512xf32, #tpu.memory_space<vmem>>
          %dma_start3A_360 = tpu.memref_slice %arg2[%dma_start3A_357, %mul3A_356] : memref<32x1000000xf32, #tpu.memory_space<hbm>> -> memref<1x512xf32, #tpu.memory_space<hbm>>
          %dma_start3A_361 = tpu.memref_squeeze %dma_start3A_360 : memref<1x512xf32, #tpu.memory_space<hbm>> -> memref<512xf32, #tpu.memory_space<hbm>>
          %dma_start3A_362 = arith.constant 12288 : i32
          %dma_start3A_363 = tpu.memref_slice %arg4[%dma_start3A_362] : memref<16384xf32, #tpu.memory_space<vmem>> -> memref<512xf32, #tpu.memory_space<vmem>>
          %dma_start3A_364 = tpu.memref_slice %arg2[%dma_start3A_357, %mul3A_356] : memref<32x1000000xf32, #tpu.memory_space<hbm>> -> memref<1x512xf32, #tpu.memory_space<hbm>>
          %dma_start3A_365 = tpu.memref_squeeze %dma_start3A_364 : memref<1x512xf32, #tpu.memory_space<hbm>> -> memref<512xf32, #tpu.memory_space<hbm>>
          tpu.enqueue_dma source(%dma_start3A_365 : memref<512xf32, #tpu.memory_space<hbm>>) target(%dma_start3A_363 : memref<512xf32, #tpu.memory_space<vmem>>) target_semaphore(%arg9 : memref<!tpu.dma_semaphore, #tpu.memory_space<semaphore_mem>>)
          %mul3A_366 = arith.constant 512 : i32
          %mul3A_367 = arith.muli %add3A_39, %mul3A_366 : i32
          %dma_start3A_368 = arith.constant 25 : i32
          %dma_start3A_369 = arith.constant 12800 : i32
          %dma_start3A_370 = tpu.memref_slice %arg4[%dma_start3A_369] : memref<16384xf32, #tpu.memory_space<vmem>> -> memref<512xf32, #tpu.memory_space<vmem>>
          %dma_start3A_371 = tpu.memref_slice %arg2[%dma_start3A_368, %mul3A_367] : memref<32x1000000xf32, #tpu.memory_space<hbm>> -> memref<1x512xf32, #tpu.memory_space<hbm>>
          %dma_start3A_372 = tpu.memref_squeeze %dma_start3A_371 : memref<1x512xf32, #tpu.memory_space<hbm>> -> memref<512xf32, #tpu.memory_space<hbm>>
          %dma_start3A_373 = arith.constant 12800 : i32
          %dma_start3A_374 = tpu.memref_slice %arg4[%dma_start3A_373] : memref<16384xf32, #tpu.memory_space<vmem>> -> memref<512xf32, #tpu.memory_space<vmem>>
          %dma_start3A_375 = tpu.memref_slice %arg2[%dma_start3A_368, %mul3A_367] : memref<32x1000000xf32, #tpu.memory_space<hbm>> -> memref<1x512xf32, #tpu.memory_space<hbm>>
          %dma_start3A_376 = tpu.memref_squeeze %dma_start3A_375 : memref<1x512xf32, #tpu.memory_space<hbm>> -> memref<512xf32, #tpu.memory_space<hbm>>
          tpu.enqueue_dma source(%dma_start3A_376 : memref<512xf32, #tpu.memory_space<hbm>>) target(%dma_start3A_374 : memref<512xf32, #tpu.memory_space<vmem>>) target_semaphore(%arg9 : memref<!tpu.dma_semaphore, #tpu.memory_space<semaphore_mem>>)
          %mul3A_377 = arith.constant 512 : i32
          %mul3A_378 = arith.muli %add3A_39, %mul3A_377 : i32
          %dma_start3A_379 = arith.constant 26 : i32
          %dma_start3A_380 = arith.constant 13312 : i32
          %dma_start3A_381 = tpu.memref_slice %arg4[%dma_start3A_380] : memref<16384xf32, #tpu.memory_space<vmem>> -> memref<512xf32, #tpu.memory_space<vmem>>
          %dma_start3A_382 = tpu.memref_slice %arg2[%dma_start3A_379, %mul3A_378] : memref<32x1000000xf32, #tpu.memory_space<hbm>> -> memref<1x512xf32, #tpu.memory_space<hbm>>
          %dma_start3A_383 = tpu.memref_squeeze %dma_start3A_382 : memref<1x512xf32, #tpu.memory_space<hbm>> -> memref<512xf32, #tpu.memory_space<hbm>>
          %dma_start3A_384 = arith.constant 13312 : i32
          %dma_start3A_385 = tpu.memref_slice %arg4[%dma_start3A_384] : memref<16384xf32, #tpu.memory_space<vmem>> -> memref<512xf32, #tpu.memory_space<vmem>>
          %dma_start3A_386 = tpu.memref_slice %arg2[%dma_start3A_379, %mul3A_378] : memref<32x1000000xf32, #tpu.memory_space<hbm>> -> memref<1x512xf32, #tpu.memory_space<hbm>>
          %dma_start3A_387 = tpu.memref_squeeze %dma_start3A_386 : memref<1x512xf32, #tpu.memory_space<hbm>> -> memref<512xf32, #tpu.memory_space<hbm>>
          tpu.enqueue_dma source(%dma_start3A_387 : memref<512xf32, #tpu.memory_space<hbm>>) target(%dma_start3A_385 : memref<512xf32, #tpu.memory_space<vmem>>) target_semaphore(%arg9 : memref<!tpu.dma_semaphore, #tpu.memory_space<semaphore_mem>>)
          %mul3A_388 = arith.constant 512 : i32
          %mul3A_389 = arith.muli %add3A_39, %mul3A_388 : i32
          %dma_start3A_390 = arith.constant 27 : i32
          %dma_start3A_391 = arith.constant 13824 : i32
          %dma_start3A_392 = tpu.memref_slice %arg4[%dma_start3A_391] : memref<16384xf32, #tpu.memory_space<vmem>> -> memref<512xf32, #tpu.memory_space<vmem>>
          %dma_start3A_393 = tpu.memref_slice %arg2[%dma_start3A_390, %mul3A_389] : memref<32x1000000xf32, #tpu.memory_space<hbm>> -> memref<1x512xf32, #tpu.memory_space<hbm>>
          %dma_start3A_394 = tpu.memref_squeeze %dma_start3A_393 : memref<1x512xf32, #tpu.memory_space<hbm>> -> memref<512xf32, #tpu.memory_space<hbm>>
          %dma_start3A_395 = arith.constant 13824 : i32
          %dma_start3A_396 = tpu.memref_slice %arg4[%dma_start3A_395] : memref<16384xf32, #tpu.memory_space<vmem>> -> memref<512xf32, #tpu.memory_space<vmem>>
          %dma_start3A_397 = tpu.memref_slice %arg2[%dma_start3A_390, %mul3A_389] : memref<32x1000000xf32, #tpu.memory_space<hbm>> -> memref<1x512xf32, #tpu.memory_space<hbm>>
          %dma_start3A_398 = tpu.memref_squeeze %dma_start3A_397 : memref<1x512xf32, #tpu.memory_space<hbm>> -> memref<512xf32, #tpu.memory_space<hbm>>
          tpu.enqueue_dma source(%dma_start3A_398 : memref<512xf32, #tpu.memory_space<hbm>>) target(%dma_start3A_396 : memref<512xf32, #tpu.memory_space<vmem>>) target_semaphore(%arg9 : memref<!tpu.dma_semaphore, #tpu.memory_space<semaphore_mem>>)
          %mul3A_399 = arith.constant 512 : i32
          %mul3A_400 = arith.muli %add3A_39, %mul3A_399 : i32
          %dma_start3A_401 = arith.constant 28 : i32
          %dma_start3A_402 = arith.constant 14336 : i32
          %dma_start3A_403 = tpu.memref_slice %arg4[%dma_start3A_402] : memref<16384xf32, #tpu.memory_space<vmem>> -> memref<512xf32, #tpu.memory_space<vmem>>
          %dma_start3A_404 = tpu.memref_slice %arg2[%dma_start3A_401, %mul3A_400] : memref<32x1000000xf32, #tpu.memory_space<hbm>> -> memref<1x512xf32, #tpu.memory_space<hbm>>
          %dma_start3A_405 = tpu.memref_squeeze %dma_start3A_404 : memref<1x512xf32, #tpu.memory_space<hbm>> -> memref<512xf32, #tpu.memory_space<hbm>>
          %dma_start3A_406 = arith.constant 14336 : i32
          %dma_start3A_407 = tpu.memref_slice %arg4[%dma_start3A_406] : memref<16384xf32, #tpu.memory_space<vmem>> -> memref<512xf32, #tpu.memory_space<vmem>>
          %dma_start3A_408 = tpu.memref_slice %arg2[%dma_start3A_401, %mul3A_400] : memref<32x1000000xf32, #tpu.memory_space<hbm>> -> memref<1x512xf32, #tpu.memory_space<hbm>>
          %dma_start3A_409 = tpu.memref_squeeze %dma_start3A_408 : memref<1x512xf32, #tpu.memory_space<hbm>> -> memref<512xf32, #tpu.memory_space<hbm>>
          tpu.enqueue_dma source(%dma_start3A_409 : memref<512xf32, #tpu.memory_space<hbm>>) target(%dma_start3A_407 : memref<512xf32, #tpu.memory_space<vmem>>) target_semaphore(%arg9 : memref<!tpu.dma_semaphore, #tpu.memory_space<semaphore_mem>>)
          %mul3A_410 = arith.constant 512 : i32
          %mul3A_411 = arith.muli %add3A_39, %mul3A_410 : i32
          %dma_start3A_412 = arith.constant 29 : i32
          %dma_start3A_413 = arith.constant 14848 : i32
          %dma_start3A_414 = tpu.memref_slice %arg4[%dma_start3A_413] : memref<16384xf32, #tpu.memory_space<vmem>> -> memref<512xf32, #tpu.memory_space<vmem>>
          %dma_start3A_415 = tpu.memref_slice %arg2[%dma_start3A_412, %mul3A_411] : memref<32x1000000xf32, #tpu.memory_space<hbm>> -> memref<1x512xf32, #tpu.memory_space<hbm>>
          %dma_start3A_416 = tpu.memref_squeeze %dma_start3A_415 : memref<1x512xf32, #tpu.memory_space<hbm>> -> memref<512xf32, #tpu.memory_space<hbm>>
          %dma_start3A_417 = arith.constant 14848 : i32
          %dma_start3A_418 = tpu.memref_slice %arg4[%dma_start3A_417] : memref<16384xf32, #tpu.memory_space<vmem>> -> memref<512xf32, #tpu.memory_space<vmem>>
          %dma_start3A_419 = tpu.memref_slice %arg2[%dma_start3A_412, %mul3A_411] : memref<32x1000000xf32, #tpu.memory_space<hbm>> -> memref<1x512xf32, #tpu.memory_space<hbm>>
          %dma_start3A_420 = tpu.memref_squeeze %dma_start3A_419 : memref<1x512xf32, #tpu.memory_space<hbm>> -> memref<512xf32, #tpu.memory_space<hbm>>
          tpu.enqueue_dma source(%dma_start3A_420 : memref<512xf32, #tpu.memory_space<hbm>>) target(%dma_start3A_418 : memref<512xf32, #tpu.memory_space<vmem>>) target_semaphore(%arg9 : memref<!tpu.dma_semaphore, #tpu.memory_space<semaphore_mem>>)
          %mul3A_421 = arith.constant 512 : i32
          %mul3A_422 = arith.muli %add3A_39, %mul3A_421 : i32
          %dma_start3A_423 = arith.constant 30 : i32
          %dma_start3A_424 = arith.constant 15360 : i32
          %dma_start3A_425 = tpu.memref_slice %arg4[%dma_start3A_424] : memref<16384xf32, #tpu.memory_space<vmem>> -> memref<512xf32, #tpu.memory_space<vmem>>
          %dma_start3A_426 = tpu.memref_slice %arg2[%dma_start3A_423, %mul3A_422] : memref<32x1000000xf32, #tpu.memory_space<hbm>> -> memref<1x512xf32, #tpu.memory_space<hbm>>
          %dma_start3A_427 = tpu.memref_squeeze %dma_start3A_426 : memref<1x512xf32, #tpu.memory_space<hbm>> -> memref<512xf32, #tpu.memory_space<hbm>>
          %dma_start3A_428 = arith.constant 15360 : i32
          %dma_start3A_429 = tpu.memref_slice %arg4[%dma_start3A_428] : memref<16384xf32, #tpu.memory_space<vmem>> -> memref<512xf32, #tpu.memory_space<vmem>>
          %dma_start3A_430 = tpu.memref_slice %arg2[%dma_start3A_423, %mul3A_422] : memref<32x1000000xf32, #tpu.memory_space<hbm>> -> memref<1x512xf32, #tpu.memory_space<hbm>>
          %dma_start3A_431 = tpu.memref_squeeze %dma_start3A_430 : memref<1x512xf32, #tpu.memory_space<hbm>> -> memref<512xf32, #tpu.memory_space<hbm>>
          tpu.enqueue_dma source(%dma_start3A_431 : memref<512xf32, #tpu.memory_space<hbm>>) target(%dma_start3A_429 : memref<512xf32, #tpu.memory_space<vmem>>) target_semaphore(%arg9 : memref<!tpu.dma_semaphore, #tpu.memory_space<semaphore_mem>>)
          %mul3A_432 = arith.constant 512 : i32
          %mul3A_433 = arith.muli %add3A_39, %mul3A_432 : i32
          %dma_start3A_434 = arith.constant 31 : i32
          %dma_start3A_435 = arith.constant 15872 : i32
          %dma_start3A_436 = tpu.memref_slice %arg4[%dma_start3A_435] : memref<16384xf32, #tpu.memory_space<vmem>> -> memref<512xf32, #tpu.memory_space<vmem>>
          %dma_start3A_437 = tpu.memref_slice %arg2[%dma_start3A_434, %mul3A_433] : memref<32x1000000xf32, #tpu.memory_space<hbm>> -> memref<1x512xf32, #tpu.memory_space<hbm>>
          %dma_start3A_438 = tpu.memref_squeeze %dma_start3A_437 : memref<1x512xf32, #tpu.memory_space<hbm>> -> memref<512xf32, #tpu.memory_space<hbm>>
          %dma_start3A_439 = arith.constant 15872 : i32
          %dma_start3A_440 = tpu.memref_slice %arg4[%dma_start3A_439] : memref<16384xf32, #tpu.memory_space<vmem>> -> memref<512xf32, #tpu.memory_space<vmem>>
          %dma_start3A_441 = tpu.memref_slice %arg2[%dma_start3A_434, %mul3A_433] : memref<32x1000000xf32, #tpu.memory_space<hbm>> -> memref<1x512xf32, #tpu.memory_space<hbm>>
          %dma_start3A_442 = tpu.memref_squeeze %dma_start3A_441 : memref<1x512xf32, #tpu.memory_space<hbm>> -> memref<512xf32, #tpu.memory_space<hbm>>
          tpu.enqueue_dma source(%dma_start3A_442 : memref<512xf32, #tpu.memory_space<hbm>>) target(%dma_start3A_440 : memref<512xf32, #tpu.memory_space<vmem>>) target_semaphore(%arg9 : memref<!tpu.dma_semaphore, #tpu.memory_space<semaphore_mem>>)
        } else {
        }
      } else {
      }
      %mul3A_45 = arith.constant 2 : i32
      %mul3A_46 = arith.muli %mul3A_45, %scan3A_30 : i32
      %add3A_47 = arith.constant 1 : i32
      %add3A_48 = arith.addi %mul3A_46, %add3A_47 : i32
      %mul3A_49 = arith.constant 32 : i32
      %mul3A_50 = arith.muli %mul3A_49, %add3A_48 : i32
      %add3A_51 = arith.addi %add3A, %mul3A_50 : i32
      %add3A_52 = arith.constant 64 : i32
      %add3A_53 = arith.addi %add3A_51, %add3A_52 : i32
      %lt3A_54 = arith.constant 1953 : i32
      %lt3A_55 = arith.cmpi slt, %add3A_51, %lt3A_54 : i32
      %convert_element_type3A_56 = arith.extui %lt3A_55 : i1 to i32
      %cond3A_57 = arith.constant 0 : i32
      %cond3A_58 = arith.cmpi ne, %convert_element_type3A_56, %cond3A_57 : i32
      scf.if %cond3A_58 {
        %dma_wait3A_59 = arith.constant 0 : i32
        %dma_wait3A_60 = arith.constant 0 : i32
        %dma_wait3A_61 = tpu.memref_slice %arg2[%dma_wait3A_59, %dma_wait3A_60] : memref<32x1000000xf32, #tpu.memory_space<hbm>> -> memref<1x16384xf32, #tpu.memory_space<hbm>>
        %dma_wait3A_62 = tpu.memref_squeeze %dma_wait3A_61 : memref<1x16384xf32, #tpu.memory_space<hbm>> -> memref<16384xf32, #tpu.memory_space<hbm>>
        %dma_wait3A_63 = arith.constant 0 : i32
        %dma_wait3A_64 = tpu.memref_slice %arg2[%dma_wait3A_59, %dma_wait3A_63] : memref<32x1000000xf32, #tpu.memory_space<hbm>> -> memref<1x16384xf32, #tpu.memory_space<hbm>>
        %dma_wait3A_65 = tpu.memref_squeeze %dma_wait3A_64 : memref<1x16384xf32, #tpu.memory_space<hbm>> -> memref<16384xf32, #tpu.memory_space<hbm>>
        tpu.wait_dma2 semaphore(%arg10 : memref<!tpu.dma_semaphore, #tpu.memory_space<semaphore_mem>>) src(%dma_wait3A_65 : memref<16384xf32, #tpu.memory_space<hbm>>) dst(%arg5 : memref<16384xf32, #tpu.memory_space<vmem>>)
        %ge3A = arith.constant 1 : i32
        %ge3A_66 = arith.cmpi sge, %scan3A_30, %ge3A : i32
        %convert_element_type3A_67 = arith.extui %ge3A_66 : i1 to i32
        %cond3A_68 = arith.constant 0 : i32
        %cond3A_69 = arith.cmpi ne, %convert_element_type3A_67, %cond3A_68 : i32
        scf.if %cond3A_69 {
          %dma_wait3A_91 = arith.constant 0 : i32
          %dma_wait3A_92 = arith.constant 0 : i32
          %dma_wait3A_93 = tpu.memref_slice %arg3[%dma_wait3A_91, %dma_wait3A_92] : memref<250000x128xf32, #tpu.memory_space<hbm>> -> memref<128x128xf32, #tpu.memory_space<hbm>>
          %dma_wait3A_94 = arith.constant 0 : i32
          %dma_wait3A_95 = arith.constant 0 : i32
          %dma_wait3A_96 = tpu.memref_slice %arg3[%dma_wait3A_94, %dma_wait3A_95] : memref<250000x128xf32, #tpu.memory_space<hbm>> -> memref<128x128xf32, #tpu.memory_space<hbm>>
          tpu.wait_dma2 semaphore(%arg12 : memref<!tpu.dma_semaphore, #tpu.memory_space<semaphore_mem>>) src(%arg7 : memref<128x128xf32, #tpu.memory_space<vmem>>) dst(%dma_wait3A_96 : memref<128x128xf32, #tpu.memory_space<hbm>>)
        } else {
        }
        %mul3A_70 = arith.constant 512 : i32
        %mul3A_71 = vector.broadcast %mul3A_70 : i32 to vector<16xi32>
        %mul3A_72 = arith.muli %iota3A, %mul3A_71 : vector<16xi32>
        %mul3A_73 = arith.constant 512 : i32
        %mul3A_74 = vector.broadcast %mul3A_73 : i32 to vector<16xi32>
        %mul3A_75 = arith.muli %iota3A, %mul3A_74 : vector<16xi32>
        %add3A_76 = arith.constant 8192 : i32
        %add3A_77 = vector.broadcast %add3A_76 : i32 to vector<16xi32>
        %add3A_78 = arith.addi %mul3A_75, %add3A_77 : vector<16xi32>
        %parallel_loop3A = arith.constant 0 : i32
        %parallel_loop3A_79 = arith.constant 128 : i32
        %parallel_loop3A_80 = arith.constant 1 : i32
        scf.for %parallel_loop3A_91 = %parallel_loop3A to %parallel_loop3A_79 step %parallel_loop3A_80  : i32 {
          %parallel_loop3A_92 = arith.constant 4 : i32
          %parallel_loop3A_93 = arith.muli %parallel_loop3A_91, %parallel_loop3A_92 : i32
          %parallel_loop3A_94 = arith.constant 0 : i32
          %parallel_loop3A_95 = vector.broadcast %parallel_loop3A_94 : i32 to vector<16xi32>
          %parallel_loop3A_96 = arith.constant 0 : i32
          %parallel_loop3A_97 = arith.addi %parallel_loop3A_93, %parallel_loop3A_96 : i32
          %parallel_loop3A_98 = vector.broadcast %parallel_loop3A_97 : i32 to vector<16xi32>
          %parallel_loop3A_99 = arith.addi %parallel_loop3A_95, %parallel_loop3A_98 : vector<16xi32>
          %parallel_loop3A_100 = arith.addi %mul3A_72, %parallel_loop3A_99 : vector<16xi32>
          %parallel_loop3A_101 = tpu.vector_load_idx %arg5[%parallel_loop3A_100] : memref<16384xf32, #tpu.memory_space<vmem>>[vector<16xi32>], vector<16xf32>,
          %parallel_loop3A_102 = arith.index_cast %parallel_loop3A_91 : i32 to index
          %parallel_loop3A_103 = arith.constant 0 : index
          %parallel_loop3A_104 = tpu.vector_load %arg7[%parallel_loop3A_102, %parallel_loop3A_103] {strides = array<i32>} : memref<128x128xf32, #tpu.memory_space<vmem>>, vector<16xf32>,
          tpu.vector_store %arg7[%parallel_loop3A_102, %parallel_loop3A_103], %parallel_loop3A_101 {strides = array<i32>} : memref<128x128xf32, #tpu.memory_space<vmem>>, vector<16xf32>,
          %parallel_loop3A_105 = arith.addi %add3A_78, %parallel_loop3A_99 : vector<16xi32>
          %parallel_loop3A_106 = tpu.vector_load_idx %arg5[%parallel_loop3A_105] : memref<16384xf32, #tpu.memory_space<vmem>>[vector<16xi32>], vector<16xf32>,
          %parallel_loop3A_107 = arith.index_cast %parallel_loop3A_91 : i32 to index
          %parallel_loop3A_108 = arith.constant 16 : index
          %parallel_loop3A_109 = tpu.vector_load %arg7[%parallel_loop3A_107, %parallel_loop3A_108] {strides = array<i32>} : memref<128x128xf32, #tpu.memory_space<vmem>>, vector<16xf32>,
          tpu.vector_store %arg7[%parallel_loop3A_107, %parallel_loop3A_108], %parallel_loop3A_106 {strides = array<i32>} : memref<128x128xf32, #tpu.memory_space<vmem>>, vector<16xf32>,
          %parallel_loop3A_110 = arith.constant 0 : i32
          %parallel_loop3A_111 = vector.broadcast %parallel_loop3A_110 : i32 to vector<16xi32>
          %parallel_loop3A_112 = arith.constant 1 : i32
          %parallel_loop3A_113 = arith.addi %parallel_loop3A_93, %parallel_loop3A_112 : i32
          %parallel_loop3A_114 = vector.broadcast %parallel_loop3A_113 : i32 to vector<16xi32>
          %parallel_loop3A_115 = arith.addi %parallel_loop3A_111, %parallel_loop3A_114 : vector<16xi32>
          %parallel_loop3A_116 = arith.addi %mul3A_72, %parallel_loop3A_115 : vector<16xi32>
          %parallel_loop3A_117 = tpu.vector_load_idx %arg5[%parallel_loop3A_116] : memref<16384xf32, #tpu.memory_space<vmem>>[vector<16xi32>], vector<16xf32>,
          %parallel_loop3A_118 = arith.index_cast %parallel_loop3A_91 : i32 to index
          %parallel_loop3A_119 = arith.constant 32 : index
          %parallel_loop3A_120 = tpu.vector_load %arg7[%parallel_loop3A_118, %parallel_loop3A_119] {strides = array<i32>} : memref<128x128xf32, #tpu.memory_space<vmem>>, vector<16xf32>,
          tpu.vector_store %arg7[%parallel_loop3A_118, %parallel_loop3A_119], %parallel_loop3A_117 {strides = array<i32>} : memref<128x128xf32, #tpu.memory_space<vmem>>, vector<16xf32>,
          %parallel_loop3A_121 = arith.addi %add3A_78, %parallel_loop3A_115 : vector<16xi32>
          %parallel_loop3A_122 = tpu.vector_load_idx %arg5[%parallel_loop3A_121] : memref<16384xf32, #tpu.memory_space<vmem>>[vector<16xi32>], vector<16xf32>,
          %parallel_loop3A_123 = arith.index_cast %parallel_loop3A_91 : i32 to index
          %parallel_loop3A_124 = arith.constant 48 : index
          %parallel_loop3A_125 = tpu.vector_load %arg7[%parallel_loop3A_123, %parallel_loop3A_124] {strides = array<i32>} : memref<128x128xf32, #tpu.memory_space<vmem>>, vector<16xf32>,
          tpu.vector_store %arg7[%parallel_loop3A_123, %parallel_loop3A_124], %parallel_loop3A_122 {strides = array<i32>} : memref<128x128xf32, #tpu.memory_space<vmem>>, vector<16xf32>,
          %parallel_loop3A_126 = arith.constant 0 : i32
          %parallel_loop3A_127 = vector.broadcast %parallel_loop3A_126 : i32 to vector<16xi32>
          %parallel_loop3A_128 = arith.constant 2 : i32
          %parallel_loop3A_129 = arith.addi %parallel_loop3A_93, %parallel_loop3A_128 : i32
          %parallel_loop3A_130 = vector.broadcast %parallel_loop3A_129 : i32 to vector<16xi32>
          %parallel_loop3A_131 = arith.addi %parallel_loop3A_127, %parallel_loop3A_130 : vector<16xi32>
          %parallel_loop3A_132 = arith.addi %mul3A_72, %parallel_loop3A_131 : vector<16xi32>
          %parallel_loop3A_133 = tpu.vector_load_idx %arg5[%parallel_loop3A_132] : memref<16384xf32, #tpu.memory_space<vmem>>[vector<16xi32>], vector<16xf32>,
          %parallel_loop3A_134 = arith.index_cast %parallel_loop3A_91 : i32 to index
          %parallel_loop3A_135 = arith.constant 64 : index
          %parallel_loop3A_136 = tpu.vector_load %arg7[%parallel_loop3A_134, %parallel_loop3A_135] {strides = array<i32>} : memref<128x128xf32, #tpu.memory_space<vmem>>, vector<16xf32>,
          tpu.vector_store %arg7[%parallel_loop3A_134, %parallel_loop3A_135], %parallel_loop3A_133 {strides = array<i32>} : memref<128x128xf32, #tpu.memory_space<vmem>>, vector<16xf32>,
          %parallel_loop3A_137 = arith.addi %add3A_78, %parallel_loop3A_131 : vector<16xi32>
          %parallel_loop3A_138 = tpu.vector_load_idx %arg5[%parallel_loop3A_137] : memref<16384xf32, #tpu.memory_space<vmem>>[vector<16xi32>], vector<16xf32>,
          %parallel_loop3A_139 = arith.index_cast %parallel_loop3A_91 : i32 to index
          %parallel_loop3A_140 = arith.constant 80 : index
          %parallel_loop3A_141 = tpu.vector_load %arg7[%parallel_loop3A_139, %parallel_loop3A_140] {strides = array<i32>} : memref<128x128xf32, #tpu.memory_space<vmem>>, vector<16xf32>,
          tpu.vector_store %arg7[%parallel_loop3A_139, %parallel_loop3A_140], %parallel_loop3A_138 {strides = array<i32>} : memref<128x128xf32, #tpu.memory_space<vmem>>, vector<16xf32>,
          %parallel_loop3A_142 = arith.constant 0 : i32
          %parallel_loop3A_143 = vector.broadcast %parallel_loop3A_142 : i32 to vector<16xi32>
          %parallel_loop3A_144 = arith.constant 3 : i32
          %parallel_loop3A_145 = arith.addi %parallel_loop3A_93, %parallel_loop3A_144 : i32
          %parallel_loop3A_146 = vector.broadcast %parallel_loop3A_145 : i32 to vector<16xi32>
          %parallel_loop3A_147 = arith.addi %parallel_loop3A_143, %parallel_loop3A_146 : vector<16xi32>
          %parallel_loop3A_148 = arith.addi %mul3A_72, %parallel_loop3A_147 : vector<16xi32>
          %parallel_loop3A_149 = tpu.vector_load_idx %arg5[%parallel_loop3A_148] : memref<16384xf32, #tpu.memory_space<vmem>>[vector<16xi32>], vector<16xf32>,
          %parallel_loop3A_150 = arith.index_cast %parallel_loop3A_91 : i32 to index
          %parallel_loop3A_151 = arith.constant 96 : index
          %parallel_loop3A_152 = tpu.vector_load %arg7[%parallel_loop3A_150, %parallel_loop3A_151] {strides = array<i32>} : memref<128x128xf32, #tpu.memory_space<vmem>>, vector<16xf32>,
          tpu.vector_store %arg7[%parallel_loop3A_150, %parallel_loop3A_151], %parallel_loop3A_149 {strides = array<i32>} : memref<128x128xf32, #tpu.memory_space<vmem>>, vector<16xf32>,
          %parallel_loop3A_153 = arith.addi %add3A_78, %parallel_loop3A_147 : vector<16xi32>
          %parallel_loop3A_154 = tpu.vector_load_idx %arg5[%parallel_loop3A_153] : memref<16384xf32, #tpu.memory_space<vmem>>[vector<16xi32>], vector<16xf32>,
          %parallel_loop3A_155 = arith.index_cast %parallel_loop3A_91 : i32 to index
          %parallel_loop3A_156 = arith.constant 112 : index
          %parallel_loop3A_157 = tpu.vector_load %arg7[%parallel_loop3A_155, %parallel_loop3A_156] {strides = array<i32>} : memref<128x128xf32, #tpu.memory_space<vmem>>, vector<16xf32>,
          tpu.vector_store %arg7[%parallel_loop3A_155, %parallel_loop3A_156], %parallel_loop3A_154 {strides = array<i32>} : memref<128x128xf32, #tpu.memory_space<vmem>>, vector<16xf32>,
        } {sc.loop_unroll_factor = 4 : i64, sc.parallel_access}
        %mul3A_81 = arith.constant 128 : i32
        %mul3A_82 = arith.muli %add3A_51, %mul3A_81 : i32
        %dma_start3A = arith.constant 0 : i32
        %dma_start3A_83 = tpu.memref_slice %arg3[%mul3A_82, %dma_start3A] : memref<250000x128xf32, #tpu.memory_space<hbm>> -> memref<128x128xf32, #tpu.memory_space<hbm>>
        %dma_start3A_84 = arith.constant 0 : i32
        %dma_start3A_85 = tpu.memref_slice %arg3[%mul3A_82, %dma_start3A_84] : memref<250000x128xf32, #tpu.memory_space<hbm>> -> memref<128x128xf32, #tpu.memory_space<hbm>>
        tpu.enqueue_dma source(%arg7 : memref<128x128xf32, #tpu.memory_space<vmem>>) target(%dma_start3A_85 : memref<128x128xf32, #tpu.memory_space<hbm>>) target_semaphore(%arg12 : memref<!tpu.dma_semaphore, #tpu.memory_space<semaphore_mem>>)
        %lt3A_86 = arith.constant 1953 : i32
        %lt3A_87 = arith.cmpi slt, %add3A_53, %lt3A_86 : i32
        %convert_element_type3A_88 = arith.extui %lt3A_87 : i1 to i32
        %cond3A_89 = arith.constant 0 : i32
        %cond3A_90 = arith.cmpi ne, %convert_element_type3A_88, %cond3A_89 : i32
        scf.if %cond3A_90 {
          %mul3A_91 = arith.constant 512 : i32
          %mul3A_92 = arith.muli %add3A_53, %mul3A_91 : i32
          %dma_start3A_93 = arith.constant 0 : i32
          %dma_start3A_94 = arith.constant 0 : i32
          %dma_start3A_95 = tpu.memref_slice %arg5[%dma_start3A_94] : memref<16384xf32, #tpu.memory_space<vmem>> -> memref<512xf32, #tpu.memory_space<vmem>>
          %dma_start3A_96 = tpu.memref_slice %arg2[%dma_start3A_93, %mul3A_92] : memref<32x1000000xf32, #tpu.memory_space<hbm>> -> memref<1x512xf32, #tpu.memory_space<hbm>>
          %dma_start3A_97 = tpu.memref_squeeze %dma_start3A_96 : memref<1x512xf32, #tpu.memory_space<hbm>> -> memref<512xf32, #tpu.memory_space<hbm>>
          %dma_start3A_98 = arith.constant 0 : i32
          %dma_start3A_99 = tpu.memref_slice %arg5[%dma_start3A_98] : memref<16384xf32, #tpu.memory_space<vmem>> -> memref<512xf32, #tpu.memory_space<vmem>>
          %dma_start3A_100 = tpu.memref_slice %arg2[%dma_start3A_93, %mul3A_92] : memref<32x1000000xf32, #tpu.memory_space<hbm>> -> memref<1x512xf32, #tpu.memory_space<hbm>>
          %dma_start3A_101 = tpu.memref_squeeze %dma_start3A_100 : memref<1x512xf32, #tpu.memory_space<hbm>> -> memref<512xf32, #tpu.memory_space<hbm>>
          tpu.enqueue_dma source(%dma_start3A_101 : memref<512xf32, #tpu.memory_space<hbm>>) target(%dma_start3A_99 : memref<512xf32, #tpu.memory_space<vmem>>) target_semaphore(%arg10 : memref<!tpu.dma_semaphore, #tpu.memory_space<semaphore_mem>>)
          %mul3A_102 = arith.constant 512 : i32
          %mul3A_103 = arith.muli %add3A_53, %mul3A_102 : i32
          %dma_start3A_104 = arith.constant 1 : i32
          %dma_start3A_105 = arith.constant 512 : i32
          %dma_start3A_106 = tpu.memref_slice %arg5[%dma_start3A_105] : memref<16384xf32, #tpu.memory_space<vmem>> -> memref<512xf32, #tpu.memory_space<vmem>>
          %dma_start3A_107 = tpu.memref_slice %arg2[%dma_start3A_104, %mul3A_103] : memref<32x1000000xf32, #tpu.memory_space<hbm>> -> memref<1x512xf32, #tpu.memory_space<hbm>>
          %dma_start3A_108 = tpu.memref_squeeze %dma_start3A_107 : memref<1x512xf32, #tpu.memory_space<hbm>> -> memref<512xf32, #tpu.memory_space<hbm>>
          %dma_start3A_109 = arith.constant 512 : i32
          %dma_start3A_110 = tpu.memref_slice %arg5[%dma_start3A_109] : memref<16384xf32, #tpu.memory_space<vmem>> -> memref<512xf32, #tpu.memory_space<vmem>>
          %dma_start3A_111 = tpu.memref_slice %arg2[%dma_start3A_104, %mul3A_103] : memref<32x1000000xf32, #tpu.memory_space<hbm>> -> memref<1x512xf32, #tpu.memory_space<hbm>>
          %dma_start3A_112 = tpu.memref_squeeze %dma_start3A_111 : memref<1x512xf32, #tpu.memory_space<hbm>> -> memref<512xf32, #tpu.memory_space<hbm>>
          tpu.enqueue_dma source(%dma_start3A_112 : memref<512xf32, #tpu.memory_space<hbm>>) target(%dma_start3A_110 : memref<512xf32, #tpu.memory_space<vmem>>) target_semaphore(%arg10 : memref<!tpu.dma_semaphore, #tpu.memory_space<semaphore_mem>>)
          %mul3A_113 = arith.constant 512 : i32
          %mul3A_114 = arith.muli %add3A_53, %mul3A_113 : i32
          %dma_start3A_115 = arith.constant 2 : i32
          %dma_start3A_116 = arith.constant 1024 : i32
          %dma_start3A_117 = tpu.memref_slice %arg5[%dma_start3A_116] : memref<16384xf32, #tpu.memory_space<vmem>> -> memref<512xf32, #tpu.memory_space<vmem>>
          %dma_start3A_118 = tpu.memref_slice %arg2[%dma_start3A_115, %mul3A_114] : memref<32x1000000xf32, #tpu.memory_space<hbm>> -> memref<1x512xf32, #tpu.memory_space<hbm>>
          %dma_start3A_119 = tpu.memref_squeeze %dma_start3A_118 : memref<1x512xf32, #tpu.memory_space<hbm>> -> memref<512xf32, #tpu.memory_space<hbm>>
          %dma_start3A_120 = arith.constant 1024 : i32
          %dma_start3A_121 = tpu.memref_slice %arg5[%dma_start3A_120] : memref<16384xf32, #tpu.memory_space<vmem>> -> memref<512xf32, #tpu.memory_space<vmem>>
          %dma_start3A_122 = tpu.memref_slice %arg2[%dma_start3A_115, %mul3A_114] : memref<32x1000000xf32, #tpu.memory_space<hbm>> -> memref<1x512xf32, #tpu.memory_space<hbm>>
          %dma_start3A_123 = tpu.memref_squeeze %dma_start3A_122 : memref<1x512xf32, #tpu.memory_space<hbm>> -> memref<512xf32, #tpu.memory_space<hbm>>
          tpu.enqueue_dma source(%dma_start3A_123 : memref<512xf32, #tpu.memory_space<hbm>>) target(%dma_start3A_121 : memref<512xf32, #tpu.memory_space<vmem>>) target_semaphore(%arg10 : memref<!tpu.dma_semaphore, #tpu.memory_space<semaphore_mem>>)
          %mul3A_124 = arith.constant 512 : i32
          %mul3A_125 = arith.muli %add3A_53, %mul3A_124 : i32
          %dma_start3A_126 = arith.constant 3 : i32
          %dma_start3A_127 = arith.constant 1536 : i32
          %dma_start3A_128 = tpu.memref_slice %arg5[%dma_start3A_127] : memref<16384xf32, #tpu.memory_space<vmem>> -> memref<512xf32, #tpu.memory_space<vmem>>
          %dma_start3A_129 = tpu.memref_slice %arg2[%dma_start3A_126, %mul3A_125] : memref<32x1000000xf32, #tpu.memory_space<hbm>> -> memref<1x512xf32, #tpu.memory_space<hbm>>
          %dma_start3A_130 = tpu.memref_squeeze %dma_start3A_129 : memref<1x512xf32, #tpu.memory_space<hbm>> -> memref<512xf32, #tpu.memory_space<hbm>>
          %dma_start3A_131 = arith.constant 1536 : i32
          %dma_start3A_132 = tpu.memref_slice %arg5[%dma_start3A_131] : memref<16384xf32, #tpu.memory_space<vmem>> -> memref<512xf32, #tpu.memory_space<vmem>>
          %dma_start3A_133 = tpu.memref_slice %arg2[%dma_start3A_126, %mul3A_125] : memref<32x1000000xf32, #tpu.memory_space<hbm>> -> memref<1x512xf32, #tpu.memory_space<hbm>>
          %dma_start3A_134 = tpu.memref_squeeze %dma_start3A_133 : memref<1x512xf32, #tpu.memory_space<hbm>> -> memref<512xf32, #tpu.memory_space<hbm>>
          tpu.enqueue_dma source(%dma_start3A_134 : memref<512xf32, #tpu.memory_space<hbm>>) target(%dma_start3A_132 : memref<512xf32, #tpu.memory_space<vmem>>) target_semaphore(%arg10 : memref<!tpu.dma_semaphore, #tpu.memory_space<semaphore_mem>>)
          %mul3A_135 = arith.constant 512 : i32
          %mul3A_136 = arith.muli %add3A_53, %mul3A_135 : i32
          %dma_start3A_137 = arith.constant 4 : i32
          %dma_start3A_138 = arith.constant 2048 : i32
          %dma_start3A_139 = tpu.memref_slice %arg5[%dma_start3A_138] : memref<16384xf32, #tpu.memory_space<vmem>> -> memref<512xf32, #tpu.memory_space<vmem>>
          %dma_start3A_140 = tpu.memref_slice %arg2[%dma_start3A_137, %mul3A_136] : memref<32x1000000xf32, #tpu.memory_space<hbm>> -> memref<1x512xf32, #tpu.memory_space<hbm>>
          %dma_start3A_141 = tpu.memref_squeeze %dma_start3A_140 : memref<1x512xf32, #tpu.memory_space<hbm>> -> memref<512xf32, #tpu.memory_space<hbm>>
          %dma_start3A_142 = arith.constant 2048 : i32
          %dma_start3A_143 = tpu.memref_slice %arg5[%dma_start3A_142] : memref<16384xf32, #tpu.memory_space<vmem>> -> memref<512xf32, #tpu.memory_space<vmem>>
          %dma_start3A_144 = tpu.memref_slice %arg2[%dma_start3A_137, %mul3A_136] : memref<32x1000000xf32, #tpu.memory_space<hbm>> -> memref<1x512xf32, #tpu.memory_space<hbm>>
          %dma_start3A_145 = tpu.memref_squeeze %dma_start3A_144 : memref<1x512xf32, #tpu.memory_space<hbm>> -> memref<512xf32, #tpu.memory_space<hbm>>
          tpu.enqueue_dma source(%dma_start3A_145 : memref<512xf32, #tpu.memory_space<hbm>>) target(%dma_start3A_143 : memref<512xf32, #tpu.memory_space<vmem>>) target_semaphore(%arg10 : memref<!tpu.dma_semaphore, #tpu.memory_space<semaphore_mem>>)
          %mul3A_146 = arith.constant 512 : i32
          %mul3A_147 = arith.muli %add3A_53, %mul3A_146 : i32
          %dma_start3A_148 = arith.constant 5 : i32
          %dma_start3A_149 = arith.constant 2560 : i32
          %dma_start3A_150 = tpu.memref_slice %arg5[%dma_start3A_149] : memref<16384xf32, #tpu.memory_space<vmem>> -> memref<512xf32, #tpu.memory_space<vmem>>
          %dma_start3A_151 = tpu.memref_slice %arg2[%dma_start3A_148, %mul3A_147] : memref<32x1000000xf32, #tpu.memory_space<hbm>> -> memref<1x512xf32, #tpu.memory_space<hbm>>
          %dma_start3A_152 = tpu.memref_squeeze %dma_start3A_151 : memref<1x512xf32, #tpu.memory_space<hbm>> -> memref<512xf32, #tpu.memory_space<hbm>>
          %dma_start3A_153 = arith.constant 2560 : i32
          %dma_start3A_154 = tpu.memref_slice %arg5[%dma_start3A_153] : memref<16384xf32, #tpu.memory_space<vmem>> -> memref<512xf32, #tpu.memory_space<vmem>>
          %dma_start3A_155 = tpu.memref_slice %arg2[%dma_start3A_148, %mul3A_147] : memref<32x1000000xf32, #tpu.memory_space<hbm>> -> memref<1x512xf32, #tpu.memory_space<hbm>>
          %dma_start3A_156 = tpu.memref_squeeze %dma_start3A_155 : memref<1x512xf32, #tpu.memory_space<hbm>> -> memref<512xf32, #tpu.memory_space<hbm>>
          tpu.enqueue_dma source(%dma_start3A_156 : memref<512xf32, #tpu.memory_space<hbm>>) target(%dma_start3A_154 : memref<512xf32, #tpu.memory_space<vmem>>) target_semaphore(%arg10 : memref<!tpu.dma_semaphore, #tpu.memory_space<semaphore_mem>>)
          %mul3A_157 = arith.constant 512 : i32
          %mul3A_158 = arith.muli %add3A_53, %mul3A_157 : i32
          %dma_start3A_159 = arith.constant 6 : i32
          %dma_start3A_160 = arith.constant 3072 : i32
          %dma_start3A_161 = tpu.memref_slice %arg5[%dma_start3A_160] : memref<16384xf32, #tpu.memory_space<vmem>> -> memref<512xf32, #tpu.memory_space<vmem>>
          %dma_start3A_162 = tpu.memref_slice %arg2[%dma_start3A_159, %mul3A_158] : memref<32x1000000xf32, #tpu.memory_space<hbm>> -> memref<1x512xf32, #tpu.memory_space<hbm>>
          %dma_start3A_163 = tpu.memref_squeeze %dma_start3A_162 : memref<1x512xf32, #tpu.memory_space<hbm>> -> memref<512xf32, #tpu.memory_space<hbm>>
          %dma_start3A_164 = arith.constant 3072 : i32
          %dma_start3A_165 = tpu.memref_slice %arg5[%dma_start3A_164] : memref<16384xf32, #tpu.memory_space<vmem>> -> memref<512xf32, #tpu.memory_space<vmem>>
          %dma_start3A_166 = tpu.memref_slice %arg2[%dma_start3A_159, %mul3A_158] : memref<32x1000000xf32, #tpu.memory_space<hbm>> -> memref<1x512xf32, #tpu.memory_space<hbm>>
          %dma_start3A_167 = tpu.memref_squeeze %dma_start3A_166 : memref<1x512xf32, #tpu.memory_space<hbm>> -> memref<512xf32, #tpu.memory_space<hbm>>
          tpu.enqueue_dma source(%dma_start3A_167 : memref<512xf32, #tpu.memory_space<hbm>>) target(%dma_start3A_165 : memref<512xf32, #tpu.memory_space<vmem>>) target_semaphore(%arg10 : memref<!tpu.dma_semaphore, #tpu.memory_space<semaphore_mem>>)
          %mul3A_168 = arith.constant 512 : i32
          %mul3A_169 = arith.muli %add3A_53, %mul3A_168 : i32
          %dma_start3A_170 = arith.constant 7 : i32
          %dma_start3A_171 = arith.constant 3584 : i32
          %dma_start3A_172 = tpu.memref_slice %arg5[%dma_start3A_171] : memref<16384xf32, #tpu.memory_space<vmem>> -> memref<512xf32, #tpu.memory_space<vmem>>
          %dma_start3A_173 = tpu.memref_slice %arg2[%dma_start3A_170, %mul3A_169] : memref<32x1000000xf32, #tpu.memory_space<hbm>> -> memref<1x512xf32, #tpu.memory_space<hbm>>
          %dma_start3A_174 = tpu.memref_squeeze %dma_start3A_173 : memref<1x512xf32, #tpu.memory_space<hbm>> -> memref<512xf32, #tpu.memory_space<hbm>>
          %dma_start3A_175 = arith.constant 3584 : i32
          %dma_start3A_176 = tpu.memref_slice %arg5[%dma_start3A_175] : memref<16384xf32, #tpu.memory_space<vmem>> -> memref<512xf32, #tpu.memory_space<vmem>>
          %dma_start3A_177 = tpu.memref_slice %arg2[%dma_start3A_170, %mul3A_169] : memref<32x1000000xf32, #tpu.memory_space<hbm>> -> memref<1x512xf32, #tpu.memory_space<hbm>>
          %dma_start3A_178 = tpu.memref_squeeze %dma_start3A_177 : memref<1x512xf32, #tpu.memory_space<hbm>> -> memref<512xf32, #tpu.memory_space<hbm>>
          tpu.enqueue_dma source(%dma_start3A_178 : memref<512xf32, #tpu.memory_space<hbm>>) target(%dma_start3A_176 : memref<512xf32, #tpu.memory_space<vmem>>) target_semaphore(%arg10 : memref<!tpu.dma_semaphore, #tpu.memory_space<semaphore_mem>>)
          %mul3A_179 = arith.constant 512 : i32
          %mul3A_180 = arith.muli %add3A_53, %mul3A_179 : i32
          %dma_start3A_181 = arith.constant 8 : i32
          %dma_start3A_182 = arith.constant 4096 : i32
          %dma_start3A_183 = tpu.memref_slice %arg5[%dma_start3A_182] : memref<16384xf32, #tpu.memory_space<vmem>> -> memref<512xf32, #tpu.memory_space<vmem>>
          %dma_start3A_184 = tpu.memref_slice %arg2[%dma_start3A_181, %mul3A_180] : memref<32x1000000xf32, #tpu.memory_space<hbm>> -> memref<1x512xf32, #tpu.memory_space<hbm>>
          %dma_start3A_185 = tpu.memref_squeeze %dma_start3A_184 : memref<1x512xf32, #tpu.memory_space<hbm>> -> memref<512xf32, #tpu.memory_space<hbm>>
          %dma_start3A_186 = arith.constant 4096 : i32
          %dma_start3A_187 = tpu.memref_slice %arg5[%dma_start3A_186] : memref<16384xf32, #tpu.memory_space<vmem>> -> memref<512xf32, #tpu.memory_space<vmem>>
          %dma_start3A_188 = tpu.memref_slice %arg2[%dma_start3A_181, %mul3A_180] : memref<32x1000000xf32, #tpu.memory_space<hbm>> -> memref<1x512xf32, #tpu.memory_space<hbm>>
          %dma_start3A_189 = tpu.memref_squeeze %dma_start3A_188 : memref<1x512xf32, #tpu.memory_space<hbm>> -> memref<512xf32, #tpu.memory_space<hbm>>
          tpu.enqueue_dma source(%dma_start3A_189 : memref<512xf32, #tpu.memory_space<hbm>>) target(%dma_start3A_187 : memref<512xf32, #tpu.memory_space<vmem>>) target_semaphore(%arg10 : memref<!tpu.dma_semaphore, #tpu.memory_space<semaphore_mem>>)
          %mul3A_190 = arith.constant 512 : i32
          %mul3A_191 = arith.muli %add3A_53, %mul3A_190 : i32
          %dma_start3A_192 = arith.constant 9 : i32
          %dma_start3A_193 = arith.constant 4608 : i32
          %dma_start3A_194 = tpu.memref_slice %arg5[%dma_start3A_193] : memref<16384xf32, #tpu.memory_space<vmem>> -> memref<512xf32, #tpu.memory_space<vmem>>
          %dma_start3A_195 = tpu.memref_slice %arg2[%dma_start3A_192, %mul3A_191] : memref<32x1000000xf32, #tpu.memory_space<hbm>> -> memref<1x512xf32, #tpu.memory_space<hbm>>
          %dma_start3A_196 = tpu.memref_squeeze %dma_start3A_195 : memref<1x512xf32, #tpu.memory_space<hbm>> -> memref<512xf32, #tpu.memory_space<hbm>>
          %dma_start3A_197 = arith.constant 4608 : i32
          %dma_start3A_198 = tpu.memref_slice %arg5[%dma_start3A_197] : memref<16384xf32, #tpu.memory_space<vmem>> -> memref<512xf32, #tpu.memory_space<vmem>>
          %dma_start3A_199 = tpu.memref_slice %arg2[%dma_start3A_192, %mul3A_191] : memref<32x1000000xf32, #tpu.memory_space<hbm>> -> memref<1x512xf32, #tpu.memory_space<hbm>>
          %dma_start3A_200 = tpu.memref_squeeze %dma_start3A_199 : memref<1x512xf32, #tpu.memory_space<hbm>> -> memref<512xf32, #tpu.memory_space<hbm>>
          tpu.enqueue_dma source(%dma_start3A_200 : memref<512xf32, #tpu.memory_space<hbm>>) target(%dma_start3A_198 : memref<512xf32, #tpu.memory_space<vmem>>) target_semaphore(%arg10 : memref<!tpu.dma_semaphore, #tpu.memory_space<semaphore_mem>>)
          %mul3A_201 = arith.constant 512 : i32
          %mul3A_202 = arith.muli %add3A_53, %mul3A_201 : i32
          %dma_start3A_203 = arith.constant 10 : i32
          %dma_start3A_204 = arith.constant 5120 : i32
          %dma_start3A_205 = tpu.memref_slice %arg5[%dma_start3A_204] : memref<16384xf32, #tpu.memory_space<vmem>> -> memref<512xf32, #tpu.memory_space<vmem>>
          %dma_start3A_206 = tpu.memref_slice %arg2[%dma_start3A_203, %mul3A_202] : memref<32x1000000xf32, #tpu.memory_space<hbm>> -> memref<1x512xf32, #tpu.memory_space<hbm>>
          %dma_start3A_207 = tpu.memref_squeeze %dma_start3A_206 : memref<1x512xf32, #tpu.memory_space<hbm>> -> memref<512xf32, #tpu.memory_space<hbm>>
          %dma_start3A_208 = arith.constant 5120 : i32
          %dma_start3A_209 = tpu.memref_slice %arg5[%dma_start3A_208] : memref<16384xf32, #tpu.memory_space<vmem>> -> memref<512xf32, #tpu.memory_space<vmem>>
          %dma_start3A_210 = tpu.memref_slice %arg2[%dma_start3A_203, %mul3A_202] : memref<32x1000000xf32, #tpu.memory_space<hbm>> -> memref<1x512xf32, #tpu.memory_space<hbm>>
          %dma_start3A_211 = tpu.memref_squeeze %dma_start3A_210 : memref<1x512xf32, #tpu.memory_space<hbm>> -> memref<512xf32, #tpu.memory_space<hbm>>
          tpu.enqueue_dma source(%dma_start3A_211 : memref<512xf32, #tpu.memory_space<hbm>>) target(%dma_start3A_209 : memref<512xf32, #tpu.memory_space<vmem>>) target_semaphore(%arg10 : memref<!tpu.dma_semaphore, #tpu.memory_space<semaphore_mem>>)
          %mul3A_212 = arith.constant 512 : i32
          %mul3A_213 = arith.muli %add3A_53, %mul3A_212 : i32
          %dma_start3A_214 = arith.constant 11 : i32
          %dma_start3A_215 = arith.constant 5632 : i32
          %dma_start3A_216 = tpu.memref_slice %arg5[%dma_start3A_215] : memref<16384xf32, #tpu.memory_space<vmem>> -> memref<512xf32, #tpu.memory_space<vmem>>
          %dma_start3A_217 = tpu.memref_slice %arg2[%dma_start3A_214, %mul3A_213] : memref<32x1000000xf32, #tpu.memory_space<hbm>> -> memref<1x512xf32, #tpu.memory_space<hbm>>
          %dma_start3A_218 = tpu.memref_squeeze %dma_start3A_217 : memref<1x512xf32, #tpu.memory_space<hbm>> -> memref<512xf32, #tpu.memory_space<hbm>>
          %dma_start3A_219 = arith.constant 5632 : i32
          %dma_start3A_220 = tpu.memref_slice %arg5[%dma_start3A_219] : memref<16384xf32, #tpu.memory_space<vmem>> -> memref<512xf32, #tpu.memory_space<vmem>>
          %dma_start3A_221 = tpu.memref_slice %arg2[%dma_start3A_214, %mul3A_213] : memref<32x1000000xf32, #tpu.memory_space<hbm>> -> memref<1x512xf32, #tpu.memory_space<hbm>>
          %dma_start3A_222 = tpu.memref_squeeze %dma_start3A_221 : memref<1x512xf32, #tpu.memory_space<hbm>> -> memref<512xf32, #tpu.memory_space<hbm>>
          tpu.enqueue_dma source(%dma_start3A_222 : memref<512xf32, #tpu.memory_space<hbm>>) target(%dma_start3A_220 : memref<512xf32, #tpu.memory_space<vmem>>) target_semaphore(%arg10 : memref<!tpu.dma_semaphore, #tpu.memory_space<semaphore_mem>>)
          %mul3A_223 = arith.constant 512 : i32
          %mul3A_224 = arith.muli %add3A_53, %mul3A_223 : i32
          %dma_start3A_225 = arith.constant 12 : i32
          %dma_start3A_226 = arith.constant 6144 : i32
          %dma_start3A_227 = tpu.memref_slice %arg5[%dma_start3A_226] : memref<16384xf32, #tpu.memory_space<vmem>> -> memref<512xf32, #tpu.memory_space<vmem>>
          %dma_start3A_228 = tpu.memref_slice %arg2[%dma_start3A_225, %mul3A_224] : memref<32x1000000xf32, #tpu.memory_space<hbm>> -> memref<1x512xf32, #tpu.memory_space<hbm>>
          %dma_start3A_229 = tpu.memref_squeeze %dma_start3A_228 : memref<1x512xf32, #tpu.memory_space<hbm>> -> memref<512xf32, #tpu.memory_space<hbm>>
          %dma_start3A_230 = arith.constant 6144 : i32
          %dma_start3A_231 = tpu.memref_slice %arg5[%dma_start3A_230] : memref<16384xf32, #tpu.memory_space<vmem>> -> memref<512xf32, #tpu.memory_space<vmem>>
          %dma_start3A_232 = tpu.memref_slice %arg2[%dma_start3A_225, %mul3A_224] : memref<32x1000000xf32, #tpu.memory_space<hbm>> -> memref<1x512xf32, #tpu.memory_space<hbm>>
          %dma_start3A_233 = tpu.memref_squeeze %dma_start3A_232 : memref<1x512xf32, #tpu.memory_space<hbm>> -> memref<512xf32, #tpu.memory_space<hbm>>
          tpu.enqueue_dma source(%dma_start3A_233 : memref<512xf32, #tpu.memory_space<hbm>>) target(%dma_start3A_231 : memref<512xf32, #tpu.memory_space<vmem>>) target_semaphore(%arg10 : memref<!tpu.dma_semaphore, #tpu.memory_space<semaphore_mem>>)
          %mul3A_234 = arith.constant 512 : i32
          %mul3A_235 = arith.muli %add3A_53, %mul3A_234 : i32
          %dma_start3A_236 = arith.constant 13 : i32
          %dma_start3A_237 = arith.constant 6656 : i32
          %dma_start3A_238 = tpu.memref_slice %arg5[%dma_start3A_237] : memref<16384xf32, #tpu.memory_space<vmem>> -> memref<512xf32, #tpu.memory_space<vmem>>
          %dma_start3A_239 = tpu.memref_slice %arg2[%dma_start3A_236, %mul3A_235] : memref<32x1000000xf32, #tpu.memory_space<hbm>> -> memref<1x512xf32, #tpu.memory_space<hbm>>
          %dma_start3A_240 = tpu.memref_squeeze %dma_start3A_239 : memref<1x512xf32, #tpu.memory_space<hbm>> -> memref<512xf32, #tpu.memory_space<hbm>>
          %dma_start3A_241 = arith.constant 6656 : i32
          %dma_start3A_242 = tpu.memref_slice %arg5[%dma_start3A_241] : memref<16384xf32, #tpu.memory_space<vmem>> -> memref<512xf32, #tpu.memory_space<vmem>>
          %dma_start3A_243 = tpu.memref_slice %arg2[%dma_start3A_236, %mul3A_235] : memref<32x1000000xf32, #tpu.memory_space<hbm>> -> memref<1x512xf32, #tpu.memory_space<hbm>>
          %dma_start3A_244 = tpu.memref_squeeze %dma_start3A_243 : memref<1x512xf32, #tpu.memory_space<hbm>> -> memref<512xf32, #tpu.memory_space<hbm>>
          tpu.enqueue_dma source(%dma_start3A_244 : memref<512xf32, #tpu.memory_space<hbm>>) target(%dma_start3A_242 : memref<512xf32, #tpu.memory_space<vmem>>) target_semaphore(%arg10 : memref<!tpu.dma_semaphore, #tpu.memory_space<semaphore_mem>>)
          %mul3A_245 = arith.constant 512 : i32
          %mul3A_246 = arith.muli %add3A_53, %mul3A_245 : i32
          %dma_start3A_247 = arith.constant 14 : i32
          %dma_start3A_248 = arith.constant 7168 : i32
          %dma_start3A_249 = tpu.memref_slice %arg5[%dma_start3A_248] : memref<16384xf32, #tpu.memory_space<vmem>> -> memref<512xf32, #tpu.memory_space<vmem>>
          %dma_start3A_250 = tpu.memref_slice %arg2[%dma_start3A_247, %mul3A_246] : memref<32x1000000xf32, #tpu.memory_space<hbm>> -> memref<1x512xf32, #tpu.memory_space<hbm>>
          %dma_start3A_251 = tpu.memref_squeeze %dma_start3A_250 : memref<1x512xf32, #tpu.memory_space<hbm>> -> memref<512xf32, #tpu.memory_space<hbm>>
          %dma_start3A_252 = arith.constant 7168 : i32
          %dma_start3A_253 = tpu.memref_slice %arg5[%dma_start3A_252] : memref<16384xf32, #tpu.memory_space<vmem>> -> memref<512xf32, #tpu.memory_space<vmem>>
          %dma_start3A_254 = tpu.memref_slice %arg2[%dma_start3A_247, %mul3A_246] : memref<32x1000000xf32, #tpu.memory_space<hbm>> -> memref<1x512xf32, #tpu.memory_space<hbm>>
          %dma_start3A_255 = tpu.memref_squeeze %dma_start3A_254 : memref<1x512xf32, #tpu.memory_space<hbm>> -> memref<512xf32, #tpu.memory_space<hbm>>
          tpu.enqueue_dma source(%dma_start3A_255 : memref<512xf32, #tpu.memory_space<hbm>>) target(%dma_start3A_253 : memref<512xf32, #tpu.memory_space<vmem>>) target_semaphore(%arg10 : memref<!tpu.dma_semaphore, #tpu.memory_space<semaphore_mem>>)
          %mul3A_256 = arith.constant 512 : i32
          %mul3A_257 = arith.muli %add3A_53, %mul3A_256 : i32
          %dma_start3A_258 = arith.constant 15 : i32
          %dma_start3A_259 = arith.constant 7680 : i32
          %dma_start3A_260 = tpu.memref_slice %arg5[%dma_start3A_259] : memref<16384xf32, #tpu.memory_space<vmem>> -> memref<512xf32, #tpu.memory_space<vmem>>
          %dma_start3A_261 = tpu.memref_slice %arg2[%dma_start3A_258, %mul3A_257] : memref<32x1000000xf32, #tpu.memory_space<hbm>> -> memref<1x512xf32, #tpu.memory_space<hbm>>
          %dma_start3A_262 = tpu.memref_squeeze %dma_start3A_261 : memref<1x512xf32, #tpu.memory_space<hbm>> -> memref<512xf32, #tpu.memory_space<hbm>>
          %dma_start3A_263 = arith.constant 7680 : i32
          %dma_start3A_264 = tpu.memref_slice %arg5[%dma_start3A_263] : memref<16384xf32, #tpu.memory_space<vmem>> -> memref<512xf32, #tpu.memory_space<vmem>>
          %dma_start3A_265 = tpu.memref_slice %arg2[%dma_start3A_258, %mul3A_257] : memref<32x1000000xf32, #tpu.memory_space<hbm>> -> memref<1x512xf32, #tpu.memory_space<hbm>>
          %dma_start3A_266 = tpu.memref_squeeze %dma_start3A_265 : memref<1x512xf32, #tpu.memory_space<hbm>> -> memref<512xf32, #tpu.memory_space<hbm>>
          tpu.enqueue_dma source(%dma_start3A_266 : memref<512xf32, #tpu.memory_space<hbm>>) target(%dma_start3A_264 : memref<512xf32, #tpu.memory_space<vmem>>) target_semaphore(%arg10 : memref<!tpu.dma_semaphore, #tpu.memory_space<semaphore_mem>>)
          %mul3A_267 = arith.constant 512 : i32
          %mul3A_268 = arith.muli %add3A_53, %mul3A_267 : i32
          %dma_start3A_269 = arith.constant 16 : i32
          %dma_start3A_270 = arith.constant 8192 : i32
          %dma_start3A_271 = tpu.memref_slice %arg5[%dma_start3A_270] : memref<16384xf32, #tpu.memory_space<vmem>> -> memref<512xf32, #tpu.memory_space<vmem>>
          %dma_start3A_272 = tpu.memref_slice %arg2[%dma_start3A_269, %mul3A_268] : memref<32x1000000xf32, #tpu.memory_space<hbm>> -> memref<1x512xf32, #tpu.memory_space<hbm>>
          %dma_start3A_273 = tpu.memref_squeeze %dma_start3A_272 : memref<1x512xf32, #tpu.memory_space<hbm>> -> memref<512xf32, #tpu.memory_space<hbm>>
          %dma_start3A_274 = arith.constant 8192 : i32
          %dma_start3A_275 = tpu.memref_slice %arg5[%dma_start3A_274] : memref<16384xf32, #tpu.memory_space<vmem>> -> memref<512xf32, #tpu.memory_space<vmem>>
          %dma_start3A_276 = tpu.memref_slice %arg2[%dma_start3A_269, %mul3A_268] : memref<32x1000000xf32, #tpu.memory_space<hbm>> -> memref<1x512xf32, #tpu.memory_space<hbm>>
          %dma_start3A_277 = tpu.memref_squeeze %dma_start3A_276 : memref<1x512xf32, #tpu.memory_space<hbm>> -> memref<512xf32, #tpu.memory_space<hbm>>
          tpu.enqueue_dma source(%dma_start3A_277 : memref<512xf32, #tpu.memory_space<hbm>>) target(%dma_start3A_275 : memref<512xf32, #tpu.memory_space<vmem>>) target_semaphore(%arg10 : memref<!tpu.dma_semaphore, #tpu.memory_space<semaphore_mem>>)
          %mul3A_278 = arith.constant 512 : i32
          %mul3A_279 = arith.muli %add3A_53, %mul3A_278 : i32
          %dma_start3A_280 = arith.constant 17 : i32
          %dma_start3A_281 = arith.constant 8704 : i32
          %dma_start3A_282 = tpu.memref_slice %arg5[%dma_start3A_281] : memref<16384xf32, #tpu.memory_space<vmem>> -> memref<512xf32, #tpu.memory_space<vmem>>
          %dma_start3A_283 = tpu.memref_slice %arg2[%dma_start3A_280, %mul3A_279] : memref<32x1000000xf32, #tpu.memory_space<hbm>> -> memref<1x512xf32, #tpu.memory_space<hbm>>
          %dma_start3A_284 = tpu.memref_squeeze %dma_start3A_283 : memref<1x512xf32, #tpu.memory_space<hbm>> -> memref<512xf32, #tpu.memory_space<hbm>>
          %dma_start3A_285 = arith.constant 8704 : i32
          %dma_start3A_286 = tpu.memref_slice %arg5[%dma_start3A_285] : memref<16384xf32, #tpu.memory_space<vmem>> -> memref<512xf32, #tpu.memory_space<vmem>>
          %dma_start3A_287 = tpu.memref_slice %arg2[%dma_start3A_280, %mul3A_279] : memref<32x1000000xf32, #tpu.memory_space<hbm>> -> memref<1x512xf32, #tpu.memory_space<hbm>>
          %dma_start3A_288 = tpu.memref_squeeze %dma_start3A_287 : memref<1x512xf32, #tpu.memory_space<hbm>> -> memref<512xf32, #tpu.memory_space<hbm>>
          tpu.enqueue_dma source(%dma_start3A_288 : memref<512xf32, #tpu.memory_space<hbm>>) target(%dma_start3A_286 : memref<512xf32, #tpu.memory_space<vmem>>) target_semaphore(%arg10 : memref<!tpu.dma_semaphore, #tpu.memory_space<semaphore_mem>>)
          %mul3A_289 = arith.constant 512 : i32
          %mul3A_290 = arith.muli %add3A_53, %mul3A_289 : i32
          %dma_start3A_291 = arith.constant 18 : i32
          %dma_start3A_292 = arith.constant 9216 : i32
          %dma_start3A_293 = tpu.memref_slice %arg5[%dma_start3A_292] : memref<16384xf32, #tpu.memory_space<vmem>> -> memref<512xf32, #tpu.memory_space<vmem>>
          %dma_start3A_294 = tpu.memref_slice %arg2[%dma_start3A_291, %mul3A_290] : memref<32x1000000xf32, #tpu.memory_space<hbm>> -> memref<1x512xf32, #tpu.memory_space<hbm>>
          %dma_start3A_295 = tpu.memref_squeeze %dma_start3A_294 : memref<1x512xf32, #tpu.memory_space<hbm>> -> memref<512xf32, #tpu.memory_space<hbm>>
          %dma_start3A_296 = arith.constant 9216 : i32
          %dma_start3A_297 = tpu.memref_slice %arg5[%dma_start3A_296] : memref<16384xf32, #tpu.memory_space<vmem>> -> memref<512xf32, #tpu.memory_space<vmem>>
          %dma_start3A_298 = tpu.memref_slice %arg2[%dma_start3A_291, %mul3A_290] : memref<32x1000000xf32, #tpu.memory_space<hbm>> -> memref<1x512xf32, #tpu.memory_space<hbm>>
          %dma_start3A_299 = tpu.memref_squeeze %dma_start3A_298 : memref<1x512xf32, #tpu.memory_space<hbm>> -> memref<512xf32, #tpu.memory_space<hbm>>
          tpu.enqueue_dma source(%dma_start3A_299 : memref<512xf32, #tpu.memory_space<hbm>>) target(%dma_start3A_297 : memref<512xf32, #tpu.memory_space<vmem>>) target_semaphore(%arg10 : memref<!tpu.dma_semaphore, #tpu.memory_space<semaphore_mem>>)
          %mul3A_300 = arith.constant 512 : i32
          %mul3A_301 = arith.muli %add3A_53, %mul3A_300 : i32
          %dma_start3A_302 = arith.constant 19 : i32
          %dma_start3A_303 = arith.constant 9728 : i32
          %dma_start3A_304 = tpu.memref_slice %arg5[%dma_start3A_303] : memref<16384xf32, #tpu.memory_space<vmem>> -> memref<512xf32, #tpu.memory_space<vmem>>
          %dma_start3A_305 = tpu.memref_slice %arg2[%dma_start3A_302, %mul3A_301] : memref<32x1000000xf32, #tpu.memory_space<hbm>> -> memref<1x512xf32, #tpu.memory_space<hbm>>
          %dma_start3A_306 = tpu.memref_squeeze %dma_start3A_305 : memref<1x512xf32, #tpu.memory_space<hbm>> -> memref<512xf32, #tpu.memory_space<hbm>>
          %dma_start3A_307 = arith.constant 9728 : i32
          %dma_start3A_308 = tpu.memref_slice %arg5[%dma_start3A_307] : memref<16384xf32, #tpu.memory_space<vmem>> -> memref<512xf32, #tpu.memory_space<vmem>>
          %dma_start3A_309 = tpu.memref_slice %arg2[%dma_start3A_302, %mul3A_301] : memref<32x1000000xf32, #tpu.memory_space<hbm>> -> memref<1x512xf32, #tpu.memory_space<hbm>>
          %dma_start3A_310 = tpu.memref_squeeze %dma_start3A_309 : memref<1x512xf32, #tpu.memory_space<hbm>> -> memref<512xf32, #tpu.memory_space<hbm>>
          tpu.enqueue_dma source(%dma_start3A_310 : memref<512xf32, #tpu.memory_space<hbm>>) target(%dma_start3A_308 : memref<512xf32, #tpu.memory_space<vmem>>) target_semaphore(%arg10 : memref<!tpu.dma_semaphore, #tpu.memory_space<semaphore_mem>>)
          %mul3A_311 = arith.constant 512 : i32
          %mul3A_312 = arith.muli %add3A_53, %mul3A_311 : i32
          %dma_start3A_313 = arith.constant 20 : i32
          %dma_start3A_314 = arith.constant 10240 : i32
          %dma_start3A_315 = tpu.memref_slice %arg5[%dma_start3A_314] : memref<16384xf32, #tpu.memory_space<vmem>> -> memref<512xf32, #tpu.memory_space<vmem>>
          %dma_start3A_316 = tpu.memref_slice %arg2[%dma_start3A_313, %mul3A_312] : memref<32x1000000xf32, #tpu.memory_space<hbm>> -> memref<1x512xf32, #tpu.memory_space<hbm>>
          %dma_start3A_317 = tpu.memref_squeeze %dma_start3A_316 : memref<1x512xf32, #tpu.memory_space<hbm>> -> memref<512xf32, #tpu.memory_space<hbm>>
          %dma_start3A_318 = arith.constant 10240 : i32
          %dma_start3A_319 = tpu.memref_slice %arg5[%dma_start3A_318] : memref<16384xf32, #tpu.memory_space<vmem>> -> memref<512xf32, #tpu.memory_space<vmem>>
          %dma_start3A_320 = tpu.memref_slice %arg2[%dma_start3A_313, %mul3A_312] : memref<32x1000000xf32, #tpu.memory_space<hbm>> -> memref<1x512xf32, #tpu.memory_space<hbm>>
          %dma_start3A_321 = tpu.memref_squeeze %dma_start3A_320 : memref<1x512xf32, #tpu.memory_space<hbm>> -> memref<512xf32, #tpu.memory_space<hbm>>
          tpu.enqueue_dma source(%dma_start3A_321 : memref<512xf32, #tpu.memory_space<hbm>>) target(%dma_start3A_319 : memref<512xf32, #tpu.memory_space<vmem>>) target_semaphore(%arg10 : memref<!tpu.dma_semaphore, #tpu.memory_space<semaphore_mem>>)
          %mul3A_322 = arith.constant 512 : i32
          %mul3A_323 = arith.muli %add3A_53, %mul3A_322 : i32
          %dma_start3A_324 = arith.constant 21 : i32
          %dma_start3A_325 = arith.constant 10752 : i32
          %dma_start3A_326 = tpu.memref_slice %arg5[%dma_start3A_325] : memref<16384xf32, #tpu.memory_space<vmem>> -> memref<512xf32, #tpu.memory_space<vmem>>
          %dma_start3A_327 = tpu.memref_slice %arg2[%dma_start3A_324, %mul3A_323] : memref<32x1000000xf32, #tpu.memory_space<hbm>> -> memref<1x512xf32, #tpu.memory_space<hbm>>
          %dma_start3A_328 = tpu.memref_squeeze %dma_start3A_327 : memref<1x512xf32, #tpu.memory_space<hbm>> -> memref<512xf32, #tpu.memory_space<hbm>>
          %dma_start3A_329 = arith.constant 10752 : i32
          %dma_start3A_330 = tpu.memref_slice %arg5[%dma_start3A_329] : memref<16384xf32, #tpu.memory_space<vmem>> -> memref<512xf32, #tpu.memory_space<vmem>>
          %dma_start3A_331 = tpu.memref_slice %arg2[%dma_start3A_324, %mul3A_323] : memref<32x1000000xf32, #tpu.memory_space<hbm>> -> memref<1x512xf32, #tpu.memory_space<hbm>>
          %dma_start3A_332 = tpu.memref_squeeze %dma_start3A_331 : memref<1x512xf32, #tpu.memory_space<hbm>> -> memref<512xf32, #tpu.memory_space<hbm>>
          tpu.enqueue_dma source(%dma_start3A_332 : memref<512xf32, #tpu.memory_space<hbm>>) target(%dma_start3A_330 : memref<512xf32, #tpu.memory_space<vmem>>) target_semaphore(%arg10 : memref<!tpu.dma_semaphore, #tpu.memory_space<semaphore_mem>>)
          %mul3A_333 = arith.constant 512 : i32
          %mul3A_334 = arith.muli %add3A_53, %mul3A_333 : i32
          %dma_start3A_335 = arith.constant 22 : i32
          %dma_start3A_336 = arith.constant 11264 : i32
          %dma_start3A_337 = tpu.memref_slice %arg5[%dma_start3A_336] : memref<16384xf32, #tpu.memory_space<vmem>> -> memref<512xf32, #tpu.memory_space<vmem>>
          %dma_start3A_338 = tpu.memref_slice %arg2[%dma_start3A_335, %mul3A_334] : memref<32x1000000xf32, #tpu.memory_space<hbm>> -> memref<1x512xf32, #tpu.memory_space<hbm>>
          %dma_start3A_339 = tpu.memref_squeeze %dma_start3A_338 : memref<1x512xf32, #tpu.memory_space<hbm>> -> memref<512xf32, #tpu.memory_space<hbm>>
          %dma_start3A_340 = arith.constant 11264 : i32
          %dma_start3A_341 = tpu.memref_slice %arg5[%dma_start3A_340] : memref<16384xf32, #tpu.memory_space<vmem>> -> memref<512xf32, #tpu.memory_space<vmem>>
          %dma_start3A_342 = tpu.memref_slice %arg2[%dma_start3A_335, %mul3A_334] : memref<32x1000000xf32, #tpu.memory_space<hbm>> -> memref<1x512xf32, #tpu.memory_space<hbm>>
          %dma_start3A_343 = tpu.memref_squeeze %dma_start3A_342 : memref<1x512xf32, #tpu.memory_space<hbm>> -> memref<512xf32, #tpu.memory_space<hbm>>
          tpu.enqueue_dma source(%dma_start3A_343 : memref<512xf32, #tpu.memory_space<hbm>>) target(%dma_start3A_341 : memref<512xf32, #tpu.memory_space<vmem>>) target_semaphore(%arg10 : memref<!tpu.dma_semaphore, #tpu.memory_space<semaphore_mem>>)
          %mul3A_344 = arith.constant 512 : i32
          %mul3A_345 = arith.muli %add3A_53, %mul3A_344 : i32
          %dma_start3A_346 = arith.constant 23 : i32
          %dma_start3A_347 = arith.constant 11776 : i32
          %dma_start3A_348 = tpu.memref_slice %arg5[%dma_start3A_347] : memref<16384xf32, #tpu.memory_space<vmem>> -> memref<512xf32, #tpu.memory_space<vmem>>
          %dma_start3A_349 = tpu.memref_slice %arg2[%dma_start3A_346, %mul3A_345] : memref<32x1000000xf32, #tpu.memory_space<hbm>> -> memref<1x512xf32, #tpu.memory_space<hbm>>
          %dma_start3A_350 = tpu.memref_squeeze %dma_start3A_349 : memref<1x512xf32, #tpu.memory_space<hbm>> -> memref<512xf32, #tpu.memory_space<hbm>>
          %dma_start3A_351 = arith.constant 11776 : i32
          %dma_start3A_352 = tpu.memref_slice %arg5[%dma_start3A_351] : memref<16384xf32, #tpu.memory_space<vmem>> -> memref<512xf32, #tpu.memory_space<vmem>>
          %dma_start3A_353 = tpu.memref_slice %arg2[%dma_start3A_346, %mul3A_345] : memref<32x1000000xf32, #tpu.memory_space<hbm>> -> memref<1x512xf32, #tpu.memory_space<hbm>>
          %dma_start3A_354 = tpu.memref_squeeze %dma_start3A_353 : memref<1x512xf32, #tpu.memory_space<hbm>> -> memref<512xf32, #tpu.memory_space<hbm>>
          tpu.enqueue_dma source(%dma_start3A_354 : memref<512xf32, #tpu.memory_space<hbm>>) target(%dma_start3A_352 : memref<512xf32, #tpu.memory_space<vmem>>) target_semaphore(%arg10 : memref<!tpu.dma_semaphore, #tpu.memory_space<semaphore_mem>>)
          %mul3A_355 = arith.constant 512 : i32
          %mul3A_356 = arith.muli %add3A_53, %mul3A_355 : i32
          %dma_start3A_357 = arith.constant 24 : i32
          %dma_start3A_358 = arith.constant 12288 : i32
          %dma_start3A_359 = tpu.memref_slice %arg5[%dma_start3A_358] : memref<16384xf32, #tpu.memory_space<vmem>> -> memref<512xf32, #tpu.memory_space<vmem>>
          %dma_start3A_360 = tpu.memref_slice %arg2[%dma_start3A_357, %mul3A_356] : memref<32x1000000xf32, #tpu.memory_space<hbm>> -> memref<1x512xf32, #tpu.memory_space<hbm>>
          %dma_start3A_361 = tpu.memref_squeeze %dma_start3A_360 : memref<1x512xf32, #tpu.memory_space<hbm>> -> memref<512xf32, #tpu.memory_space<hbm>>
          %dma_start3A_362 = arith.constant 12288 : i32
          %dma_start3A_363 = tpu.memref_slice %arg5[%dma_start3A_362] : memref<16384xf32, #tpu.memory_space<vmem>> -> memref<512xf32, #tpu.memory_space<vmem>>
          %dma_start3A_364 = tpu.memref_slice %arg2[%dma_start3A_357, %mul3A_356] : memref<32x1000000xf32, #tpu.memory_space<hbm>> -> memref<1x512xf32, #tpu.memory_space<hbm>>
          %dma_start3A_365 = tpu.memref_squeeze %dma_start3A_364 : memref<1x512xf32, #tpu.memory_space<hbm>> -> memref<512xf32, #tpu.memory_space<hbm>>
          tpu.enqueue_dma source(%dma_start3A_365 : memref<512xf32, #tpu.memory_space<hbm>>) target(%dma_start3A_363 : memref<512xf32, #tpu.memory_space<vmem>>) target_semaphore(%arg10 : memref<!tpu.dma_semaphore, #tpu.memory_space<semaphore_mem>>)
          %mul3A_366 = arith.constant 512 : i32
          %mul3A_367 = arith.muli %add3A_53, %mul3A_366 : i32
          %dma_start3A_368 = arith.constant 25 : i32
          %dma_start3A_369 = arith.constant 12800 : i32
          %dma_start3A_370 = tpu.memref_slice %arg5[%dma_start3A_369] : memref<16384xf32, #tpu.memory_space<vmem>> -> memref<512xf32, #tpu.memory_space<vmem>>
          %dma_start3A_371 = tpu.memref_slice %arg2[%dma_start3A_368, %mul3A_367] : memref<32x1000000xf32, #tpu.memory_space<hbm>> -> memref<1x512xf32, #tpu.memory_space<hbm>>
          %dma_start3A_372 = tpu.memref_squeeze %dma_start3A_371 : memref<1x512xf32, #tpu.memory_space<hbm>> -> memref<512xf32, #tpu.memory_space<hbm>>
          %dma_start3A_373 = arith.constant 12800 : i32
          %dma_start3A_374 = tpu.memref_slice %arg5[%dma_start3A_373] : memref<16384xf32, #tpu.memory_space<vmem>> -> memref<512xf32, #tpu.memory_space<vmem>>
          %dma_start3A_375 = tpu.memref_slice %arg2[%dma_start3A_368, %mul3A_367] : memref<32x1000000xf32, #tpu.memory_space<hbm>> -> memref<1x512xf32, #tpu.memory_space<hbm>>
          %dma_start3A_376 = tpu.memref_squeeze %dma_start3A_375 : memref<1x512xf32, #tpu.memory_space<hbm>> -> memref<512xf32, #tpu.memory_space<hbm>>
          tpu.enqueue_dma source(%dma_start3A_376 : memref<512xf32, #tpu.memory_space<hbm>>) target(%dma_start3A_374 : memref<512xf32, #tpu.memory_space<vmem>>) target_semaphore(%arg10 : memref<!tpu.dma_semaphore, #tpu.memory_space<semaphore_mem>>)
          %mul3A_377 = arith.constant 512 : i32
          %mul3A_378 = arith.muli %add3A_53, %mul3A_377 : i32
          %dma_start3A_379 = arith.constant 26 : i32
          %dma_start3A_380 = arith.constant 13312 : i32
          %dma_start3A_381 = tpu.memref_slice %arg5[%dma_start3A_380] : memref<16384xf32, #tpu.memory_space<vmem>> -> memref<512xf32, #tpu.memory_space<vmem>>
          %dma_start3A_382 = tpu.memref_slice %arg2[%dma_start3A_379, %mul3A_378] : memref<32x1000000xf32, #tpu.memory_space<hbm>> -> memref<1x512xf32, #tpu.memory_space<hbm>>
          %dma_start3A_383 = tpu.memref_squeeze %dma_start3A_382 : memref<1x512xf32, #tpu.memory_space<hbm>> -> memref<512xf32, #tpu.memory_space<hbm>>
          %dma_start3A_384 = arith.constant 13312 : i32
          %dma_start3A_385 = tpu.memref_slice %arg5[%dma_start3A_384] : memref<16384xf32, #tpu.memory_space<vmem>> -> memref<512xf32, #tpu.memory_space<vmem>>
          %dma_start3A_386 = tpu.memref_slice %arg2[%dma_start3A_379, %mul3A_378] : memref<32x1000000xf32, #tpu.memory_space<hbm>> -> memref<1x512xf32, #tpu.memory_space<hbm>>
          %dma_start3A_387 = tpu.memref_squeeze %dma_start3A_386 : memref<1x512xf32, #tpu.memory_space<hbm>> -> memref<512xf32, #tpu.memory_space<hbm>>
          tpu.enqueue_dma source(%dma_start3A_387 : memref<512xf32, #tpu.memory_space<hbm>>) target(%dma_start3A_385 : memref<512xf32, #tpu.memory_space<vmem>>) target_semaphore(%arg10 : memref<!tpu.dma_semaphore, #tpu.memory_space<semaphore_mem>>)
          %mul3A_388 = arith.constant 512 : i32
          %mul3A_389 = arith.muli %add3A_53, %mul3A_388 : i32
          %dma_start3A_390 = arith.constant 27 : i32
          %dma_start3A_391 = arith.constant 13824 : i32
          %dma_start3A_392 = tpu.memref_slice %arg5[%dma_start3A_391] : memref<16384xf32, #tpu.memory_space<vmem>> -> memref<512xf32, #tpu.memory_space<vmem>>
          %dma_start3A_393 = tpu.memref_slice %arg2[%dma_start3A_390, %mul3A_389] : memref<32x1000000xf32, #tpu.memory_space<hbm>> -> memref<1x512xf32, #tpu.memory_space<hbm>>
          %dma_start3A_394 = tpu.memref_squeeze %dma_start3A_393 : memref<1x512xf32, #tpu.memory_space<hbm>> -> memref<512xf32, #tpu.memory_space<hbm>>
          %dma_start3A_395 = arith.constant 13824 : i32
          %dma_start3A_396 = tpu.memref_slice %arg5[%dma_start3A_395] : memref<16384xf32, #tpu.memory_space<vmem>> -> memref<512xf32, #tpu.memory_space<vmem>>
          %dma_start3A_397 = tpu.memref_slice %arg2[%dma_start3A_390, %mul3A_389] : memref<32x1000000xf32, #tpu.memory_space<hbm>> -> memref<1x512xf32, #tpu.memory_space<hbm>>
          %dma_start3A_398 = tpu.memref_squeeze %dma_start3A_397 : memref<1x512xf32, #tpu.memory_space<hbm>> -> memref<512xf32, #tpu.memory_space<hbm>>
          tpu.enqueue_dma source(%dma_start3A_398 : memref<512xf32, #tpu.memory_space<hbm>>) target(%dma_start3A_396 : memref<512xf32, #tpu.memory_space<vmem>>) target_semaphore(%arg10 : memref<!tpu.dma_semaphore, #tpu.memory_space<semaphore_mem>>)
          %mul3A_399 = arith.constant 512 : i32
          %mul3A_400 = arith.muli %add3A_53, %mul3A_399 : i32
          %dma_start3A_401 = arith.constant 28 : i32
          %dma_start3A_402 = arith.constant 14336 : i32
          %dma_start3A_403 = tpu.memref_slice %arg5[%dma_start3A_402] : memref<16384xf32, #tpu.memory_space<vmem>> -> memref<512xf32, #tpu.memory_space<vmem>>
          %dma_start3A_404 = tpu.memref_slice %arg2[%dma_start3A_401, %mul3A_400] : memref<32x1000000xf32, #tpu.memory_space<hbm>> -> memref<1x512xf32, #tpu.memory_space<hbm>>
          %dma_start3A_405 = tpu.memref_squeeze %dma_start3A_404 : memref<1x512xf32, #tpu.memory_space<hbm>> -> memref<512xf32, #tpu.memory_space<hbm>>
          %dma_start3A_406 = arith.constant 14336 : i32
          %dma_start3A_407 = tpu.memref_slice %arg5[%dma_start3A_406] : memref<16384xf32, #tpu.memory_space<vmem>> -> memref<512xf32, #tpu.memory_space<vmem>>
          %dma_start3A_408 = tpu.memref_slice %arg2[%dma_start3A_401, %mul3A_400] : memref<32x1000000xf32, #tpu.memory_space<hbm>> -> memref<1x512xf32, #tpu.memory_space<hbm>>
          %dma_start3A_409 = tpu.memref_squeeze %dma_start3A_408 : memref<1x512xf32, #tpu.memory_space<hbm>> -> memref<512xf32, #tpu.memory_space<hbm>>
          tpu.enqueue_dma source(%dma_start3A_409 : memref<512xf32, #tpu.memory_space<hbm>>) target(%dma_start3A_407 : memref<512xf32, #tpu.memory_space<vmem>>) target_semaphore(%arg10 : memref<!tpu.dma_semaphore, #tpu.memory_space<semaphore_mem>>)
          %mul3A_410 = arith.constant 512 : i32
          %mul3A_411 = arith.muli %add3A_53, %mul3A_410 : i32
          %dma_start3A_412 = arith.constant 29 : i32
          %dma_start3A_413 = arith.constant 14848 : i32
          %dma_start3A_414 = tpu.memref_slice %arg5[%dma_start3A_413] : memref<16384xf32, #tpu.memory_space<vmem>> -> memref<512xf32, #tpu.memory_space<vmem>>
          %dma_start3A_415 = tpu.memref_slice %arg2[%dma_start3A_412, %mul3A_411] : memref<32x1000000xf32, #tpu.memory_space<hbm>> -> memref<1x512xf32, #tpu.memory_space<hbm>>
          %dma_start3A_416 = tpu.memref_squeeze %dma_start3A_415 : memref<1x512xf32, #tpu.memory_space<hbm>> -> memref<512xf32, #tpu.memory_space<hbm>>
          %dma_start3A_417 = arith.constant 14848 : i32
          %dma_start3A_418 = tpu.memref_slice %arg5[%dma_start3A_417] : memref<16384xf32, #tpu.memory_space<vmem>> -> memref<512xf32, #tpu.memory_space<vmem>>
          %dma_start3A_419 = tpu.memref_slice %arg2[%dma_start3A_412, %mul3A_411] : memref<32x1000000xf32, #tpu.memory_space<hbm>> -> memref<1x512xf32, #tpu.memory_space<hbm>>
          %dma_start3A_420 = tpu.memref_squeeze %dma_start3A_419 : memref<1x512xf32, #tpu.memory_space<hbm>> -> memref<512xf32, #tpu.memory_space<hbm>>
          tpu.enqueue_dma source(%dma_start3A_420 : memref<512xf32, #tpu.memory_space<hbm>>) target(%dma_start3A_418 : memref<512xf32, #tpu.memory_space<vmem>>) target_semaphore(%arg10 : memref<!tpu.dma_semaphore, #tpu.memory_space<semaphore_mem>>)
          %mul3A_421 = arith.constant 512 : i32
          %mul3A_422 = arith.muli %add3A_53, %mul3A_421 : i32
          %dma_start3A_423 = arith.constant 30 : i32
          %dma_start3A_424 = arith.constant 15360 : i32
          %dma_start3A_425 = tpu.memref_slice %arg5[%dma_start3A_424] : memref<16384xf32, #tpu.memory_space<vmem>> -> memref<512xf32, #tpu.memory_space<vmem>>
          %dma_start3A_426 = tpu.memref_slice %arg2[%dma_start3A_423, %mul3A_422] : memref<32x1000000xf32, #tpu.memory_space<hbm>> -> memref<1x512xf32, #tpu.memory_space<hbm>>
          %dma_start3A_427 = tpu.memref_squeeze %dma_start3A_426 : memref<1x512xf32, #tpu.memory_space<hbm>> -> memref<512xf32, #tpu.memory_space<hbm>>
          %dma_start3A_428 = arith.constant 15360 : i32
          %dma_start3A_429 = tpu.memref_slice %arg5[%dma_start3A_428] : memref<16384xf32, #tpu.memory_space<vmem>> -> memref<512xf32, #tpu.memory_space<vmem>>
          %dma_start3A_430 = tpu.memref_slice %arg2[%dma_start3A_423, %mul3A_422] : memref<32x1000000xf32, #tpu.memory_space<hbm>> -> memref<1x512xf32, #tpu.memory_space<hbm>>
          %dma_start3A_431 = tpu.memref_squeeze %dma_start3A_430 : memref<1x512xf32, #tpu.memory_space<hbm>> -> memref<512xf32, #tpu.memory_space<hbm>>
          tpu.enqueue_dma source(%dma_start3A_431 : memref<512xf32, #tpu.memory_space<hbm>>) target(%dma_start3A_429 : memref<512xf32, #tpu.memory_space<vmem>>) target_semaphore(%arg10 : memref<!tpu.dma_semaphore, #tpu.memory_space<semaphore_mem>>)
          %mul3A_432 = arith.constant 512 : i32
          %mul3A_433 = arith.muli %add3A_53, %mul3A_432 : i32
          %dma_start3A_434 = arith.constant 31 : i32
          %dma_start3A_435 = arith.constant 15872 : i32
          %dma_start3A_436 = tpu.memref_slice %arg5[%dma_start3A_435] : memref<16384xf32, #tpu.memory_space<vmem>> -> memref<512xf32, #tpu.memory_space<vmem>>
          %dma_start3A_437 = tpu.memref_slice %arg2[%dma_start3A_434, %mul3A_433] : memref<32x1000000xf32, #tpu.memory_space<hbm>> -> memref<1x512xf32, #tpu.memory_space<hbm>>
          %dma_start3A_438 = tpu.memref_squeeze %dma_start3A_437 : memref<1x512xf32, #tpu.memory_space<hbm>> -> memref<512xf32, #tpu.memory_space<hbm>>
          %dma_start3A_439 = arith.constant 15872 : i32
          %dma_start3A_440 = tpu.memref_slice %arg5[%dma_start3A_439] : memref<16384xf32, #tpu.memory_space<vmem>> -> memref<512xf32, #tpu.memory_space<vmem>>
          %dma_start3A_441 = tpu.memref_slice %arg2[%dma_start3A_434, %mul3A_433] : memref<32x1000000xf32, #tpu.memory_space<hbm>> -> memref<1x512xf32, #tpu.memory_space<hbm>>
          %dma_start3A_442 = tpu.memref_squeeze %dma_start3A_441 : memref<1x512xf32, #tpu.memory_space<hbm>> -> memref<512xf32, #tpu.memory_space<hbm>>
          tpu.enqueue_dma source(%dma_start3A_442 : memref<512xf32, #tpu.memory_space<hbm>>) target(%dma_start3A_440 : memref<512xf32, #tpu.memory_space<vmem>>) target_semaphore(%arg10 : memref<!tpu.dma_semaphore, #tpu.memory_space<semaphore_mem>>)
        } else {
        }
      } else {
      }
    }
    %scan3A_14 = arith.constant 31 : i32
    %dma_wait3A = arith.constant 0 : i32
    %dma_wait3A_15 = arith.constant 0 : i32
    %dma_wait3A_16 = tpu.memref_slice %arg3[%dma_wait3A, %dma_wait3A_15] : memref<250000x128xf32, #tpu.memory_space<hbm>> -> memref<128x128xf32, #tpu.memory_space<hbm>>
    %dma_wait3A_17 = arith.constant 0 : i32
    %dma_wait3A_18 = arith.constant 0 : i32
    %dma_wait3A_19 = tpu.memref_slice %arg3[%dma_wait3A_17, %dma_wait3A_18] : memref<250000x128xf32, #tpu.memory_space<hbm>> -> memref<128x128xf32, #tpu.memory_space<hbm>>
    tpu.wait_dma2 semaphore(%arg11 : memref<!tpu.dma_semaphore, #tpu.memory_space<semaphore_mem>>) src(%arg6 : memref<128x128xf32, #tpu.memory_space<vmem>>) dst(%dma_wait3A_19 : memref<128x128xf32, #tpu.memory_space<hbm>>)
    %dma_wait3A_20 = arith.constant 0 : i32
    %dma_wait3A_21 = arith.constant 0 : i32
    %dma_wait3A_22 = tpu.memref_slice %arg3[%dma_wait3A_20, %dma_wait3A_21] : memref<250000x128xf32, #tpu.memory_space<hbm>> -> memref<128x128xf32, #tpu.memory_space<hbm>>
    %dma_wait3A_23 = arith.constant 0 : i32
    %dma_wait3A_24 = arith.constant 0 : i32
    %dma_wait3A_25 = tpu.memref_slice %arg3[%dma_wait3A_23, %dma_wait3A_24] : memref<250000x128xf32, #tpu.memory_space<hbm>> -> memref<128x128xf32, #tpu.memory_space<hbm>>
    tpu.wait_dma2 semaphore(%arg12 : memref<!tpu.dma_semaphore, #tpu.memory_space<semaphore_mem>>) src(%arg7 : memref<128x128xf32, #tpu.memory_space<vmem>>) dst(%dma_wait3A_25 : memref<128x128xf32, #tpu.memory_space<hbm>>)
    %eq3A = arith.constant 0 : i32
    %eq3A_26 = arith.cmpi eq, %add3A, %eq3A : i32
    %convert_element_type3A_27 = arith.extui %eq3A_26 : i1 to i32
    %cond3A_28 = arith.constant 0 : i32
    %cond3A_29 = arith.cmpi ne, %convert_element_type3A_27, %cond3A_28 : i32
    scf.if %cond3A_29 {
      "tpu.region"() ({
        %run_scoped3A = tpu.sem_alloc : memref<!tpu.dma_semaphore, #tpu.memory_space<semaphore_mem>>
        %dma_start3A = arith.constant 0 : i32
        %dma_start3A_32 = arith.constant 999936 : i32
        %dma_start3A_33 = tpu.memref_slice %arg2[%dma_start3A, %dma_start3A_32] : memref<32x1000000xf32, #tpu.memory_space<hbm>> -> memref<32x64xf32, #tpu.memory_space<hbm>>
        %dma_start3A_34 = arith.constant 0 : i32
        %dma_start3A_35 = arith.constant 999936 : i32
        %dma_start3A_36 = tpu.memref_slice %arg2[%dma_start3A_34, %dma_start3A_35] : memref<32x1000000xf32, #tpu.memory_space<hbm>> -> memref<32x64xf32, #tpu.memory_space<hbm>>
        tpu.enqueue_dma source(%dma_start3A_36 : memref<32x64xf32, #tpu.memory_space<hbm>>) target(%arg8 : memref<32x64xf32, #tpu.memory_space<vmem>>) target_semaphore(%run_scoped3A : memref<!tpu.dma_semaphore, #tpu.memory_space<semaphore_mem>>)
        %dma_wait3A_37 = arith.constant 0 : i32
        %dma_wait3A_38 = arith.constant 999936 : i32
        %dma_wait3A_39 = tpu.memref_slice %arg2[%dma_wait3A_37, %dma_wait3A_38] : memref<32x1000000xf32, #tpu.memory_space<hbm>> -> memref<32x64xf32, #tpu.memory_space<hbm>>
        %dma_wait3A_40 = arith.constant 0 : i32
        %dma_wait3A_41 = arith.constant 999936 : i32
        %dma_wait3A_42 = tpu.memref_slice %arg2[%dma_wait3A_40, %dma_wait3A_41] : memref<32x1000000xf32, #tpu.memory_space<hbm>> -> memref<32x64xf32, #tpu.memory_space<hbm>>
        tpu.wait_dma2 semaphore(%run_scoped3A : memref<!tpu.dma_semaphore, #tpu.memory_space<semaphore_mem>>) src(%dma_wait3A_42 : memref<32x64xf32, #tpu.memory_space<hbm>>) dst(%arg8 : memref<32x64xf32, #tpu.memory_space<vmem>>)
        tpu.yield
      }) : () -> ()
      %parallel_loop3A = arith.constant 0 : i32
      %parallel_loop3A_30 = arith.constant 16 : i32
      %parallel_loop3A_31 = arith.constant 1 : i32
      scf.for %parallel_loop3A_32 = %parallel_loop3A to %parallel_loop3A_30 step %parallel_loop3A_31  : i32 {
        %parallel_loop3A_33 = arith.constant 4 : i32
        %parallel_loop3A_34 = arith.muli %parallel_loop3A_32, %parallel_loop3A_33 : i32
        %parallel_loop3A_35 = arith.constant 0 : i32
        %parallel_loop3A_36 = vector.broadcast %parallel_loop3A_35 : i32 to vector<16xi32>
        %parallel_loop3A_37 = arith.constant 0 : i32
        %parallel_loop3A_38 = arith.addi %parallel_loop3A_34, %parallel_loop3A_37 : i32
        %parallel_loop3A_39 = vector.broadcast %parallel_loop3A_38 : i32 to vector<16xi32>
        %parallel_loop3A_40 = arith.addi %parallel_loop3A_36, %parallel_loop3A_39 : vector<16xi32>
        %parallel_loop3A_41 = arith.constant 0 : i32
        %parallel_loop3A_42 = vector.broadcast %parallel_loop3A_41 : i32 to vector<16xi32>
        %parallel_loop3A_43 = arith.addi %parallel_loop3A_42, %iota3A : vector<16xi32>
        %parallel_loop3A_44 = tpu.vector_load_idx %arg8[%parallel_loop3A_43, %parallel_loop3A_40] : memref<32x64xf32, #tpu.memory_space<vmem>>[vector<16xi32>, vector<16xi32>], vector<16xf32>,
        %parallel_loop3A_45 = arith.index_cast %parallel_loop3A_32 : i32 to index
        %parallel_loop3A_46 = arith.constant 0 : index
        %parallel_loop3A_47 = tpu.vector_load %arg6[%parallel_loop3A_45, %parallel_loop3A_46] {strides = array<i32>} : memref<128x128xf32, #tpu.memory_space<vmem>>, vector<16xf32>,
        tpu.vector_store %arg6[%parallel_loop3A_45, %parallel_loop3A_46], %parallel_loop3A_44 {strides = array<i32>} : memref<128x128xf32, #tpu.memory_space<vmem>>, vector<16xf32>,
        %parallel_loop3A_48 = arith.constant 16 : i32
        %parallel_loop3A_49 = vector.broadcast %parallel_loop3A_48 : i32 to vector<16xi32>
        %parallel_loop3A_50 = arith.addi %parallel_loop3A_49, %iota3A : vector<16xi32>
        %parallel_loop3A_51 = tpu.vector_load_idx %arg8[%parallel_loop3A_50, %parallel_loop3A_40] : memref<32x64xf32, #tpu.memory_space<vmem>>[vector<16xi32>, vector<16xi32>], vector<16xf32>,
        %parallel_loop3A_52 = arith.index_cast %parallel_loop3A_32 : i32 to index
        %parallel_loop3A_53 = arith.constant 16 : index
        %parallel_loop3A_54 = tpu.vector_load %arg6[%parallel_loop3A_52, %parallel_loop3A_53] {strides = array<i32>} : memref<128x128xf32, #tpu.memory_space<vmem>>, vector<16xf32>,
        tpu.vector_store %arg6[%parallel_loop3A_52, %parallel_loop3A_53], %parallel_loop3A_51 {strides = array<i32>} : memref<128x128xf32, #tpu.memory_space<vmem>>, vector<16xf32>,
        %parallel_loop3A_55 = arith.constant 0 : i32
        %parallel_loop3A_56 = vector.broadcast %parallel_loop3A_55 : i32 to vector<16xi32>
        %parallel_loop3A_57 = arith.constant 1 : i32
        %parallel_loop3A_58 = arith.addi %parallel_loop3A_34, %parallel_loop3A_57 : i32
        %parallel_loop3A_59 = vector.broadcast %parallel_loop3A_58 : i32 to vector<16xi32>
        %parallel_loop3A_60 = arith.addi %parallel_loop3A_56, %parallel_loop3A_59 : vector<16xi32>
        %parallel_loop3A_61 = arith.constant 0 : i32
        %parallel_loop3A_62 = vector.broadcast %parallel_loop3A_61 : i32 to vector<16xi32>
        %parallel_loop3A_63 = arith.addi %parallel_loop3A_62, %iota3A : vector<16xi32>
        %parallel_loop3A_64 = tpu.vector_load_idx %arg8[%parallel_loop3A_63, %parallel_loop3A_60] : memref<32x64xf32, #tpu.memory_space<vmem>>[vector<16xi32>, vector<16xi32>], vector<16xf32>,
        %parallel_loop3A_65 = arith.index_cast %parallel_loop3A_32 : i32 to index
        %parallel_loop3A_66 = arith.constant 32 : index
        %parallel_loop3A_67 = tpu.vector_load %arg6[%parallel_loop3A_65, %parallel_loop3A_66] {strides = array<i32>} : memref<128x128xf32, #tpu.memory_space<vmem>>, vector<16xf32>,
        tpu.vector_store %arg6[%parallel_loop3A_65, %parallel_loop3A_66], %parallel_loop3A_64 {strides = array<i32>} : memref<128x128xf32, #tpu.memory_space<vmem>>, vector<16xf32>,
        %parallel_loop3A_68 = arith.constant 16 : i32
        %parallel_loop3A_69 = vector.broadcast %parallel_loop3A_68 : i32 to vector<16xi32>
        %parallel_loop3A_70 = arith.addi %parallel_loop3A_69, %iota3A : vector<16xi32>
        %parallel_loop3A_71 = tpu.vector_load_idx %arg8[%parallel_loop3A_70, %parallel_loop3A_60] : memref<32x64xf32, #tpu.memory_space<vmem>>[vector<16xi32>, vector<16xi32>], vector<16xf32>,
        %parallel_loop3A_72 = arith.index_cast %parallel_loop3A_32 : i32 to index
        %parallel_loop3A_73 = arith.constant 48 : index
        %parallel_loop3A_74 = tpu.vector_load %arg6[%parallel_loop3A_72, %parallel_loop3A_73] {strides = array<i32>} : memref<128x128xf32, #tpu.memory_space<vmem>>, vector<16xf32>,
        tpu.vector_store %arg6[%parallel_loop3A_72, %parallel_loop3A_73], %parallel_loop3A_71 {strides = array<i32>} : memref<128x128xf32, #tpu.memory_space<vmem>>, vector<16xf32>,
        %parallel_loop3A_75 = arith.constant 0 : i32
        %parallel_loop3A_76 = vector.broadcast %parallel_loop3A_75 : i32 to vector<16xi32>
        %parallel_loop3A_77 = arith.constant 2 : i32
        %parallel_loop3A_78 = arith.addi %parallel_loop3A_34, %parallel_loop3A_77 : i32
        %parallel_loop3A_79 = vector.broadcast %parallel_loop3A_78 : i32 to vector<16xi32>
        %parallel_loop3A_80 = arith.addi %parallel_loop3A_76, %parallel_loop3A_79 : vector<16xi32>
        %parallel_loop3A_81 = arith.constant 0 : i32
        %parallel_loop3A_82 = vector.broadcast %parallel_loop3A_81 : i32 to vector<16xi32>
        %parallel_loop3A_83 = arith.addi %parallel_loop3A_82, %iota3A : vector<16xi32>
        %parallel_loop3A_84 = tpu.vector_load_idx %arg8[%parallel_loop3A_83, %parallel_loop3A_80] : memref<32x64xf32, #tpu.memory_space<vmem>>[vector<16xi32>, vector<16xi32>], vector<16xf32>,
        %parallel_loop3A_85 = arith.index_cast %parallel_loop3A_32 : i32 to index
        %parallel_loop3A_86 = arith.constant 64 : index
        %parallel_loop3A_87 = tpu.vector_load %arg6[%parallel_loop3A_85, %parallel_loop3A_86] {strides = array<i32>} : memref<128x128xf32, #tpu.memory_space<vmem>>, vector<16xf32>,
        tpu.vector_store %arg6[%parallel_loop3A_85, %parallel_loop3A_86], %parallel_loop3A_84 {strides = array<i32>} : memref<128x128xf32, #tpu.memory_space<vmem>>, vector<16xf32>,
        %parallel_loop3A_88 = arith.constant 16 : i32
        %parallel_loop3A_89 = vector.broadcast %parallel_loop3A_88 : i32 to vector<16xi32>
        %parallel_loop3A_90 = arith.addi %parallel_loop3A_89, %iota3A : vector<16xi32>
        %parallel_loop3A_91 = tpu.vector_load_idx %arg8[%parallel_loop3A_90, %parallel_loop3A_80] : memref<32x64xf32, #tpu.memory_space<vmem>>[vector<16xi32>, vector<16xi32>], vector<16xf32>,
        %parallel_loop3A_92 = arith.index_cast %parallel_loop3A_32 : i32 to index
        %parallel_loop3A_93 = arith.constant 80 : index
        %parallel_loop3A_94 = tpu.vector_load %arg6[%parallel_loop3A_92, %parallel_loop3A_93] {strides = array<i32>} : memref<128x128xf32, #tpu.memory_space<vmem>>, vector<16xf32>,
        tpu.vector_store %arg6[%parallel_loop3A_92, %parallel_loop3A_93], %parallel_loop3A_91 {strides = array<i32>} : memref<128x128xf32, #tpu.memory_space<vmem>>, vector<16xf32>,
        %parallel_loop3A_95 = arith.constant 0 : i32
        %parallel_loop3A_96 = vector.broadcast %parallel_loop3A_95 : i32 to vector<16xi32>
        %parallel_loop3A_97 = arith.constant 3 : i32
        %parallel_loop3A_98 = arith.addi %parallel_loop3A_34, %parallel_loop3A_97 : i32
        %parallel_loop3A_99 = vector.broadcast %parallel_loop3A_98 : i32 to vector<16xi32>
        %parallel_loop3A_100 = arith.addi %parallel_loop3A_96, %parallel_loop3A_99 : vector<16xi32>
        %parallel_loop3A_101 = arith.constant 0 : i32
        %parallel_loop3A_102 = vector.broadcast %parallel_loop3A_101 : i32 to vector<16xi32>
        %parallel_loop3A_103 = arith.addi %parallel_loop3A_102, %iota3A : vector<16xi32>
        %parallel_loop3A_104 = tpu.vector_load_idx %arg8[%parallel_loop3A_103, %parallel_loop3A_100] : memref<32x64xf32, #tpu.memory_space<vmem>>[vector<16xi32>, vector<16xi32>], vector<16xf32>,
        %parallel_loop3A_105 = arith.index_cast %parallel_loop3A_32 : i32 to index
        %parallel_loop3A_106 = arith.constant 96 : index
        %parallel_loop3A_107 = tpu.vector_load %arg6[%parallel_loop3A_105, %parallel_loop3A_106] {strides = array<i32>} : memref<128x128xf32, #tpu.memory_space<vmem>>, vector<16xf32>,
        tpu.vector_store %arg6[%parallel_loop3A_105, %parallel_loop3A_106], %parallel_loop3A_104 {strides = array<i32>} : memref<128x128xf32, #tpu.memory_space<vmem>>, vector<16xf32>,
        %parallel_loop3A_108 = arith.constant 16 : i32
        %parallel_loop3A_109 = vector.broadcast %parallel_loop3A_108 : i32 to vector<16xi32>
        %parallel_loop3A_110 = arith.addi %parallel_loop3A_109, %iota3A : vector<16xi32>
        %parallel_loop3A_111 = tpu.vector_load_idx %arg8[%parallel_loop3A_110, %parallel_loop3A_100] : memref<32x64xf32, #tpu.memory_space<vmem>>[vector<16xi32>, vector<16xi32>], vector<16xf32>,
        %parallel_loop3A_112 = arith.index_cast %parallel_loop3A_32 : i32 to index
        %parallel_loop3A_113 = arith.constant 112 : index
        %parallel_loop3A_114 = tpu.vector_load %arg6[%parallel_loop3A_112, %parallel_loop3A_113] {strides = array<i32>} : memref<128x128xf32, #tpu.memory_space<vmem>>, vector<16xf32>,
        tpu.vector_store %arg6[%parallel_loop3A_112, %parallel_loop3A_113], %parallel_loop3A_111 {strides = array<i32>} : memref<128x128xf32, #tpu.memory_space<vmem>>, vector<16xf32>,
      } {sc.loop_unroll_factor = 1 : i64, sc.parallel_access}
      "tpu.region"() ({
        %run_scoped3A = tpu.sem_alloc : memref<!tpu.dma_semaphore, #tpu.memory_space<semaphore_mem>>
        %dma_start3A = arith.constant 0 : i32
        %dma_start3A_32 = arith.constant 0 : i32
        %dma_start3A_33 = tpu.memref_slice %arg6[%dma_start3A, %dma_start3A_32] : memref<128x128xf32, #tpu.memory_space<vmem>> -> memref<16x128xf32, #tpu.memory_space<vmem>>
        %dma_start3A_34 = arith.constant 249984 : i32
        %dma_start3A_35 = arith.constant 0 : i32
        %dma_start3A_36 = tpu.memref_slice %arg3[%dma_start3A_34, %dma_start3A_35] : memref<250000x128xf32, #tpu.memory_space<hbm>> -> memref<16x128xf32, #tpu.memory_space<hbm>>
        %dma_start3A_37 = arith.constant 249984 : i32
        %dma_start3A_38 = arith.constant 0 : i32
        %dma_start3A_39 = tpu.memref_slice %arg3[%dma_start3A_37, %dma_start3A_38] : memref<250000x128xf32, #tpu.memory_space<hbm>> -> memref<16x128xf32, #tpu.memory_space<hbm>>
        %dma_start3A_40 = arith.constant 0 : i32
        %dma_start3A_41 = arith.constant 0 : i32
        %dma_start3A_42 = tpu.memref_slice %arg6[%dma_start3A_40, %dma_start3A_41] : memref<128x128xf32, #tpu.memory_space<vmem>> -> memref<16x128xf32, #tpu.memory_space<vmem>>
        tpu.enqueue_dma source(%dma_start3A_42 : memref<16x128xf32, #tpu.memory_space<vmem>>) target(%dma_start3A_39 : memref<16x128xf32, #tpu.memory_space<hbm>>) target_semaphore(%run_scoped3A : memref<!tpu.dma_semaphore, #tpu.memory_space<semaphore_mem>>)
        %dma_wait3A_43 = arith.constant 0 : i32
        %dma_wait3A_44 = arith.constant 0 : i32
        %dma_wait3A_45 = tpu.memref_slice %arg6[%dma_wait3A_43, %dma_wait3A_44] : memref<128x128xf32, #tpu.memory_space<vmem>> -> memref<16x128xf32, #tpu.memory_space<vmem>>
        %dma_wait3A_46 = arith.constant 249984 : i32
        %dma_wait3A_47 = arith.constant 0 : i32
        %dma_wait3A_48 = tpu.memref_slice %arg3[%dma_wait3A_46, %dma_wait3A_47] : memref<250000x128xf32, #tpu.memory_space<hbm>> -> memref<16x128xf32, #tpu.memory_space<hbm>>
        %dma_wait3A_49 = arith.constant 249984 : i32
        %dma_wait3A_50 = arith.constant 0 : i32
        %dma_wait3A_51 = tpu.memref_slice %arg3[%dma_wait3A_49, %dma_wait3A_50] : memref<250000x128xf32, #tpu.memory_space<hbm>> -> memref<16x128xf32, #tpu.memory_space<hbm>>
        %dma_wait3A_52 = arith.constant 0 : i32
        %dma_wait3A_53 = arith.constant 0 : i32
        %dma_wait3A_54 = tpu.memref_slice %arg6[%dma_wait3A_52, %dma_wait3A_53] : memref<128x128xf32, #tpu.memory_space<vmem>> -> memref<16x128xf32, #tpu.memory_space<vmem>>
        tpu.wait_dma2 semaphore(%run_scoped3A : memref<!tpu.dma_semaphore, #tpu.memory_space<semaphore_mem>>) src(%dma_wait3A_54 : memref<16x128xf32, #tpu.memory_space<vmem>>) dst(%dma_wait3A_51 : memref<16x128xf32, #tpu.memory_space<hbm>>)
        tpu.yield
      }) : () -> ()
    } else {
    }
    return
  }
}

</mosaic_0001>

<sc_bundles>
// kernel: _sc_transpose.3.cloned.1.call-start
scs
__scs_entry_jumppad:
0x0: {  	(pc) =	sbr.rel $0x88, $3  }
0x1: {  	(tag) =	ssettag $0x0;
	lr =	simm.s32 $0x1  }
0x2: {  	[smem:$0x3FA0] =	sst lr;
	_ =	strace $0xD0000000  }
0x3: {  	_ = 	snop  }
0x4: {  	_ = 	snop  }
0x5: {  	_ = 	snop  }
0x6: {  	_ = 	snop  }
0x7: {  	_ = 	snop  }
__scs_overlays_trampoline_lowered:
0x8: {  	[smem:$0x3FAF] =	sst s0  }
0x9: {  	[smem:$0x3FB0] =	sst s1  }
0xa: {  	[smem:$0x3FB1] =	sst s2  }
0xb: {  	[smem:$0x3FB2] =	sst s3  }
0xc: {  	[smem:$0x3FB3] =	sst s4  }
0xd: {  	[smem:$0x3FB4] =	sst s5  }
0xe: {  	[smem:$0x3FB5] =	sst s6  }
0xf: {  	[smem:$0x3FB6] =	sst s7  }
0x10: {  	[smem:$0x3FB7] =	sst s8  }
0x11: {  	[smem:$0x3FB8] =	sst s9;
	s0 =	simm.s32 @!p0 $0x0  }
0x12: {  	s1 =	sld [smem:$0x3F9E];
	s0 =	simm.s32 @p0 $0x1  }
0x13: {  	[smem:$0x3FB9] =	sst s0;
	s0 =	simm.s32 @!p1 $0x0  }
0x14: {  	s2 =	sld [smem:$0x3F9D];
	s0 =	simm.s32 @p1 $0x1  }
0x15: {  	[smem:$0x3FBA] =	sst s0;
	s0 =	simm.s32 @!p2 $0x0  }
0x16: {  	s3 =	sld [smem:$0x3FDB];
	s0 =	simm.s32 @p2 $0x1  }
0x17: {  	s4 =	simm.s32 $0x1BF5;
	[smem:$0x3FBC] =	sst s0  }
0x18: {  	s0 =	sld [smem:$0x3F9F];
	_ =	swait.ge [sflag:s4], $0x0  }
0x19: {  	s7 =	sld [smem:$0x3FA0]  }
0x1a: {  	s8 =	sadd.s32 $0xFFFFE003, lr  }
0x1b: {  	s9 =	sadd.s32 $0xFFFFFEF7, lr;
	s5 =	simm.s32 $0xFFFFFFFF;
	p2 =	slt.u32 s8, $0xFFFFF086  }
0x1c: {  	p1 =	slt.u32 s9, $0xF7A;
	s5 =	simm.s32 @!p2 $0x0  }
0x1d: {  	s5 =	simm.s32 @p1 $0x1;
	p0 =	seq.s32 s7, s2  }
0x1e: {  	s7 =	smul.u32 @!p0 $0xF7A, s2;
	p2 =	seq.s32 @!p0 s5, $0x0  }
0x1f: {  	s9 =	smul.u32 $0xF7A, s1;
	s8 =	simm.s32 @!p0 $0x1BF5;
	p2 =	por !p2, p0  }
0x20: {  	[sflag:s8] =	ssyncset.s32 @!p0 $0xFFFFF086;
	s6 =	sadd.s32 @!p0 s3, s7;
	s7 =	simm.s32 @!p0 $0x108  }
0x21: {  	s3 =	sadd.s32 s3, s9;
	s6 =	sadd.s32 @!p0 $0x88, s6;
	s7 =	simm.s32 @p2 $0x1082  }
0x22: {  	[simem:s7], [sflag:s8] =	dma.local @!p0 [hbm:s6], $0xF7A  }
0x23: {  	s9 =	sor.u32 $0xD0000000, s2;
	s6 =	simm.s32 $0x108;
	_ =	swait.ge @!p0 [sflag:s8], $0x0  }
0x24: {  	s3 =	sadd.s32 $0x88, s3;
	s6 =	simm.s32 @!p1 $0x1082;
	[sflag:s4] =	ssyncset.s32 $0xFFFFF086  }
0x25: {  	[simem:s6], [sflag:s4] =	dma.local [hbm:s3], $0xF7A  }
0x26: {  	[smem:$0x3FA0] =	sst s1;
	(tag) =	ssettag s2;
	_ =	strace s9  }
0x27: {  	s1 =	sld [smem:$0x3FB0]  }
0x28: {  	s2 =	sld [smem:$0x3FB1]  }
0x29: {  	s4 =	sld [smem:$0x3FB3]  }
0x2a: {  	p0 =	seq.s32 s5, $0x0;
	s5 =	sld [smem:$0x3FB4]  }
0x2b: {  	s6 =	sld [smem:$0x3FB5]  }
0x2c: {  	s7 =	sld [smem:$0x3FB6]  }
0x2d: {  	s3 =	simm.s32 $0x108;
	s8 =	sld [smem:$0x3FB7]  }
0x2e: {  	s3 =	simm.s32 @!p0 $0x1082;
	s9 =	sld [smem:$0x3FB8]  }
0x2f: {  	lr =	sadd.s32 s0, s3;
	s0 =	sld [smem:$0x3FAF]  }
0x30: {  	s3 =	sld [smem:$0x3FB2]  }
0x31: {  	[smem:$0x3FBB] =	sst s10  }
0x32: {  	s10 =	sld [smem:$0x3FB9];
	_ =	sdelay $0x3  }
0x33: {  	p0 =	seq.s32 s10, $0x1;
	s10 =	sld [smem:$0x3FBB];
	_ =	sdelay $0x3  }
0x34: {  	[smem:$0x3FBB] =	sst s10  }
0x35: {  	s10 =	sld [smem:$0x3FBA];
	_ =	sdelay $0x3  }
0x36: {  	p1 =	seq.s32 s10, $0x1;
	s10 =	sld [smem:$0x3FBB];
	_ =	sdelay $0x3  }
0x37: {  	[smem:$0x3FBB] =	sst s10  }
0x38: {  	s10 =	sld [smem:$0x3FBC]  }
0x39: {  	_ = 	snop;
	(pc) =	sbr.ind lr, $3  }
0x3a: {  	_ = 	snop  }
0x3b: {  	_ = 	snop  }
0x3c: {  	p2 =	seq.s32 s10, $0x1;
	s10 =	sld [smem:$0x3FBB]  }
0x3d: {  	_ =	shalt  }
0x3e: {  	_ =	shalt  }
0x3f: {  	_ =	shalt  }
0x40: {  	_ =	shalt  }
0x41: {  	_ =	shalt  }
0x42: {  	_ =	shalt  }
0x43: {  	_ =	shalt  }
0x44: {  	_ =	shalt  }
0x45: {  	_ =	shalt  }
0x46: {  	_ =	shalt  }
0x47: {  	_ =	shalt  }
0x48: {  	_ =	shalt  }
0x49: {  	_ =	shalt  }
0x4a: {  	_ =	shalt  }
0x4b: {  	_ =	shalt  }
0x4c: {  	_ =	shalt  }
0x4d: {  	_ =	shalt  }
0x4e: {  	_ =	shalt  }
0x4f: {  	_ =	shalt  }
0x50: {  	_ =	shalt  }
0x51: {  	_ =	shalt  }
0x52: {  	_ =	shalt  }
0x53: {  	_ =	shalt  }
0x54: {  	_ =	shalt  }
0x55: {  	_ =	shalt  }
0x56: {  	_ =	shalt  }
0x57: {  	_ =	shalt  }
0x58: {  	_ =	shalt  }
0x59: {  	_ =	shalt  }
0x5a: {  	_ =	shalt  }
0x5b: {  	_ =	shalt  }
0x5c: {  	_ =	shalt  }
0x5d: {  	_ =	shalt  }
0x5e: {  	_ =	shalt  }
0x5f: {  	_ =	shalt  }
0x60: {  	_ =	shalt  }
0x61: {  	_ =	shalt  }
0x62: {  	_ =	shalt  }
0x63: {  	_ =	shalt  }
0x64: {  	_ =	shalt  }
0x65: {  	_ =	shalt  }
0x66: {  	_ =	shalt  }
0x67: {  	_ =	shalt  }
0x68: {  	_ =	shalt  }
0x69: {  	_ =	shalt  }
0x6a: {  	_ =	shalt  }
0x6b: {  	_ =	shalt  }
0x6c: {  	_ =	shalt  }
0x6d: {  	_ =	shalt  }
0x6e: {  	_ =	shalt  }
0x6f: {  	_ =	shalt  }
0x70: {  	_ =	shalt  }
0x71: {  	_ =	shalt  }
0x72: {  	_ =	shalt  }
0x73: {  	_ =	shalt  }
0x74: {  	_ =	shalt  }
0x75: {  	_ =	shalt  }
0x76: {  	_ =	shalt  }
0x77: {  	_ =	shalt  }
0x78: {  	_ =	shalt  }
0x79: {  	_ =	shalt  }
0x7a: {  	_ =	shalt  }
0x7b: {  	_ =	shalt  }
0x7c: {  	_ =	shalt  }
0x7d: {  	_ =	shalt  }
0x7e: {  	_ =	shalt  }
0x7f: {  	_ =	shalt  }
0x80: {  	_ =	shalt  }
0x81: {  	_ =	shalt  }
0x82: {  	_ =	shalt  }
0x83: {  	_ =	shalt  }
0x84: {  	_ =	shalt  }
0x85: {  	_ =	shalt  }
0x86: {  	_ =	shalt  }
0x87: {  	_ =	shalt  }
.Lfunc_end0:
.L_simem_size_0:
called_computation_lowered:
.L_overlay_start_0:
0x88: {  	s2 =	sld [smem:$0x3FD9]  }
0x89: {  	s3 =	sld [smem:$0x3FFE];
	_ =	sdelay $0x1  }
0x8a: {  	s1 =	srdreg.scid  }
0x8b: {  	s0 =	sand.u32 $0x1, s1  }
0x8c: {  	s18 =	sshll.u32 s0, $0xA;
	s2 =	sadd.s32 s3, s2  }
0x8d: {  	s2 =	sadd.s32 s2, s18  }
0x8e: {  	[smem:$0x3FC7] =	sst s2  }
0x8f: {  	_ = 	snop  }
0x90: {  	s2 =	sld [smem:$0x3FC9]  }
0x91: {  	s19 =	sld [smem:$0x3FD0];
	(tm) =	ssettm $0x1  }
0x92: {  	s4 =	sld [smem:$0x3FFB];
	_ =	sdelay $0x3  }
0x93: {  	_ =	strace s4  }
0x94: {  	s4 =	sld [smem:$0x3FFC];
	_ =	sdelay $0x3  }
0x95: {  	_ =	strace s4  }
0x96: {  	s4 =	sld [smem:$0x3FFD];
	_ =	sdelay $0x3  }
0x97: {  	_ =	strace s4  }
0x98: {  	_ =	strace $0x8FFFFFFF  }
0x99: {  	s20 =	sld [smem:$0x3FDB];
	_ =	sdelay $0x1  }
0x9a: {  	s5 =	simm.s32 $_scs_section_size  }
0x9b: {  	s6 =	simm.s32 $_size__tile_overlayer_lowered;
	s7 =	simm.s32 $_tile_overlayer_lowered  }
0x9c: {  	s23 =	simm.s32 $0x1BFF;
	s22 =	sshll.u32 s7, $0x1;
	s4 =	sadd.s32 s5, s20  }
0x9d: {  	s8 =	simm.s32 $0x0;
	s21 =	sshll.u32 s6, $0x1;
	s6 =	sadd.s32 s22, s4  }
0x9e: {  	[timem:s8], [sflag:s23] =	dma.local [hbm:s6], s21  }
0x9f: {  	_ =	swait.ge [sflag:s23], s21  }
0xa0: {  	s5 =	ssub.s32 $0x0, s21;
	[sflag:s23] =	ssyncset.done $0x0  }
0xa1: {  	[sflag:s23] =	ssyncadd.s32 s5;
	_ =	sdelay $0x1  }
0xa2: {  	s24 =	simm.s32 $0x1B8B  }
0xa3: {  	_ =	swait.ge [sflag:s24], $0x1  }
0xa4: {  	[sflag:s24] =	ssyncset.done $0x0  }
0xa5: {  	s25 =	simm.s32 $0x1B8E;
	[sflag:s24] =	ssyncadd.s32 $0xFFFFFFFF  }
0xa6: {  	s26 =	simm.s32 $execute0_lowered;
	[smem:$0x3FD2] =	sst s25  }
0xa7: {  	s5 =	sshll.u32 s26, $0x1;
	_ =	strace $0x80000046;
	[dreg:$0x1] =	wrdreg $0xFFFFFFFF  }
0xa8: {  	s28 =	simm.s32 $_size_execute0_lowered;
	s4 =	sadd.s32 s4, s5;
	[dreg:$0x0] =	wrdreg $0x0  }
0xa9: {  	s5 =	sshll.u32 s28, $0x1;
	[dreg:$0x2] =	wrdreg s4  }
0xaa: {  	[dreg:$0x3] =	wrdreg s5  }
0xab: {  	[dreg:$0x4] =	wrdreg $0xC0  }
0xac: {  	_ =	task [dreg:s8], $0x5FFFF  }
0xad: {  	[dreg:$0x1] =	wrdreg $0xFFFFFFFF  }
0xae: {  	[dreg:$0x0] =	wrdreg $0x60  }
0xaf: {  	[dreg:$0x2] =	wrdreg s2  }
0xb0: {  	[dreg:$0x3] =	wrdreg s19  }
0xb1: {  	[dreg:$0x4] =	wrdreg $0x9  }
0xb2: {  	_ =	task.clear_ibuf [dreg:s8], $0x5FFFF;
	_ =	strace $0x90000046  }
0xb3: {  	s29 =	simm.s32 $0x9;
	_ =	strace $0x80000048  }
0xb4: {  	_ =	swait.ge [sflag:s29], $0x1  }
0xb5: {  	[sflag:s29] =	ssyncadd.s32 $0xFFFFFFFF  }
0xb6: {  	_ =	strace $0x90000048  }
0xb7: {  	_ =	sfence  }
0xb8: {  	s30 =	sld [smem:$0x0];
	_ =	sdelay $0x2  }
0xb9: {  	s31 =	sshll.u32 s1, $0xD;
	s1 =	sshrl.u32 s1, $0x2  }
0xba: {  	s3 =	sand.u32 $0x4000, s31;
	s1 =	sadd.s32 s1, s30  }
0xbb: {  	s0 =	sor.u32 s3, s0;
	s1 =	sshll.u32 s1, $0x11  }
0xbc: {  	s0 =	sor.u32 s1, s0  }
0xbd: {  	s0 =	sadd.s32 $0x8F2B, s0  }
0xbe: {  	[sflag:s0] =	ssyncadd.remote.s32 $0x1  }
0xbf: {  	_ =	sfence.sel $0xFFFF  }
0xc0: {  	[dreg:$0x0] =	wrdreg $0xFFFFFFFF;
	(pc) =	sbr.abs _section_cstart, $3  }
0xc1: {  	[dreg:$0x1] =	wrdreg $0xFFFFFFFF  }
0xc2: {  	_ =	task.clear_ibuf [dreg:s8], $0x2FFFF;
	_ =	strace $0x9FFFFFFF  }
0xc3: {  	(tm) =	ssettm $0x7FFFFFFF  }
tec
execute0_lowered:
.L_overlay_start_1:
0x0: {  	(tag) =	ssettag $0x1  }
0x1: {  	s0 =	srdreg.scid;
	s1 =	stileid.u32  }
0x2: {  	s2 =	rddreg [dreg:$0x0];
	s0 =	sand.u32 $0x1, s0;
	s1 =	sshll.u32 s1, $0x1  }
0x3: {  	s3 =	rddreg [dreg:$0x1];
	s6 =	ssub.s32 $0x2, s0;
	s5 =	sor.u32 s0, s1  }
0x4: {  	s4 =	simm.s32 $0x0;
	s17 =	sshrl.u32 s6, $0x1;
	s1 =	sshll.u32 s5, $0x9  }
0x5: {  	[smem:$0x7FF] =	sst s4;
	s0 =	ssub.s32 s6, s17;
	s6 =	sadd.s32 s2, s1  }
0x6: {  	_ =	strace $0x80000047;
	s9 =	sadd.s32 $0xF4280, s6;
	[dreg:$0x3] =	wrdreg s6  }
0x7: {  	s18 =	sadd.s32 $0xF4290, s6;
	[dreg:$0x4] =	wrdreg s9  }
0x8: {  	s19 =	sadd.s32 $0xF42A0, s6;
	[dreg:$0x5] =	wrdreg s18  }
0x9: {  	s20 =	sadd.s32 $0xF42B0, s6;
	[dreg:$0x6] =	wrdreg s19  }
0xa: {  	s21 =	sadd.s32 $0xF42C0, s6;
	[dreg:$0x7] =	wrdreg s20  }
0xb: {  	s22 =	sadd.s32 $0xF42D0, s6;
	[dreg:$0x8] =	wrdreg s21  }
0xc: {  	s23 =	sadd.s32 $0xF42E0, s6;
	[dreg:$0x9] =	wrdreg s22  }
0xd: {  	s24 =	sadd.s32 $0x1E8500, s6;
	[dreg:$0xa] =	wrdreg s23  }
0xe: {  	s25 =	sadd.s32 $0x1E8510, s6;
	[dreg:$0xb] =	wrdreg s24  }
0xf: {  	s17 =	sadd.s32 $0x10, s2;
	s26 =	sadd.s32 $0x1E8520, s6;
	[dreg:$0xc] =	wrdreg s25  }
0x10: {  	s28 =	sadd.s32 s1, s17;
	[dreg:$0xd] =	wrdreg s26  }
0x11: {  	s29 =	sadd.s32 $0x1E8530, s6;
	[dreg:$0xe] =	wrdreg s28  }
0x12: {  	s31 =	sadd.s32 $0x1E8540, s6;
	[dreg:$0xf] =	wrdreg s29  }
0x13: {  	s10 =	sadd.s32 $0x1E8550, s6;
	[dreg:$0x10] =	wrdreg s31  }
0x14: {  	s11 =	sadd.s32 $0x1E8560, s6;
	[dreg:$0x11] =	wrdreg s10  }
0x15: {  	s13 =	sadd.s32 $0x1E8570, s6;
	[dreg:$0x12] =	wrdreg s11  }
0x16: {  	s14 =	sadd.s32 $0x2DC780, s6;
	[dreg:$0x14] =	wrdreg s13  }
0x17: {  	s15 =	sadd.s32 $0x2DC790, s6;
	[dreg:$0x15] =	wrdreg s14  }
0x18: {  	s16 =	sadd.s32 $0x2DC7A0, s6;
	[dreg:$0x16] =	wrdreg s15  }
0x19: {  	s30 =	sadd.s32 $0x30, s2;
	s0 =	smax.u32 s0, $0x1;
	[dreg:$0x17] =	wrdreg s16  }
0x1a: {  	s18 =	sadd.s32 s1, s30;
	[smem:$0x7F5] =	sst s0  }
0x1b: {  	s19 =	sadd.s32 $0x2DC7B0, s6;
	[dreg:$0x18] =	wrdreg s18  }
0x1c: {  	s20 =	sadd.s32 $0x2DC7C0, s6;
	[dreg:$0x19] =	wrdreg s19  }
0x1d: {  	s21 =	sadd.s32 $0x2DC7D0, s6;
	[dreg:$0x1a] =	wrdreg s20  }
0x1e: {  	s22 =	sadd.s32 $0x2DC7E0, s6;
	[dreg:$0x1b] =	wrdreg s21  }
0x1f: {  	s24 =	sadd.s32 $0xF42F0, s6;
	[dreg:$0x1c] =	wrdreg s22  }
0x20: {  	s25 =	sadd.s32 $0x2DC7F0, s6;
	[dreg:$0x1d] =	wrdreg s24  }
0x21: {  	s26 =	sadd.s32 $0x4000, s6;
	[dreg:$0x1e] =	wrdreg s25  }
0x22: {  	s28 =	sadd.s32 $0x4010, s6;
	[dreg:$0x1f] =	wrdreg s26  }
0x23: {  	s29 =	sadd.s32 $0x4020, s6;
	[smem:$0x7D8] =	sst s28  }
0x24: {  	s31 =	sadd.s32 $0x4030, s6;
	[smem:$0x7D9] =	sst s29  }
0x25: {  	s10 =	sadd.s32 $0x4040, s6;
	[smem:$0x7DA] =	sst s31  }
0x26: {  	s13 =	sadd.s32 $0x4060, s6;
	[smem:$0x7DB] =	sst s10  }
0x27: {  	s14 =	sadd.s32 $0x4070, s6;
	[smem:$0x7DD] =	sst s13  }
0x28: {  	s15 =	sadd.s32 $0xF8280, s6;
	[smem:$0x7DE] =	sst s14  }
0x29: {  	s23 =	sadd.s32 $0x20, s2;
	s16 =	sadd.s32 $0xF8290, s6;
	[smem:$0x7DF] =	sst s15  }
0x2a: {  	s12 =	sadd.s32 s1, s23;
	[smem:$0x7E0] =	sst s16  }
0x2b: {  	s18 =	sadd.s32 $0xF82A0, s6;
	[dreg:$0x13] =	wrdreg s12  }
0x2c: {  	s19 =	sadd.s32 $0xF82B0, s6;
	[smem:$0x7E1] =	sst s18  }
0x2d: {  	s20 =	sadd.s32 $0xF82C0, s6;
	[smem:$0x7E2] =	sst s19  }
0x2e: {  	s21 =	sadd.s32 $0xF82D0, s6;
	[smem:$0x7E3] =	sst s20  }
0x2f: {  	s22 =	sadd.s32 $0xF82E0, s6;
	[smem:$0x7E4] =	sst s21  }
0x30: {  	s11 =	sadd.s32 $0x40, s2;
	s24 =	sadd.s32 $0x1EC500, s6;
	[smem:$0x7E5] =	sst s22  }
0x31: {  	s25 =	sadd.s32 s1, s11;
	[smem:$0x7E6] =	sst s24  }
0x32: {  	s26 =	sadd.s32 $0x1EC510, s6;
	[smem:$0x7E7] =	sst s25  }
0x33: {  	s7 =	sadd.s32 $0x50, s2;
	s28 =	sadd.s32 $0x1EC520, s6;
	[smem:$0x7E8] =	sst s26  }
0x34: {  	s29 =	sadd.s32 s1, s7;
	[smem:$0x7E9] =	sst s28  }
0x35: {  	s31 =	sadd.s32 $0x1EC530, s6;
	[smem:$0x7EA] =	sst s29  }
0x36: {  	s10 =	sadd.s32 $0x1EC540, s6;
	[smem:$0x7EB] =	sst s31  }
0x37: {  	s13 =	sadd.s32 $0x1EC560, s6;
	[smem:$0x7EC] =	sst s10  }
0x38: {  	s15 =	sadd.s32 $0x1EC570, s6;
	[smem:$0x7EE] =	sst s13  }
0x39: {  	s16 =	sadd.s32 $0x2E0780, s6;
	[smem:$0x7F0] =	sst s15  }
0x3a: {  	s12 =	sadd.s32 $0x4050, s6;
	[smem:$0x7F1] =	sst s16  }
0x3b: {  	s18 =	sadd.s32 $0x2E0790, s6;
	[smem:$0x7DC] =	sst s12  }
0x3c: {  	s20 =	sadd.s32 $0x2E07A0, s6;
	[smem:$0x7F3] =	sst s18  }
0x3d: {  	s21 =	sadd.s32 $0x2E07B0, s6;
	[smem:$0x7F4] =	sst s20  }
0x3e: {  	s22 =	sadd.s32 $0x2E07C0, s6;
	[smem:$0x7F6] =	sst s21  }
0x3f: {  	s24 =	sadd.s32 $0x2E07D0, s6;
	[smem:$0x7F7] =	sst s22  }
0x40: {  	s25 =	sadd.s32 $0x2E07E0, s6;
	[smem:$0x7F8] =	sst s24  }
0x41: {  	s26 =	sadd.s32 $0xF82F0, s6;
	[smem:$0x7F9] =	sst s25  }
0x42: {  	s8 =	sadd.s32 $0x70, s2;
	s28 =	sadd.s32 $0x2E07F0, s6;
	[smem:$0x7FA] =	sst s26  }
0x43: {  	p0 =	sne.s32 s5, $0x0;
	s29 =	sadd.s32 $0xF4200, s2;
	[smem:$0x7FB] =	sst s28  }
0x44: {  	s19 =	sadd.s32 $0x60, s2;
	s31 =	sadd.s32 $0x3D0800, s3;
	[smem:$0x7FC] =	sst s29  }
.Ltmp0:
0x45: {  	s12 =	sadd.s32 $0x1EC550, s6;
	[smem:$0x7FD] =	sst s31;
	(pc) =	sbr.rel .LBB2_1-.Ltmp0, $4  }
0x46: {  	v1 =	vlaneseq.u32;
	s9 =	simm.s32 $0x1;
	s14 =	sadd.s32 s1, s19;
	[smem:$0x7ED] =	sst s12  }
0x47: {  	v0 =	vmul.u32 $0x200, v1;
	v1 =	vmul.u32 $0x80, v1;
	s15 =	simm.s32 $0x400;
	s1 =	sadd.s32 s1, s8;
	[smem:$0x7EF] =	sst s14  }
0x48: {  	s13 =	simm.s32 $0x10000;
	s6 =	simm.s32 $0x0;
	[smem:$0x7F2] =	sst s1  }
0x49: {  	v2 =	vor.u32 $0x2000, v0;
	v3 =	vor.u32 $0x800, v1;
	s14 =	simm.s32 $0x80;
	s1 =	simm.s32 $0x4000;
	s12 =	simm.s32 $0x2  }
.LBB2_12:
0x4a: {  	s0 =	simm.s32 $0x3  }
0x4b: {  	_ =	swait.ge [sflag:s0], $0x4000  }
.Ltmp1:
0x4c: {  	[sflag:s0] =	ssyncset.done $0x0;
	(pc) =	sbr.rel @!p0 .LBB2_13-.Ltmp1, $4  }
0x4d: {  	s31 =	simm.s32 $0x4;
	[sflag:s0] =	ssyncadd.s32 $0xFFFFC000  }
0x4e: {  	_ =	swait.ge [sflag:s31], $0x4000  }
0x4f: {  	[sflag:s31] =	ssyncset.done $0x0  }
0x50: {  	s6 =	sld [smem:$0x7D7];
	[sflag:s31] =	ssyncadd.s32 $0xFFFFC000  }
.LBB2_16:
0x51: {  	s0 =	sld [smem:$0x7F5];
	_ =	sdelay $0x1  }
0x52: {  	s6 =	sadd.s32 $0x1, s6  }
0x53: {  	p1 =	sne.s32 s6, s0  }
.Ltmp2:
0x54: {  	_ = 	snop;
	(pc) =	sbr.rel @!p1 .LBB2_17-.Ltmp2, $1  }
0x55: {  	_ =	sdelay $0x3  }
.LBB2_1:
0x56: {  	[smem:$0x7D7] =	sst s6  }
0x57: {  	s0 =	rddreg [dreg:$0x3]  }
0x58: {  	s29 =	rddreg [dreg:$0xe]  }
0x59: {  	[tilespmem:s4], [sflag:$0x1] =	stream.strided.gather [hbm4b:s0+s14], $0x200, s15, s14, $0x38;
	[tilespmem:$0x11000] =	vst v63  }
0x5a: {  	s31 =	simm.s32 $0x200;
	s6 =	rddreg [dreg:$0x13]  }
0x5b: {  	[tilespmem:s31], [sflag:$0x1] =	stream.strided.gather [hbm4b:s29+s14], $0x200, s15, s14, $0x38;
	[tilespmem:$0x11000] =	vst v63  }
0x5c: {  	s10 =	rddreg [dreg:$0x18]  }
0x5d: {  	[tilespmem:s15], [sflag:$0x1] =	stream.strided.gather [hbm4b:s6+s14], $0x200, s15, s14, $0x38;
	[tilespmem:$0x11000] =	vst v63  }
0x5e: {  	s16 =	simm.s32 $0x600;
	s18 =	sld [smem:$0x7E7]  }
0x5f: {  	[tilespmem:s16], [sflag:$0x1] =	stream.strided.gather [hbm4b:s10+s14], $0x200, s15, s14, $0x38;
	[tilespmem:$0x11000] =	vst v63  }
0x60: {  	s20 =	simm.s32 $0x800;
	s21 =	sld [smem:$0x7EA]  }
0x61: {  	[tilespmem:s20], [sflag:$0x1] =	stream.strided.gather [hbm4b:s18+s14], $0x200, s15, s14, $0x38;
	[tilespmem:$0x11000] =	vst v63  }
0x62: {  	s22 =	simm.s32 $0xA00;
	s24 =	sld [smem:$0x7EF]  }
0x63: {  	[tilespmem:s22], [sflag:$0x1] =	stream.strided.gather [hbm4b:s21+s14], $0x200, s15, s14, $0x38;
	[tilespmem:$0x11000] =	vst v63  }
0x64: {  	s25 =	simm.s32 $0xC00;
	s26 =	sld [smem:$0x7F2]  }
0x65: {  	[tilespmem:s25], [sflag:$0x1] =	stream.strided.gather [hbm4b:s24+s14], $0x200, s15, s14, $0x38;
	[tilespmem:$0x11000] =	vst v63  }
0x66: {  	s28 =	simm.s32 $0xE00;
	s29 =	rddreg [dreg:$0x4]  }
0x67: {  	[tilespmem:s28], [sflag:$0x1] =	stream.strided.gather [hbm4b:s26+s14], $0x200, s15, s14, $0x38;
	[tilespmem:$0x11000] =	vst v63  }
0x68: {  	s31 =	simm.s32 $0x1000;
	s6 =	rddreg [dreg:$0x19]  }
0x69: {  	[tilespmem:s31], [sflag:$0x1] =	stream.strided.gather [hbm4b:s29+s14], $0x200, s15, s14, $0x38;
	[tilespmem:$0x11000] =	vst v63  }
0x6a: {  	s10 =	rddreg [dreg:$0x5];
	s16 =	simm.s32 $0x1200  }
0x6b: {  	[tilespmem:s16], [sflag:$0x1] =	stream.strided.gather [hbm4b:s10+s14], $0x200, s15, s14, $0x38;
	[tilespmem:$0x11000] =	vst v63  }
0x6c: {  	s18 =	rddreg [dreg:$0x6];
	s20 =	simm.s32 $0x1400  }
0x6d: {  	[tilespmem:s20], [sflag:$0x1] =	stream.strided.gather [hbm4b:s18+s14], $0x200, s15, s14, $0x38;
	[tilespmem:$0x11000] =	vst v63  }
0x6e: {  	s21 =	rddreg [dreg:$0x7];
	s22 =	simm.s32 $0x1600  }
0x6f: {  	[tilespmem:s22], [sflag:$0x1] =	stream.strided.gather [hbm4b:s21+s14], $0x200, s15, s14, $0x38;
	[tilespmem:$0x11000] =	vst v63  }
0x70: {  	s24 =	rddreg [dreg:$0x8];
	s25 =	simm.s32 $0x1800  }
0x71: {  	[tilespmem:s25], [sflag:$0x1] =	stream.strided.gather [hbm4b:s24+s14], $0x200, s15, s14, $0x38;
	[tilespmem:$0x11000] =	vst v63  }
0x72: {  	s26 =	rddreg [dreg:$0x9];
	s28 =	simm.s32 $0x1A00  }
0x73: {  	[tilespmem:s28], [sflag:$0x1] =	stream.strided.gather [hbm4b:s26+s14], $0x200, s15, s14, $0x38;
	[tilespmem:$0x11000] =	vst v63  }
0x74: {  	s29 =	rddreg [dreg:$0xa];
	s31 =	simm.s32 $0x1C00  }
0x75: {  	[tilespmem:s31], [sflag:$0x1] =	stream.strided.gather [hbm4b:s29+s14], $0x200, s15, s14, $0x38;
	[tilespmem:$0x11000] =	vst v63  }
0x76: {  	s10 =	rddreg [dreg:$0x1d];
	s16 =	simm.s32 $0x1E00  }
0x77: {  	[tilespmem:s16], [sflag:$0x1] =	stream.strided.gather [hbm4b:s10+s14], $0x200, s15, s14, $0x38;
	[tilespmem:$0x11000] =	vst v63  }
0x78: {  	s18 =	rddreg [dreg:$0xb];
	s20 =	simm.s32 $0x2000  }
0x79: {  	[tilespmem:s20], [sflag:$0x1] =	stream.strided.gather [hbm4b:s18+s14], $0x200, s15, s14, $0x38;
	[tilespmem:$0x11000] =	vst v63  }
0x7a: {  	s21 =	rddreg [dreg:$0xc];
	s22 =	simm.s32 $0x2200  }
0x7b: {  	[tilespmem:s22], [sflag:$0x1] =	stream.strided.gather [hbm4b:s21+s14], $0x200, s15, s14, $0x38;
	[tilespmem:$0x11000] =	vst v63  }
0x7c: {  	s24 =	rddreg [dreg:$0xd];
	s25 =	simm.s32 $0x2400  }
0x7d: {  	[tilespmem:s25], [sflag:$0x1] =	stream.strided.gather [hbm4b:s24+s14], $0x200, s15, s14, $0x38;
	[tilespmem:$0x11000] =	vst v63  }
0x7e: {  	s26 =	rddreg [dreg:$0xf];
	s28 =	simm.s32 $0x2600  }
0x7f: {  	[tilespmem:s28], [sflag:$0x1] =	stream.strided.gather [hbm4b:s26+s14], $0x200, s15, s14, $0x38;
	[tilespmem:$0x11000] =	vst v63  }
0x80: {  	s29 =	rddreg [dreg:$0x10];
	s31 =	simm.s32 $0x2800  }
0x81: {  	[tilespmem:s31], [sflag:$0x1] =	stream.strided.gather [hbm4b:s29+s14], $0x200, s15, s14, $0x38;
	[tilespmem:$0x11000] =	vst v63  }
0x82: {  	s10 =	rddreg [dreg:$0x11];
	s16 =	simm.s32 $0x2A00  }
0x83: {  	[tilespmem:s16], [sflag:$0x1] =	stream.strided.gather [hbm4b:s10+s14], $0x200, s15, s14, $0x38;
	[tilespmem:$0x11000] =	vst v63  }
0x84: {  	s18 =	rddreg [dreg:$0x12];
	s20 =	simm.s32 $0x2C00  }
0x85: {  	[tilespmem:s20], [sflag:$0x1] =	stream.strided.gather [hbm4b:s18+s14], $0x200, s15, s14, $0x38;
	[tilespmem:$0x11000] =	vst v63  }
0x86: {  	s21 =	rddreg [dreg:$0x14];
	s22 =	simm.s32 $0x2E00  }
0x87: {  	[tilespmem:s22], [sflag:$0x1] =	stream.strided.gather [hbm4b:s21+s14], $0x200, s15, s14, $0x38;
	[tilespmem:$0x11000] =	vst v63  }
0x88: {  	s24 =	rddreg [dreg:$0x15];
	s25 =	simm.s32 $0x3000  }
0x89: {  	[tilespmem:s25], [sflag:$0x1] =	stream.strided.gather [hbm4b:s24+s14], $0x200, s15, s14, $0x38;
	[tilespmem:$0x11000] =	vst v63  }
0x8a: {  	s26 =	rddreg [dreg:$0x16];
	s28 =	simm.s32 $0x3200  }
0x8b: {  	[tilespmem:s28], [sflag:$0x1] =	stream.strided.gather [hbm4b:s26+s14], $0x200, s15, s14, $0x38;
	[tilespmem:$0x11000] =	vst v63  }
0x8c: {  	s29 =	rddreg [dreg:$0x17];
	s31 =	simm.s32 $0x3400  }
0x8d: {  	[tilespmem:s31], [sflag:$0x1] =	stream.strided.gather [hbm4b:s29+s14], $0x200, s15, s14, $0x38;
	[tilespmem:$0x11000] =	vst v63  }
0x8e: {  	s10 =	simm.s32 $0x3600;
	s16 =	rddreg [dreg:$0x1a]  }
0x8f: {  	[tilespmem:s10], [sflag:$0x1] =	stream.strided.gather [hbm4b:s6+s14], $0x200, s15, s14, $0x38;
	[tilespmem:$0x11000] =	vst v63  }
0x90: {  	s18 =	simm.s32 $0x3800;
	s20 =	rddreg [dreg:$0x1b]  }
0x91: {  	[tilespmem:s18], [sflag:$0x1] =	stream.strided.gather [hbm4b:s16+s14], $0x200, s15, s14, $0x38;
	[tilespmem:$0x11000] =	vst v63  }
0x92: {  	s21 =	simm.s32 $0x3A00;
	s22 =	rddreg [dreg:$0x1c]  }
0x93: {  	[tilespmem:s21], [sflag:$0x1] =	stream.strided.gather [hbm4b:s20+s14], $0x200, s15, s14, $0x38;
	[tilespmem:$0x11000] =	vst v63  }
0x94: {  	s24 =	simm.s32 $0x3C00;
	s25 =	rddreg [dreg:$0x1e]  }
0x95: {  	[tilespmem:s24], [sflag:$0x1] =	stream.strided.gather [hbm4b:s22+s14], $0x200, s15, s14, $0x38;
	[tilespmem:$0x11000] =	vst v63  }
0x96: {  	s26 =	simm.s32 $0x3E00;
	s28 =	rddreg [dreg:$0x1f]  }
0x97: {  	[tilespmem:s26], [sflag:$0x1] =	stream.strided.gather [hbm4b:s25+s14], $0x200, s15, s14, $0x38;
	[tilespmem:$0x11000] =	vst v63  }
0x98: {  	s29 =	sld [smem:$0x7D8]  }
0x99: {  	[tilespmem:s1], [sflag:$0x2] =	stream.strided.gather [hbm4b:s28+s14], $0x200, s15, s14, $0x38;
	[tilespmem:$0x11000] =	vst v63  }
0x9a: {  	s31 =	simm.s32 $0x4200;
	s10 =	sld [smem:$0x7D9]  }
0x9b: {  	[tilespmem:s31], [sflag:$0x2] =	stream.strided.gather [hbm4b:s29+s14], $0x200, s15, s14, $0x38;
	[tilespmem:$0x11000] =	vst v63  }
0x9c: {  	s16 =	simm.s32 $0x4400;
	s18 =	sld [smem:$0x7DA]  }
0x9d: {  	[tilespmem:s16], [sflag:$0x2] =	stream.strided.gather [hbm4b:s10+s14], $0x200, s15, s14, $0x38;
	[tilespmem:$0x11000] =	vst v63  }
0x9e: {  	s20 =	simm.s32 $0x4600;
	s21 =	sld [smem:$0x7DB]  }
0x9f: {  	[tilespmem:s20], [sflag:$0x2] =	stream.strided.gather [hbm4b:s18+s14], $0x200, s15, s14, $0x38;
	[tilespmem:$0x11000] =	vst v63  }
0xa0: {  	s22 =	simm.s32 $0x4800;
	s24 =	sld [smem:$0x7DC]  }
0xa1: {  	[tilespmem:s22], [sflag:$0x2] =	stream.strided.gather [hbm4b:s21+s14], $0x200, s15, s14, $0x38;
	[tilespmem:$0x11000] =	vst v63  }
0xa2: {  	s25 =	simm.s32 $0x4A00;
	s26 =	sld [smem:$0x7DD]  }
0xa3: {  	[tilespmem:s25], [sflag:$0x2] =	stream.strided.gather [hbm4b:s24+s14], $0x200, s15, s14, $0x38;
	[tilespmem:$0x11000] =	vst v63  }
0xa4: {  	s28 =	simm.s32 $0x4C00;
	s29 =	sld [smem:$0x7DE]  }
0xa5: {  	[tilespmem:s28], [sflag:$0x2] =	stream.strided.gather [hbm4b:s26+s14], $0x200, s15, s14, $0x38;
	[tilespmem:$0x11000] =	vst v63  }
0xa6: {  	s31 =	simm.s32 $0x4E00;
	s10 =	sld [smem:$0x7DF]  }
0xa7: {  	[tilespmem:s31], [sflag:$0x2] =	stream.strided.gather [hbm4b:s29+s14], $0x200, s15, s14, $0x38;
	[tilespmem:$0x11000] =	vst v63  }
0xa8: {  	s16 =	simm.s32 $0x5000;
	s18 =	sld [smem:$0x7E0]  }
0xa9: {  	[tilespmem:s16], [sflag:$0x2] =	stream.strided.gather [hbm4b:s10+s14], $0x200, s15, s14, $0x38;
	[tilespmem:$0x11000] =	vst v63  }
0xaa: {  	s20 =	simm.s32 $0x5200;
	s21 =	sld [smem:$0x7E1]  }
0xab: {  	[tilespmem:s20], [sflag:$0x2] =	stream.strided.gather [hbm4b:s18+s14], $0x200, s15, s14, $0x38;
	[tilespmem:$0x11000] =	vst v63  }
0xac: {  	s22 =	simm.s32 $0x5400;
	s24 =	sld [smem:$0x7E2]  }
0xad: {  	[tilespmem:s22], [sflag:$0x2] =	stream.strided.gather [hbm4b:s21+s14], $0x200, s15, s14, $0x38;
	[tilespmem:$0x11000] =	vst v63  }
0xae: {  	s25 =	simm.s32 $0x5600;
	s26 =	sld [smem:$0x7E3]  }
0xaf: {  	[tilespmem:s25], [sflag:$0x2] =	stream.strided.gather [hbm4b:s24+s14], $0x200, s15, s14, $0x38;
	[tilespmem:$0x11000] =	vst v63  }
0xb0: {  	s28 =	simm.s32 $0x5800;
	s29 =	sld [smem:$0x7E4]  }
0xb1: {  	[tilespmem:s28], [sflag:$0x2] =	stream.strided.gather [hbm4b:s26+s14], $0x200, s15, s14, $0x38;
	[tilespmem:$0x11000] =	vst v63  }
0xb2: {  	s31 =	simm.s32 $0x5A00;
	s10 =	sld [smem:$0x7E5]  }
0xb3: {  	[tilespmem:s31], [sflag:$0x2] =	stream.strided.gather [hbm4b:s29+s14], $0x200, s15, s14, $0x38;
	[tilespmem:$0x11000] =	vst v63  }
0xb4: {  	s16 =	simm.s32 $0x5C00;
	s18 =	sld [smem:$0x7FA]  }
0xb5: {  	[tilespmem:s16], [sflag:$0x2] =	stream.strided.gather [hbm4b:s10+s14], $0x200, s15, s14, $0x38;
	[tilespmem:$0x11000] =	vst v63  }
0xb6: {  	s20 =	simm.s32 $0x5E00;
	s21 =	sld [smem:$0x7E6]  }
0xb7: {  	[tilespmem:s20], [sflag:$0x2] =	stream.strided.gather [hbm4b:s18+s14], $0x200, s15, s14, $0x38;
	[tilespmem:$0x11000] =	vst v63  }
0xb8: {  	s22 =	simm.s32 $0x6000;
	s24 =	sld [smem:$0x7E8]  }
0xb9: {  	[tilespmem:s22], [sflag:$0x2] =	stream.strided.gather [hbm4b:s21+s14], $0x200, s15, s14, $0x38;
	[tilespmem:$0x11000] =	vst v63  }
0xba: {  	s25 =	simm.s32 $0x6200;
	s26 =	sld [smem:$0x7E9]  }
0xbb: {  	[tilespmem:s25], [sflag:$0x2] =	stream.strided.gather [hbm4b:s24+s14], $0x200, s15, s14, $0x38;
	[tilespmem:$0x11000] =	vst v63  }
0xbc: {  	s28 =	simm.s32 $0x6400;
	s29 =	sld [smem:$0x7EB]  }
0xbd: {  	[tilespmem:s28], [sflag:$0x2] =	stream.strided.gather [hbm4b:s26+s14], $0x200, s15, s14, $0x38;
	[tilespmem:$0x11000] =	vst v63  }
0xbe: {  	s31 =	simm.s32 $0x6600;
	s10 =	sld [smem:$0x7EC]  }
0xbf: {  	[tilespmem:s31], [sflag:$0x2] =	stream.strided.gather [hbm4b:s29+s14], $0x200, s15, s14, $0x38;
	[tilespmem:$0x11000] =	vst v63  }
0xc0: {  	s16 =	simm.s32 $0x6800;
	s18 =	sld [smem:$0x7ED]  }
0xc1: {  	[tilespmem:s16], [sflag:$0x2] =	stream.strided.gather [hbm4b:s10+s14], $0x200, s15, s14, $0x38;
	[tilespmem:$0x11000] =	vst v63  }
0xc2: {  	s20 =	simm.s32 $0x6A00;
	s21 =	sld [smem:$0x7EE]  }
0xc3: {  	[tilespmem:s20], [sflag:$0x2] =	stream.strided.gather [hbm4b:s18+s14], $0x200, s15, s14, $0x38;
	[tilespmem:$0x11000] =	vst v63  }
0xc4: {  	s22 =	simm.s32 $0x6C00;
	s24 =	sld [smem:$0x7F0]  }
0xc5: {  	[tilespmem:s22], [sflag:$0x2] =	stream.strided.gather [hbm4b:s21+s14], $0x200, s15, s14, $0x38;
	[tilespmem:$0x11000] =	vst v63  }
0xc6: {  	s25 =	simm.s32 $0x6E00;
	s26 =	sld [smem:$0x7F1]  }
0xc7: {  	[tilespmem:s25], [sflag:$0x2] =	stream.strided.gather [hbm4b:s24+s14], $0x200, s15, s14, $0x38;
	[tilespmem:$0x11000] =	vst v63  }
0xc8: {  	s28 =	simm.s32 $0x7000;
	s29 =	sld [smem:$0x7F3]  }
0xc9: {  	[tilespmem:s28], [sflag:$0x2] =	stream.strided.gather [hbm4b:s26+s14], $0x200, s15, s14, $0x38;
	[tilespmem:$0x11000] =	vst v63  }
0xca: {  	s31 =	simm.s32 $0x7200;
	s10 =	sld [smem:$0x7F4]  }
0xcb: {  	[tilespmem:s31], [sflag:$0x2] =	stream.strided.gather [hbm4b:s29+s14], $0x200, s15, s14, $0x38;
	[tilespmem:$0x11000] =	vst v63  }
0xcc: {  	s16 =	simm.s32 $0x7400;
	s18 =	sld [smem:$0x7F6]  }
0xcd: {  	[tilespmem:s16], [sflag:$0x2] =	stream.strided.gather [hbm4b:s10+s14], $0x200, s15, s14, $0x38;
	[tilespmem:$0x11000] =	vst v63  }
0xce: {  	s20 =	simm.s32 $0x7600;
	s21 =	sld [smem:$0x7F7]  }
0xcf: {  	[tilespmem:s20], [sflag:$0x2] =	stream.strided.gather [hbm4b:s18+s14], $0x200, s15, s14, $0x38;
	[tilespmem:$0x11000] =	vst v63  }
0xd0: {  	s22 =	simm.s32 $0x7800;
	s24 =	sld [smem:$0x7F8]  }
0xd1: {  	[tilespmem:s22], [sflag:$0x2] =	stream.strided.gather [hbm4b:s21+s14], $0x200, s15, s14, $0x38;
	[tilespmem:$0x11000] =	vst v63  }
0xd2: {  	s25 =	simm.s32 $0x7A00;
	s26 =	sld [smem:$0x7F9]  }
0xd3: {  	[tilespmem:s25], [sflag:$0x2] =	stream.strided.gather [hbm4b:s24+s14], $0x200, s15, s14, $0x38;
	[tilespmem:$0x11000] =	vst v63  }
.Ltmp3:
0xd4: {  	_ = 	snop;
	(pc) =	sbr.rel .LBB2_2-.Ltmp3, $4  }
0xd5: {  	s28 =	simm.s32 $0x7C00;
	s29 =	sld [smem:$0x7FB]  }
0xd6: {  	[tilespmem:s28], [sflag:$0x2] =	stream.strided.gather [hbm4b:s26+s14], $0x200, s15, s14, $0x38;
	[tilespmem:$0x11000] =	vst v63  }
0xd7: {  	s6 =	simm.s32 $0x0;
	s31 =	simm.s32 $0x7E00  }
0xd8: {  	[tilespmem:s31], [sflag:$0x2] =	stream.strided.gather [hbm4b:s29+s14], $0x200, s15, s14, $0x38;
	[tilespmem:$0x11000] =	vst v63  }
.LBB2_11:
0xd9: {  	s6 =	sadd.s32 $0x1, s6  }
0xda: {  	p1 =	sne.s32 s6, $0x1F  }
.Ltmp4:
0xdb: {  	_ = 	snop;
	(pc) =	sbr.rel @!p1 .LBB2_12-.Ltmp4, $1  }
0xdc: {  	_ =	sdelay $0x3  }
.LBB2_2:
0xdd: {  	_ =	swait.ge [sflag:s9], $0x4000;
	s0 =	simm.s32 $0xC  }
0xde: {  	p1 =	seq.s32 s6, $0x0;
	[sflag:s9] =	ssyncset.done $0x0;
	v4 =	vor.u32 s0, v0  }
0xdf: {  	s18 =	simm.s32 $0x8;
	s10 =	simm.s32 @!p1 $0x3;
	[sflag:s9] =	ssyncadd.s32 $0xFFFFC000  }
0xe0: {  	v5 =	vor.u32 s18, v0;
	_ =	swait.ge @!p1 [sflag:s10], $0x4000  }
0xe1: {  	[sflag:s10] =	ssyncset.done @!p1 $0x0  }
0xe2: {  	[sflag:s10] =	ssyncadd.s32 @!p1 $0xFFFFC000  }
0xe3: {  	v4 =	vld.idx.msk [tilespmem:v4+s4+$0x0], $0xffff  }
0xe4: {  	s28 =	simm.s32 $0x4;
	v6 =	vor.u32 s0, v2  }
0xe5: {  	v7 =	vor.u32 s28, v0;
	v5 =	vld.idx.msk [tilespmem:v5+s4+$0x0], $0xffff  }
0xe6: {  	s29 =	simm.s32 $0x0;
	v8 =	vor.u32 s18, v2  }
0xe7: {  	s16 =	simm.s32 $0x8100;
	v9 =	vor.u32 s29, v0  }
0xe8: {  	[tilespmem:s16+$0x80] =	vst v4  }
0xe9: {  	v4 =	vld.idx.msk [tilespmem:v6+s4+$0x0], $0xffff  }
0xea: {  	s31 =	simm.s32 $0xD;
	[tilespmem:s16+$0x0] =	vst v5;
	v6 =	vld.idx.msk [tilespmem:v7+s4+$0x0], $0xffff  }
0xeb: {  	v7 =	vor.u32 s31, v0;
	v5 =	vld.idx.msk [tilespmem:v8+s4+$0x0], $0xffff  }
0xec: {  	v10 =	vor.u32 s28, v2;
	v8 =	vld.idx.msk [tilespmem:v9+s4+$0x0], $0xffff  }
0xed: {  	s20 =	simm.s32 $0x9;
	v11 =	vor.u32 s29, v2  }
0xee: {  	v9 =	vor.u32 s20, v0  }
0xef: {  	[tilespmem:s16+$0x90] =	vst v4  }
0xf0: {  	[tilespmem:s16+$0xFFFFFF80] =	vst v6;
	v4 =	vld.idx.msk [tilespmem:v7+s4+$0x0], $0xffff  }
0xf1: {  	[tilespmem:s16+$0xFFFFFF00] =	vst v8;
	v6 =	vld.idx.msk [tilespmem:v10+s4+$0x0], $0xffff  }
0xf2: {  	s21 =	simm.s32 $0x5;
	[tilespmem:s16+$0x10] =	vst v5;
	v7 =	vor.u32 s31, v2;
	v8 =	vld.idx.msk [tilespmem:v11+s4+$0x0], $0xffff  }
0xf3: {  	v10 =	vor.u32 s21, v0;
	v5 =	vld.idx.msk [tilespmem:v9+s4+$0x0], $0xffff  }
0xf4: {  	s22 =	simm.s32 $0x1;
	v9 =	vor.u32 s20, v2  }
0xf5: {  	v11 =	vor.u32 s22, v0;
	[tilespmem:s16+$0xA0] =	vst v4  }
0xf6: {  	s25 =	simm.s32 $0x1C;
	[tilespmem:s16+$0xFFFFFF90] =	vst v6  }
0xf7: {  	s24 =	simm.s32 $0xE;
	[tilespmem:s16+$0xFFFFFF10] =	vst v8;
	v8 =	vor.u32 s25, v0;
	v4 =	vld.idx.msk [tilespmem:v7+s4+$0x0], $0xffff  }
0xf8: {  	[tilespmem:s16+$0x20] =	vst v5;
	v6 =	vld.idx.msk [tilespmem:v10+s4+$0x0], $0xffff;
	v7 =	vor.u32 s24, v0  }
0xf9: {  	s20 =	simm.s32 $0xA;
	v10 =	vor.u32 s21, v2;
	v5 =	vld.idx.msk [tilespmem:v9+s4+$0x0], $0xffff  }
0xfa: {  	v9 =	vld.idx.msk [tilespmem:v11+s4+$0x0], $0xffff;
	v11 =	vor.u32 s20, v0  }
0xfb: {  	v12 =	vor.u32 s22, v2;
	s21 =	simm.s32 $0x14  }
0xfc: {  	v8 =	vld.idx.msk [tilespmem:v8+s4+$0x0], $0xffff;
	[tilespmem:s16+$0xB0] =	vst v4;
	v4 =	vor.u32 s21, v0  }
0xfd: {  	s26 =	simm.s32 $0x18;
	v13 =	vor.u32 s25, v2;
	[tilespmem:s16+$0xFFFFFFA0] =	vst v6;
	v6 =	vld.idx.msk [tilespmem:v7+s4+$0x0], $0xffff  }
0xfe: {  	[tilespmem:s16+$0x30] =	vst v5;
	v7 =	vor.u32 s26, v0;
	v10 =	vld.idx.msk [tilespmem:v10+s4+$0x0], $0xffff  }
0xff: {  	s22 =	simm.s32 $0x6;
	v5 =	vor.u32 s24, v2;
	[tilespmem:s16+$0xFFFFFF20] =	vst v9;
	v11 =	vld.idx.msk [tilespmem:v11+s4+$0x0], $0xffff  }
0x100: {  	v14 =	vor.u32 s20, v2;
	s20 =	simm.s32 $0x8300;
	v9 =	vor.u32 s22, v0;
	v12 =	vld.idx.msk [tilespmem:v12+s4+$0x0], $0xffff  }
0x101: {  	s28 =	simm.s32 $0x2;
	[tilespmem:s20+$0x80] =	vst v8;
	v4 =	vld.idx.msk [tilespmem:v4+s4+$0x0], $0xffff  }
0x102: {  	s29 =	simm.s32 $0x10;
	v15 =	vor.u32 s28, v0;
	v13 =	vld.idx.msk [tilespmem:v13+s4+$0x0], $0xffff  }
0x103: {  	v7 =	vld.idx.msk [tilespmem:v7+s4+$0x0], $0xffff;
	[tilespmem:s16+$0xC0] =	vst v6;
	v6 =	vor.u32 s29, v0  }
0x104: {  	[tilespmem:s16+$0xFFFFFFB0] =	vst v10;
	v10 =	vor.u32 s26, v2;
	v5 =	vld.idx.msk [tilespmem:v5+s4+$0x0], $0xffff  }
0x105: {  	s31 =	simm.s32 $0x1D;
	[tilespmem:s16+$0x40] =	vst v11;
	v8 =	vld.idx.msk [tilespmem:v9+s4+$0x0], $0xffff;
	v9 =	vor.u32 s21, v2  }
0x106: {  	[tilespmem:s16+$0xFFFFFF30] =	vst v12;
	v12 =	vld.idx.msk [tilespmem:v14+s4+$0x0], $0xffff;
	v14 =	vor.u32 s31, v0  }
0x107: {  	v11 =	vor.u32 s22, v2;
	v15 =	vld.idx.msk [tilespmem:v15+s4+$0x0], $0xffff;
	[tilespmem:s20+$0xFFFFFF80] =	vst v4  }
0x108: {  	s22 =	simm.s32 $0xB;
	v4 =	vor.u32 s28, v2;
	v6 =	vld.idx.msk [tilespmem:v6+s4+$0x0], $0xffff;
	[tilespmem:s20+$0x0] =	vst v7  }
0x109: {  	v7 =	vor.u32 s22, v0;
	v10 =	vld.idx.msk [tilespmem:v10+s4+$0x0], $0xffff  }
0x10a: {  	v16 =	vor.u32 s29, v2;
	s28 =	simm.s32 $0x19;
	[tilespmem:s20+$0x90] =	vst v13;
	v9 =	vld.idx.msk [tilespmem:v9+s4+$0x0], $0xffff  }
0x10b: {  	s29 =	simm.s32 $0x15;
	[tilespmem:s16+$0xFFFFFFC0] =	vst v8;
	v8 =	vor.u32 s28, v0;
	v14 =	vld.idx.msk [tilespmem:v14+s4+$0x0], $0xffff  }
0x10c: {  	s24 =	simm.s32 $0x7;
	v13 =	vor.u32 s29, v0;
	[tilespmem:s16+$0xFFFFFF40] =	vst v15;
	v11 =	vld.idx.msk [tilespmem:v11+s4+$0x0], $0xffff  }
0x10d: {  	s25 =	simm.s32 $0xF;
	[tilespmem:s16+$0x50] =	vst v12;
	v12 =	vor.u32 s24, v0;
	v4 =	vld.idx.msk [tilespmem:v4+s4+$0x0], $0xffff  }
0x10e: {  	s26 =	simm.s32 $0x3;
	v7 =	vld.idx.msk [tilespmem:v7+s4+$0x0], $0xffff;
	[tilespmem:s20+$0xFFFFFF00] =	vst v6;
	v6 =	vor.u32 s25, v0  }
0x10f: {  	v17 =	vor.u32 s26, v0;
	v15 =	vld.idx.msk [tilespmem:v16+s4+$0x0], $0xffff;
	[tilespmem:s20+$0x10] =	vst v10  }
0x110: {  	v16 =	vor.u32 s22, v2;
	[tilespmem:s20+$0xFFFFFF90] =	vst v9;
	v18 =	vld.idx.msk [tilespmem:v8+s4+$0x0], $0xffff  }
0x111: {  	s0 =	simm.s32 $0x11;
	v9 =	vld.idx.msk [tilespmem:v13+s4+$0x0], $0xffff;
	v13 =	vor.u32 s31, v2;
	[tilespmem:s16+$0xFFFFFFD0] =	vst v11  }
0x112: {  	v19 =	vor.u32 s0, v0;
	[tilespmem:s16+$0xD0] =	vst v5;
	v20 =	vld.idx.msk [tilespmem:v12+s4+$0x0], $0xffff  }
0x113: {  	v21 =	vor.u32 s28, v2;
	[tilespmem:s16+$0xFFFFFF50] =	vst v4;
	v10 =	vld.idx.msk [tilespmem:v6+s4+$0x0], $0xffff  }
0x114: {  	v11 =	vor.u32 s24, v2;
	[tilespmem:s16+$0x60] =	vst v7;
	v5 =	vld.idx.msk [tilespmem:v17+s4+$0x0], $0xffff  }
0x115: {  	[tilespmem:s20+$0xA0] =	vst v14;
	v7 =	vor.u32 s25, v2;
	v8 =	vld.idx.msk [tilespmem:v16+s4+$0x0], $0xffff  }
0x116: {  	[tilespmem:s20+$0xFFFFFF10] =	vst v15;
	v12 =	vld.idx.msk [tilespmem:v13+s4+$0x0], $0xffff  }
0x117: {  	s21 =	simm.s32 $0x1F;
	s31 =	sshll.u32 s6, $0x6;
	s25 =	simm.s32 $0x1E;
	v6 =	vor.u32 s26, v2;
	v13 =	vld.idx.msk [tilespmem:v19+s4+$0x0], $0xffff;
	[tilespmem:s20+$0x20] =	vst v18  }
0x118: {  	s22 =	simm.s32 $0x4;
	s24 =	simm.s32 $0x2F;
	s18 =	sor.u32 s5, s31;
	v4 =	vor.u32 s29, v2;
	v15 =	vor.u32 s25, v0;
	v14 =	vld.idx.msk [tilespmem:v21+s4+$0x0], $0xffff;
	[tilespmem:s16+$0xFFFFFFE0] =	vst v20  }
.LBB2_3:
0x119: {  	s10 =	sadd.s32 $0xFFFFFFF1, s24;
	s26 =	sadd.s32 $0xFFFFFFFD, s24;
	s22 =	sadd.s32 $0x4, s22;
	v11 =	vld.idx.msk [tilespmem:v11+s4+$0x0], $0xffff;
	[tilespmem:s16+$0xE0] =	vst v10  }
0x11a: {  	s28 =	sadd.s32 $0xFFFFFFF5, s24;
	s29 =	sadd.s32 $0xFFFFFFFB, s21;
	v10 =	vor.u32 s10, v0;
	v16 =	vor.u32 s26, v0;
	p2 =	slt.u32 s22, $0x7C;
	[tilespmem:s16+$0x70] =	vst v8;
	v7 =	vld.idx.msk [tilespmem:v7+s4+$0x0], $0xffff  }
0x11b: {  	s31 =	sadd.s32 $0xFFFFFFF9, s24;
	v17 =	vor.u32 s0, v2;
	v8 =	vor.u32 s28, v0;
	v18 =	vor.u32 s29, v0;
	[tilespmem:s16+$0xFFFFFF60] =	vst v5  }
0x11c: {  	v5 =	vor.u32 s31, v0;
	[tilespmem:s20+$0xB0] =	vst v12;
	v6 =	vld.idx.msk [tilespmem:v6+s4+$0x0], $0xffff  }
0x11d: {  	[tilespmem:s20+$0xFFFFFFA0] =	vst v9;
	v9 =	vld.idx.msk [tilespmem:v15+s4+$0x0], $0xffff  }
0x11e: {  	[tilespmem:s20+$0xFFFFFF20] =	vst v13;
	v4 =	vld.idx.msk [tilespmem:v4+s4+$0x0], $0xffff  }
0x11f: {  	s0 =	sadd.s32 $0xFFFFFFF7, s21;
	v13 =	vor.u32 s25, v2;
	v12 =	vld.idx.msk [tilespmem:v16+s4+$0x0], $0xffff;
	[tilespmem:s20+$0x30] =	vst v14  }
0x120: {  	v14 =	vor.u32 s0, v0;
	v15 =	vld.idx.msk [tilespmem:v18+s4+$0x0], $0xffff;
	[tilespmem:s16+$0xFFFFFFF0] =	vst v11  }
0x121: {  	s25 =	sadd.s32 $0xFFFFFFF3, s21;
	v11 =	vor.u32 s26, v2;
	v16 =	vld.idx.msk [tilespmem:v17+s4+$0x0], $0xffff;
	[tilespmem:s16+$0xF0] =	vst v7  }
0x122: {  	v17 =	vor.u32 s29, v2;
	v7 =	vld.idx.msk [tilespmem:v8+s4+$0x0], $0xffff;
	v8 =	vor.u32 s25, v0;
	[tilespmem:s16+$0xFFFFFF70] =	vst v6;
	s16 =	smov.u32 s20  }
0x123: {  	v5 =	vld.idx.msk [tilespmem:v5+s4+$0x0], $0xffff;
	[tilespmem:s20+$0xC0] =	vst v9  }
0x124: {  	s20 =	sadd.s32 $0x200, s20;
	[tilespmem:s16+$0xFFFFFFB0] =	vst v4;
	v4 =	vld.idx.msk [tilespmem:v13+s4+$0x0], $0xffff  }
0x125: {  	v6 =	vor.u32 s31, v2;
	[tilespmem:s20+$0x80] =	vst v12;
	v9 =	vld.idx.msk [tilespmem:v14+s4+$0x0], $0xffff  }
0x126: {  	v12 =	vor.u32 s28, v2;
	v11 =	vld.idx.msk [tilespmem:v11+s4+$0x0], $0xffff;
	[tilespmem:s16+$0x40] =	vst v15  }
0x127: {  	s26 =	sadd.s32 $0xFFFFFFFE, s24;
	v13 =	vor.u32 s0, v2;
	[tilespmem:s16+$0xFFFFFF30] =	vst v16;
	v14 =	vld.idx.msk [tilespmem:v17+s4+$0x0], $0xffff  }
0x128: {  	s0 =	sadd.s32 $0xFFFFFFFC, s21;
	[tilespmem:s20+$0xFFFFFF80] =	vst v7;
	v7 =	vor.u32 s26, v0;
	v8 =	vld.idx.msk [tilespmem:v8+s4+$0x0], $0xffff  }
0x129: {  	v15 =	vor.u32 s0, v0;
	v10 =	vld.idx.msk [tilespmem:v10+s4+$0x0], $0xffff;
	[tilespmem:s20+$0x0] =	vst v5;
	v5 =	vor.u32 s25, v2  }
0x12a: {  	v6 =	vld.idx.msk [tilespmem:v6+s4+$0x0], $0xffff;
	[tilespmem:s16+$0xD0] =	vst v4  }
0x12b: {  	v16 =	vor.u32 s10, v2;
	s10 =	sadd.s32 $0xFFFFFFFA, s24;
	v12 =	vld.idx.msk [tilespmem:v12+s4+$0x0], $0xffff;
	[tilespmem:s16+$0xFFFFFFC0] =	vst v9  }
0x12c: {  	s25 =	sadd.s32 $0xFFFFFFF6, s24;
	v9 =	vor.u32 s10, v0;
	[tilespmem:s20+$0x90] =	vst v11;
	v11 =	vld.idx.msk [tilespmem:v13+s4+$0x0], $0xffff  }
0x12d: {  	v4 =	vor.u32 s25, v2;
	v13 =	vor.u32 s25, v0;
	s25 =	sadd.s32 $0xFFFFFFF8, s21;
	v7 =	vld.idx.msk [tilespmem:v7+s4+$0x0], $0xffff;
	[tilespmem:s16+$0x50] =	vst v14  }
0x12e: {  	[tilespmem:s16+$0xFFFFFF40] =	vst v8;
	v8 =	vor.u32 s25, v0;
	v14 =	vld.idx.msk [tilespmem:v15+s4+$0x0], $0xffff  }
0x12f: {  	s28 =	sadd.s32 $0xFFFFFFF4, s21;
	[tilespmem:s20+$0xFFFFFF00] =	vst v10;
	v5 =	vld.idx.msk [tilespmem:v5+s4+$0x0], $0xffff;
	v10 =	vor.u32 s21, v0  }
0x130: {  	v15 =	vld.idx.msk [tilespmem:v16+s4+$0x0], $0xffff;
	[tilespmem:s20+$0x10] =	vst v6;
	v6 =	vor.u32 s28, v0;
	v16 =	vor.u32 s0, v2  }
0x131: {  	[tilespmem:s20+$0xFFFFFF90] =	vst v12;
	v17 =	vld.idx.msk [tilespmem:v9+s4+$0x0], $0xffff  }
0x132: {  	s0 =	sadd.s32 $0xFFFFFFF2, s24;
	v12 =	vor.u32 s26, v2;
	v9 =	vld.idx.msk [tilespmem:v13+s4+$0x0], $0xffff;
	[tilespmem:s16+$0xFFFFFFD0] =	vst v11  }
0x133: {  	v13 =	vor.u32 s0, v0;
	v18 =	vld.idx.msk [tilespmem:v8+s4+$0x0], $0xffff  }
0x134: {  	v19 =	vor.u32 s10, v2;
	[tilespmem:s16+$0x60] =	vst v14;
	v10 =	vld.idx.msk [tilespmem:v10+s4+$0x0], $0xffff  }
.Ltmp5:
0x135: {  	v11 =	vor.u32 s25, v2;
	[tilespmem:s16+$0xFFFFFF50] =	vst v5;
	v8 =	vld.idx.msk [tilespmem:v16+s4+$0x0], $0xffff;
	(pc) =	sbr.rel @p2 .LBB2_3-.Ltmp5, $4  }
0x136: {  	[tilespmem:s20+$0xA0] =	vst v7;
	v5 =	vld.idx.msk [tilespmem:v6+s4+$0x0], $0xffff;
	v7 =	vor.u32 s21, v2;
	s21 =	smov.u32 s24  }
0x137: {  	v6 =	vor.u32 s28, v2;
	[tilespmem:s20+$0xFFFFFF10] =	vst v15;
	v12 =	vld.idx.msk [tilespmem:v12+s4+$0x0], $0xffff  }
0x138: {  	s25 =	sadd.s32 $0xFFFFFFFF, s24;
	v13 =	vld.idx.msk [tilespmem:v13+s4+$0x0], $0xffff;
	[tilespmem:s20+$0x20] =	vst v17  }
0x139: {  	s24 =	sadd.s32 $0x10, s24;
	v15 =	vor.u32 s25, v0;
	v14 =	vld.idx.msk [tilespmem:v19+s4+$0x0], $0xffff;
	[tilespmem:s16+$0xFFFFFFE0] =	vst v18  }
0x13a: {  	v16 =	vor.u32 s0, v2;
	_ =	sdelay $0x2  }
0x13b: {  	s24 =	sadd.s32 $0xFFFFFFFB, s21;
	[tilespmem:s20+$0xFFFFFFA0] =	vst v9  }
0x13c: {  	s10 =	sadd.s32 $0xFFFFFFF7, s21;
	v47 =	vor.u32 s24, v0;
	v4 =	vld.idx.msk [tilespmem:v4+s4+$0x0], $0xffff;
	[tilespmem:s20+$0xFFFFFF20] =	vst v13  }
0x13d: {  	s22 =	sadd.s32 $0xFFFFFFF3, s21;
	v48 =	vor.u32 s10, v0;
	v16 =	vld.idx.msk [tilespmem:v16+s4+$0x0], $0xffff  }
0x13e: {  	v17 =	vor.u32 s22, v0  }
0x13f: {  	[tilespmem:s20+$0xB0] =	vst v12  }
0x140: {  	v50 =	vld.idx.msk [tilespmem:v15+s4+$0x0], $0xffff;
	[tilespmem:s20+$0x30] =	vst v14  }
0x141: {  	v52 =	vor.u32 s25, v2;
	v9 =	vld.idx.msk [tilespmem:v47+s4+$0x0], $0xffff;
	[tilespmem:s20+$0xFFFFFFB0] =	vst v4  }
0x142: {  	v4 =	vor.u32 s24, v2;
	v49 =	vld.idx.msk [tilespmem:v48+s4+$0x0], $0xffff;
	[tilespmem:s20+$0xFFFFFF30] =	vst v16  }
0x143: {  	v51 =	vor.u32 s10, v2;
	v16 =	vld.idx.msk [tilespmem:v17+s4+$0x0], $0xffff  }
0x144: {  	v53 =	vor.u32 s22, v2  }
0x145: {  	[tilespmem:s20+$0xC0] =	vst v50  }
0x146: {  	v13 =	vld.idx.msk [tilespmem:v52+s4+$0x0], $0xffff;
	[tilespmem:s20+$0x40] =	vst v9  }
0x147: {  	s25 =	sadd.s32 $0xFFFFFFFC, s21;
	v57 =	vor.u32 s21, v0;
	[tilespmem:s20+$0xFFFFFFC0] =	vst v49;
	v4 =	vld.idx.msk [tilespmem:v4+s4+$0x0], $0xffff  }
0x148: {  	s26 =	sadd.s32 $0xFFFFFFF8, s21;
	v54 =	vor.u32 s25, v0;
	v12 =	vld.idx.msk [tilespmem:v51+s4+$0x0], $0xffff;
	[tilespmem:s20+$0xFFFFFF40] =	vst v16  }
0x149: {  	[tilespmem:s16+$0xE0] =	vst v10;
	s28 =	sadd.s32 $0xFFFFFFF4, s21;
	v55 =	vor.u32 s26, v0;
	v56 =	vld.idx.msk [tilespmem:v53+s4+$0x0], $0xffff  }
0x14a: {  	[tilespmem:s16+$0x70] =	vst v8;
	v58 =	vor.u32 s28, v0  }
0x14b: {  	v11 =	vld.idx.msk [tilespmem:v11+s4+$0x0], $0xffff;
	[tilespmem:s20+$0xD0] =	vst v13  }
0x14c: {  	v13 =	vld.idx.msk [tilespmem:v57+s4+$0x0], $0xffff;
	[tilespmem:s20+$0x50] =	vst v4  }
0x14d: {  	v61 =	vor.u32 s21, v2;
	v4 =	vld.idx.msk [tilespmem:v54+s4+$0x0], $0xffff;
	[tilespmem:s20+$0xFFFFFFD0] =	vst v12  }
0x14e: {  	v59 =	vor.u32 s25, v2;
	v12 =	vld.idx.msk [tilespmem:v55+s4+$0x0], $0xffff;
	[tilespmem:s20+$0xFFFFFF50] =	vst v56  }
0x14f: {  	v60 =	vor.u32 s26, v2;
	[tilespmem:s16+$0xFFFFFF60] =	vst v5;
	v5 =	vld.idx.msk [tilespmem:v58+s4+$0x0], $0xffff  }
0x150: {  	v7 =	vld.idx.msk [tilespmem:v7+s4+$0x0], $0xffff;
	v62 =	vor.u32 s28, v2;
	[tilespmem:s16+$0xFFFFFFF0] =	vst v11  }
0x151: {  	v6 =	vld.idx.msk [tilespmem:v6+s4+$0x0], $0xffff;
	[tilespmem:s20+$0xE0] =	vst v13  }
0x152: {  	v8 =	vld.idx.msk [tilespmem:v61+s4+$0x0], $0xffff;
	[tilespmem:s20+$0x60] =	vst v4  }
0x153: {  	v4 =	vld.idx.msk [tilespmem:v59+s4+$0x0], $0xffff;
	[tilespmem:s20+$0xFFFFFFE0] =	vst v12  }
0x154: {  	v63 =	vld.idx.msk [tilespmem:v60+s4+$0x0], $0xffff;
	[tilespmem:s20+$0xFFFFFF60] =	vst v5  }
0x155: {  	[tilespmem:s16+$0xF0] =	vst v7;
	v5 =	vld.idx.msk [tilespmem:v62+s4+$0x0], $0xffff  }
0x156: {  	p2 =	sgt.u32 s18, $0x760;
	[tilespmem:s16+$0xFFFFFF70] =	vst v6  }
.Ltmp6:
0x157: {  	[tilespmem:s20+$0xF0] =	vst v8;
	(pc) =	sbr.rel @p2 .LBB2_6-.Ltmp6, $4  }
0x158: {  	[tilespmem:s20+$0x70] =	vst v4  }
0x159: {  	s29 =	sshll.u32 s18, $0xB;
	[tilespmem:s20+$0xFFFFFFF0] =	vst v63  }
0x15a: {  	s31 =	simm.s32 $0x8000;
	s0 =	sadd.s32 s3, s29;
	[tilespmem:s20+$0xFFFFFF70] =	vst v5  }
0x15b: {  	[hbm4b:s0+s4] =	stream.linear.scatter [tilespmem:s31], [sflag:$0x3], $0x4000, $0x38;
	[tilespmem:$0x11000] =	vst v63  }
0x15c: {  	s0 =	sshll.u32 s18, $0x9  }
0x15d: {  	s0 =	sand.u32 $0x1FFFFE00, s0  }
0x15e: {  	s10 =	sadd.s32 $0x8000, s0  }
0x15f: {  	s16 =	sadd.s32 s2, s10  }
0x160: {  	[tilespmem:s4], [sflag:$0x1] =	stream.strided.gather [hbm4b:s16+s14], $0x200, s15, s14, $0x38;
	[tilespmem:$0x11000] =	vst v63  }
0x161: {  	s20 =	simm.s32 $0x200;
	s31 =	sadd.s32 s10, s17  }
0x162: {  	[tilespmem:s20], [sflag:$0x1] =	stream.strided.gather [hbm4b:s31+s14], $0x200, s15, s14, $0x38;
	[tilespmem:$0x11000] =	vst v63  }
0x163: {  	s20 =	sadd.s32 s10, s23  }
0x164: {  	[tilespmem:s15], [sflag:$0x1] =	stream.strided.gather [hbm4b:s20+s14], $0x200, s15, s14, $0x38;
	[tilespmem:$0x11000] =	vst v63  }
0x165: {  	s22 =	simm.s32 $0x600;
	s21 =	sadd.s32 s10, s30  }
0x166: {  	[tilespmem:s22], [sflag:$0x1] =	stream.strided.gather [hbm4b:s21+s14], $0x200, s15, s14, $0x38;
	[tilespmem:$0x11000] =	vst v63  }
0x167: {  	s25 =	simm.s32 $0x800;
	s24 =	sadd.s32 s10, s11  }
0x168: {  	[tilespmem:s25], [sflag:$0x1] =	stream.strided.gather [hbm4b:s24+s14], $0x200, s15, s14, $0x38;
	[tilespmem:$0x11000] =	vst v63  }
0x169: {  	s28 =	simm.s32 $0xA00;
	s26 =	sadd.s32 s10, s7  }
0x16a: {  	[tilespmem:s28], [sflag:$0x1] =	stream.strided.gather [hbm4b:s26+s14], $0x200, s15, s14, $0x38;
	[tilespmem:$0x11000] =	vst v63  }
0x16b: {  	s29 =	sadd.s32 s10, s19;
	s31 =	simm.s32 $0xC00  }
0x16c: {  	[tilespmem:s31], [sflag:$0x1] =	stream.strided.gather [hbm4b:s29+s14], $0x200, s15, s14, $0x38;
	[tilespmem:$0x11000] =	vst v63  }
0x16d: {  	s0 =	sadd.s32 s2, s0;
	s10 =	sadd.s32 s10, s8;
	s20 =	simm.s32 $0xE00  }
0x16e: {  	[tilespmem:s20], [sflag:$0x1] =	stream.strided.gather [hbm4b:s10+s14], $0x200, s15, s14, $0x38;
	[tilespmem:$0x11000] =	vst v63  }
0x16f: {  	s21 =	sadd.s32 $0xFC280, s0;
	s22 =	simm.s32 $0x1000  }
0x170: {  	[tilespmem:s22], [sflag:$0x1] =	stream.strided.gather [hbm4b:s21+s14], $0x200, s15, s14, $0x38;
	[tilespmem:$0x11000] =	vst v63  }
0x171: {  	s24 =	sadd.s32 $0xFC290, s0;
	s25 =	simm.s32 $0x1200  }
0x172: {  	[tilespmem:s25], [sflag:$0x1] =	stream.strided.gather [hbm4b:s24+s14], $0x200, s15, s14, $0x38;
	[tilespmem:$0x11000] =	vst v63  }
0x173: {  	s26 =	sadd.s32 $0xFC2A0, s0;
	s28 =	simm.s32 $0x1400  }
0x174: {  	[tilespmem:s28], [sflag:$0x1] =	stream.strided.gather [hbm4b:s26+s14], $0x200, s15, s14, $0x38;
	[tilespmem:$0x11000] =	vst v63  }
0x175: {  	s29 =	sadd.s32 $0xFC2B0, s0;
	s31 =	simm.s32 $0x1600  }
0x176: {  	[tilespmem:s31], [sflag:$0x1] =	stream.strided.gather [hbm4b:s29+s14], $0x200, s15, s14, $0x38;
	[tilespmem:$0x11000] =	vst v63  }
0x177: {  	s16 =	sadd.s32 $0xFC2C0, s0;
	s20 =	simm.s32 $0x1800  }
0x178: {  	[tilespmem:s20], [sflag:$0x1] =	stream.strided.gather [hbm4b:s16+s14], $0x200, s15, s14, $0x38;
	[tilespmem:$0x11000] =	vst v63  }
0x179: {  	s21 =	sadd.s32 $0xFC2D0, s0;
	s22 =	simm.s32 $0x1A00  }
0x17a: {  	[tilespmem:s22], [sflag:$0x1] =	stream.strided.gather [hbm4b:s21+s14], $0x200, s15, s14, $0x38;
	[tilespmem:$0x11000] =	vst v63  }
0x17b: {  	s24 =	sadd.s32 $0xFC2E0, s0;
	s25 =	simm.s32 $0x1C00  }
0x17c: {  	[tilespmem:s25], [sflag:$0x1] =	stream.strided.gather [hbm4b:s24+s14], $0x200, s15, s14, $0x38;
	[tilespmem:$0x11000] =	vst v63  }
0x17d: {  	s26 =	sadd.s32 $0xFC2F0, s0;
	s28 =	simm.s32 $0x1E00  }
0x17e: {  	[tilespmem:s28], [sflag:$0x1] =	stream.strided.gather [hbm4b:s26+s14], $0x200, s15, s14, $0x38;
	[tilespmem:$0x11000] =	vst v63  }
0x17f: {  	s29 =	sadd.s32 $0x1F0500, s0;
	s31 =	simm.s32 $0x2000  }
0x180: {  	[tilespmem:s31], [sflag:$0x1] =	stream.strided.gather [hbm4b:s29+s14], $0x200, s15, s14, $0x38;
	[tilespmem:$0x11000] =	vst v63  }
0x181: {  	s16 =	sadd.s32 $0x1F0510, s0;
	s20 =	simm.s32 $0x2200  }
0x182: {  	[tilespmem:s20], [sflag:$0x1] =	stream.strided.gather [hbm4b:s16+s14], $0x200, s15, s14, $0x38;
	[tilespmem:$0x11000] =	vst v63  }
0x183: {  	s21 =	sadd.s32 $0x1F0520, s0;
	s22 =	simm.s32 $0x2400  }
0x184: {  	[tilespmem:s22], [sflag:$0x1] =	stream.strided.gather [hbm4b:s21+s14], $0x200, s15, s14, $0x38;
	[tilespmem:$0x11000] =	vst v63  }
0x185: {  	s24 =	sadd.s32 $0x1F0530, s0;
	s25 =	simm.s32 $0x2600  }
0x186: {  	[tilespmem:s25], [sflag:$0x1] =	stream.strided.gather [hbm4b:s24+s14], $0x200, s15, s14, $0x38;
	[tilespmem:$0x11000] =	vst v63  }
0x187: {  	s26 =	sadd.s32 $0x1F0540, s0;
	s28 =	simm.s32 $0x2800  }
0x188: {  	[tilespmem:s28], [sflag:$0x1] =	stream.strided.gather [hbm4b:s26+s14], $0x200, s15, s14, $0x38;
	[tilespmem:$0x11000] =	vst v63  }
0x189: {  	s29 =	sadd.s32 $0x1F0550, s0;
	s31 =	simm.s32 $0x2A00  }
0x18a: {  	[tilespmem:s31], [sflag:$0x1] =	stream.strided.gather [hbm4b:s29+s14], $0x200, s15, s14, $0x38;
	[tilespmem:$0x11000] =	vst v63  }
0x18b: {  	s16 =	sadd.s32 $0x1F0560, s0;
	s20 =	simm.s32 $0x2C00  }
0x18c: {  	[tilespmem:s20], [sflag:$0x1] =	stream.strided.gather [hbm4b:s16+s14], $0x200, s15, s14, $0x38;
	[tilespmem:$0x11000] =	vst v63  }
0x18d: {  	s21 =	sadd.s32 $0x1F0570, s0;
	s22 =	simm.s32 $0x2E00  }
0x18e: {  	[tilespmem:s22], [sflag:$0x1] =	stream.strided.gather [hbm4b:s21+s14], $0x200, s15, s14, $0x38;
	[tilespmem:$0x11000] =	vst v63  }
0x18f: {  	s24 =	sadd.s32 $0x2E4780, s0;
	s25 =	simm.s32 $0x3000  }
0x190: {  	[tilespmem:s25], [sflag:$0x1] =	stream.strided.gather [hbm4b:s24+s14], $0x200, s15, s14, $0x38;
	[tilespmem:$0x11000] =	vst v63  }
0x191: {  	s26 =	sadd.s32 $0x2E4790, s0;
	s28 =	simm.s32 $0x3200  }
0x192: {  	[tilespmem:s28], [sflag:$0x1] =	stream.strided.gather [hbm4b:s26+s14], $0x200, s15, s14, $0x38;
	[tilespmem:$0x11000] =	vst v63  }
0x193: {  	s29 =	sadd.s32 $0x2E47A0, s0;
	s31 =	simm.s32 $0x3400  }
0x194: {  	[tilespmem:s31], [sflag:$0x1] =	stream.strided.gather [hbm4b:s29+s14], $0x200, s15, s14, $0x38;
	[tilespmem:$0x11000] =	vst v63  }
0x195: {  	s20 =	sadd.s32 $0x2E47B0, s0;
	s21 =	simm.s32 $0x3600  }
0x196: {  	[tilespmem:s21], [sflag:$0x1] =	stream.strided.gather [hbm4b:s20+s14], $0x200, s15, s14, $0x38;
	[tilespmem:$0x11000] =	vst v63  }
0x197: {  	s22 =	sadd.s32 $0x2E47C0, s0;
	s24 =	simm.s32 $0x3800  }
0x198: {  	[tilespmem:s24], [sflag:$0x1] =	stream.strided.gather [hbm4b:s22+s14], $0x200, s15, s14, $0x38;
	[tilespmem:$0x11000] =	vst v63  }
0x199: {  	s25 =	sadd.s32 $0x2E47D0, s0;
	s26 =	simm.s32 $0x3A00  }
0x19a: {  	[tilespmem:s26], [sflag:$0x1] =	stream.strided.gather [hbm4b:s25+s14], $0x200, s15, s14, $0x38;
	[tilespmem:$0x11000] =	vst v63  }
0x19b: {  	s28 =	sadd.s32 $0x2E47E0, s0;
	s29 =	simm.s32 $0x3C00  }
0x19c: {  	[tilespmem:s29], [sflag:$0x1] =	stream.strided.gather [hbm4b:s28+s14], $0x200, s15, s14, $0x38;
	[tilespmem:$0x11000] =	vst v63  }
0x19d: {  	s0 =	sadd.s32 $0x2E47F0, s0;
	s31 =	simm.s32 $0x3E00  }
0x19e: {  	[tilespmem:s31], [sflag:$0x1] =	stream.strided.gather [hbm4b:s0+s14], $0x200, s15, s14, $0x38;
	[tilespmem:$0x11000] =	vst v63  }
.LBB2_6:
0x19f: {  	s16 =	sor.u32 $0x20, s18  }
0x1a0: {  	p2 =	sgt.u32 s16, $0x7A0  }
.Ltmp7:
0x1a1: {  	_ = 	snop;
	(pc) =	sbr.rel @p2 .LBB2_11-.Ltmp7, $1  }
0x1a2: {  	_ =	sdelay $0x3  }
0x1a3: {  	_ =	swait.ge [sflag:s12], $0x4000;
	s0 =	simm.s32 $0xC  }
0x1a4: {  	[sflag:s12] =	ssyncset.done $0x0;
	v4 =	vor.u32 s0, v0  }
0x1a5: {  	s10 =	simm.s32 @!p1 $0x4;
	s20 =	simm.s32 $0x8;
	[sflag:s12] =	ssyncadd.s32 $0xFFFFC000  }
0x1a6: {  	v5 =	vor.u32 s20, v0;
	_ =	swait.ge @!p1 [sflag:s10], $0x4000  }
0x1a7: {  	[sflag:s10] =	ssyncset.done @!p1 $0x0  }
0x1a8: {  	[sflag:s10] =	ssyncadd.s32 @!p1 $0xFFFFC000  }
0x1a9: {  	v4 =	vld.idx.msk [tilespmem:v4+s1+$0x0], $0xffff  }
0x1aa: {  	s29 =	simm.s32 $0x4;
	v6 =	vor.u32 s0, v2  }
0x1ab: {  	v7 =	vor.u32 s29, v0;
	v5 =	vld.idx.msk [tilespmem:v5+s1+$0x0], $0xffff  }
0x1ac: {  	s31 =	simm.s32 $0x0;
	v8 =	vor.u32 s20, v2  }
0x1ad: {  	s18 =	simm.s32 $0xC100;
	v9 =	vor.u32 s31, v0  }
0x1ae: {  	[tilespmem:s18+$0x80] =	vst v4  }
0x1af: {  	v4 =	vld.idx.msk [tilespmem:v6+s1+$0x0], $0xffff  }
0x1b0: {  	s21 =	simm.s32 $0xD;
	[tilespmem:s18+$0x0] =	vst v5;
	v6 =	vld.idx.msk [tilespmem:v7+s1+$0x0], $0xffff  }
0x1b1: {  	v7 =	vor.u32 s21, v0;
	v5 =	vld.idx.msk [tilespmem:v8+s1+$0x0], $0xffff  }
0x1b2: {  	v10 =	vor.u32 s29, v2;
	v8 =	vld.idx.msk [tilespmem:v9+s1+$0x0], $0xffff  }
0x1b3: {  	s22 =	simm.s32 $0x9;
	v11 =	vor.u32 s31, v2  }
0x1b4: {  	v9 =	vor.u32 s22, v0  }
0x1b5: {  	[tilespmem:s18+$0x90] =	vst v4  }
0x1b6: {  	[tilespmem:s18+$0xFFFFFF80] =	vst v6;
	v4 =	vld.idx.msk [tilespmem:v7+s1+$0x0], $0xffff  }
0x1b7: {  	[tilespmem:s18+$0xFFFFFF00] =	vst v8;
	v6 =	vld.idx.msk [tilespmem:v10+s1+$0x0], $0xffff  }
0x1b8: {  	s24 =	simm.s32 $0x5;
	[tilespmem:s18+$0x10] =	vst v5;
	v7 =	vor.u32 s21, v2;
	v8 =	vld.idx.msk [tilespmem:v11+s1+$0x0], $0xffff  }
0x1b9: {  	v10 =	vor.u32 s24, v0;
	v5 =	vld.idx.msk [tilespmem:v9+s1+$0x0], $0xffff  }
0x1ba: {  	s25 =	simm.s32 $0x1;
	v9 =	vor.u32 s22, v2  }
0x1bb: {  	v11 =	vor.u32 s25, v0;
	[tilespmem:s18+$0xA0] =	vst v4  }
0x1bc: {  	s28 =	simm.s32 $0x1C;
	[tilespmem:s18+$0xFFFFFF90] =	vst v6  }
0x1bd: {  	s26 =	simm.s32 $0xE;
	[tilespmem:s18+$0xFFFFFF10] =	vst v8;
	v8 =	vor.u32 s28, v0;
	v4 =	vld.idx.msk [tilespmem:v7+s1+$0x0], $0xffff  }
0x1be: {  	[tilespmem:s18+$0x20] =	vst v5;
	v6 =	vld.idx.msk [tilespmem:v10+s1+$0x0], $0xffff;
	v7 =	vor.u32 s26, v0  }
0x1bf: {  	s21 =	simm.s32 $0xA;
	v10 =	vor.u32 s24, v2;
	v5 =	vld.idx.msk [tilespmem:v9+s1+$0x0], $0xffff  }
0x1c0: {  	v9 =	vld.idx.msk [tilespmem:v11+s1+$0x0], $0xffff;
	v11 =	vor.u32 s21, v0  }
0x1c1: {  	v12 =	vor.u32 s25, v2;
	s22 =	simm.s32 $0x14  }
0x1c2: {  	v8 =	vld.idx.msk [tilespmem:v8+s1+$0x0], $0xffff;
	[tilespmem:s18+$0xB0] =	vst v4;
	v4 =	vor.u32 s22, v0  }
0x1c3: {  	v13 =	vor.u32 s28, v2;
	s24 =	simm.s32 $0x18;
	[tilespmem:s18+$0xFFFFFFA0] =	vst v6;
	v6 =	vld.idx.msk [tilespmem:v7+s1+$0x0], $0xffff  }
0x1c4: {  	[tilespmem:s18+$0x30] =	vst v5;
	v7 =	vor.u32 s24, v0;
	v10 =	vld.idx.msk [tilespmem:v10+s1+$0x0], $0xffff  }
0x1c5: {  	s25 =	simm.s32 $0x6;
	v5 =	vor.u32 s26, v2;
	[tilespmem:s18+$0xFFFFFF20] =	vst v9;
	v11 =	vld.idx.msk [tilespmem:v11+s1+$0x0], $0xffff  }
0x1c6: {  	s20 =	simm.s32 $0xC300;
	v9 =	vor.u32 s25, v0;
	v12 =	vld.idx.msk [tilespmem:v12+s1+$0x0], $0xffff  }
0x1c7: {  	s29 =	simm.s32 $0x2;
	v14 =	vor.u32 s21, v2;
	[tilespmem:s20+$0x80] =	vst v8;
	v4 =	vld.idx.msk [tilespmem:v4+s1+$0x0], $0xffff  }
0x1c8: {  	s31 =	simm.s32 $0x10;
	v15 =	vor.u32 s29, v0;
	v13 =	vld.idx.msk [tilespmem:v13+s1+$0x0], $0xffff  }
0x1c9: {  	v7 =	vld.idx.msk [tilespmem:v7+s1+$0x0], $0xffff;
	[tilespmem:s18+$0xC0] =	vst v6;
	v6 =	vor.u32 s31, v0  }
0x1ca: {  	[tilespmem:s18+$0xFFFFFFB0] =	vst v10;
	v10 =	vor.u32 s24, v2;
	v5 =	vld.idx.msk [tilespmem:v5+s1+$0x0], $0xffff  }
0x1cb: {  	s21 =	simm.s32 $0x1D;
	[tilespmem:s18+$0x40] =	vst v11;
	v8 =	vld.idx.msk [tilespmem:v9+s1+$0x0], $0xffff;
	v9 =	vor.u32 s22, v2  }
0x1cc: {  	[tilespmem:s18+$0xFFFFFF30] =	vst v12;
	v12 =	vld.idx.msk [tilespmem:v14+s1+$0x0], $0xffff;
	v14 =	vor.u32 s21, v0  }
0x1cd: {  	v11 =	vor.u32 s25, v2;
	v15 =	vld.idx.msk [tilespmem:v15+s1+$0x0], $0xffff;
	[tilespmem:s20+$0xFFFFFF80] =	vst v4  }
0x1ce: {  	s24 =	simm.s32 $0xB;
	v4 =	vor.u32 s29, v2;
	v6 =	vld.idx.msk [tilespmem:v6+s1+$0x0], $0xffff;
	[tilespmem:s20+$0x0] =	vst v7  }
0x1cf: {  	v7 =	vor.u32 s24, v0;
	v10 =	vld.idx.msk [tilespmem:v10+s1+$0x0], $0xffff  }
0x1d0: {  	v16 =	vor.u32 s31, v2;
	s25 =	simm.s32 $0x19;
	[tilespmem:s20+$0x90] =	vst v13;
	v9 =	vld.idx.msk [tilespmem:v9+s1+$0x0], $0xffff  }
0x1d1: {  	s29 =	simm.s32 $0x15;
	[tilespmem:s18+$0xFFFFFFC0] =	vst v8;
	v8 =	vor.u32 s25, v0;
	v14 =	vld.idx.msk [tilespmem:v14+s1+$0x0], $0xffff  }
0x1d2: {  	s31 =	simm.s32 $0x7;
	v13 =	vor.u32 s29, v0;
	[tilespmem:s18+$0xFFFFFF40] =	vst v15;
	v11 =	vld.idx.msk [tilespmem:v11+s1+$0x0], $0xffff  }
0x1d3: {  	s26 =	simm.s32 $0xF;
	[tilespmem:s18+$0x50] =	vst v12;
	v12 =	vor.u32 s31, v0;
	v4 =	vld.idx.msk [tilespmem:v4+s1+$0x0], $0xffff  }
0x1d4: {  	s28 =	simm.s32 $0x3;
	v7 =	vld.idx.msk [tilespmem:v7+s1+$0x0], $0xffff;
	[tilespmem:s20+$0xFFFFFF00] =	vst v6;
	v6 =	vor.u32 s26, v0  }
0x1d5: {  	v17 =	vor.u32 s28, v0;
	v15 =	vld.idx.msk [tilespmem:v16+s1+$0x0], $0xffff;
	[tilespmem:s20+$0x10] =	vst v10  }
0x1d6: {  	v16 =	vor.u32 s24, v2;
	[tilespmem:s20+$0xFFFFFF90] =	vst v9;
	v18 =	vld.idx.msk [tilespmem:v8+s1+$0x0], $0xffff  }
0x1d7: {  	s10 =	simm.s32 $0x11;
	v9 =	vld.idx.msk [tilespmem:v13+s1+$0x0], $0xffff;
	v13 =	vor.u32 s21, v2;
	[tilespmem:s18+$0xFFFFFFD0] =	vst v11  }
0x1d8: {  	v19 =	vor.u32 s10, v0;
	[tilespmem:s18+$0xD0] =	vst v5;
	v20 =	vld.idx.msk [tilespmem:v12+s1+$0x0], $0xffff  }
0x1d9: {  	v21 =	vor.u32 s25, v2;
	[tilespmem:s18+$0xFFFFFF50] =	vst v4;
	v10 =	vld.idx.msk [tilespmem:v6+s1+$0x0], $0xffff  }
0x1da: {  	v11 =	vor.u32 s31, v2;
	[tilespmem:s18+$0x60] =	vst v7;
	v5 =	vld.idx.msk [tilespmem:v17+s1+$0x0], $0xffff  }
0x1db: {  	[tilespmem:s20+$0xA0] =	vst v14;
	v7 =	vor.u32 s26, v2;
	v8 =	vld.idx.msk [tilespmem:v16+s1+$0x0], $0xffff  }
0x1dc: {  	[tilespmem:s20+$0xFFFFFF10] =	vst v15;
	v12 =	vld.idx.msk [tilespmem:v13+s1+$0x0], $0xffff  }
0x1dd: {  	s25 =	simm.s32 $0x1E;
	v6 =	vor.u32 s28, v2;
	v13 =	vld.idx.msk [tilespmem:v19+s1+$0x0], $0xffff;
	[tilespmem:s20+$0x20] =	vst v18  }
0x1de: {  	s22 =	simm.s32 $0x4;
	s24 =	simm.s32 $0x2F;
	s21 =	simm.s32 $0x1F;
	v4 =	vor.u32 s29, v2;
	v15 =	vor.u32 s25, v0;
	v14 =	vld.idx.msk [tilespmem:v21+s1+$0x0], $0xffff;
	[tilespmem:s18+$0xFFFFFFE0] =	vst v20  }
.LBB2_8:
0x1df: {  	s0 =	sadd.s32 $0xFFFFFFF1, s24;
	s26 =	sadd.s32 $0xFFFFFFFD, s24;
	s22 =	sadd.s32 $0x4, s22;
	v11 =	vld.idx.msk [tilespmem:v11+s1+$0x0], $0xffff;
	[tilespmem:s18+$0xE0] =	vst v10  }
0x1e0: {  	s28 =	sadd.s32 $0xFFFFFFF5, s24;
	s29 =	sadd.s32 $0xFFFFFFFB, s21;
	v10 =	vor.u32 s0, v0;
	v16 =	vor.u32 s26, v0;
	p1 =	slt.u32 s22, $0x7C;
	[tilespmem:s18+$0x70] =	vst v8;
	v7 =	vld.idx.msk [tilespmem:v7+s1+$0x0], $0xffff  }
0x1e1: {  	s31 =	sadd.s32 $0xFFFFFFF9, s24;
	v17 =	vor.u32 s10, v2;
	v8 =	vor.u32 s28, v0;
	v18 =	vor.u32 s29, v0;
	[tilespmem:s18+$0xFFFFFF60] =	vst v5  }
0x1e2: {  	v5 =	vor.u32 s31, v0;
	[tilespmem:s20+$0xB0] =	vst v12;
	v6 =	vld.idx.msk [tilespmem:v6+s1+$0x0], $0xffff  }
0x1e3: {  	[tilespmem:s20+$0xFFFFFFA0] =	vst v9;
	v9 =	vld.idx.msk [tilespmem:v15+s1+$0x0], $0xffff  }
0x1e4: {  	[tilespmem:s20+$0xFFFFFF20] =	vst v13;
	v4 =	vld.idx.msk [tilespmem:v4+s1+$0x0], $0xffff  }
0x1e5: {  	s10 =	sadd.s32 $0xFFFFFFF7, s21;
	v13 =	vor.u32 s25, v2;
	v12 =	vld.idx.msk [tilespmem:v16+s1+$0x0], $0xffff;
	[tilespmem:s20+$0x30] =	vst v14  }
0x1e6: {  	v14 =	vor.u32 s10, v0;
	v15 =	vld.idx.msk [tilespmem:v18+s1+$0x0], $0xffff;
	[tilespmem:s18+$0xFFFFFFF0] =	vst v11  }
0x1e7: {  	s25 =	sadd.s32 $0xFFFFFFF3, s21;
	v11 =	vor.u32 s26, v2;
	v16 =	vld.idx.msk [tilespmem:v17+s1+$0x0], $0xffff;
	[tilespmem:s18+$0xF0] =	vst v7  }
0x1e8: {  	v17 =	vor.u32 s29, v2;
	v7 =	vld.idx.msk [tilespmem:v8+s1+$0x0], $0xffff;
	v8 =	vor.u32 s25, v0;
	[tilespmem:s18+$0xFFFFFF70] =	vst v6;
	s18 =	smov.u32 s20  }
0x1e9: {  	v5 =	vld.idx.msk [tilespmem:v5+s1+$0x0], $0xffff;
	[tilespmem:s20+$0xC0] =	vst v9  }
0x1ea: {  	s20 =	sadd.s32 $0x200, s20;
	[tilespmem:s18+$0xFFFFFFB0] =	vst v4;
	v4 =	vld.idx.msk [tilespmem:v13+s1+$0x0], $0xffff  }
0x1eb: {  	v6 =	vor.u32 s31, v2;
	[tilespmem:s20+$0x80] =	vst v12;
	v9 =	vld.idx.msk [tilespmem:v14+s1+$0x0], $0xffff  }
0x1ec: {  	v12 =	vor.u32 s28, v2;
	v11 =	vld.idx.msk [tilespmem:v11+s1+$0x0], $0xffff;
	[tilespmem:s18+$0x40] =	vst v15  }
0x1ed: {  	s26 =	sadd.s32 $0xFFFFFFFE, s24;
	v13 =	vor.u32 s10, v2;
	[tilespmem:s18+$0xFFFFFF30] =	vst v16;
	v14 =	vld.idx.msk [tilespmem:v17+s1+$0x0], $0xffff  }
0x1ee: {  	s10 =	sadd.s32 $0xFFFFFFFC, s21;
	[tilespmem:s20+$0xFFFFFF80] =	vst v7;
	v7 =	vor.u32 s26, v0;
	v8 =	vld.idx.msk [tilespmem:v8+s1+$0x0], $0xffff  }
0x1ef: {  	v15 =	vor.u32 s10, v0;
	v10 =	vld.idx.msk [tilespmem:v10+s1+$0x0], $0xffff;
	[tilespmem:s20+$0x0] =	vst v5;
	v5 =	vor.u32 s25, v2  }
0x1f0: {  	v6 =	vld.idx.msk [tilespmem:v6+s1+$0x0], $0xffff;
	[tilespmem:s18+$0xD0] =	vst v4  }
0x1f1: {  	v16 =	vor.u32 s0, v2;
	s0 =	sadd.s32 $0xFFFFFFFA, s24;
	v12 =	vld.idx.msk [tilespmem:v12+s1+$0x0], $0xffff;
	[tilespmem:s18+$0xFFFFFFC0] =	vst v9  }
0x1f2: {  	s25 =	sadd.s32 $0xFFFFFFF6, s24;
	v9 =	vor.u32 s0, v0;
	[tilespmem:s20+$0x90] =	vst v11;
	v11 =	vld.idx.msk [tilespmem:v13+s1+$0x0], $0xffff  }
0x1f3: {  	v4 =	vor.u32 s25, v2;
	v13 =	vor.u32 s25, v0;
	s25 =	sadd.s32 $0xFFFFFFF8, s21;
	v7 =	vld.idx.msk [tilespmem:v7+s1+$0x0], $0xffff;
	[tilespmem:s18+$0x50] =	vst v14  }
0x1f4: {  	[tilespmem:s18+$0xFFFFFF40] =	vst v8;
	v8 =	vor.u32 s25, v0;
	v14 =	vld.idx.msk [tilespmem:v15+s1+$0x0], $0xffff  }
0x1f5: {  	s28 =	sadd.s32 $0xFFFFFFF4, s21;
	[tilespmem:s20+$0xFFFFFF00] =	vst v10;
	v5 =	vld.idx.msk [tilespmem:v5+s1+$0x0], $0xffff;
	v10 =	vor.u32 s21, v0  }
0x1f6: {  	v15 =	vld.idx.msk [tilespmem:v16+s1+$0x0], $0xffff;
	[tilespmem:s20+$0x10] =	vst v6;
	v6 =	vor.u32 s28, v0;
	v16 =	vor.u32 s10, v2  }
0x1f7: {  	[tilespmem:s20+$0xFFFFFF90] =	vst v12;
	v17 =	vld.idx.msk [tilespmem:v9+s1+$0x0], $0xffff  }
0x1f8: {  	s10 =	sadd.s32 $0xFFFFFFF2, s24;
	v12 =	vor.u32 s26, v2;
	v9 =	vld.idx.msk [tilespmem:v13+s1+$0x0], $0xffff;
	[tilespmem:s18+$0xFFFFFFD0] =	vst v11  }
0x1f9: {  	v13 =	vor.u32 s10, v0;
	v18 =	vld.idx.msk [tilespmem:v8+s1+$0x0], $0xffff  }
0x1fa: {  	v19 =	vor.u32 s0, v2;
	[tilespmem:s18+$0x60] =	vst v14;
	v10 =	vld.idx.msk [tilespmem:v10+s1+$0x0], $0xffff  }
.Ltmp8:
0x1fb: {  	v11 =	vor.u32 s25, v2;
	[tilespmem:s18+$0xFFFFFF50] =	vst v5;
	v8 =	vld.idx.msk [tilespmem:v16+s1+$0x0], $0xffff;
	(pc) =	sbr.rel @p1 .LBB2_8-.Ltmp8, $4  }
0x1fc: {  	[tilespmem:s20+$0xA0] =	vst v7;
	v5 =	vld.idx.msk [tilespmem:v6+s1+$0x0], $0xffff;
	v7 =	vor.u32 s21, v2;
	s21 =	smov.u32 s24  }
0x1fd: {  	v6 =	vor.u32 s28, v2;
	[tilespmem:s20+$0xFFFFFF10] =	vst v15;
	v12 =	vld.idx.msk [tilespmem:v12+s1+$0x0], $0xffff  }
0x1fe: {  	s25 =	sadd.s32 $0xFFFFFFFF, s24;
	v13 =	vld.idx.msk [tilespmem:v13+s1+$0x0], $0xffff;
	[tilespmem:s20+$0x20] =	vst v17  }
0x1ff: {  	s24 =	sadd.s32 $0x10, s24;
	v15 =	vor.u32 s25, v0;
	v14 =	vld.idx.msk [tilespmem:v19+s1+$0x0], $0xffff;
	[tilespmem:s18+$0xFFFFFFE0] =	vst v18  }
0x200: {  	v16 =	vor.u32 s10, v2;
	_ =	sdelay $0x2  }
0x201: {  	s0 =	sadd.s32 $0xFFFFFFFB, s21;
	[tilespmem:s20+$0xFFFFFFA0] =	vst v9  }
0x202: {  	s24 =	sadd.s32 $0xFFFFFFF7, s21;
	v47 =	vor.u32 s0, v0;
	v4 =	vld.idx.msk [tilespmem:v4+s1+$0x0], $0xffff;
	[tilespmem:s20+$0xFFFFFF20] =	vst v13  }
0x203: {  	s22 =	sadd.s32 $0xFFFFFFF3, s21;
	v48 =	vor.u32 s24, v0;
	v16 =	vld.idx.msk [tilespmem:v16+s1+$0x0], $0xffff  }
0x204: {  	v17 =	vor.u32 s22, v0  }
0x205: {  	[tilespmem:s20+$0xB0] =	vst v12  }
0x206: {  	v50 =	vld.idx.msk [tilespmem:v15+s1+$0x0], $0xffff;
	[tilespmem:s20+$0x30] =	vst v14  }
0x207: {  	v52 =	vor.u32 s25, v2;
	v9 =	vld.idx.msk [tilespmem:v47+s1+$0x0], $0xffff;
	[tilespmem:s20+$0xFFFFFFB0] =	vst v4  }
0x208: {  	v4 =	vor.u32 s0, v2;
	v49 =	vld.idx.msk [tilespmem:v48+s1+$0x0], $0xffff;
	[tilespmem:s20+$0xFFFFFF30] =	vst v16  }
0x209: {  	v51 =	vor.u32 s24, v2;
	v16 =	vld.idx.msk [tilespmem:v17+s1+$0x0], $0xffff  }
0x20a: {  	v53 =	vor.u32 s22, v2  }
0x20b: {  	[tilespmem:s20+$0xC0] =	vst v50  }
0x20c: {  	v13 =	vld.idx.msk [tilespmem:v52+s1+$0x0], $0xffff;
	[tilespmem:s20+$0x40] =	vst v9  }
0x20d: {  	s25 =	sadd.s32 $0xFFFFFFFC, s21;
	v57 =	vor.u32 s21, v0;
	[tilespmem:s20+$0xFFFFFFC0] =	vst v49;
	v4 =	vld.idx.msk [tilespmem:v4+s1+$0x0], $0xffff  }
0x20e: {  	s26 =	sadd.s32 $0xFFFFFFF8, s21;
	v54 =	vor.u32 s25, v0;
	v12 =	vld.idx.msk [tilespmem:v51+s1+$0x0], $0xffff;
	[tilespmem:s20+$0xFFFFFF40] =	vst v16  }
0x20f: {  	[tilespmem:s18+$0xE0] =	vst v10;
	s28 =	sadd.s32 $0xFFFFFFF4, s21;
	v55 =	vor.u32 s26, v0;
	v56 =	vld.idx.msk [tilespmem:v53+s1+$0x0], $0xffff  }
0x210: {  	[tilespmem:s18+$0x70] =	vst v8;
	v58 =	vor.u32 s28, v0  }
0x211: {  	v11 =	vld.idx.msk [tilespmem:v11+s1+$0x0], $0xffff;
	[tilespmem:s20+$0xD0] =	vst v13  }
0x212: {  	v13 =	vld.idx.msk [tilespmem:v57+s1+$0x0], $0xffff;
	[tilespmem:s20+$0x50] =	vst v4  }
0x213: {  	v61 =	vor.u32 s21, v2;
	v4 =	vld.idx.msk [tilespmem:v54+s1+$0x0], $0xffff;
	[tilespmem:s20+$0xFFFFFFD0] =	vst v12  }
0x214: {  	v59 =	vor.u32 s25, v2;
	v12 =	vld.idx.msk [tilespmem:v55+s1+$0x0], $0xffff;
	[tilespmem:s20+$0xFFFFFF50] =	vst v56  }
0x215: {  	v60 =	vor.u32 s26, v2;
	[tilespmem:s18+$0xFFFFFF60] =	vst v5;
	v5 =	vld.idx.msk [tilespmem:v58+s1+$0x0], $0xffff  }
0x216: {  	v7 =	vld.idx.msk [tilespmem:v7+s1+$0x0], $0xffff;
	v62 =	vor.u32 s28, v2;
	[tilespmem:s18+$0xFFFFFFF0] =	vst v11  }
0x217: {  	v6 =	vld.idx.msk [tilespmem:v6+s1+$0x0], $0xffff;
	[tilespmem:s20+$0xE0] =	vst v13  }
0x218: {  	v8 =	vld.idx.msk [tilespmem:v61+s1+$0x0], $0xffff;
	[tilespmem:s20+$0x60] =	vst v4  }
0x219: {  	v4 =	vld.idx.msk [tilespmem:v59+s1+$0x0], $0xffff;
	[tilespmem:s20+$0xFFFFFFE0] =	vst v12  }
0x21a: {  	v63 =	vld.idx.msk [tilespmem:v60+s1+$0x0], $0xffff;
	[tilespmem:s20+$0xFFFFFF60] =	vst v5  }
0x21b: {  	[tilespmem:s18+$0xF0] =	vst v7;
	v5 =	vld.idx.msk [tilespmem:v62+s1+$0x0], $0xffff  }
0x21c: {  	p1 =	sgt.u32 s16, $0x760;
	[tilespmem:s18+$0xFFFFFF70] =	vst v6  }
.Ltmp9:
0x21d: {  	[tilespmem:s20+$0xF0] =	vst v8;
	(pc) =	sbr.rel @p1 .LBB2_11-.Ltmp9, $4  }
0x21e: {  	[tilespmem:s20+$0x70] =	vst v4  }
0x21f: {  	s29 =	sshll.u32 s16, $0xB;
	[tilespmem:s20+$0xFFFFFFF0] =	vst v63  }
0x220: {  	s31 =	simm.s32 $0xC000;
	s0 =	sadd.s32 s3, s29;
	[tilespmem:s20+$0xFFFFFF70] =	vst v5  }
0x221: {  	[hbm4b:s0+s4] =	stream.linear.scatter [tilespmem:s31], [sflag:$0x4], $0x4000, $0x38;
	[tilespmem:$0x11000] =	vst v63  }
0x222: {  	s0 =	sshll.u32 s16, $0x9  }
0x223: {  	s0 =	sand.u32 $0x1FFFFE00, s0  }
0x224: {  	s10 =	sadd.s32 $0x8000, s0  }
0x225: {  	s18 =	sadd.s32 s2, s10  }
0x226: {  	[tilespmem:s1], [sflag:$0x2] =	stream.strided.gather [hbm4b:s18+s14], $0x200, s15, s14, $0x38;
	[tilespmem:$0x11000] =	vst v63  }
0x227: {  	s20 =	sadd.s32 s10, s17;
	s18 =	simm.s32 $0x4200  }
0x228: {  	[tilespmem:s18], [sflag:$0x2] =	stream.strided.gather [hbm4b:s20+s14], $0x200, s15, s14, $0x38;
	[tilespmem:$0x11000] =	vst v63  }
0x229: {  	s22 =	simm.s32 $0x4400;
	s21 =	sadd.s32 s10, s23  }
0x22a: {  	[tilespmem:s22], [sflag:$0x2] =	stream.strided.gather [hbm4b:s21+s14], $0x200, s15, s14, $0x38;
	[tilespmem:$0x11000] =	vst v63  }
0x22b: {  	s25 =	simm.s32 $0x4600;
	s24 =	sadd.s32 s10, s30  }
0x22c: {  	[tilespmem:s25], [sflag:$0x2] =	stream.strided.gather [hbm4b:s24+s14], $0x200, s15, s14, $0x38;
	[tilespmem:$0x11000] =	vst v63  }
0x22d: {  	s28 =	simm.s32 $0x4800;
	s26 =	sadd.s32 s10, s11  }
0x22e: {  	[tilespmem:s28], [sflag:$0x2] =	stream.strided.gather [hbm4b:s26+s14], $0x200, s15, s14, $0x38;
	[tilespmem:$0x11000] =	vst v63  }
0x22f: {  	s31 =	simm.s32 $0x4A00;
	s29 =	sadd.s32 s10, s7  }
0x230: {  	[tilespmem:s31], [sflag:$0x2] =	stream.strided.gather [hbm4b:s29+s14], $0x200, s15, s14, $0x38;
	[tilespmem:$0x11000] =	vst v63  }
0x231: {  	s20 =	sadd.s32 s10, s19;
	s21 =	simm.s32 $0x4C00  }
0x232: {  	[tilespmem:s21], [sflag:$0x2] =	stream.strided.gather [hbm4b:s20+s14], $0x200, s15, s14, $0x38;
	[tilespmem:$0x11000] =	vst v63  }
0x233: {  	s0 =	sadd.s32 s2, s0;
	s10 =	sadd.s32 s10, s8;
	s22 =	simm.s32 $0x4E00  }
0x234: {  	[tilespmem:s22], [sflag:$0x2] =	stream.strided.gather [hbm4b:s10+s14], $0x200, s15, s14, $0x38;
	[tilespmem:$0x11000] =	vst v63  }
0x235: {  	s24 =	sadd.s32 $0xFC280, s0;
	s25 =	simm.s32 $0x5000  }
0x236: {  	[tilespmem:s25], [sflag:$0x2] =	stream.strided.gather [hbm4b:s24+s14], $0x200, s15, s14, $0x38;
	[tilespmem:$0x11000] =	vst v63  }
0x237: {  	s26 =	sadd.s32 $0xFC290, s0;
	s28 =	simm.s32 $0x5200  }
0x238: {  	[tilespmem:s28], [sflag:$0x2] =	stream.strided.gather [hbm4b:s26+s14], $0x200, s15, s14, $0x38;
	[tilespmem:$0x11000] =	vst v63  }
0x239: {  	s29 =	sadd.s32 $0xFC2A0, s0;
	s31 =	simm.s32 $0x5400  }
0x23a: {  	[tilespmem:s31], [sflag:$0x2] =	stream.strided.gather [hbm4b:s29+s14], $0x200, s15, s14, $0x38;
	[tilespmem:$0x11000] =	vst v63  }
0x23b: {  	s18 =	sadd.s32 $0xFC2B0, s0;
	s20 =	simm.s32 $0x5600  }
0x23c: {  	[tilespmem:s20], [sflag:$0x2] =	stream.strided.gather [hbm4b:s18+s14], $0x200, s15, s14, $0x38;
	[tilespmem:$0x11000] =	vst v63  }
0x23d: {  	s21 =	sadd.s32 $0xFC2C0, s0;
	s22 =	simm.s32 $0x5800  }
0x23e: {  	[tilespmem:s22], [sflag:$0x2] =	stream.strided.gather [hbm4b:s21+s14], $0x200, s15, s14, $0x38;
	[tilespmem:$0x11000] =	vst v63  }
0x23f: {  	s24 =	sadd.s32 $0xFC2D0, s0;
	s25 =	simm.s32 $0x5A00  }
0x240: {  	[tilespmem:s25], [sflag:$0x2] =	stream.strided.gather [hbm4b:s24+s14], $0x200, s15, s14, $0x38;
	[tilespmem:$0x11000] =	vst v63  }
0x241: {  	s26 =	sadd.s32 $0xFC2E0, s0;
	s28 =	simm.s32 $0x5C00  }
0x242: {  	[tilespmem:s28], [sflag:$0x2] =	stream.strided.gather [hbm4b:s26+s14], $0x200, s15, s14, $0x38;
	[tilespmem:$0x11000] =	vst v63  }
0x243: {  	s29 =	sadd.s32 $0xFC2F0, s0;
	s31 =	simm.s32 $0x5E00  }
0x244: {  	[tilespmem:s31], [sflag:$0x2] =	stream.strided.gather [hbm4b:s29+s14], $0x200, s15, s14, $0x38;
	[tilespmem:$0x11000] =	vst v63  }
0x245: {  	s18 =	sadd.s32 $0x1F0500, s0;
	s20 =	simm.s32 $0x6000  }
0x246: {  	[tilespmem:s20], [sflag:$0x2] =	stream.strided.gather [hbm4b:s18+s14], $0x200, s15, s14, $0x38;
	[tilespmem:$0x11000] =	vst v63  }
0x247: {  	s21 =	sadd.s32 $0x1F0510, s0;
	s22 =	simm.s32 $0x6200  }
0x248: {  	[tilespmem:s22], [sflag:$0x2] =	stream.strided.gather [hbm4b:s21+s14], $0x200, s15, s14, $0x38;
	[tilespmem:$0x11000] =	vst v63  }
0x249: {  	s24 =	sadd.s32 $0x1F0520, s0;
	s25 =	simm.s32 $0x6400  }
0x24a: {  	[tilespmem:s25], [sflag:$0x2] =	stream.strided.gather [hbm4b:s24+s14], $0x200, s15, s14, $0x38;
	[tilespmem:$0x11000] =	vst v63  }
0x24b: {  	s26 =	sadd.s32 $0x1F0530, s0;
	s28 =	simm.s32 $0x6600  }
0x24c: {  	[tilespmem:s28], [sflag:$0x2] =	stream.strided.gather [hbm4b:s26+s14], $0x200, s15, s14, $0x38;
	[tilespmem:$0x11000] =	vst v63  }
0x24d: {  	s29 =	sadd.s32 $0x1F0540, s0;
	s31 =	simm.s32 $0x6800  }
0x24e: {  	[tilespmem:s31], [sflag:$0x2] =	stream.strided.gather [hbm4b:s29+s14], $0x200, s15, s14, $0x38;
	[tilespmem:$0x11000] =	vst v63  }
0x24f: {  	s18 =	sadd.s32 $0x1F0550, s0;
	s20 =	simm.s32 $0x6A00  }
0x250: {  	[tilespmem:s20], [sflag:$0x2] =	stream.strided.gather [hbm4b:s18+s14], $0x200, s15, s14, $0x38;
	[tilespmem:$0x11000] =	vst v63  }
0x251: {  	s21 =	sadd.s32 $0x1F0560, s0;
	s22 =	simm.s32 $0x6C00  }
0x252: {  	[tilespmem:s22], [sflag:$0x2] =	stream.strided.gather [hbm4b:s21+s14], $0x200, s15, s14, $0x38;
	[tilespmem:$0x11000] =	vst v63  }
0x253: {  	s24 =	sadd.s32 $0x1F0570, s0;
	s25 =	simm.s32 $0x6E00  }
0x254: {  	[tilespmem:s25], [sflag:$0x2] =	stream.strided.gather [hbm4b:s24+s14], $0x200, s15, s14, $0x38;
	[tilespmem:$0x11000] =	vst v63  }
0x255: {  	s26 =	sadd.s32 $0x2E4780, s0;
	s28 =	simm.s32 $0x7000  }
0x256: {  	[tilespmem:s28], [sflag:$0x2] =	stream.strided.gather [hbm4b:s26+s14], $0x200, s15, s14, $0x38;
	[tilespmem:$0x11000] =	vst v63  }
0x257: {  	s29 =	sadd.s32 $0x2E4790, s0;
	s31 =	simm.s32 $0x7200  }
0x258: {  	[tilespmem:s31], [sflag:$0x2] =	stream.strided.gather [hbm4b:s29+s14], $0x200, s15, s14, $0x38;
	[tilespmem:$0x11000] =	vst v63  }
0x259: {  	s16 =	sadd.s32 $0x2E47A0, s0;
	s18 =	simm.s32 $0x7400  }
0x25a: {  	[tilespmem:s18], [sflag:$0x2] =	stream.strided.gather [hbm4b:s16+s14], $0x200, s15, s14, $0x38;
	[tilespmem:$0x11000] =	vst v63  }
0x25b: {  	s20 =	sadd.s32 $0x2E47B0, s0;
	s21 =	simm.s32 $0x7600  }
0x25c: {  	[tilespmem:s21], [sflag:$0x2] =	stream.strided.gather [hbm4b:s20+s14], $0x200, s15, s14, $0x38;
	[tilespmem:$0x11000] =	vst v63  }
0x25d: {  	s22 =	sadd.s32 $0x2E47C0, s0;
	s24 =	simm.s32 $0x7800  }
0x25e: {  	[tilespmem:s24], [sflag:$0x2] =	stream.strided.gather [hbm4b:s22+s14], $0x200, s15, s14, $0x38;
	[tilespmem:$0x11000] =	vst v63  }
0x25f: {  	s25 =	sadd.s32 $0x2E47D0, s0;
	s26 =	simm.s32 $0x7A00  }
0x260: {  	[tilespmem:s26], [sflag:$0x2] =	stream.strided.gather [hbm4b:s25+s14], $0x200, s15, s14, $0x38;
	[tilespmem:$0x11000] =	vst v63  }
.Ltmp10:
0x261: {  	_ = 	snop;
	(pc) =	sbr.rel .LBB2_11-.Ltmp10, $4  }
0x262: {  	s28 =	sadd.s32 $0x2E47E0, s0;
	s29 =	simm.s32 $0x7C00  }
0x263: {  	[tilespmem:s29], [sflag:$0x2] =	stream.strided.gather [hbm4b:s28+s14], $0x200, s15, s14, $0x38;
	[tilespmem:$0x11000] =	vst v63  }
0x264: {  	s0 =	sadd.s32 $0x2E47F0, s0;
	s31 =	simm.s32 $0x7E00  }
0x265: {  	[tilespmem:s31], [sflag:$0x2] =	stream.strided.gather [hbm4b:s0+s14], $0x200, s15, s14, $0x38;
	[tilespmem:$0x11000] =	vst v63  }
.LBB2_13:
0x266: {  	s0 =	simm.s32 $0x0  }
0x267: {  	v4 =	vmov s0  }
0x268: {  	v4 =	vand.u32 $0x7C, v4  }
0x269: {  	s26 =	sld [smem:$0x7FC];
	v4 =	vbroadcast v4, $0x0;
	_ =	sdelay $0x1  }
0x26a: {  	s3 =	simm.s32 $0x7A1400;
	s6 =	simm.s32 $0x5;
	v5 =	vor.u32 v1, v4  }
0x26b: {  	[tilespmem:s13], [sflag:$0x5] =	stream.strided.gather [hbm4b:s26+s15], $0x1000, s3, s15, $0x38;
	[tilespmem:$0x11000] =	vst v63  }
0x26c: {  	s10 =	simm.s32 $0x4;
	_ =	swait.ge [sflag:s6], $0x1000  }
0x26d: {  	v6 =	vmov s10;
	[sflag:s6] =	ssyncset.done $0x0  }
0x26e: {  	v6 =	vand.u32 $0x7C, v6;
	[sflag:s6] =	ssyncadd.s32 $0xFFFFF000  }
0x26f: {  	v6 =	vbroadcast v6, $0x0;
	v5 =	vld.idx.msk [tilespmem:v5+s13+$0x0], $0xffff  }
0x270: {  	v4 =	vor.u32 v3, v4  }
0x271: {  	s16 =	simm.s32 $0x1;
	v7 =	vor.u32 v1, v6  }
0x272: {  	v8 =	vmov s16  }
0x273: {  	s25 =	simm.s32 $0x8040;
	s22 =	simm.s32 $0x8;
	v8 =	vand.u32 $0x7D, v8  }
0x274: {  	v8 =	vbroadcast v8, $0x0;
	[tilespmem:s25+$0xFFFFFFC0] =	vst v5;
	v5 =	vmov s22  }
0x275: {  	v4 =	vld.idx.msk [tilespmem:v4+s13+$0x0], $0xffff;
	v5 =	vand.u32 $0x7C, v5  }
0x276: {  	v9 =	vor.u32 v1, v8;
	v7 =	vld.idx.msk [tilespmem:v7+s13+$0x0], $0xffff;
	v5 =	vbroadcast v5, $0x0  }
0x277: {  	v6 =	vor.u32 v3, v6  }
0x278: {  	s18 =	simm.s32 $0x5;
	v10 =	vor.u32 v1, v5  }
0x279: {  	v11 =	vmov s18  }
0x27a: {  	s21 =	simm.s32 $0xC;
	s16 =	simm.s32 $0x80C0;
	[tilespmem:s25+$0xFFFFFFD0] =	vst v4;
	v4 =	vand.u32 $0x7D, v11  }
0x27b: {  	[tilespmem:s16+$0xFFFFFFC0] =	vst v7;
	v7 =	vld.idx.msk [tilespmem:v9+s13+$0x0], $0xffff;
	v9 =	vmov s21;
	v4 =	vbroadcast v4, $0x0  }
0x27c: {  	v8 =	vor.u32 v3, v8;
	v6 =	vld.idx.msk [tilespmem:v6+s13+$0x0], $0xffff;
	v9 =	vand.u32 $0x7C, v9  }
0x27d: {  	s20 =	simm.s32 $0x2;
	v10 =	vld.idx.msk [tilespmem:v10+s13+$0x0], $0xffff;
	v9 =	vbroadcast v9, $0x0;
	v11 =	vor.u32 v1, v4  }
0x27e: {  	v12 =	vmov s20;
	v5 =	vor.u32 v3, v5  }
0x27f: {  	s24 =	simm.s32 $0x9;
	v12 =	vand.u32 $0x7E, v12;
	v13 =	vor.u32 v1, v9  }
0x280: {  	v12 =	vbroadcast v12, $0x0;
	[tilespmem:s25+$0xFFFFFFE0] =	vst v7;
	v7 =	vmov s24  }
0x281: {  	s6 =	simm.s32 $0x8140;
	[tilespmem:s16+$0xFFFFFFD0] =	vst v6;
	s24 =	simm.s32 $0x10;
	v6 =	vld.idx.msk [tilespmem:v8+s13+$0x0], $0xffff;
	v7 =	vand.u32 $0x7D, v7  }
0x282: {  	[tilespmem:s6+$0xFFFFFFC0] =	vst v10;
	v8 =	vld.idx.msk [tilespmem:v11+s13+$0x0], $0xffff;
	v10 =	vmov s24;
	v7 =	vbroadcast v7, $0x0;
	v11 =	vor.u32 v1, v12  }
0x283: {  	v4 =	vor.u32 v3, v4;
	v5 =	vld.idx.msk [tilespmem:v5+s13+$0x0], $0xffff;
	v10 =	vand.u32 $0x7C, v10  }
0x284: {  	s26 =	simm.s32 $0x6;
	v13 =	vld.idx.msk [tilespmem:v13+s13+$0x0], $0xffff;
	v10 =	vbroadcast v10, $0x0;
	v14 =	vor.u32 v1, v7  }
0x285: {  	v15 =	vmov s26;
	v9 =	vor.u32 v3, v9  }
0x286: {  	s3 =	simm.s32 $0xD;
	v16 =	vor.u32 v1, v10;
	[tilespmem:s25+$0xFFFFFFF0] =	vst v6;
	v6 =	vand.u32 $0x7E, v15  }
0x287: {  	[tilespmem:s16+$0xFFFFFFE0] =	vst v8;
	v8 =	vld.idx.msk [tilespmem:v11+s13+$0x0], $0xffff;
	v11 =	vmov s3;
	v6 =	vbroadcast v6, $0x0  }
0x288: {  	s18 =	simm.s32 $0x81C0;
	s26 =	simm.s32 $0x14;
	[tilespmem:s6+$0xFFFFFFD0] =	vst v5;
	v4 =	vld.idx.msk [tilespmem:v4+s13+$0x0], $0xffff;
	v5 =	vand.u32 $0x7D, v11;
	v11 =	vor.u32 v3, v12  }
0x289: {  	s10 =	simm.s32 $0x3;
	[tilespmem:s18+$0xFFFFFFC0] =	vst v13;
	v12 =	vld.idx.msk [tilespmem:v14+s13+$0x0], $0xffff;
	v13 =	vmov s26;
	v5 =	vbroadcast v5, $0x0;
	v14 =	vor.u32 v1, v6  }
0x28a: {  	v7 =	vor.u32 v3, v7;
	v15 =	vmov s10;
	v9 =	vld.idx.msk [tilespmem:v9+s13+$0x0], $0xffff;
	v13 =	vand.u32 $0x7C, v13  }
0x28b: {  	s20 =	simm.s32 $0xA;
	v15 =	vand.u32 $0x7F, v15;
	v16 =	vld.idx.msk [tilespmem:v16+s13+$0x0], $0xffff;
	v13 =	vbroadcast v13, $0x0;
	v17 =	vor.u32 v1, v5  }
0x28c: {  	v10 =	vor.u32 v3, v10;
	v19 =	vbroadcast v15, $0x0;
	[tilespmem:s25+$0x0] =	vst v8;
	v8 =	vmov s20  }
0x28d: {  	s3 =	simm.s32 $0x11;
	v15 =	vor.u32 v1, v13;
	[tilespmem:s16+$0xFFFFFFF0] =	vst v4;
	v4 =	vld.idx.msk [tilespmem:v11+s13+$0x0], $0xffff;
	v8 =	vand.u32 $0x7E, v8  }
0x28e: {  	[tilespmem:s6+$0xFFFFFFE0] =	vst v12;
	v11 =	vld.idx.msk [tilespmem:v14+s13+$0x0], $0xffff;
	v12 =	vmov s3;
	v8 =	vbroadcast v8, $0x0;
	v14 =	vor.u32 v1, v19  }
0x28f: {  	s29 =	simm.s32 $0x18;
	v18 =	vor.u32 v3, v6;
	s20 =	simm.s32 $0x8240;
	[tilespmem:s18+$0xFFFFFFD0] =	vst v9;
	v7 =	vld.idx.msk [tilespmem:v7+s13+$0x0], $0xffff;
	v9 =	vand.u32 $0x7D, v12  }
0x290: {  	v12 =	vmov s29;
	[tilespmem:s20+$0xFFFFFFC0] =	vst v16;
	v16 =	vld.idx.msk [tilespmem:v17+s13+$0x0], $0xffff;
	v6 =	vbroadcast v9, $0x0;
	v9 =	vor.u32 v1, v8  }
0x291: {  	s10 =	simm.s32 $0x7;
	v5 =	vor.u32 v3, v5;
	v20 =	vld.idx.msk [tilespmem:v10+s13+$0x0], $0xffff;
	v10 =	vand.u32 $0x7C, v12  }
0x292: {  	v21 =	vld.idx.msk [tilespmem:v15+s13+$0x0], $0xffff;
	v22 =	vor.u32 v1, v6;
	[tilespmem:s25+$0x10] =	vst v4;
	v15 =	vbroadcast v10, $0x0;
	v4 =	vmov s10  }
0x293: {  	v23 =	vor.u32 v3, v13;
	s3 =	simm.s32 $0xE;
	[tilespmem:s16+$0x0] =	vst v11;
	v12 =	vld.idx.msk [tilespmem:v14+s13+$0x0], $0xffff;
	v4 =	vand.u32 $0x7F, v4  }
0x294: {  	v10 =	vmov s3;
	[tilespmem:s6+$0xFFFFFFF0] =	vst v7;
	v13 =	vld.idx.msk [tilespmem:v18+s13+$0x0], $0xffff;
	v18 =	vor.u32 v1, v15;
	v4 =	vbroadcast v4, $0x0  }
0x295: {  	v17 =	vor.u32 v3, v19;
	s10 =	simm.s32 $0x15;
	v11 =	vand.u32 $0x7E, v10;
	[tilespmem:s18+$0xFFFFFFE0] =	vst v16;
	v10 =	vld.idx.msk [tilespmem:v9+s13+$0x0], $0xffff  }
0x296: {  	s28 =	simm.s32 $0x82C0;
	v9 =	vmov s10;
	[tilespmem:s20+$0xFFFFFFD0] =	vst v20;
	v7 =	vld.idx.msk [tilespmem:v5+s13+$0x0], $0xffff;
	v5 =	vbroadcast v11, $0x0;
	v14 =	vor.u32 v1, v4  }
0x297: {  	s31 =	simm.s32 $0x1C;
	v19 =	vand.u32 $0x7D, v9;
	v9 =	vor.u32 v3, v8;
	[tilespmem:s28+$0xFFFFFFC0] =	vst v21;
	v11 =	vld.idx.msk [tilespmem:v22+s13+$0x0], $0xffff  }
0x298: {  	s0 =	simm.s32 $0x20;
	v20 =	vmov s31;
	v19 =	vbroadcast v19, $0x0;
	v16 =	vld.idx.msk [tilespmem:v23+s13+$0x0], $0xffff;
	v8 =	vor.u32 v1, v5  }
.LBB2_14:
0x299: {  	p1 =	sne.s32 s0, $0x3C;
	v20 =	vand.u32 $0x7C, v20;
	v21 =	vld.idx.msk [tilespmem:v18+s13+$0x0], $0xffff;
	v22 =	vor.u32 v3, v6;
	s10 =	sadd.s32 $0x3, s22;
	[tilespmem:s25+$0x20] =	vst v12;
	s3 =	smov.u32 s6  }
0x29a: {  	s6 =	smov.u32 s18;
	s18 =	smov.u32 s20;
	s20 =	smov.u32 s28;
	v20 =	vbroadcast v20, $0x0;
	v23 =	vor.u32 v1, v19;
	v12 =	vmov s10;
	[tilespmem:s16+$0x10] =	vst v13;
	v24 =	vld.idx.msk [tilespmem:v17+s13+$0x0], $0xffff;
	v6 =	vmovc v19  }
0x29b: {  	s22 =	smov.u32 s21;
	s21 =	smov.u32 s24;
	v19 =	vor.u32 v3, v15;
	s10 =	sadd.s32 $0x2, s24;
	[tilespmem:s3+$0x0] =	vst v10;
	v10 =	vand.u32 $0x7F, v12;
	v12 =	vld.idx.msk [tilespmem:v14+s13+$0x0], $0xffff  }
.Ltmp11:
0x29c: {  	s24 =	smov.u32 s26;
	s26 =	smov.u32 s29;
	v14 =	vmov s10;
	v18 =	vor.u32 v1, v20;
	[tilespmem:s6+$0xFFFFFFF0] =	vst v7;
	v13 =	vld.idx.msk [tilespmem:v9+s13+$0x0], $0xffff;
	v9 =	vbroadcast v10, $0x0;
	v15 =	vmovc v20;
	(pc) =	sbr.rel @p1 .LBB2_14-.Ltmp11, $4  }
0x29d: {  	v17 =	vor.u32 v3, v4;
	s29 =	smov.u32 s31;
	s31 =	smov.u32 s0;
	s10 =	sadd.s32 $0x1, s26;
	[tilespmem:s18+$0xFFFFFFE0] =	vst v11;
	v11 =	vand.u32 $0x7E, v14;
	v10 =	vld.idx.msk [tilespmem:v8+s13+$0x0], $0xffff  }
0x29e: {  	s28 =	sadd.s32 $0x80, s28;
	v8 =	vmov s10;
	[tilespmem:s20+$0xFFFFFFD0] =	vst v16;
	v7 =	vld.idx.msk [tilespmem:v22+s13+$0x0], $0xffff;
	v22 =	vbroadcast v11, $0x0;
	v14 =	vor.u32 v1, v9;
	v4 =	vmovc v9  }
0x29f: {  	v8 =	vand.u32 $0x7D, v8;
	v9 =	vor.u32 v3, v5;
	[tilespmem:s28+$0xFFFFFFC0] =	vst v21;
	v11 =	vld.idx.msk [tilespmem:v23+s13+$0x0], $0xffff  }
0x2a0: {  	s0 =	sadd.s32 $0x4, s0;
	v20 =	vmov s31;
	v16 =	vld.idx.msk [tilespmem:v19+s13+$0x0], $0xffff;
	v19 =	vbroadcast v8, $0x0;
	v8 =	vor.u32 v1, v22;
	[tilespmem:s25+$0x30] =	vst v24;
	v5 =	vmovc v22;
	s25 =	smov.u32 s16;
	s16 =	smov.u32 s3  }
0x2a1: {  	v20 =	vand.u32 $0x7C, v20  }
0x2a2: {  	v20 =	vbroadcast v20, $0x0;
	_ =	sdelay $0x1  }
0x2a3: {  	v21 =	vor.u32 v1, v20;
	_ =	sdelay $0x3  }
0x2a4: {  	v18 =	vld.idx.msk [tilespmem:v18+s13+$0x0], $0xffff  }
0x2a5: {  	v15 =	vor.u32 v3, v15;
	v21 =	vld.idx.msk [tilespmem:v21+s13+$0x0], $0xffff  }
0x2a6: {  	s0 =	sadd.s32 $0x1, s29;
	v20 =	vor.u32 v3, v20  }
0x2a7: {  	s3 =	sadd.s32 $0x1, s31;
	v22 =	vmov s0  }
0x2a8: {  	s0 =	sadd.s32 $0x80, s28;
	v23 =	vmov s3;
	v22 =	vand.u32 $0x7D, v22  }
0x2a9: {  	s10 =	sadd.s32 $0x80, s0;
	v59 =	vand.u32 $0x7D, v23;
	v58 =	vbroadcast v22, $0x0;
	[tilespmem:s0+$0xFFFFFFC0] =	vst v18  }
0x2aa: {  	v60 =	vor.u32 v1, v19;
	v61 =	vbroadcast v59, $0x0;
	v15 =	vld.idx.msk [tilespmem:v15+s13+$0x0], $0xffff;
	[tilespmem:s10+$0xFFFFFFC0] =	vst v21  }
0x2ab: {  	[tilespmem:s25+$0x20] =	vst v12;
	v62 =	vor.u32 v1, v58;
	v20 =	vld.idx.msk [tilespmem:v20+s13+$0x0], $0xffff  }
0x2ac: {  	v17 =	vld.idx.msk [tilespmem:v17+s13+$0x0], $0xffff;
	v22 =	vor.u32 v1, v61  }
0x2ad: {  	[tilespmem:s16+$0x10] =	vst v13  }
0x2ae: {  	[tilespmem:s28+$0xFFFFFFD0] =	vst v16  }
0x2af: {  	v6 =	vor.u32 v3, v6;
	v63 =	vld.idx.msk [tilespmem:v60+s13+$0x0], $0xffff;
	[tilespmem:s0+$0xFFFFFFD0] =	vst v15  }
0x2b0: {  	s3 =	sadd.s32 $0x2, s24;
	v24 =	vor.u32 v3, v19;
	v12 =	vld.idx.msk [tilespmem:v62+s13+$0x0], $0xffff;
	[tilespmem:s10+$0xFFFFFFD0] =	vst v20  }
0x2b1: {  	v4 =	vor.u32 v3, v4;
	v25 =	vmov s3;
	v26 =	vor.u32 v3, v58;
	[tilespmem:s25+$0x30] =	vst v17;
	s25 =	sadd.s32 $0x2, s26;
	v27 =	vld.idx.msk [tilespmem:v22+s13+$0x0], $0xffff  }
0x2b2: {  	[tilespmem:s6+$0x0] =	vst v10;
	v28 =	vand.u32 $0x7E, v25;
	v30 =	vor.u32 v3, v61;
	v29 =	vmov s25;
	s25 =	sadd.s32 $0x2, s29  }
0x2b3: {  	v14 =	vld.idx.msk [tilespmem:v14+s13+$0x0], $0xffff;
	[tilespmem:s20+$0xFFFFFFE0] =	vst v11;
	v10 =	vbroadcast v28, $0x0;
	v31 =	vand.u32 $0x7E, v29;
	v32 =	vmov s25;
	s25 =	sadd.s32 $0x2, s31  }
0x2b4: {  	v6 =	vld.idx.msk [tilespmem:v6+s13+$0x0], $0xffff;
	v33 =	vmov s25;
	v11 =	vbroadcast v31, $0x0;
	v34 =	vand.u32 $0x7E, v32;
	[tilespmem:s28+$0xFFFFFFE0] =	vst v63  }
0x2b5: {  	v35 =	vor.u32 v1, v10;
	v36 =	vbroadcast v34, $0x0;
	v37 =	vand.u32 $0x7E, v33;
	v15 =	vld.idx.msk [tilespmem:v24+s13+$0x0], $0xffff;
	[tilespmem:s0+$0xFFFFFFE0] =	vst v12  }
0x2b6: {  	s21 =	sadd.s32 $0x3, s21;
	v38 =	vor.u32 v1, v11;
	v13 =	vbroadcast v37, $0x0;
	v17 =	vld.idx.msk [tilespmem:v26+s13+$0x0], $0xffff;
	[tilespmem:s10+$0xFFFFFFE0] =	vst v27  }
0x2b7: {  	v42 =	vmov s21;
	[tilespmem:s18+$0xFFFFFFF0] =	vst v7;
	v39 =	vor.u32 v1, v36;
	v18 =	vld.idx.msk [tilespmem:v30+s13+$0x0], $0xffff  }
0x2b8: {  	v44 =	vand.u32 $0x7F, v42;
	v8 =	vld.idx.msk [tilespmem:v8+s13+$0x0], $0xffff;
	[tilespmem:s16+$0x20] =	vst v14;
	v41 =	vor.u32 v1, v13  }
0x2b9: {  	v5 =	vor.u32 v3, v5;
	v45 =	vbroadcast v44, $0x0;
	v4 =	vld.idx.msk [tilespmem:v4+s13+$0x0], $0xffff;
	[tilespmem:s20+$0xFFFFFFF0] =	vst v6  }
0x2ba: {  	s25 =	sadd.s32 $0x3, s22;
	v16 =	vld.idx.msk [tilespmem:v35+s13+$0x0], $0xffff;
	[tilespmem:s28+$0xFFFFFFF0] =	vst v15  }
0x2bb: {  	v48 =	vor.u32 v1, v45;
	v10 =	vor.u32 v3, v10;
	s22 =	sadd.s32 $0x3, s24;
	s24 =	sadd.s32 $0x3, s26;
	v40 =	vmov s25;
	v46 =	vld.idx.msk [tilespmem:v38+s13+$0x0], $0xffff;
	[tilespmem:s0+$0xFFFFFFF0] =	vst v17  }
0x2bc: {  	s26 =	sadd.s32 $0x3, s31;
	v49 =	vmov s22;
	v51 =	vmov s24;
	v11 =	vor.u32 v3, v11;
	v7 =	vld.idx.msk [tilespmem:v39+s13+$0x0], $0xffff;
	[tilespmem:s10+$0xFFFFFFF0] =	vst v18  }
0x2bd: {  	[tilespmem:s18+$0x0] =	vst v8;
	v54 =	vmov s26;
	v19 =	vand.u32 $0x7F, v40;
	v12 =	vor.u32 v3, v36;
	v14 =	vld.idx.msk [tilespmem:v41+s13+$0x0], $0xffff  }
0x2be: {  	v5 =	vld.idx.msk [tilespmem:v5+s13+$0x0], $0xffff;
	s25 =	sadd.s32 $0x3, s29;
	v50 =	vand.u32 $0x7F, v49;
	v43 =	vbroadcast v19, $0x0;
	[tilespmem:s16+$0x30] =	vst v4;
	v13 =	vor.u32 v3, v13  }
0x2bf: {  	v9 =	vld.idx.msk [tilespmem:v9+s13+$0x0], $0xffff;
	v52 =	vand.u32 $0x7F, v51;
	v53 =	vmov s25;
	v8 =	vbroadcast v50, $0x0;
	[tilespmem:s20+$0x0] =	vst v16  }
0x2c0: {  	v47 =	vor.u32 v1, v43;
	v16 =	vbroadcast v52, $0x0;
	v10 =	vld.idx.msk [tilespmem:v10+s13+$0x0], $0xffff;
	[tilespmem:s28+$0x0] =	vst v46;
	v18 =	vand.u32 $0x7F, v53  }
0x2c1: {  	v57 =	vand.u32 $0x7F, v54;
	v55 =	vor.u32 v1, v8;
	v11 =	vld.idx.msk [tilespmem:v11+s13+$0x0], $0xffff;
	[tilespmem:s0+$0x0] =	vst v7;
	v56 =	vbroadcast v18, $0x0  }
0x2c2: {  	v59 =	vbroadcast v57, $0x0;
	v58 =	vor.u32 v1, v16;
	v12 =	vld.idx.msk [tilespmem:v12+s13+$0x0], $0xffff;
	[tilespmem:s10+$0x0] =	vst v14  }
0x2c3: {  	[tilespmem:s18+$0x10] =	vst v5;
	v4 =	vor.u32 v1, v56;
	v13 =	vld.idx.msk [tilespmem:v13+s13+$0x0], $0xffff  }
0x2c4: {  	[tilespmem:s6+$0x10] =	vst v9;
	v5 =	vor.u32 v1, v59;
	v9 =	vld.idx.msk [tilespmem:v48+s13+$0x0], $0xffff  }
0x2c5: {  	v60 =	vor.u32 v3, v45;
	[tilespmem:s20+$0x10] =	vst v10;
	v17 =	vld.idx.msk [tilespmem:v47+s13+$0x0], $0xffff  }
0x2c6: {  	v6 =	vor.u32 v3, v43;
	v61 =	vld.idx.msk [tilespmem:v55+s13+$0x0], $0xffff;
	[tilespmem:s28+$0x10] =	vst v11  }
0x2c7: {  	v8 =	vor.u32 v3, v8;
	v11 =	vld.idx.msk [tilespmem:v58+s13+$0x0], $0xffff;
	[tilespmem:s0+$0x10] =	vst v12  }
0x2c8: {  	v62 =	vor.u32 v3, v16;
	v4 =	vld.idx.msk [tilespmem:v4+s13+$0x0], $0xffff;
	[tilespmem:s10+$0x10] =	vst v13  }
0x2c9: {  	[tilespmem:s18+$0x20] =	vst v9;
	v7 =	vor.u32 v3, v56;
	v5 =	vld.idx.msk [tilespmem:v5+s13+$0x0], $0xffff  }
0x2ca: {  	v63 =	vor.u32 v3, v59;
	v10 =	vld.idx.msk [tilespmem:v60+s13+$0x0], $0xffff;
	[tilespmem:s6+$0x20] =	vst v17  }
0x2cb: {  	[tilespmem:s20+$0x20] =	vst v61;
	v6 =	vld.idx.msk [tilespmem:v6+s13+$0x0], $0xffff  }
0x2cc: {  	v8 =	vld.idx.msk [tilespmem:v8+s13+$0x0], $0xffff;
	[tilespmem:s28+$0x20] =	vst v11  }
0x2cd: {  	v11 =	vld.idx.msk [tilespmem:v62+s13+$0x0], $0xffff;
	[tilespmem:s0+$0x20] =	vst v4  }
0x2ce: {  	v4 =	vld.idx.msk [tilespmem:v7+s13+$0x0], $0xffff;
	[tilespmem:s10+$0x20] =	vst v5  }
0x2cf: {  	[tilespmem:s18+$0x30] =	vst v10;
	v5 =	vld.idx.msk [tilespmem:v63+s13+$0x0], $0xffff  }
0x2d0: {  	[tilespmem:s6+$0x30] =	vst v6  }
0x2d1: {  	[tilespmem:s20+$0x30] =	vst v8  }
0x2d2: {  	[tilespmem:s28+$0x30] =	vst v11  }
0x2d3: {  	[tilespmem:s0+$0x30] =	vst v4  }
0x2d4: {  	[tilespmem:s10+$0x30] =	vst v5  }
0x2d5: {  	s0 =	sld [smem:$0x7FD];
	_ =	sdelay $0x1  }
0x2d6: {  	s29 =	simm.s32 $0x8000  }
0x2d7: {  	[hbm4b:s0+s4] =	stream.linear.scatter [tilespmem:s29], [sflag:$0x5], $0x800, $0x38;
	[tilespmem:$0x11000] =	vst v63  }
.Ltmp12:
0x2d8: {  	s31 =	simm.s32 $0x5;
	(pc) =	sbr.rel .LBB2_16-.Ltmp12, $4  }
0x2d9: {  	_ =	swait.ge [sflag:s31], $0x800  }
0x2da: {  	[sflag:s31] =	ssyncset.done $0x0  }
0x2db: {  	s6 =	sld [smem:$0x7D7];
	[sflag:s31] =	ssyncadd.s32 $0xFFFFF800  }
0x2dc: {  	s3 =	rddreg [dreg:$0x1]  }
.LBB2_17:
0x2dd: {  	_ =	sfence.sel $0x180000  }
0x2de: {  	[bflag:$0x0] =	sbarrier.arrive $0xFFFF  }
0x2df: {  	_ =	strace $0x90000047  }
0x2e0: {  	s0 =	stileid.u32;
	[bflag:$0x2] =	sbarrier.arrive $0xFFFF  }
0x2e1: {  	p0 =	sne.s32 s0, $0x0;
	s0 =	rddreg [dreg:$0x2]  }
0x2e2: {  	s0 =	sadd.s32 @!p0 $0x100000, s0  }
0x2e3: {  	[sflag:s0] =	ssyncadd.tile.s32 @!p0 $0x1;
	_ =	shalt  }
.Lfunc_end2:
_tile_overlayer_lowered:
.L_overlay_start_2:
0x2e4: {  	(tag) =	ssettag $0x2  }
0x2e5: {  	s0 =	rddreg [dreg:$0x0];
	s2 =	stileid.u32  }
0x2e6: {  	s1 =	rddreg [dreg:$0x1];
	p0 =	sne.s32 s2, $0x0  }
0x2e7: {  	s3 =	rddreg [dreg:$0x2];
	[bflag:$0x3] =	sbarrier.arrive $0xFFFF;
	s2 =	simm.s32 @!p0 $0x1C05  }
0x2e8: {  	[timem:s3], [sflag:s2] =	dma.local @!p0 [hbm:s0], s1  }
0x2e9: {  	s0 =	simm.s32 @!p0 $0x5  }
0x2ea: {  	_ =	swait.ge @!p0 [sflag:s0], s1  }
0x2eb: {  	s1 =	ssub.s32 @!p0 $0x0, s1;
	[sflag:s0] =	ssyncset.done @!p0 $0x0  }
0x2ec: {  	[sflag:s0] =	ssyncadd.s32 @!p0 s1  }
0x2ed: {  	[bflag:$0x3] =	sbarrier.arrive $0xFFFF  }
0x2ee: {  	_ =	shalt  }

</sc_bundles>
